<compile_context>
chip_gen: v7x
topology: tpu7x:2x2x1
jax: 0.10.2.dev20260603
libtpu: 0.0.44.dev20260713+nightly
codegen_flags: <defaults>
</compile_context>

<pallas_src>
import functools

import jax
import jax.numpy as jnp
from jax import lax
from jax.experimental import pallas as pl
from jax.experimental.pallas import tpu as pltpu
from jax.experimental.pallas import tpu_sc as plsc

_LANES = 16
_CH = 4096


@functools.lru_cache(maxsize=None)
def _make_scatter_kernel(M, D, B, group):
  mesh = plsc.VectorSubcoreMesh(core_axis_name="c", subcore_axis_name="s")
  nc, ns = mesh.num_cores, mesh.num_subcores
  nw = nc * ns
  cols_per_w = D // nw
  n_ch = B // _CH
  n_groups = _CH // _LANES // group

  @functools.partial(
      pl.kernel,
      out_type=jax.ShapeDtypeStruct((D, M), jnp.float32),
      mesh=mesh,
      scratch_types=[
          pltpu.VMEM((M,), jnp.float32),
          pltpu.VMEM((_CH,), jnp.int32),
          pltpu.VMEM((_CH,), jnp.int32),
          pltpu.VMEM((_CH,), jnp.float32),
          pltpu.VMEM((_CH,), jnp.float32),
          pltpu.SemaphoreType.DMA,
          pltpu.SemaphoreType.DMA,
          pltpu.SemaphoreType.DMA,
          pltpu.SemaphoreType.DMA,
      ],
      compiler_params=pltpu.CompilerParams(needs_layout_passes=False),
  )
  def scatter_kernel(inpT, idxT, srcT, outT, colbuf, ib0, ib1, sb0, sb1,
                     scl, scs, sio0, sio1):
    wid = lax.axis_index("s") * nc + lax.axis_index("c")
    ibufs = (ib0, ib1)
    sbufs = (sb0, sb1)
    sios = (sio0, sio1)

    def col_j(c):
      return c * nw + wid

    def load_desc(c):
      return pltpu.make_async_copy(inpT.at[col_j(c)], colbuf, scl)

    def store_desc(c):
      return pltpu.make_async_copy(colbuf, outT.at[col_j(c)], scs)

    def io_descs(c, ch):
      b = ch % 2
      sl = pl.ds(ch * _CH, _CH)
      return (pltpu.make_async_copy(idxT.at[col_j(c), sl], ibufs[b], sios[b]),
              pltpu.make_async_copy(srcT.at[col_j(c), sl], sbufs[b], sios[b]))

    def start_io(c, ch):
      di, dsv = io_descs(c, ch)
      di.start()
      dsv.start()

    def wait_io(c, ch):
      di, dsv = io_descs(c, ch)
      di.wait()
      dsv.wait()

    load_desc(0).start()
    start_io(0, 0)

    for c in range(cols_per_w):
      load_desc(c).wait()
      for ch in range(n_ch):
        if ch + 1 < n_ch:
          start_io(c, ch + 1)
        elif c + 1 < cols_per_w:
          start_io(c + 1, 0)
        wait_io(c, ch)
        ibuf = ibufs[ch % 2]
        sbuf = sbufs[ch % 2]

        def chunk_body(t, carry, *, _ibuf=ibuf, _sbuf=sbuf):
          base = t * (group * _LANES)
          ent = []
          for k in range(group):
            off = base + k * _LANES
            idxv = _ibuf[pl.ds(off, _LANES)]
            srcv = _sbuf[pl.ds(off, _LANES)]
            _, keep = plsc.scan_count(idxv)
            ent.append((idxv, srcv, keep))
          for a, s, m in ent:
            plsc.store_scatter(colbuf, [a], s, mask=m)
          return carry

        lax.fori_loop(0, n_groups, chunk_body, 0)

      store_desc(c).start()
      if c + 1 < cols_per_w:
        store_desc(c).wait()
        load_desc(c + 1).start()

    store_desc(cols_per_w - 1).wait()

  return scatter_kernel


def kernel(input, dim, index, src):
  M, D = input.shape
  B = index.shape[0]
  idx = index + jnp.asarray(dim, index.dtype)
  f = _make_scatter_kernel(M, D, B, 16)
  outT = f(input.T, idx.T, src.T)
  return outT.T

# --- scband reference (transcript-rebuilt; emitter-appended) ---
"""Pipeline reference for scband-scatter-model-73469710565844 (READ-ONLY COPY).

The authoritative reference and input builder live on the scoring server;
editing this copy changes nothing except your own understanding.
"""

import jax, jax.numpy as jnp
import numpy as np


def setup_inputs(seed: int = 0) -> dict:
    key = jax.random.key(seed)
    k1, k2, k3 = jax.random.split(key, 3)
    M, d, B = 100000, 128, 16384
    inp = jax.random.normal(k1, (M, d), dtype=jnp.float32)
    index = jax.random.randint(k2, (B, d), 0, M, dtype=jnp.int32)
    src = jax.random.normal(k3, (B, d), dtype=jnp.float32)
    return {"input": inp, "dim": 0, "index": index, "src": src}


def reference(input, dim, index, src):
    # torch.scatter(input, dim, index, src):
    #   dim == 0: out[index[i, j], j] = src[i, j]; untouched entries keep input's values.
    # JAX equivalent: scatter-overwrite with explicit column coordinates.
    index = index + jnp.asarray(dim, dtype=index.dtype)
    cols = jnp.broadcast_to(jnp.arange(index.shape[1], dtype=index.dtype)[None, :], index.shape)
    out = input.at[index, cols].set(src)
    return out

if __name__ == "__main__":
    import jax
    _d = setup_inputs()
    print(jax.jit(kernel)(*tuple(_d.values())))

</pallas_src>

<mosaic_0001>
#map = affine_map<(d0, d1) -> (0, 0)>
module attributes {stable_mosaic.version = 14 : i64} {
  func.func @scatter_kernel(%arg0: i32, %arg1: i32, %arg2: memref<128x100000xf32, #tpu.memory_space<hbm>>, %arg3: memref<128x16384xi32, #tpu.memory_space<hbm>>, %arg4: memref<128x16384xf32, #tpu.memory_space<hbm>>, %arg5: memref<128x100000xf32, #tpu.memory_space<hbm>>, %arg6: memref<100000xf32, #tpu.memory_space<vmem>>, %arg7: memref<4096xi32, #tpu.memory_space<vmem>>, %arg8: memref<4096xi32, #tpu.memory_space<vmem>>, %arg9: memref<4096xf32, #tpu.memory_space<vmem>>, %arg10: memref<4096xf32, #tpu.memory_space<vmem>>, %arg11: memref<!tpu.dma_semaphore, #tpu.memory_space<semaphore_mem>>, %arg12: memref<!tpu.dma_semaphore, #tpu.memory_space<semaphore_mem>>, %arg13: memref<!tpu.dma_semaphore, #tpu.memory_space<semaphore_mem>>, %arg14: memref<!tpu.dma_semaphore, #tpu.memory_space<semaphore_mem>>) attributes {dimension_semantics = [#tpu.dimension_semantics<core_parallel>, #tpu.dimension_semantics<subcore_parallel>], iteration_bounds = array<i64: 2, 16>, scalar_prefetch = 0 : i64, scratch_operands = 9 : i64, tpu.core_type = #tpu.core_type<sc_vector_subcore>, window_params = [{transform_indices = #map}, {transform_indices = #map}, {transform_indices = #map}, {transform_indices = #map}]} {
    %mul3A = arith.constant 2 : i32
    %mul3A_0 = arith.muli %arg1, %mul3A : i32
    %add3A = arith.addi %mul3A_0, %arg0 : i32
    %add3A_1 = arith.constant 0 : i32
    %add3A_2 = arith.addi %add3A_1, %add3A : i32
    %dma_start3A = arith.constant 0 : i32
    %dma_start3A_3 = tpu.memref_slice %arg2[%add3A_2, %dma_start3A] : memref<128x100000xf32, #tpu.memory_space<hbm>> -> memref<1x100000xf32, #tpu.memory_space<hbm>>
    %dma_start3A_4 = tpu.memref_squeeze %dma_start3A_3 : memref<1x100000xf32, #tpu.memory_space<hbm>> -> memref<100000xf32, #tpu.memory_space<hbm>>
    %dma_start3A_5 = arith.constant 0 : i32
    %dma_start3A_6 = tpu.memref_slice %arg2[%add3A_2, %dma_start3A_5] : memref<128x100000xf32, #tpu.memory_space<hbm>> -> memref<1x100000xf32, #tpu.memory_space<hbm>>
    %dma_start3A_7 = tpu.memref_squeeze %dma_start3A_6 : memref<1x100000xf32, #tpu.memory_space<hbm>> -> memref<100000xf32, #tpu.memory_space<hbm>>
    tpu.enqueue_dma source(%dma_start3A_7 : memref<100000xf32, #tpu.memory_space<hbm>>) target(%arg6 : memref<100000xf32, #tpu.memory_space<vmem>>) target_semaphore(%arg11 : memref<!tpu.dma_semaphore, #tpu.memory_space<semaphore_mem>>)
    %add3A_8 = arith.constant 0 : i32
    %add3A_9 = arith.addi %add3A_8, %add3A : i32
    %add3A_10 = arith.constant 0 : i32
    %add3A_11 = arith.addi %add3A_10, %add3A : i32
    %dma_start3A_12 = arith.constant 0 : i32
    %dma_start3A_13 = tpu.memref_slice %arg3[%add3A_9, %dma_start3A_12] : memref<128x16384xi32, #tpu.memory_space<hbm>> -> memref<1x4096xi32, #tpu.memory_space<hbm>>
    %dma_start3A_14 = tpu.memref_squeeze %dma_start3A_13 : memref<1x4096xi32, #tpu.memory_space<hbm>> -> memref<4096xi32, #tpu.memory_space<hbm>>
    %dma_start3A_15 = arith.constant 0 : i32
    %dma_start3A_16 = tpu.memref_slice %arg3[%add3A_9, %dma_start3A_15] : memref<128x16384xi32, #tpu.memory_space<hbm>> -> memref<1x4096xi32, #tpu.memory_space<hbm>>
    %dma_start3A_17 = tpu.memref_squeeze %dma_start3A_16 : memref<1x4096xi32, #tpu.memory_space<hbm>> -> memref<4096xi32, #tpu.memory_space<hbm>>
    tpu.enqueue_dma source(%dma_start3A_17 : memref<4096xi32, #tpu.memory_space<hbm>>) target(%arg7 : memref<4096xi32, #tpu.memory_space<vmem>>) target_semaphore(%arg13 : memref<!tpu.dma_semaphore, #tpu.memory_space<semaphore_mem>>)
    %dma_start3A_18 = arith.constant 0 : i32
    %dma_start3A_19 = tpu.memref_slice %arg4[%add3A_11, %dma_start3A_18] : memref<128x16384xf32, #tpu.memory_space<hbm>> -> memref<1x4096xf32, #tpu.memory_space<hbm>>
    %dma_start3A_20 = tpu.memref_squeeze %dma_start3A_19 : memref<1x4096xf32, #tpu.memory_space<hbm>> -> memref<4096xf32, #tpu.memory_space<hbm>>
    %dma_start3A_21 = arith.constant 0 : i32
    %dma_start3A_22 = tpu.memref_slice %arg4[%add3A_11, %dma_start3A_21] : memref<128x16384xf32, #tpu.memory_space<hbm>> -> memref<1x4096xf32, #tpu.memory_space<hbm>>
    %dma_start3A_23 = tpu.memref_squeeze %dma_start3A_22 : memref<1x4096xf32, #tpu.memory_space<hbm>> -> memref<4096xf32, #tpu.memory_space<hbm>>
    tpu.enqueue_dma source(%dma_start3A_23 : memref<4096xf32, #tpu.memory_space<hbm>>) target(%arg9 : memref<4096xf32, #tpu.memory_space<vmem>>) target_semaphore(%arg13 : memref<!tpu.dma_semaphore, #tpu.memory_space<semaphore_mem>>)
    %add3A_24 = arith.constant 0 : i32
    %add3A_25 = arith.addi %add3A_24, %add3A : i32
    %dma_wait3A = arith.constant 0 : i32
    %dma_wait3A_26 = tpu.memref_slice %arg2[%add3A_25, %dma_wait3A] : memref<128x100000xf32, #tpu.memory_space<hbm>> -> memref<1x100000xf32, #tpu.memory_space<hbm>>
    %dma_wait3A_27 = tpu.memref_squeeze %dma_wait3A_26 : memref<1x100000xf32, #tpu.memory_space<hbm>> -> memref<100000xf32, #tpu.memory_space<hbm>>
    %dma_wait3A_28 = arith.constant 0 : i32
    %dma_wait3A_29 = tpu.memref_slice %arg2[%add3A_25, %dma_wait3A_28] : memref<128x100000xf32, #tpu.memory_space<hbm>> -> memref<1x100000xf32, #tpu.memory_space<hbm>>
    %dma_wait3A_30 = tpu.memref_squeeze %dma_wait3A_29 : memref<1x100000xf32, #tpu.memory_space<hbm>> -> memref<100000xf32, #tpu.memory_space<hbm>>
    tpu.wait_dma2 semaphore(%arg11 : memref<!tpu.dma_semaphore, #tpu.memory_space<semaphore_mem>>) src(%dma_wait3A_30 : memref<100000xf32, #tpu.memory_space<hbm>>) dst(%arg6 : memref<100000xf32, #tpu.memory_space<vmem>>)
    %add3A_31 = arith.constant 0 : i32
    %add3A_32 = arith.addi %add3A_31, %add3A : i32
    %add3A_33 = arith.constant 0 : i32
    %add3A_34 = arith.addi %add3A_33, %add3A : i32
    %dma_start3A_35 = arith.constant 4096 : i32
    %dma_start3A_36 = tpu.memref_slice %arg3[%add3A_32, %dma_start3A_35] : memref<128x16384xi32, #tpu.memory_space<hbm>> -> memref<1x4096xi32, #tpu.memory_space<hbm>>
    %dma_start3A_37 = tpu.memref_squeeze %dma_start3A_36 : memref<1x4096xi32, #tpu.memory_space<hbm>> -> memref<4096xi32, #tpu.memory_space<hbm>>
    %dma_start3A_38 = arith.constant 4096 : i32
    %dma_start3A_39 = tpu.memref_slice %arg3[%add3A_32, %dma_start3A_38] : memref<128x16384xi32, #tpu.memory_space<hbm>> -> memref<1x4096xi32, #tpu.memory_space<hbm>>
    %dma_start3A_40 = tpu.memref_squeeze %dma_start3A_39 : memref<1x4096xi32, #tpu.memory_space<hbm>> -> memref<4096xi32, #tpu.memory_space<hbm>>
    tpu.enqueue_dma source(%dma_start3A_40 : memref<4096xi32, #tpu.memory_space<hbm>>) target(%arg8 : memref<4096xi32, #tpu.memory_space<vmem>>) target_semaphore(%arg14 : memref<!tpu.dma_semaphore, #tpu.memory_space<semaphore_mem>>)
    %dma_start3A_41 = arith.constant 4096 : i32
    %dma_start3A_42 = tpu.memref_slice %arg4[%add3A_34, %dma_start3A_41] : memref<128x16384xf32, #tpu.memory_space<hbm>> -> memref<1x4096xf32, #tpu.memory_space<hbm>>
    %dma_start3A_43 = tpu.memref_squeeze %dma_start3A_42 : memref<1x4096xf32, #tpu.memory_space<hbm>> -> memref<4096xf32, #tpu.memory_space<hbm>>
    %dma_start3A_44 = arith.constant 4096 : i32
    %dma_start3A_45 = tpu.memref_slice %arg4[%add3A_34, %dma_start3A_44] : memref<128x16384xf32, #tpu.memory_space<hbm>> -> memref<1x4096xf32, #tpu.memory_space<hbm>>
    %dma_start3A_46 = tpu.memref_squeeze %dma_start3A_45 : memref<1x4096xf32, #tpu.memory_space<hbm>> -> memref<4096xf32, #tpu.memory_space<hbm>>
    tpu.enqueue_dma source(%dma_start3A_46 : memref<4096xf32, #tpu.memory_space<hbm>>) target(%arg10 : memref<4096xf32, #tpu.memory_space<vmem>>) target_semaphore(%arg14 : memref<!tpu.dma_semaphore, #tpu.memory_space<semaphore_mem>>)
    %add3A_47 = arith.constant 0 : i32
    %add3A_48 = arith.addi %add3A_47, %add3A : i32
    %add3A_49 = arith.constant 0 : i32
    %add3A_50 = arith.addi %add3A_49, %add3A : i32
    %dma_wait3A_51 = arith.constant 0 : i32
    %dma_wait3A_52 = tpu.memref_slice %arg3[%add3A_48, %dma_wait3A_51] : memref<128x16384xi32, #tpu.memory_space<hbm>> -> memref<1x4096xi32, #tpu.memory_space<hbm>>
    %dma_wait3A_53 = tpu.memref_squeeze %dma_wait3A_52 : memref<1x4096xi32, #tpu.memory_space<hbm>> -> memref<4096xi32, #tpu.memory_space<hbm>>
    %dma_wait3A_54 = arith.constant 0 : i32
    %dma_wait3A_55 = tpu.memref_slice %arg3[%add3A_48, %dma_wait3A_54] : memref<128x16384xi32, #tpu.memory_space<hbm>> -> memref<1x4096xi32, #tpu.memory_space<hbm>>
    %dma_wait3A_56 = tpu.memref_squeeze %dma_wait3A_55 : memref<1x4096xi32, #tpu.memory_space<hbm>> -> memref<4096xi32, #tpu.memory_space<hbm>>
    tpu.wait_dma2 semaphore(%arg13 : memref<!tpu.dma_semaphore, #tpu.memory_space<semaphore_mem>>) src(%dma_wait3A_56 : memref<4096xi32, #tpu.memory_space<hbm>>) dst(%arg7 : memref<4096xi32, #tpu.memory_space<vmem>>)
    %dma_wait3A_57 = arith.constant 0 : i32
    %dma_wait3A_58 = tpu.memref_slice %arg4[%add3A_50, %dma_wait3A_57] : memref<128x16384xf32, #tpu.memory_space<hbm>> -> memref<1x4096xf32, #tpu.memory_space<hbm>>
    %dma_wait3A_59 = tpu.memref_squeeze %dma_wait3A_58 : memref<1x4096xf32, #tpu.memory_space<hbm>> -> memref<4096xf32, #tpu.memory_space<hbm>>
    %dma_wait3A_60 = arith.constant 0 : i32
    %dma_wait3A_61 = tpu.memref_slice %arg4[%add3A_50, %dma_wait3A_60] : memref<128x16384xf32, #tpu.memory_space<hbm>> -> memref<1x4096xf32, #tpu.memory_space<hbm>>
    %dma_wait3A_62 = tpu.memref_squeeze %dma_wait3A_61 : memref<1x4096xf32, #tpu.memory_space<hbm>> -> memref<4096xf32, #tpu.memory_space<hbm>>
    tpu.wait_dma2 semaphore(%arg13 : memref<!tpu.dma_semaphore, #tpu.memory_space<semaphore_mem>>) src(%dma_wait3A_62 : memref<4096xf32, #tpu.memory_space<hbm>>) dst(%arg9 : memref<4096xf32, #tpu.memory_space<vmem>>)
    %scan3A = arith.constant 0 : i32
    %scan3A_63 = arith.constant 0 : i32
    %scan3A_64 = arith.constant 16 : i32
    %scan3A_65 = arith.addi %scan3A_63, %scan3A_64 : i32
    %scan3A_66 = arith.constant 1 : i32
    scf.for %scan3A_734 = %scan3A_63 to %scan3A_65 step %scan3A_66  : i32 {
      %mul3A_735 = arith.constant 256 : i32
      %mul3A_736 = arith.muli %scan3A_734, %mul3A_735 : i32
      %add3A_737 = arith.constant 0 : i32
      %add3A_738 = arith.addi %mul3A_736, %add3A_737 : i32
      %get3A = arith.index_cast %add3A_738 : i32 to index
      %get3A_739 = tpu.vector_load %arg7[%get3A] {strides = array<i32>} : memref<4096xi32, #tpu.memory_space<vmem>>, vector<16xi32>,
      %get3A_740 = arith.index_cast %add3A_738 : i32 to index
      %get3A_741 = tpu.vector_load %arg9[%get3A_740] {strides = array<i32>} : memref<4096xf32, #tpu.memory_space<vmem>>, vector<16xf32>,
      %broadcast_in_dim3A = arith.constant true
      %broadcast_in_dim3A_742 = vector.broadcast %broadcast_in_dim3A : i1 to vector<16xi1>
      %unique3A, %unique3A_743 = tpu.scan_count mask(%broadcast_in_dim3A_742 : vector<16xi1>) value(%get3A_739 : vector<16xi32>) : vector<16xi1>, vector<16xi32>
      %add3A_744 = arith.constant 16 : i32
      %add3A_745 = arith.addi %mul3A_736, %add3A_744 : i32
      %get3A_746 = arith.index_cast %add3A_745 : i32 to index
      %get3A_747 = tpu.vector_load %arg7[%get3A_746] {strides = array<i32>} : memref<4096xi32, #tpu.memory_space<vmem>>, vector<16xi32>,
      %get3A_748 = arith.index_cast %add3A_745 : i32 to index
      %get3A_749 = tpu.vector_load %arg9[%get3A_748] {strides = array<i32>} : memref<4096xf32, #tpu.memory_space<vmem>>, vector<16xf32>,
      %broadcast_in_dim3A_750 = arith.constant true
      %broadcast_in_dim3A_751 = vector.broadcast %broadcast_in_dim3A_750 : i1 to vector<16xi1>
      %unique3A_752, %unique3A_753 = tpu.scan_count mask(%broadcast_in_dim3A_751 : vector<16xi1>) value(%get3A_747 : vector<16xi32>) : vector<16xi1>, vector<16xi32>
      %add3A_754 = arith.constant 32 : i32
      %add3A_755 = arith.addi %mul3A_736, %add3A_754 : i32
      %get3A_756 = arith.index_cast %add3A_755 : i32 to index
      %get3A_757 = tpu.vector_load %arg7[%get3A_756] {strides = array<i32>} : memref<4096xi32, #tpu.memory_space<vmem>>, vector<16xi32>,
      %get3A_758 = arith.index_cast %add3A_755 : i32 to index
      %get3A_759 = tpu.vector_load %arg9[%get3A_758] {strides = array<i32>} : memref<4096xf32, #tpu.memory_space<vmem>>, vector<16xf32>,
      %broadcast_in_dim3A_760 = arith.constant true
      %broadcast_in_dim3A_761 = vector.broadcast %broadcast_in_dim3A_760 : i1 to vector<16xi1>
      %unique3A_762, %unique3A_763 = tpu.scan_count mask(%broadcast_in_dim3A_761 : vector<16xi1>) value(%get3A_757 : vector<16xi32>) : vector<16xi1>, vector<16xi32>
      %add3A_764 = arith.constant 48 : i32
      %add3A_765 = arith.addi %mul3A_736, %add3A_764 : i32
      %get3A_766 = arith.index_cast %add3A_765 : i32 to index
      %get3A_767 = tpu.vector_load %arg7[%get3A_766] {strides = array<i32>} : memref<4096xi32, #tpu.memory_space<vmem>>, vector<16xi32>,
      %get3A_768 = arith.index_cast %add3A_765 : i32 to index
      %get3A_769 = tpu.vector_load %arg9[%get3A_768] {strides = array<i32>} : memref<4096xf32, #tpu.memory_space<vmem>>, vector<16xf32>,
      %broadcast_in_dim3A_770 = arith.constant true
      %broadcast_in_dim3A_771 = vector.broadcast %broadcast_in_dim3A_770 : i1 to vector<16xi1>
      %unique3A_772, %unique3A_773 = tpu.scan_count mask(%broadcast_in_dim3A_771 : vector<16xi1>) value(%get3A_767 : vector<16xi32>) : vector<16xi1>, vector<16xi32>
      %add3A_774 = arith.constant 64 : i32
      %add3A_775 = arith.addi %mul3A_736, %add3A_774 : i32
      %get3A_776 = arith.index_cast %add3A_775 : i32 to index
      %get3A_777 = tpu.vector_load %arg7[%get3A_776] {strides = array<i32>} : memref<4096xi32, #tpu.memory_space<vmem>>, vector<16xi32>,
      %get3A_778 = arith.index_cast %add3A_775 : i32 to index
      %get3A_779 = tpu.vector_load %arg9[%get3A_778] {strides = array<i32>} : memref<4096xf32, #tpu.memory_space<vmem>>, vector<16xf32>,
      %broadcast_in_dim3A_780 = arith.constant true
      %broadcast_in_dim3A_781 = vector.broadcast %broadcast_in_dim3A_780 : i1 to vector<16xi1>
      %unique3A_782, %unique3A_783 = tpu.scan_count mask(%broadcast_in_dim3A_781 : vector<16xi1>) value(%get3A_777 : vector<16xi32>) : vector<16xi1>, vector<16xi32>
      %add3A_784 = arith.constant 80 : i32
      %add3A_785 = arith.addi %mul3A_736, %add3A_784 : i32
      %get3A_786 = arith.index_cast %add3A_785 : i32 to index
      %get3A_787 = tpu.vector_load %arg7[%get3A_786] {strides = array<i32>} : memref<4096xi32, #tpu.memory_space<vmem>>, vector<16xi32>,
      %get3A_788 = arith.index_cast %add3A_785 : i32 to index
      %get3A_789 = tpu.vector_load %arg9[%get3A_788] {strides = array<i32>} : memref<4096xf32, #tpu.memory_space<vmem>>, vector<16xf32>,
      %broadcast_in_dim3A_790 = arith.constant true
      %broadcast_in_dim3A_791 = vector.broadcast %broadcast_in_dim3A_790 : i1 to vector<16xi1>
      %unique3A_792, %unique3A_793 = tpu.scan_count mask(%broadcast_in_dim3A_791 : vector<16xi1>) value(%get3A_787 : vector<16xi32>) : vector<16xi1>, vector<16xi32>
      %add3A_794 = arith.constant 96 : i32
      %add3A_795 = arith.addi %mul3A_736, %add3A_794 : i32
      %get3A_796 = arith.index_cast %add3A_795 : i32 to index
      %get3A_797 = tpu.vector_load %arg7[%get3A_796] {strides = array<i32>} : memref<4096xi32, #tpu.memory_space<vmem>>, vector<16xi32>,
      %get3A_798 = arith.index_cast %add3A_795 : i32 to index
      %get3A_799 = tpu.vector_load %arg9[%get3A_798] {strides = array<i32>} : memref<4096xf32, #tpu.memory_space<vmem>>, vector<16xf32>,
      %broadcast_in_dim3A_800 = arith.constant true
      %broadcast_in_dim3A_801 = vector.broadcast %broadcast_in_dim3A_800 : i1 to vector<16xi1>
      %unique3A_802, %unique3A_803 = tpu.scan_count mask(%broadcast_in_dim3A_801 : vector<16xi1>) value(%get3A_797 : vector<16xi32>) : vector<16xi1>, vector<16xi32>
      %add3A_804 = arith.constant 112 : i32
      %add3A_805 = arith.addi %mul3A_736, %add3A_804 : i32
      %get3A_806 = arith.index_cast %add3A_805 : i32 to index
      %get3A_807 = tpu.vector_load %arg7[%get3A_806] {strides = array<i32>} : memref<4096xi32, #tpu.memory_space<vmem>>, vector<16xi32>,
      %get3A_808 = arith.index_cast %add3A_805 : i32 to index
      %get3A_809 = tpu.vector_load %arg9[%get3A_808] {strides = array<i32>} : memref<4096xf32, #tpu.memory_space<vmem>>, vector<16xf32>,
      %broadcast_in_dim3A_810 = arith.constant true
      %broadcast_in_dim3A_811 = vector.broadcast %broadcast_in_dim3A_810 : i1 to vector<16xi1>
      %unique3A_812, %unique3A_813 = tpu.scan_count mask(%broadcast_in_dim3A_811 : vector<16xi1>) value(%get3A_807 : vector<16xi32>) : vector<16xi1>, vector<16xi32>
      %add3A_814 = arith.constant 128 : i32
      %add3A_815 = arith.addi %mul3A_736, %add3A_814 : i32
      %get3A_816 = arith.index_cast %add3A_815 : i32 to index
      %get3A_817 = tpu.vector_load %arg7[%get3A_816] {strides = array<i32>} : memref<4096xi32, #tpu.memory_space<vmem>>, vector<16xi32>,
      %get3A_818 = arith.index_cast %add3A_815 : i32 to index
      %get3A_819 = tpu.vector_load %arg9[%get3A_818] {strides = array<i32>} : memref<4096xf32, #tpu.memory_space<vmem>>, vector<16xf32>,
      %broadcast_in_dim3A_820 = arith.constant true
      %broadcast_in_dim3A_821 = vector.broadcast %broadcast_in_dim3A_820 : i1 to vector<16xi1>
      %unique3A_822, %unique3A_823 = tpu.scan_count mask(%broadcast_in_dim3A_821 : vector<16xi1>) value(%get3A_817 : vector<16xi32>) : vector<16xi1>, vector<16xi32>
      %add3A_824 = arith.constant 144 : i32
      %add3A_825 = arith.addi %mul3A_736, %add3A_824 : i32
      %get3A_826 = arith.index_cast %add3A_825 : i32 to index
      %get3A_827 = tpu.vector_load %arg7[%get3A_826] {strides = array<i32>} : memref<4096xi32, #tpu.memory_space<vmem>>, vector<16xi32>,
      %get3A_828 = arith.index_cast %add3A_825 : i32 to index
      %get3A_829 = tpu.vector_load %arg9[%get3A_828] {strides = array<i32>} : memref<4096xf32, #tpu.memory_space<vmem>>, vector<16xf32>,
      %broadcast_in_dim3A_830 = arith.constant true
      %broadcast_in_dim3A_831 = vector.broadcast %broadcast_in_dim3A_830 : i1 to vector<16xi1>
      %unique3A_832, %unique3A_833 = tpu.scan_count mask(%broadcast_in_dim3A_831 : vector<16xi1>) value(%get3A_827 : vector<16xi32>) : vector<16xi1>, vector<16xi32>
      %add3A_834 = arith.constant 160 : i32
      %add3A_835 = arith.addi %mul3A_736, %add3A_834 : i32
      %get3A_836 = arith.index_cast %add3A_835 : i32 to index
      %get3A_837 = tpu.vector_load %arg7[%get3A_836] {strides = array<i32>} : memref<4096xi32, #tpu.memory_space<vmem>>, vector<16xi32>,
      %get3A_838 = arith.index_cast %add3A_835 : i32 to index
      %get3A_839 = tpu.vector_load %arg9[%get3A_838] {strides = array<i32>} : memref<4096xf32, #tpu.memory_space<vmem>>, vector<16xf32>,
      %broadcast_in_dim3A_840 = arith.constant true
      %broadcast_in_dim3A_841 = vector.broadcast %broadcast_in_dim3A_840 : i1 to vector<16xi1>
      %unique3A_842, %unique3A_843 = tpu.scan_count mask(%broadcast_in_dim3A_841 : vector<16xi1>) value(%get3A_837 : vector<16xi32>) : vector<16xi1>, vector<16xi32>
      %add3A_844 = arith.constant 176 : i32
      %add3A_845 = arith.addi %mul3A_736, %add3A_844 : i32
      %get3A_846 = arith.index_cast %add3A_845 : i32 to index
      %get3A_847 = tpu.vector_load %arg7[%get3A_846] {strides = array<i32>} : memref<4096xi32, #tpu.memory_space<vmem>>, vector<16xi32>,
      %get3A_848 = arith.index_cast %add3A_845 : i32 to index
      %get3A_849 = tpu.vector_load %arg9[%get3A_848] {strides = array<i32>} : memref<4096xf32, #tpu.memory_space<vmem>>, vector<16xf32>,
      %broadcast_in_dim3A_850 = arith.constant true
      %broadcast_in_dim3A_851 = vector.broadcast %broadcast_in_dim3A_850 : i1 to vector<16xi1>
      %unique3A_852, %unique3A_853 = tpu.scan_count mask(%broadcast_in_dim3A_851 : vector<16xi1>) value(%get3A_847 : vector<16xi32>) : vector<16xi1>, vector<16xi32>
      %add3A_854 = arith.constant 192 : i32
      %add3A_855 = arith.addi %mul3A_736, %add3A_854 : i32
      %get3A_856 = arith.index_cast %add3A_855 : i32 to index
      %get3A_857 = tpu.vector_load %arg7[%get3A_856] {strides = array<i32>} : memref<4096xi32, #tpu.memory_space<vmem>>, vector<16xi32>,
      %get3A_858 = arith.index_cast %add3A_855 : i32 to index
      %get3A_859 = tpu.vector_load %arg9[%get3A_858] {strides = array<i32>} : memref<4096xf32, #tpu.memory_space<vmem>>, vector<16xf32>,
      %broadcast_in_dim3A_860 = arith.constant true
      %broadcast_in_dim3A_861 = vector.broadcast %broadcast_in_dim3A_860 : i1 to vector<16xi1>
      %unique3A_862, %unique3A_863 = tpu.scan_count mask(%broadcast_in_dim3A_861 : vector<16xi1>) value(%get3A_857 : vector<16xi32>) : vector<16xi1>, vector<16xi32>
      %add3A_864 = arith.constant 208 : i32
      %add3A_865 = arith.addi %mul3A_736, %add3A_864 : i32
      %get3A_866 = arith.index_cast %add3A_865 : i32 to index
      %get3A_867 = tpu.vector_load %arg7[%get3A_866] {strides = array<i32>} : memref<4096xi32, #tpu.memory_space<vmem>>, vector<16xi32>,
      %get3A_868 = arith.index_cast %add3A_865 : i32 to index
      %get3A_869 = tpu.vector_load %arg9[%get3A_868] {strides = array<i32>} : memref<4096xf32, #tpu.memory_space<vmem>>, vector<16xf32>,
      %broadcast_in_dim3A_870 = arith.constant true
      %broadcast_in_dim3A_871 = vector.broadcast %broadcast_in_dim3A_870 : i1 to vector<16xi1>
      %unique3A_872, %unique3A_873 = tpu.scan_count mask(%broadcast_in_dim3A_871 : vector<16xi1>) value(%get3A_867 : vector<16xi32>) : vector<16xi1>, vector<16xi32>
      %add3A_874 = arith.constant 224 : i32
      %add3A_875 = arith.addi %mul3A_736, %add3A_874 : i32
      %get3A_876 = arith.index_cast %add3A_875 : i32 to index
      %get3A_877 = tpu.vector_load %arg7[%get3A_876] {strides = array<i32>} : memref<4096xi32, #tpu.memory_space<vmem>>, vector<16xi32>,
      %get3A_878 = arith.index_cast %add3A_875 : i32 to index
      %get3A_879 = tpu.vector_load %arg9[%get3A_878] {strides = array<i32>} : memref<4096xf32, #tpu.memory_space<vmem>>, vector<16xf32>,
      %broadcast_in_dim3A_880 = arith.constant true
      %broadcast_in_dim3A_881 = vector.broadcast %broadcast_in_dim3A_880 : i1 to vector<16xi1>
      %unique3A_882, %unique3A_883 = tpu.scan_count mask(%broadcast_in_dim3A_881 : vector<16xi1>) value(%get3A_877 : vector<16xi32>) : vector<16xi1>, vector<16xi32>
      %add3A_884 = arith.constant 240 : i32
      %add3A_885 = arith.addi %mul3A_736, %add3A_884 : i32
      %get3A_886 = arith.index_cast %add3A_885 : i32 to index
      %get3A_887 = tpu.vector_load %arg7[%get3A_886] {strides = array<i32>} : memref<4096xi32, #tpu.memory_space<vmem>>, vector<16xi32>,
      %get3A_888 = arith.index_cast %add3A_885 : i32 to index
      %get3A_889 = tpu.vector_load %arg9[%get3A_888] {strides = array<i32>} : memref<4096xf32, #tpu.memory_space<vmem>>, vector<16xf32>,
      %broadcast_in_dim3A_890 = arith.constant true
      %broadcast_in_dim3A_891 = vector.broadcast %broadcast_in_dim3A_890 : i1 to vector<16xi1>
      %unique3A_892, %unique3A_893 = tpu.scan_count mask(%broadcast_in_dim3A_891 : vector<16xi1>) value(%get3A_887 : vector<16xi32>) : vector<16xi1>, vector<16xi32>
      tpu.vector_store_idx %arg6[%get3A_739], %get3A_741 masked %unique3A : memref<100000xf32, #tpu.memory_space<vmem>>[vector<16xi32>], vector<16xf32>, vector<16xi1>
      tpu.vector_store_idx %arg6[%get3A_747], %get3A_749 masked %unique3A_752 : memref<100000xf32, #tpu.memory_space<vmem>>[vector<16xi32>], vector<16xf32>, vector<16xi1>
      tpu.vector_store_idx %arg6[%get3A_757], %get3A_759 masked %unique3A_762 : memref<100000xf32, #tpu.memory_space<vmem>>[vector<16xi32>], vector<16xf32>, vector<16xi1>
      tpu.vector_store_idx %arg6[%get3A_767], %get3A_769 masked %unique3A_772 : memref<100000xf32, #tpu.memory_space<vmem>>[vector<16xi32>], vector<16xf32>, vector<16xi1>
      tpu.vector_store_idx %arg6[%get3A_777], %get3A_779 masked %unique3A_782 : memref<100000xf32, #tpu.memory_space<vmem>>[vector<16xi32>], vector<16xf32>, vector<16xi1>
      tpu.vector_store_idx %arg6[%get3A_787], %get3A_789 masked %unique3A_792 : memref<100000xf32, #tpu.memory_space<vmem>>[vector<16xi32>], vector<16xf32>, vector<16xi1>
      tpu.vector_store_idx %arg6[%get3A_797], %get3A_799 masked %unique3A_802 : memref<100000xf32, #tpu.memory_space<vmem>>[vector<16xi32>], vector<16xf32>, vector<16xi1>
      tpu.vector_store_idx %arg6[%get3A_807], %get3A_809 masked %unique3A_812 : memref<100000xf32, #tpu.memory_space<vmem>>[vector<16xi32>], vector<16xf32>, vector<16xi1>
      tpu.vector_store_idx %arg6[%get3A_817], %get3A_819 masked %unique3A_822 : memref<100000xf32, #tpu.memory_space<vmem>>[vector<16xi32>], vector<16xf32>, vector<16xi1>
      tpu.vector_store_idx %arg6[%get3A_827], %get3A_829 masked %unique3A_832 : memref<100000xf32, #tpu.memory_space<vmem>>[vector<16xi32>], vector<16xf32>, vector<16xi1>
      tpu.vector_store_idx %arg6[%get3A_837], %get3A_839 masked %unique3A_842 : memref<100000xf32, #tpu.memory_space<vmem>>[vector<16xi32>], vector<16xf32>, vector<16xi1>
      tpu.vector_store_idx %arg6[%get3A_847], %get3A_849 masked %unique3A_852 : memref<100000xf32, #tpu.memory_space<vmem>>[vector<16xi32>], vector<16xf32>, vector<16xi1>
      tpu.vector_store_idx %arg6[%get3A_857], %get3A_859 masked %unique3A_862 : memref<100000xf32, #tpu.memory_space<vmem>>[vector<16xi32>], vector<16xf32>, vector<16xi1>
      tpu.vector_store_idx %arg6[%get3A_867], %get3A_869 masked %unique3A_872 : memref<100000xf32, #tpu.memory_space<vmem>>[vector<16xi32>], vector<16xf32>, vector<16xi1>
      tpu.vector_store_idx %arg6[%get3A_877], %get3A_879 masked %unique3A_882 : memref<100000xf32, #tpu.memory_space<vmem>>[vector<16xi32>], vector<16xf32>, vector<16xi1>
      tpu.vector_store_idx %arg6[%get3A_887], %get3A_889 masked %unique3A_892 : memref<100000xf32, #tpu.memory_space<vmem>>[vector<16xi32>], vector<16xf32>, vector<16xi1>
    }
    %scan3A_67 = arith.constant 16 : i32
    %add3A_68 = arith.constant 0 : i32
    %add3A_69 = arith.addi %add3A_68, %add3A : i32
    %add3A_70 = arith.constant 0 : i32
    %add3A_71 = arith.addi %add3A_70, %add3A : i32
    %dma_start3A_72 = arith.constant 8192 : i32
    %dma_start3A_73 = tpu.memref_slice %arg3[%add3A_69, %dma_start3A_72] : memref<128x16384xi32, #tpu.memory_space<hbm>> -> memref<1x4096xi32, #tpu.memory_space<hbm>>
    %dma_start3A_74 = tpu.memref_squeeze %dma_start3A_73 : memref<1x4096xi32, #tpu.memory_space<hbm>> -> memref<4096xi32, #tpu.memory_space<hbm>>
    %dma_start3A_75 = arith.constant 8192 : i32
    %dma_start3A_76 = tpu.memref_slice %arg3[%add3A_69, %dma_start3A_75] : memref<128x16384xi32, #tpu.memory_space<hbm>> -> memref<1x4096xi32, #tpu.memory_space<hbm>>
    %dma_start3A_77 = tpu.memref_squeeze %dma_start3A_76 : memref<1x4096xi32, #tpu.memory_space<hbm>> -> memref<4096xi32, #tpu.memory_space<hbm>>
    tpu.enqueue_dma source(%dma_start3A_77 : memref<4096xi32, #tpu.memory_space<hbm>>) target(%arg7 : memref<4096xi32, #tpu.memory_space<vmem>>) target_semaphore(%arg13 : memref<!tpu.dma_semaphore, #tpu.memory_space<semaphore_mem>>)
    %dma_start3A_78 = arith.constant 8192 : i32
    %dma_start3A_79 = tpu.memref_slice %arg4[%add3A_71, %dma_start3A_78] : memref<128x16384xf32, #tpu.memory_space<hbm>> -> memref<1x4096xf32, #tpu.memory_space<hbm>>
    %dma_start3A_80 = tpu.memref_squeeze %dma_start3A_79 : memref<1x4096xf32, #tpu.memory_space<hbm>> -> memref<4096xf32, #tpu.memory_space<hbm>>
    %dma_start3A_81 = arith.constant 8192 : i32
    %dma_start3A_82 = tpu.memref_slice %arg4[%add3A_71, %dma_start3A_81] : memref<128x16384xf32, #tpu.memory_space<hbm>> -> memref<1x4096xf32, #tpu.memory_space<hbm>>
    %dma_start3A_83 = tpu.memref_squeeze %dma_start3A_82 : memref<1x4096xf32, #tpu.memory_space<hbm>> -> memref<4096xf32, #tpu.memory_space<hbm>>
    tpu.enqueue_dma source(%dma_start3A_83 : memref<4096xf32, #tpu.memory_space<hbm>>) target(%arg9 : memref<4096xf32, #tpu.memory_space<vmem>>) target_semaphore(%arg13 : memref<!tpu.dma_semaphore, #tpu.memory_space<semaphore_mem>>)
    %add3A_84 = arith.constant 0 : i32
    %add3A_85 = arith.addi %add3A_84, %add3A : i32
    %add3A_86 = arith.constant 0 : i32
    %add3A_87 = arith.addi %add3A_86, %add3A : i32
    %dma_wait3A_88 = arith.constant 4096 : i32
    %dma_wait3A_89 = tpu.memref_slice %arg3[%add3A_85, %dma_wait3A_88] : memref<128x16384xi32, #tpu.memory_space<hbm>> -> memref<1x4096xi32, #tpu.memory_space<hbm>>
    %dma_wait3A_90 = tpu.memref_squeeze %dma_wait3A_89 : memref<1x4096xi32, #tpu.memory_space<hbm>> -> memref<4096xi32, #tpu.memory_space<hbm>>
    %dma_wait3A_91 = arith.constant 4096 : i32
    %dma_wait3A_92 = tpu.memref_slice %arg3[%add3A_85, %dma_wait3A_91] : memref<128x16384xi32, #tpu.memory_space<hbm>> -> memref<1x4096xi32, #tpu.memory_space<hbm>>
    %dma_wait3A_93 = tpu.memref_squeeze %dma_wait3A_92 : memref<1x4096xi32, #tpu.memory_space<hbm>> -> memref<4096xi32, #tpu.memory_space<hbm>>
    tpu.wait_dma2 semaphore(%arg14 : memref<!tpu.dma_semaphore, #tpu.memory_space<semaphore_mem>>) src(%dma_wait3A_93 : memref<4096xi32, #tpu.memory_space<hbm>>) dst(%arg8 : memref<4096xi32, #tpu.memory_space<vmem>>)
    %dma_wait3A_94 = arith.constant 4096 : i32
    %dma_wait3A_95 = tpu.memref_slice %arg4[%add3A_87, %dma_wait3A_94] : memref<128x16384xf32, #tpu.memory_space<hbm>> -> memref<1x4096xf32, #tpu.memory_space<hbm>>
    %dma_wait3A_96 = tpu.memref_squeeze %dma_wait3A_95 : memref<1x4096xf32, #tpu.memory_space<hbm>> -> memref<4096xf32, #tpu.memory_space<hbm>>
    %dma_wait3A_97 = arith.constant 4096 : i32
    %dma_wait3A_98 = tpu.memref_slice %arg4[%add3A_87, %dma_wait3A_97] : memref<128x16384xf32, #tpu.memory_space<hbm>> -> memref<1x4096xf32, #tpu.memory_space<hbm>>
    %dma_wait3A_99 = tpu.memref_squeeze %dma_wait3A_98 : memref<1x4096xf32, #tpu.memory_space<hbm>> -> memref<4096xf32, #tpu.memory_space<hbm>>
    tpu.wait_dma2 semaphore(%arg14 : memref<!tpu.dma_semaphore, #tpu.memory_space<semaphore_mem>>) src(%dma_wait3A_99 : memref<4096xf32, #tpu.memory_space<hbm>>) dst(%arg10 : memref<4096xf32, #tpu.memory_space<vmem>>)
    %scan3A_100 = arith.constant 0 : i32
    %scan3A_101 = arith.constant 0 : i32
    %scan3A_102 = arith.constant 16 : i32
    %scan3A_103 = arith.addi %scan3A_101, %scan3A_102 : i32
    %scan3A_104 = arith.constant 1 : i32
    scf.for %scan3A_734 = %scan3A_101 to %scan3A_103 step %scan3A_104  : i32 {
      %mul3A_735 = arith.constant 256 : i32
      %mul3A_736 = arith.muli %scan3A_734, %mul3A_735 : i32
      %add3A_737 = arith.constant 0 : i32
      %add3A_738 = arith.addi %mul3A_736, %add3A_737 : i32
      %get3A = arith.index_cast %add3A_738 : i32 to index
      %get3A_739 = tpu.vector_load %arg8[%get3A] {strides = array<i32>} : memref<4096xi32, #tpu.memory_space<vmem>>, vector<16xi32>,
      %get3A_740 = arith.index_cast %add3A_738 : i32 to index
      %get3A_741 = tpu.vector_load %arg10[%get3A_740] {strides = array<i32>} : memref<4096xf32, #tpu.memory_space<vmem>>, vector<16xf32>,
      %broadcast_in_dim3A = arith.constant true
      %broadcast_in_dim3A_742 = vector.broadcast %broadcast_in_dim3A : i1 to vector<16xi1>
      %unique3A, %unique3A_743 = tpu.scan_count mask(%broadcast_in_dim3A_742 : vector<16xi1>) value(%get3A_739 : vector<16xi32>) : vector<16xi1>, vector<16xi32>
      %add3A_744 = arith.constant 16 : i32
      %add3A_745 = arith.addi %mul3A_736, %add3A_744 : i32
      %get3A_746 = arith.index_cast %add3A_745 : i32 to index
      %get3A_747 = tpu.vector_load %arg8[%get3A_746] {strides = array<i32>} : memref<4096xi32, #tpu.memory_space<vmem>>, vector<16xi32>,
      %get3A_748 = arith.index_cast %add3A_745 : i32 to index
      %get3A_749 = tpu.vector_load %arg10[%get3A_748] {strides = array<i32>} : memref<4096xf32, #tpu.memory_space<vmem>>, vector<16xf32>,
      %broadcast_in_dim3A_750 = arith.constant true
      %broadcast_in_dim3A_751 = vector.broadcast %broadcast_in_dim3A_750 : i1 to vector<16xi1>
      %unique3A_752, %unique3A_753 = tpu.scan_count mask(%broadcast_in_dim3A_751 : vector<16xi1>) value(%get3A_747 : vector<16xi32>) : vector<16xi1>, vector<16xi32>
      %add3A_754 = arith.constant 32 : i32
      %add3A_755 = arith.addi %mul3A_736, %add3A_754 : i32
      %get3A_756 = arith.index_cast %add3A_755 : i32 to index
      %get3A_757 = tpu.vector_load %arg8[%get3A_756] {strides = array<i32>} : memref<4096xi32, #tpu.memory_space<vmem>>, vector<16xi32>,
      %get3A_758 = arith.index_cast %add3A_755 : i32 to index
      %get3A_759 = tpu.vector_load %arg10[%get3A_758] {strides = array<i32>} : memref<4096xf32, #tpu.memory_space<vmem>>, vector<16xf32>,
      %broadcast_in_dim3A_760 = arith.constant true
      %broadcast_in_dim3A_761 = vector.broadcast %broadcast_in_dim3A_760 : i1 to vector<16xi1>
      %unique3A_762, %unique3A_763 = tpu.scan_count mask(%broadcast_in_dim3A_761 : vector<16xi1>) value(%get3A_757 : vector<16xi32>) : vector<16xi1>, vector<16xi32>
      %add3A_764 = arith.constant 48 : i32
      %add3A_765 = arith.addi %mul3A_736, %add3A_764 : i32
      %get3A_766 = arith.index_cast %add3A_765 : i32 to index
      %get3A_767 = tpu.vector_load %arg8[%get3A_766] {strides = array<i32>} : memref<4096xi32, #tpu.memory_space<vmem>>, vector<16xi32>,
      %get3A_768 = arith.index_cast %add3A_765 : i32 to index
      %get3A_769 = tpu.vector_load %arg10[%get3A_768] {strides = array<i32>} : memref<4096xf32, #tpu.memory_space<vmem>>, vector<16xf32>,
      %broadcast_in_dim3A_770 = arith.constant true
      %broadcast_in_dim3A_771 = vector.broadcast %broadcast_in_dim3A_770 : i1 to vector<16xi1>
      %unique3A_772, %unique3A_773 = tpu.scan_count mask(%broadcast_in_dim3A_771 : vector<16xi1>) value(%get3A_767 : vector<16xi32>) : vector<16xi1>, vector<16xi32>
      %add3A_774 = arith.constant 64 : i32
      %add3A_775 = arith.addi %mul3A_736, %add3A_774 : i32
      %get3A_776 = arith.index_cast %add3A_775 : i32 to index
      %get3A_777 = tpu.vector_load %arg8[%get3A_776] {strides = array<i32>} : memref<4096xi32, #tpu.memory_space<vmem>>, vector<16xi32>,
      %get3A_778 = arith.index_cast %add3A_775 : i32 to index
      %get3A_779 = tpu.vector_load %arg10[%get3A_778] {strides = array<i32>} : memref<4096xf32, #tpu.memory_space<vmem>>, vector<16xf32>,
      %broadcast_in_dim3A_780 = arith.constant true
      %broadcast_in_dim3A_781 = vector.broadcast %broadcast_in_dim3A_780 : i1 to vector<16xi1>
      %unique3A_782, %unique3A_783 = tpu.scan_count mask(%broadcast_in_dim3A_781 : vector<16xi1>) value(%get3A_777 : vector<16xi32>) : vector<16xi1>, vector<16xi32>
      %add3A_784 = arith.constant 80 : i32
      %add3A_785 = arith.addi %mul3A_736, %add3A_784 : i32
      %get3A_786 = arith.index_cast %add3A_785 : i32 to index
      %get3A_787 = tpu.vector_load %arg8[%get3A_786] {strides = array<i32>} : memref<4096xi32, #tpu.memory_space<vmem>>, vector<16xi32>,
      %get3A_788 = arith.index_cast %add3A_785 : i32 to index
      %get3A_789 = tpu.vector_load %arg10[%get3A_788] {strides = array<i32>} : memref<4096xf32, #tpu.memory_space<vmem>>, vector<16xf32>,
      %broadcast_in_dim3A_790 = arith.constant true
      %broadcast_in_dim3A_791 = vector.broadcast %broadcast_in_dim3A_790 : i1 to vector<16xi1>
      %unique3A_792, %unique3A_793 = tpu.scan_count mask(%broadcast_in_dim3A_791 : vector<16xi1>) value(%get3A_787 : vector<16xi32>) : vector<16xi1>, vector<16xi32>
      %add3A_794 = arith.constant 96 : i32
      %add3A_795 = arith.addi %mul3A_736, %add3A_794 : i32
      %get3A_796 = arith.index_cast %add3A_795 : i32 to index
      %get3A_797 = tpu.vector_load %arg8[%get3A_796] {strides = array<i32>} : memref<4096xi32, #tpu.memory_space<vmem>>, vector<16xi32>,
      %get3A_798 = arith.index_cast %add3A_795 : i32 to index
      %get3A_799 = tpu.vector_load %arg10[%get3A_798] {strides = array<i32>} : memref<4096xf32, #tpu.memory_space<vmem>>, vector<16xf32>,
      %broadcast_in_dim3A_800 = arith.constant true
      %broadcast_in_dim3A_801 = vector.broadcast %broadcast_in_dim3A_800 : i1 to vector<16xi1>
      %unique3A_802, %unique3A_803 = tpu.scan_count mask(%broadcast_in_dim3A_801 : vector<16xi1>) value(%get3A_797 : vector<16xi32>) : vector<16xi1>, vector<16xi32>
      %add3A_804 = arith.constant 112 : i32
      %add3A_805 = arith.addi %mul3A_736, %add3A_804 : i32
      %get3A_806 = arith.index_cast %add3A_805 : i32 to index
      %get3A_807 = tpu.vector_load %arg8[%get3A_806] {strides = array<i32>} : memref<4096xi32, #tpu.memory_space<vmem>>, vector<16xi32>,
      %get3A_808 = arith.index_cast %add3A_805 : i32 to index
      %get3A_809 = tpu.vector_load %arg10[%get3A_808] {strides = array<i32>} : memref<4096xf32, #tpu.memory_space<vmem>>, vector<16xf32>,
      %broadcast_in_dim3A_810 = arith.constant true
      %broadcast_in_dim3A_811 = vector.broadcast %broadcast_in_dim3A_810 : i1 to vector<16xi1>
      %unique3A_812, %unique3A_813 = tpu.scan_count mask(%broadcast_in_dim3A_811 : vector<16xi1>) value(%get3A_807 : vector<16xi32>) : vector<16xi1>, vector<16xi32>
      %add3A_814 = arith.constant 128 : i32
      %add3A_815 = arith.addi %mul3A_736, %add3A_814 : i32
      %get3A_816 = arith.index_cast %add3A_815 : i32 to index
      %get3A_817 = tpu.vector_load %arg8[%get3A_816] {strides = array<i32>} : memref<4096xi32, #tpu.memory_space<vmem>>, vector<16xi32>,
      %get3A_818 = arith.index_cast %add3A_815 : i32 to index
      %get3A_819 = tpu.vector_load %arg10[%get3A_818] {strides = array<i32>} : memref<4096xf32, #tpu.memory_space<vmem>>, vector<16xf32>,
      %broadcast_in_dim3A_820 = arith.constant true
      %broadcast_in_dim3A_821 = vector.broadcast %broadcast_in_dim3A_820 : i1 to vector<16xi1>
      %unique3A_822, %unique3A_823 = tpu.scan_count mask(%broadcast_in_dim3A_821 : vector<16xi1>) value(%get3A_817 : vector<16xi32>) : vector<16xi1>, vector<16xi32>
      %add3A_824 = arith.constant 144 : i32
      %add3A_825 = arith.addi %mul3A_736, %add3A_824 : i32
      %get3A_826 = arith.index_cast %add3A_825 : i32 to index
      %get3A_827 = tpu.vector_load %arg8[%get3A_826] {strides = array<i32>} : memref<4096xi32, #tpu.memory_space<vmem>>, vector<16xi32>,
      %get3A_828 = arith.index_cast %add3A_825 : i32 to index
      %get3A_829 = tpu.vector_load %arg10[%get3A_828] {strides = array<i32>} : memref<4096xf32, #tpu.memory_space<vmem>>, vector<16xf32>,
      %broadcast_in_dim3A_830 = arith.constant true
      %broadcast_in_dim3A_831 = vector.broadcast %broadcast_in_dim3A_830 : i1 to vector<16xi1>
      %unique3A_832, %unique3A_833 = tpu.scan_count mask(%broadcast_in_dim3A_831 : vector<16xi1>) value(%get3A_827 : vector<16xi32>) : vector<16xi1>, vector<16xi32>
      %add3A_834 = arith.constant 160 : i32
      %add3A_835 = arith.addi %mul3A_736, %add3A_834 : i32
      %get3A_836 = arith.index_cast %add3A_835 : i32 to index
      %get3A_837 = tpu.vector_load %arg8[%get3A_836] {strides = array<i32>} : memref<4096xi32, #tpu.memory_space<vmem>>, vector<16xi32>,
      %get3A_838 = arith.index_cast %add3A_835 : i32 to index
      %get3A_839 = tpu.vector_load %arg10[%get3A_838] {strides = array<i32>} : memref<4096xf32, #tpu.memory_space<vmem>>, vector<16xf32>,
      %broadcast_in_dim3A_840 = arith.constant true
      %broadcast_in_dim3A_841 = vector.broadcast %broadcast_in_dim3A_840 : i1 to vector<16xi1>
      %unique3A_842, %unique3A_843 = tpu.scan_count mask(%broadcast_in_dim3A_841 : vector<16xi1>) value(%get3A_837 : vector<16xi32>) : vector<16xi1>, vector<16xi32>
      %add3A_844 = arith.constant 176 : i32
      %add3A_845 = arith.addi %mul3A_736, %add3A_844 : i32
      %get3A_846 = arith.index_cast %add3A_845 : i32 to index
      %get3A_847 = tpu.vector_load %arg8[%get3A_846] {strides = array<i32>} : memref<4096xi32, #tpu.memory_space<vmem>>, vector<16xi32>,
      %get3A_848 = arith.index_cast %add3A_845 : i32 to index
      %get3A_849 = tpu.vector_load %arg10[%get3A_848] {strides = array<i32>} : memref<4096xf32, #tpu.memory_space<vmem>>, vector<16xf32>,
      %broadcast_in_dim3A_850 = arith.constant true
      %broadcast_in_dim3A_851 = vector.broadcast %broadcast_in_dim3A_850 : i1 to vector<16xi1>
      %unique3A_852, %unique3A_853 = tpu.scan_count mask(%broadcast_in_dim3A_851 : vector<16xi1>) value(%get3A_847 : vector<16xi32>) : vector<16xi1>, vector<16xi32>
      %add3A_854 = arith.constant 192 : i32
      %add3A_855 = arith.addi %mul3A_736, %add3A_854 : i32
      %get3A_856 = arith.index_cast %add3A_855 : i32 to index
      %get3A_857 = tpu.vector_load %arg8[%get3A_856] {strides = array<i32>} : memref<4096xi32, #tpu.memory_space<vmem>>, vector<16xi32>,
      %get3A_858 = arith.index_cast %add3A_855 : i32 to index
      %get3A_859 = tpu.vector_load %arg10[%get3A_858] {strides = array<i32>} : memref<4096xf32, #tpu.memory_space<vmem>>, vector<16xf32>,
      %broadcast_in_dim3A_860 = arith.constant true
      %broadcast_in_dim3A_861 = vector.broadcast %broadcast_in_dim3A_860 : i1 to vector<16xi1>
      %unique3A_862, %unique3A_863 = tpu.scan_count mask(%broadcast_in_dim3A_861 : vector<16xi1>) value(%get3A_857 : vector<16xi32>) : vector<16xi1>, vector<16xi32>
      %add3A_864 = arith.constant 208 : i32
      %add3A_865 = arith.addi %mul3A_736, %add3A_864 : i32
      %get3A_866 = arith.index_cast %add3A_865 : i32 to index
      %get3A_867 = tpu.vector_load %arg8[%get3A_866] {strides = array<i32>} : memref<4096xi32, #tpu.memory_space<vmem>>, vector<16xi32>,
      %get3A_868 = arith.index_cast %add3A_865 : i32 to index
      %get3A_869 = tpu.vector_load %arg10[%get3A_868] {strides = array<i32>} : memref<4096xf32, #tpu.memory_space<vmem>>, vector<16xf32>,
      %broadcast_in_dim3A_870 = arith.constant true
      %broadcast_in_dim3A_871 = vector.broadcast %broadcast_in_dim3A_870 : i1 to vector<16xi1>
      %unique3A_872, %unique3A_873 = tpu.scan_count mask(%broadcast_in_dim3A_871 : vector<16xi1>) value(%get3A_867 : vector<16xi32>) : vector<16xi1>, vector<16xi32>
      %add3A_874 = arith.constant 224 : i32
      %add3A_875 = arith.addi %mul3A_736, %add3A_874 : i32
      %get3A_876 = arith.index_cast %add3A_875 : i32 to index
      %get3A_877 = tpu.vector_load %arg8[%get3A_876] {strides = array<i32>} : memref<4096xi32, #tpu.memory_space<vmem>>, vector<16xi32>,
      %get3A_878 = arith.index_cast %add3A_875 : i32 to index
      %get3A_879 = tpu.vector_load %arg10[%get3A_878] {strides = array<i32>} : memref<4096xf32, #tpu.memory_space<vmem>>, vector<16xf32>,
      %broadcast_in_dim3A_880 = arith.constant true
      %broadcast_in_dim3A_881 = vector.broadcast %broadcast_in_dim3A_880 : i1 to vector<16xi1>
      %unique3A_882, %unique3A_883 = tpu.scan_count mask(%broadcast_in_dim3A_881 : vector<16xi1>) value(%get3A_877 : vector<16xi32>) : vector<16xi1>, vector<16xi32>
      %add3A_884 = arith.constant 240 : i32
      %add3A_885 = arith.addi %mul3A_736, %add3A_884 : i32
      %get3A_886 = arith.index_cast %add3A_885 : i32 to index
      %get3A_887 = tpu.vector_load %arg8[%get3A_886] {strides = array<i32>} : memref<4096xi32, #tpu.memory_space<vmem>>, vector<16xi32>,
      %get3A_888 = arith.index_cast %add3A_885 : i32 to index
      %get3A_889 = tpu.vector_load %arg10[%get3A_888] {strides = array<i32>} : memref<4096xf32, #tpu.memory_space<vmem>>, vector<16xf32>,
      %broadcast_in_dim3A_890 = arith.constant true
      %broadcast_in_dim3A_891 = vector.broadcast %broadcast_in_dim3A_890 : i1 to vector<16xi1>
      %unique3A_892, %unique3A_893 = tpu.scan_count mask(%broadcast_in_dim3A_891 : vector<16xi1>) value(%get3A_887 : vector<16xi32>) : vector<16xi1>, vector<16xi32>
      tpu.vector_store_idx %arg6[%get3A_739], %get3A_741 masked %unique3A : memref<100000xf32, #tpu.memory_space<vmem>>[vector<16xi32>], vector<16xf32>, vector<16xi1>
      tpu.vector_store_idx %arg6[%get3A_747], %get3A_749 masked %unique3A_752 : memref<100000xf32, #tpu.memory_space<vmem>>[vector<16xi32>], vector<16xf32>, vector<16xi1>
      tpu.vector_store_idx %arg6[%get3A_757], %get3A_759 masked %unique3A_762 : memref<100000xf32, #tpu.memory_space<vmem>>[vector<16xi32>], vector<16xf32>, vector<16xi1>
      tpu.vector_store_idx %arg6[%get3A_767], %get3A_769 masked %unique3A_772 : memref<100000xf32, #tpu.memory_space<vmem>>[vector<16xi32>], vector<16xf32>, vector<16xi1>
      tpu.vector_store_idx %arg6[%get3A_777], %get3A_779 masked %unique3A_782 : memref<100000xf32, #tpu.memory_space<vmem>>[vector<16xi32>], vector<16xf32>, vector<16xi1>
      tpu.vector_store_idx %arg6[%get3A_787], %get3A_789 masked %unique3A_792 : memref<100000xf32, #tpu.memory_space<vmem>>[vector<16xi32>], vector<16xf32>, vector<16xi1>
      tpu.vector_store_idx %arg6[%get3A_797], %get3A_799 masked %unique3A_802 : memref<100000xf32, #tpu.memory_space<vmem>>[vector<16xi32>], vector<16xf32>, vector<16xi1>
      tpu.vector_store_idx %arg6[%get3A_807], %get3A_809 masked %unique3A_812 : memref<100000xf32, #tpu.memory_space<vmem>>[vector<16xi32>], vector<16xf32>, vector<16xi1>
      tpu.vector_store_idx %arg6[%get3A_817], %get3A_819 masked %unique3A_822 : memref<100000xf32, #tpu.memory_space<vmem>>[vector<16xi32>], vector<16xf32>, vector<16xi1>
      tpu.vector_store_idx %arg6[%get3A_827], %get3A_829 masked %unique3A_832 : memref<100000xf32, #tpu.memory_space<vmem>>[vector<16xi32>], vector<16xf32>, vector<16xi1>
      tpu.vector_store_idx %arg6[%get3A_837], %get3A_839 masked %unique3A_842 : memref<100000xf32, #tpu.memory_space<vmem>>[vector<16xi32>], vector<16xf32>, vector<16xi1>
      tpu.vector_store_idx %arg6[%get3A_847], %get3A_849 masked %unique3A_852 : memref<100000xf32, #tpu.memory_space<vmem>>[vector<16xi32>], vector<16xf32>, vector<16xi1>
      tpu.vector_store_idx %arg6[%get3A_857], %get3A_859 masked %unique3A_862 : memref<100000xf32, #tpu.memory_space<vmem>>[vector<16xi32>], vector<16xf32>, vector<16xi1>
      tpu.vector_store_idx %arg6[%get3A_867], %get3A_869 masked %unique3A_872 : memref<100000xf32, #tpu.memory_space<vmem>>[vector<16xi32>], vector<16xf32>, vector<16xi1>
      tpu.vector_store_idx %arg6[%get3A_877], %get3A_879 masked %unique3A_882 : memref<100000xf32, #tpu.memory_space<vmem>>[vector<16xi32>], vector<16xf32>, vector<16xi1>
      tpu.vector_store_idx %arg6[%get3A_887], %get3A_889 masked %unique3A_892 : memref<100000xf32, #tpu.memory_space<vmem>>[vector<16xi32>], vector<16xf32>, vector<16xi1>
    }
    %scan3A_105 = arith.constant 16 : i32
    %add3A_106 = arith.constant 0 : i32
    %add3A_107 = arith.addi %add3A_106, %add3A : i32
    %add3A_108 = arith.constant 0 : i32
    %add3A_109 = arith.addi %add3A_108, %add3A : i32
    %dma_start3A_110 = arith.constant 12288 : i32
    %dma_start3A_111 = tpu.memref_slice %arg3[%add3A_107, %dma_start3A_110] : memref<128x16384xi32, #tpu.memory_space<hbm>> -> memref<1x4096xi32, #tpu.memory_space<hbm>>
    %dma_start3A_112 = tpu.memref_squeeze %dma_start3A_111 : memref<1x4096xi32, #tpu.memory_space<hbm>> -> memref<4096xi32, #tpu.memory_space<hbm>>
    %dma_start3A_113 = arith.constant 12288 : i32
    %dma_start3A_114 = tpu.memref_slice %arg3[%add3A_107, %dma_start3A_113] : memref<128x16384xi32, #tpu.memory_space<hbm>> -> memref<1x4096xi32, #tpu.memory_space<hbm>>
    %dma_start3A_115 = tpu.memref_squeeze %dma_start3A_114 : memref<1x4096xi32, #tpu.memory_space<hbm>> -> memref<4096xi32, #tpu.memory_space<hbm>>
    tpu.enqueue_dma source(%dma_start3A_115 : memref<4096xi32, #tpu.memory_space<hbm>>) target(%arg8 : memref<4096xi32, #tpu.memory_space<vmem>>) target_semaphore(%arg14 : memref<!tpu.dma_semaphore, #tpu.memory_space<semaphore_mem>>)
    %dma_start3A_116 = arith.constant 12288 : i32
    %dma_start3A_117 = tpu.memref_slice %arg4[%add3A_109, %dma_start3A_116] : memref<128x16384xf32, #tpu.memory_space<hbm>> -> memref<1x4096xf32, #tpu.memory_space<hbm>>
    %dma_start3A_118 = tpu.memref_squeeze %dma_start3A_117 : memref<1x4096xf32, #tpu.memory_space<hbm>> -> memref<4096xf32, #tpu.memory_space<hbm>>
    %dma_start3A_119 = arith.constant 12288 : i32
    %dma_start3A_120 = tpu.memref_slice %arg4[%add3A_109, %dma_start3A_119] : memref<128x16384xf32, #tpu.memory_space<hbm>> -> memref<1x4096xf32, #tpu.memory_space<hbm>>
    %dma_start3A_121 = tpu.memref_squeeze %dma_start3A_120 : memref<1x4096xf32, #tpu.memory_space<hbm>> -> memref<4096xf32, #tpu.memory_space<hbm>>
    tpu.enqueue_dma source(%dma_start3A_121 : memref<4096xf32, #tpu.memory_space<hbm>>) target(%arg10 : memref<4096xf32, #tpu.memory_space<vmem>>) target_semaphore(%arg14 : memref<!tpu.dma_semaphore, #tpu.memory_space<semaphore_mem>>)
    %add3A_122 = arith.constant 0 : i32
    %add3A_123 = arith.addi %add3A_122, %add3A : i32
    %add3A_124 = arith.constant 0 : i32
    %add3A_125 = arith.addi %add3A_124, %add3A : i32
    %dma_wait3A_126 = arith.constant 8192 : i32
    %dma_wait3A_127 = tpu.memref_slice %arg3[%add3A_123, %dma_wait3A_126] : memref<128x16384xi32, #tpu.memory_space<hbm>> -> memref<1x4096xi32, #tpu.memory_space<hbm>>
    %dma_wait3A_128 = tpu.memref_squeeze %dma_wait3A_127 : memref<1x4096xi32, #tpu.memory_space<hbm>> -> memref<4096xi32, #tpu.memory_space<hbm>>
    %dma_wait3A_129 = arith.constant 8192 : i32
    %dma_wait3A_130 = tpu.memref_slice %arg3[%add3A_123, %dma_wait3A_129] : memref<128x16384xi32, #tpu.memory_space<hbm>> -> memref<1x4096xi32, #tpu.memory_space<hbm>>
    %dma_wait3A_131 = tpu.memref_squeeze %dma_wait3A_130 : memref<1x4096xi32, #tpu.memory_space<hbm>> -> memref<4096xi32, #tpu.memory_space<hbm>>
    tpu.wait_dma2 semaphore(%arg13 : memref<!tpu.dma_semaphore, #tpu.memory_space<semaphore_mem>>) src(%dma_wait3A_131 : memref<4096xi32, #tpu.memory_space<hbm>>) dst(%arg7 : memref<4096xi32, #tpu.memory_space<vmem>>)
    %dma_wait3A_132 = arith.constant 8192 : i32
    %dma_wait3A_133 = tpu.memref_slice %arg4[%add3A_125, %dma_wait3A_132] : memref<128x16384xf32, #tpu.memory_space<hbm>> -> memref<1x4096xf32, #tpu.memory_space<hbm>>
    %dma_wait3A_134 = tpu.memref_squeeze %dma_wait3A_133 : memref<1x4096xf32, #tpu.memory_space<hbm>> -> memref<4096xf32, #tpu.memory_space<hbm>>
    %dma_wait3A_135 = arith.constant 8192 : i32
    %dma_wait3A_136 = tpu.memref_slice %arg4[%add3A_125, %dma_wait3A_135] : memref<128x16384xf32, #tpu.memory_space<hbm>> -> memref<1x4096xf32, #tpu.memory_space<hbm>>
    %dma_wait3A_137 = tpu.memref_squeeze %dma_wait3A_136 : memref<1x4096xf32, #tpu.memory_space<hbm>> -> memref<4096xf32, #tpu.memory_space<hbm>>
    tpu.wait_dma2 semaphore(%arg13 : memref<!tpu.dma_semaphore, #tpu.memory_space<semaphore_mem>>) src(%dma_wait3A_137 : memref<4096xf32, #tpu.memory_space<hbm>>) dst(%arg9 : memref<4096xf32, #tpu.memory_space<vmem>>)
    %scan3A_138 = arith.constant 0 : i32
    %scan3A_139 = arith.constant 0 : i32
    %scan3A_140 = arith.constant 16 : i32
    %scan3A_141 = arith.addi %scan3A_139, %scan3A_140 : i32
    %scan3A_142 = arith.constant 1 : i32
    scf.for %scan3A_734 = %scan3A_139 to %scan3A_141 step %scan3A_142  : i32 {
      %mul3A_735 = arith.constant 256 : i32
      %mul3A_736 = arith.muli %scan3A_734, %mul3A_735 : i32
      %add3A_737 = arith.constant 0 : i32
      %add3A_738 = arith.addi %mul3A_736, %add3A_737 : i32
      %get3A = arith.index_cast %add3A_738 : i32 to index
      %get3A_739 = tpu.vector_load %arg7[%get3A] {strides = array<i32>} : memref<4096xi32, #tpu.memory_space<vmem>>, vector<16xi32>,
      %get3A_740 = arith.index_cast %add3A_738 : i32 to index
      %get3A_741 = tpu.vector_load %arg9[%get3A_740] {strides = array<i32>} : memref<4096xf32, #tpu.memory_space<vmem>>, vector<16xf32>,
      %broadcast_in_dim3A = arith.constant true
      %broadcast_in_dim3A_742 = vector.broadcast %broadcast_in_dim3A : i1 to vector<16xi1>
      %unique3A, %unique3A_743 = tpu.scan_count mask(%broadcast_in_dim3A_742 : vector<16xi1>) value(%get3A_739 : vector<16xi32>) : vector<16xi1>, vector<16xi32>
      %add3A_744 = arith.constant 16 : i32
      %add3A_745 = arith.addi %mul3A_736, %add3A_744 : i32
      %get3A_746 = arith.index_cast %add3A_745 : i32 to index
      %get3A_747 = tpu.vector_load %arg7[%get3A_746] {strides = array<i32>} : memref<4096xi32, #tpu.memory_space<vmem>>, vector<16xi32>,
      %get3A_748 = arith.index_cast %add3A_745 : i32 to index
      %get3A_749 = tpu.vector_load %arg9[%get3A_748] {strides = array<i32>} : memref<4096xf32, #tpu.memory_space<vmem>>, vector<16xf32>,
      %broadcast_in_dim3A_750 = arith.constant true
      %broadcast_in_dim3A_751 = vector.broadcast %broadcast_in_dim3A_750 : i1 to vector<16xi1>
      %unique3A_752, %unique3A_753 = tpu.scan_count mask(%broadcast_in_dim3A_751 : vector<16xi1>) value(%get3A_747 : vector<16xi32>) : vector<16xi1>, vector<16xi32>
      %add3A_754 = arith.constant 32 : i32
      %add3A_755 = arith.addi %mul3A_736, %add3A_754 : i32
      %get3A_756 = arith.index_cast %add3A_755 : i32 to index
      %get3A_757 = tpu.vector_load %arg7[%get3A_756] {strides = array<i32>} : memref<4096xi32, #tpu.memory_space<vmem>>, vector<16xi32>,
      %get3A_758 = arith.index_cast %add3A_755 : i32 to index
      %get3A_759 = tpu.vector_load %arg9[%get3A_758] {strides = array<i32>} : memref<4096xf32, #tpu.memory_space<vmem>>, vector<16xf32>,
      %broadcast_in_dim3A_760 = arith.constant true
      %broadcast_in_dim3A_761 = vector.broadcast %broadcast_in_dim3A_760 : i1 to vector<16xi1>
      %unique3A_762, %unique3A_763 = tpu.scan_count mask(%broadcast_in_dim3A_761 : vector<16xi1>) value(%get3A_757 : vector<16xi32>) : vector<16xi1>, vector<16xi32>
      %add3A_764 = arith.constant 48 : i32
      %add3A_765 = arith.addi %mul3A_736, %add3A_764 : i32
      %get3A_766 = arith.index_cast %add3A_765 : i32 to index
      %get3A_767 = tpu.vector_load %arg7[%get3A_766] {strides = array<i32>} : memref<4096xi32, #tpu.memory_space<vmem>>, vector<16xi32>,
      %get3A_768 = arith.index_cast %add3A_765 : i32 to index
      %get3A_769 = tpu.vector_load %arg9[%get3A_768] {strides = array<i32>} : memref<4096xf32, #tpu.memory_space<vmem>>, vector<16xf32>,
      %broadcast_in_dim3A_770 = arith.constant true
      %broadcast_in_dim3A_771 = vector.broadcast %broadcast_in_dim3A_770 : i1 to vector<16xi1>
      %unique3A_772, %unique3A_773 = tpu.scan_count mask(%broadcast_in_dim3A_771 : vector<16xi1>) value(%get3A_767 : vector<16xi32>) : vector<16xi1>, vector<16xi32>
      %add3A_774 = arith.constant 64 : i32
      %add3A_775 = arith.addi %mul3A_736, %add3A_774 : i32
      %get3A_776 = arith.index_cast %add3A_775 : i32 to index
      %get3A_777 = tpu.vector_load %arg7[%get3A_776] {strides = array<i32>} : memref<4096xi32, #tpu.memory_space<vmem>>, vector<16xi32>,
      %get3A_778 = arith.index_cast %add3A_775 : i32 to index
      %get3A_779 = tpu.vector_load %arg9[%get3A_778] {strides = array<i32>} : memref<4096xf32, #tpu.memory_space<vmem>>, vector<16xf32>,
      %broadcast_in_dim3A_780 = arith.constant true
      %broadcast_in_dim3A_781 = vector.broadcast %broadcast_in_dim3A_780 : i1 to vector<16xi1>
      %unique3A_782, %unique3A_783 = tpu.scan_count mask(%broadcast_in_dim3A_781 : vector<16xi1>) value(%get3A_777 : vector<16xi32>) : vector<16xi1>, vector<16xi32>
      %add3A_784 = arith.constant 80 : i32
      %add3A_785 = arith.addi %mul3A_736, %add3A_784 : i32
      %get3A_786 = arith.index_cast %add3A_785 : i32 to index
      %get3A_787 = tpu.vector_load %arg7[%get3A_786] {strides = array<i32>} : memref<4096xi32, #tpu.memory_space<vmem>>, vector<16xi32>,
      %get3A_788 = arith.index_cast %add3A_785 : i32 to index
      %get3A_789 = tpu.vector_load %arg9[%get3A_788] {strides = array<i32>} : memref<4096xf32, #tpu.memory_space<vmem>>, vector<16xf32>,
      %broadcast_in_dim3A_790 = arith.constant true
      %broadcast_in_dim3A_791 = vector.broadcast %broadcast_in_dim3A_790 : i1 to vector<16xi1>
      %unique3A_792, %unique3A_793 = tpu.scan_count mask(%broadcast_in_dim3A_791 : vector<16xi1>) value(%get3A_787 : vector<16xi32>) : vector<16xi1>, vector<16xi32>
      %add3A_794 = arith.constant 96 : i32
      %add3A_795 = arith.addi %mul3A_736, %add3A_794 : i32
      %get3A_796 = arith.index_cast %add3A_795 : i32 to index
      %get3A_797 = tpu.vector_load %arg7[%get3A_796] {strides = array<i32>} : memref<4096xi32, #tpu.memory_space<vmem>>, vector<16xi32>,
      %get3A_798 = arith.index_cast %add3A_795 : i32 to index
      %get3A_799 = tpu.vector_load %arg9[%get3A_798] {strides = array<i32>} : memref<4096xf32, #tpu.memory_space<vmem>>, vector<16xf32>,
      %broadcast_in_dim3A_800 = arith.constant true
      %broadcast_in_dim3A_801 = vector.broadcast %broadcast_in_dim3A_800 : i1 to vector<16xi1>
      %unique3A_802, %unique3A_803 = tpu.scan_count mask(%broadcast_in_dim3A_801 : vector<16xi1>) value(%get3A_797 : vector<16xi32>) : vector<16xi1>, vector<16xi32>
      %add3A_804 = arith.constant 112 : i32
      %add3A_805 = arith.addi %mul3A_736, %add3A_804 : i32
      %get3A_806 = arith.index_cast %add3A_805 : i32 to index
      %get3A_807 = tpu.vector_load %arg7[%get3A_806] {strides = array<i32>} : memref<4096xi32, #tpu.memory_space<vmem>>, vector<16xi32>,
      %get3A_808 = arith.index_cast %add3A_805 : i32 to index
      %get3A_809 = tpu.vector_load %arg9[%get3A_808] {strides = array<i32>} : memref<4096xf32, #tpu.memory_space<vmem>>, vector<16xf32>,
      %broadcast_in_dim3A_810 = arith.constant true
      %broadcast_in_dim3A_811 = vector.broadcast %broadcast_in_dim3A_810 : i1 to vector<16xi1>
      %unique3A_812, %unique3A_813 = tpu.scan_count mask(%broadcast_in_dim3A_811 : vector<16xi1>) value(%get3A_807 : vector<16xi32>) : vector<16xi1>, vector<16xi32>
      %add3A_814 = arith.constant 128 : i32
      %add3A_815 = arith.addi %mul3A_736, %add3A_814 : i32
      %get3A_816 = arith.index_cast %add3A_815 : i32 to index
      %get3A_817 = tpu.vector_load %arg7[%get3A_816] {strides = array<i32>} : memref<4096xi32, #tpu.memory_space<vmem>>, vector<16xi32>,
      %get3A_818 = arith.index_cast %add3A_815 : i32 to index
      %get3A_819 = tpu.vector_load %arg9[%get3A_818] {strides = array<i32>} : memref<4096xf32, #tpu.memory_space<vmem>>, vector<16xf32>,
      %broadcast_in_dim3A_820 = arith.constant true
      %broadcast_in_dim3A_821 = vector.broadcast %broadcast_in_dim3A_820 : i1 to vector<16xi1>
      %unique3A_822, %unique3A_823 = tpu.scan_count mask(%broadcast_in_dim3A_821 : vector<16xi1>) value(%get3A_817 : vector<16xi32>) : vector<16xi1>, vector<16xi32>
      %add3A_824 = arith.constant 144 : i32
      %add3A_825 = arith.addi %mul3A_736, %add3A_824 : i32
      %get3A_826 = arith.index_cast %add3A_825 : i32 to index
      %get3A_827 = tpu.vector_load %arg7[%get3A_826] {strides = array<i32>} : memref<4096xi32, #tpu.memory_space<vmem>>, vector<16xi32>,
      %get3A_828 = arith.index_cast %add3A_825 : i32 to index
      %get3A_829 = tpu.vector_load %arg9[%get3A_828] {strides = array<i32>} : memref<4096xf32, #tpu.memory_space<vmem>>, vector<16xf32>,
      %broadcast_in_dim3A_830 = arith.constant true
      %broadcast_in_dim3A_831 = vector.broadcast %broadcast_in_dim3A_830 : i1 to vector<16xi1>
      %unique3A_832, %unique3A_833 = tpu.scan_count mask(%broadcast_in_dim3A_831 : vector<16xi1>) value(%get3A_827 : vector<16xi32>) : vector<16xi1>, vector<16xi32>
      %add3A_834 = arith.constant 160 : i32
      %add3A_835 = arith.addi %mul3A_736, %add3A_834 : i32
      %get3A_836 = arith.index_cast %add3A_835 : i32 to index
      %get3A_837 = tpu.vector_load %arg7[%get3A_836] {strides = array<i32>} : memref<4096xi32, #tpu.memory_space<vmem>>, vector<16xi32>,
      %get3A_838 = arith.index_cast %add3A_835 : i32 to index
      %get3A_839 = tpu.vector_load %arg9[%get3A_838] {strides = array<i32>} : memref<4096xf32, #tpu.memory_space<vmem>>, vector<16xf32>,
      %broadcast_in_dim3A_840 = arith.constant true
      %broadcast_in_dim3A_841 = vector.broadcast %broadcast_in_dim3A_840 : i1 to vector<16xi1>
      %unique3A_842, %unique3A_843 = tpu.scan_count mask(%broadcast_in_dim3A_841 : vector<16xi1>) value(%get3A_837 : vector<16xi32>) : vector<16xi1>, vector<16xi32>
      %add3A_844 = arith.constant 176 : i32
      %add3A_845 = arith.addi %mul3A_736, %add3A_844 : i32
      %get3A_846 = arith.index_cast %add3A_845 : i32 to index
      %get3A_847 = tpu.vector_load %arg7[%get3A_846] {strides = array<i32>} : memref<4096xi32, #tpu.memory_space<vmem>>, vector<16xi32>,
      %get3A_848 = arith.index_cast %add3A_845 : i32 to index
      %get3A_849 = tpu.vector_load %arg9[%get3A_848] {strides = array<i32>} : memref<4096xf32, #tpu.memory_space<vmem>>, vector<16xf32>,
      %broadcast_in_dim3A_850 = arith.constant true
      %broadcast_in_dim3A_851 = vector.broadcast %broadcast_in_dim3A_850 : i1 to vector<16xi1>
      %unique3A_852, %unique3A_853 = tpu.scan_count mask(%broadcast_in_dim3A_851 : vector<16xi1>) value(%get3A_847 : vector<16xi32>) : vector<16xi1>, vector<16xi32>
      %add3A_854 = arith.constant 192 : i32
      %add3A_855 = arith.addi %mul3A_736, %add3A_854 : i32
      %get3A_856 = arith.index_cast %add3A_855 : i32 to index
      %get3A_857 = tpu.vector_load %arg7[%get3A_856] {strides = array<i32>} : memref<4096xi32, #tpu.memory_space<vmem>>, vector<16xi32>,
      %get3A_858 = arith.index_cast %add3A_855 : i32 to index
      %get3A_859 = tpu.vector_load %arg9[%get3A_858] {strides = array<i32>} : memref<4096xf32, #tpu.memory_space<vmem>>, vector<16xf32>,
      %broadcast_in_dim3A_860 = arith.constant true
      %broadcast_in_dim3A_861 = vector.broadcast %broadcast_in_dim3A_860 : i1 to vector<16xi1>
      %unique3A_862, %unique3A_863 = tpu.scan_count mask(%broadcast_in_dim3A_861 : vector<16xi1>) value(%get3A_857 : vector<16xi32>) : vector<16xi1>, vector<16xi32>
      %add3A_864 = arith.constant 208 : i32
      %add3A_865 = arith.addi %mul3A_736, %add3A_864 : i32
      %get3A_866 = arith.index_cast %add3A_865 : i32 to index
      %get3A_867 = tpu.vector_load %arg7[%get3A_866] {strides = array<i32>} : memref<4096xi32, #tpu.memory_space<vmem>>, vector<16xi32>,
      %get3A_868 = arith.index_cast %add3A_865 : i32 to index
      %get3A_869 = tpu.vector_load %arg9[%get3A_868] {strides = array<i32>} : memref<4096xf32, #tpu.memory_space<vmem>>, vector<16xf32>,
      %broadcast_in_dim3A_870 = arith.constant true
      %broadcast_in_dim3A_871 = vector.broadcast %broadcast_in_dim3A_870 : i1 to vector<16xi1>
      %unique3A_872, %unique3A_873 = tpu.scan_count mask(%broadcast_in_dim3A_871 : vector<16xi1>) value(%get3A_867 : vector<16xi32>) : vector<16xi1>, vector<16xi32>
      %add3A_874 = arith.constant 224 : i32
      %add3A_875 = arith.addi %mul3A_736, %add3A_874 : i32
      %get3A_876 = arith.index_cast %add3A_875 : i32 to index
      %get3A_877 = tpu.vector_load %arg7[%get3A_876] {strides = array<i32>} : memref<4096xi32, #tpu.memory_space<vmem>>, vector<16xi32>,
      %get3A_878 = arith.index_cast %add3A_875 : i32 to index
      %get3A_879 = tpu.vector_load %arg9[%get3A_878] {strides = array<i32>} : memref<4096xf32, #tpu.memory_space<vmem>>, vector<16xf32>,
      %broadcast_in_dim3A_880 = arith.constant true
      %broadcast_in_dim3A_881 = vector.broadcast %broadcast_in_dim3A_880 : i1 to vector<16xi1>
      %unique3A_882, %unique3A_883 = tpu.scan_count mask(%broadcast_in_dim3A_881 : vector<16xi1>) value(%get3A_877 : vector<16xi32>) : vector<16xi1>, vector<16xi32>
      %add3A_884 = arith.constant 240 : i32
      %add3A_885 = arith.addi %mul3A_736, %add3A_884 : i32
      %get3A_886 = arith.index_cast %add3A_885 : i32 to index
      %get3A_887 = tpu.vector_load %arg7[%get3A_886] {strides = array<i32>} : memref<4096xi32, #tpu.memory_space<vmem>>, vector<16xi32>,
      %get3A_888 = arith.index_cast %add3A_885 : i32 to index
      %get3A_889 = tpu.vector_load %arg9[%get3A_888] {strides = array<i32>} : memref<4096xf32, #tpu.memory_space<vmem>>, vector<16xf32>,
      %broadcast_in_dim3A_890 = arith.constant true
      %broadcast_in_dim3A_891 = vector.broadcast %broadcast_in_dim3A_890 : i1 to vector<16xi1>
      %unique3A_892, %unique3A_893 = tpu.scan_count mask(%broadcast_in_dim3A_891 : vector<16xi1>) value(%get3A_887 : vector<16xi32>) : vector<16xi1>, vector<16xi32>
      tpu.vector_store_idx %arg6[%get3A_739], %get3A_741 masked %unique3A : memref<100000xf32, #tpu.memory_space<vmem>>[vector<16xi32>], vector<16xf32>, vector<16xi1>
      tpu.vector_store_idx %arg6[%get3A_747], %get3A_749 masked %unique3A_752 : memref<100000xf32, #tpu.memory_space<vmem>>[vector<16xi32>], vector<16xf32>, vector<16xi1>
      tpu.vector_store_idx %arg6[%get3A_757], %get3A_759 masked %unique3A_762 : memref<100000xf32, #tpu.memory_space<vmem>>[vector<16xi32>], vector<16xf32>, vector<16xi1>
      tpu.vector_store_idx %arg6[%get3A_767], %get3A_769 masked %unique3A_772 : memref<100000xf32, #tpu.memory_space<vmem>>[vector<16xi32>], vector<16xf32>, vector<16xi1>
      tpu.vector_store_idx %arg6[%get3A_777], %get3A_779 masked %unique3A_782 : memref<100000xf32, #tpu.memory_space<vmem>>[vector<16xi32>], vector<16xf32>, vector<16xi1>
      tpu.vector_store_idx %arg6[%get3A_787], %get3A_789 masked %unique3A_792 : memref<100000xf32, #tpu.memory_space<vmem>>[vector<16xi32>], vector<16xf32>, vector<16xi1>
      tpu.vector_store_idx %arg6[%get3A_797], %get3A_799 masked %unique3A_802 : memref<100000xf32, #tpu.memory_space<vmem>>[vector<16xi32>], vector<16xf32>, vector<16xi1>
      tpu.vector_store_idx %arg6[%get3A_807], %get3A_809 masked %unique3A_812 : memref<100000xf32, #tpu.memory_space<vmem>>[vector<16xi32>], vector<16xf32>, vector<16xi1>
      tpu.vector_store_idx %arg6[%get3A_817], %get3A_819 masked %unique3A_822 : memref<100000xf32, #tpu.memory_space<vmem>>[vector<16xi32>], vector<16xf32>, vector<16xi1>
      tpu.vector_store_idx %arg6[%get3A_827], %get3A_829 masked %unique3A_832 : memref<100000xf32, #tpu.memory_space<vmem>>[vector<16xi32>], vector<16xf32>, vector<16xi1>
      tpu.vector_store_idx %arg6[%get3A_837], %get3A_839 masked %unique3A_842 : memref<100000xf32, #tpu.memory_space<vmem>>[vector<16xi32>], vector<16xf32>, vector<16xi1>
      tpu.vector_store_idx %arg6[%get3A_847], %get3A_849 masked %unique3A_852 : memref<100000xf32, #tpu.memory_space<vmem>>[vector<16xi32>], vector<16xf32>, vector<16xi1>
      tpu.vector_store_idx %arg6[%get3A_857], %get3A_859 masked %unique3A_862 : memref<100000xf32, #tpu.memory_space<vmem>>[vector<16xi32>], vector<16xf32>, vector<16xi1>
      tpu.vector_store_idx %arg6[%get3A_867], %get3A_869 masked %unique3A_872 : memref<100000xf32, #tpu.memory_space<vmem>>[vector<16xi32>], vector<16xf32>, vector<16xi1>
      tpu.vector_store_idx %arg6[%get3A_877], %get3A_879 masked %unique3A_882 : memref<100000xf32, #tpu.memory_space<vmem>>[vector<16xi32>], vector<16xf32>, vector<16xi1>
      tpu.vector_store_idx %arg6[%get3A_887], %get3A_889 masked %unique3A_892 : memref<100000xf32, #tpu.memory_space<vmem>>[vector<16xi32>], vector<16xf32>, vector<16xi1>
    }
    %scan3A_143 = arith.constant 16 : i32
    %add3A_144 = arith.constant 32 : i32
    %add3A_145 = arith.addi %add3A_144, %add3A : i32
    %add3A_146 = arith.constant 32 : i32
    %add3A_147 = arith.addi %add3A_146, %add3A : i32
    %dma_start3A_148 = arith.constant 0 : i32
    %dma_start3A_149 = tpu.memref_slice %arg3[%add3A_145, %dma_start3A_148] : memref<128x16384xi32, #tpu.memory_space<hbm>> -> memref<1x4096xi32, #tpu.memory_space<hbm>>
    %dma_start3A_150 = tpu.memref_squeeze %dma_start3A_149 : memref<1x4096xi32, #tpu.memory_space<hbm>> -> memref<4096xi32, #tpu.memory_space<hbm>>
    %dma_start3A_151 = arith.constant 0 : i32
    %dma_start3A_152 = tpu.memref_slice %arg3[%add3A_145, %dma_start3A_151] : memref<128x16384xi32, #tpu.memory_space<hbm>> -> memref<1x4096xi32, #tpu.memory_space<hbm>>
    %dma_start3A_153 = tpu.memref_squeeze %dma_start3A_152 : memref<1x4096xi32, #tpu.memory_space<hbm>> -> memref<4096xi32, #tpu.memory_space<hbm>>
    tpu.enqueue_dma source(%dma_start3A_153 : memref<4096xi32, #tpu.memory_space<hbm>>) target(%arg7 : memref<4096xi32, #tpu.memory_space<vmem>>) target_semaphore(%arg13 : memref<!tpu.dma_semaphore, #tpu.memory_space<semaphore_mem>>)
    %dma_start3A_154 = arith.constant 0 : i32
    %dma_start3A_155 = tpu.memref_slice %arg4[%add3A_147, %dma_start3A_154] : memref<128x16384xf32, #tpu.memory_space<hbm>> -> memref<1x4096xf32, #tpu.memory_space<hbm>>
    %dma_start3A_156 = tpu.memref_squeeze %dma_start3A_155 : memref<1x4096xf32, #tpu.memory_space<hbm>> -> memref<4096xf32, #tpu.memory_space<hbm>>
    %dma_start3A_157 = arith.constant 0 : i32
    %dma_start3A_158 = tpu.memref_slice %arg4[%add3A_147, %dma_start3A_157] : memref<128x16384xf32, #tpu.memory_space<hbm>> -> memref<1x4096xf32, #tpu.memory_space<hbm>>
    %dma_start3A_159 = tpu.memref_squeeze %dma_start3A_158 : memref<1x4096xf32, #tpu.memory_space<hbm>> -> memref<4096xf32, #tpu.memory_space<hbm>>
    tpu.enqueue_dma source(%dma_start3A_159 : memref<4096xf32, #tpu.memory_space<hbm>>) target(%arg9 : memref<4096xf32, #tpu.memory_space<vmem>>) target_semaphore(%arg13 : memref<!tpu.dma_semaphore, #tpu.memory_space<semaphore_mem>>)
    %add3A_160 = arith.constant 0 : i32
    %add3A_161 = arith.addi %add3A_160, %add3A : i32
    %add3A_162 = arith.constant 0 : i32
    %add3A_163 = arith.addi %add3A_162, %add3A : i32
    %dma_wait3A_164 = arith.constant 12288 : i32
    %dma_wait3A_165 = tpu.memref_slice %arg3[%add3A_161, %dma_wait3A_164] : memref<128x16384xi32, #tpu.memory_space<hbm>> -> memref<1x4096xi32, #tpu.memory_space<hbm>>
    %dma_wait3A_166 = tpu.memref_squeeze %dma_wait3A_165 : memref<1x4096xi32, #tpu.memory_space<hbm>> -> memref<4096xi32, #tpu.memory_space<hbm>>
    %dma_wait3A_167 = arith.constant 12288 : i32
    %dma_wait3A_168 = tpu.memref_slice %arg3[%add3A_161, %dma_wait3A_167] : memref<128x16384xi32, #tpu.memory_space<hbm>> -> memref<1x4096xi32, #tpu.memory_space<hbm>>
    %dma_wait3A_169 = tpu.memref_squeeze %dma_wait3A_168 : memref<1x4096xi32, #tpu.memory_space<hbm>> -> memref<4096xi32, #tpu.memory_space<hbm>>
    tpu.wait_dma2 semaphore(%arg14 : memref<!tpu.dma_semaphore, #tpu.memory_space<semaphore_mem>>) src(%dma_wait3A_169 : memref<4096xi32, #tpu.memory_space<hbm>>) dst(%arg8 : memref<4096xi32, #tpu.memory_space<vmem>>)
    %dma_wait3A_170 = arith.constant 12288 : i32
    %dma_wait3A_171 = tpu.memref_slice %arg4[%add3A_163, %dma_wait3A_170] : memref<128x16384xf32, #tpu.memory_space<hbm>> -> memref<1x4096xf32, #tpu.memory_space<hbm>>
    %dma_wait3A_172 = tpu.memref_squeeze %dma_wait3A_171 : memref<1x4096xf32, #tpu.memory_space<hbm>> -> memref<4096xf32, #tpu.memory_space<hbm>>
    %dma_wait3A_173 = arith.constant 12288 : i32
    %dma_wait3A_174 = tpu.memref_slice %arg4[%add3A_163, %dma_wait3A_173] : memref<128x16384xf32, #tpu.memory_space<hbm>> -> memref<1x4096xf32, #tpu.memory_space<hbm>>
    %dma_wait3A_175 = tpu.memref_squeeze %dma_wait3A_174 : memref<1x4096xf32, #tpu.memory_space<hbm>> -> memref<4096xf32, #tpu.memory_space<hbm>>
    tpu.wait_dma2 semaphore(%arg14 : memref<!tpu.dma_semaphore, #tpu.memory_space<semaphore_mem>>) src(%dma_wait3A_175 : memref<4096xf32, #tpu.memory_space<hbm>>) dst(%arg10 : memref<4096xf32, #tpu.memory_space<vmem>>)
    %scan3A_176 = arith.constant 0 : i32
    %scan3A_177 = arith.constant 0 : i32
    %scan3A_178 = arith.constant 16 : i32
    %scan3A_179 = arith.addi %scan3A_177, %scan3A_178 : i32
    %scan3A_180 = arith.constant 1 : i32
    scf.for %scan3A_734 = %scan3A_177 to %scan3A_179 step %scan3A_180  : i32 {
      %mul3A_735 = arith.constant 256 : i32
      %mul3A_736 = arith.muli %scan3A_734, %mul3A_735 : i32
      %add3A_737 = arith.constant 0 : i32
      %add3A_738 = arith.addi %mul3A_736, %add3A_737 : i32
      %get3A = arith.index_cast %add3A_738 : i32 to index
      %get3A_739 = tpu.vector_load %arg8[%get3A] {strides = array<i32>} : memref<4096xi32, #tpu.memory_space<vmem>>, vector<16xi32>,
      %get3A_740 = arith.index_cast %add3A_738 : i32 to index
      %get3A_741 = tpu.vector_load %arg10[%get3A_740] {strides = array<i32>} : memref<4096xf32, #tpu.memory_space<vmem>>, vector<16xf32>,
      %broadcast_in_dim3A = arith.constant true
      %broadcast_in_dim3A_742 = vector.broadcast %broadcast_in_dim3A : i1 to vector<16xi1>
      %unique3A, %unique3A_743 = tpu.scan_count mask(%broadcast_in_dim3A_742 : vector<16xi1>) value(%get3A_739 : vector<16xi32>) : vector<16xi1>, vector<16xi32>
      %add3A_744 = arith.constant 16 : i32
      %add3A_745 = arith.addi %mul3A_736, %add3A_744 : i32
      %get3A_746 = arith.index_cast %add3A_745 : i32 to index
      %get3A_747 = tpu.vector_load %arg8[%get3A_746] {strides = array<i32>} : memref<4096xi32, #tpu.memory_space<vmem>>, vector<16xi32>,
      %get3A_748 = arith.index_cast %add3A_745 : i32 to index
      %get3A_749 = tpu.vector_load %arg10[%get3A_748] {strides = array<i32>} : memref<4096xf32, #tpu.memory_space<vmem>>, vector<16xf32>,
      %broadcast_in_dim3A_750 = arith.constant true
      %broadcast_in_dim3A_751 = vector.broadcast %broadcast_in_dim3A_750 : i1 to vector<16xi1>
      %unique3A_752, %unique3A_753 = tpu.scan_count mask(%broadcast_in_dim3A_751 : vector<16xi1>) value(%get3A_747 : vector<16xi32>) : vector<16xi1>, vector<16xi32>
      %add3A_754 = arith.constant 32 : i32
      %add3A_755 = arith.addi %mul3A_736, %add3A_754 : i32
      %get3A_756 = arith.index_cast %add3A_755 : i32 to index
      %get3A_757 = tpu.vector_load %arg8[%get3A_756] {strides = array<i32>} : memref<4096xi32, #tpu.memory_space<vmem>>, vector<16xi32>,
      %get3A_758 = arith.index_cast %add3A_755 : i32 to index
      %get3A_759 = tpu.vector_load %arg10[%get3A_758] {strides = array<i32>} : memref<4096xf32, #tpu.memory_space<vmem>>, vector<16xf32>,
      %broadcast_in_dim3A_760 = arith.constant true
      %broadcast_in_dim3A_761 = vector.broadcast %broadcast_in_dim3A_760 : i1 to vector<16xi1>
      %unique3A_762, %unique3A_763 = tpu.scan_count mask(%broadcast_in_dim3A_761 : vector<16xi1>) value(%get3A_757 : vector<16xi32>) : vector<16xi1>, vector<16xi32>
      %add3A_764 = arith.constant 48 : i32
      %add3A_765 = arith.addi %mul3A_736, %add3A_764 : i32
      %get3A_766 = arith.index_cast %add3A_765 : i32 to index
      %get3A_767 = tpu.vector_load %arg8[%get3A_766] {strides = array<i32>} : memref<4096xi32, #tpu.memory_space<vmem>>, vector<16xi32>,
      %get3A_768 = arith.index_cast %add3A_765 : i32 to index
      %get3A_769 = tpu.vector_load %arg10[%get3A_768] {strides = array<i32>} : memref<4096xf32, #tpu.memory_space<vmem>>, vector<16xf32>,
      %broadcast_in_dim3A_770 = arith.constant true
      %broadcast_in_dim3A_771 = vector.broadcast %broadcast_in_dim3A_770 : i1 to vector<16xi1>
      %unique3A_772, %unique3A_773 = tpu.scan_count mask(%broadcast_in_dim3A_771 : vector<16xi1>) value(%get3A_767 : vector<16xi32>) : vector<16xi1>, vector<16xi32>
      %add3A_774 = arith.constant 64 : i32
      %add3A_775 = arith.addi %mul3A_736, %add3A_774 : i32
      %get3A_776 = arith.index_cast %add3A_775 : i32 to index
      %get3A_777 = tpu.vector_load %arg8[%get3A_776] {strides = array<i32>} : memref<4096xi32, #tpu.memory_space<vmem>>, vector<16xi32>,
      %get3A_778 = arith.index_cast %add3A_775 : i32 to index
      %get3A_779 = tpu.vector_load %arg10[%get3A_778] {strides = array<i32>} : memref<4096xf32, #tpu.memory_space<vmem>>, vector<16xf32>,
      %broadcast_in_dim3A_780 = arith.constant true
      %broadcast_in_dim3A_781 = vector.broadcast %broadcast_in_dim3A_780 : i1 to vector<16xi1>
      %unique3A_782, %unique3A_783 = tpu.scan_count mask(%broadcast_in_dim3A_781 : vector<16xi1>) value(%get3A_777 : vector<16xi32>) : vector<16xi1>, vector<16xi32>
      %add3A_784 = arith.constant 80 : i32
      %add3A_785 = arith.addi %mul3A_736, %add3A_784 : i32
      %get3A_786 = arith.index_cast %add3A_785 : i32 to index
      %get3A_787 = tpu.vector_load %arg8[%get3A_786] {strides = array<i32>} : memref<4096xi32, #tpu.memory_space<vmem>>, vector<16xi32>,
      %get3A_788 = arith.index_cast %add3A_785 : i32 to index
      %get3A_789 = tpu.vector_load %arg10[%get3A_788] {strides = array<i32>} : memref<4096xf32, #tpu.memory_space<vmem>>, vector<16xf32>,
      %broadcast_in_dim3A_790 = arith.constant true
      %broadcast_in_dim3A_791 = vector.broadcast %broadcast_in_dim3A_790 : i1 to vector<16xi1>
      %unique3A_792, %unique3A_793 = tpu.scan_count mask(%broadcast_in_dim3A_791 : vector<16xi1>) value(%get3A_787 : vector<16xi32>) : vector<16xi1>, vector<16xi32>
      %add3A_794 = arith.constant 96 : i32
      %add3A_795 = arith.addi %mul3A_736, %add3A_794 : i32
      %get3A_796 = arith.index_cast %add3A_795 : i32 to index
      %get3A_797 = tpu.vector_load %arg8[%get3A_796] {strides = array<i32>} : memref<4096xi32, #tpu.memory_space<vmem>>, vector<16xi32>,
      %get3A_798 = arith.index_cast %add3A_795 : i32 to index
      %get3A_799 = tpu.vector_load %arg10[%get3A_798] {strides = array<i32>} : memref<4096xf32, #tpu.memory_space<vmem>>, vector<16xf32>,
      %broadcast_in_dim3A_800 = arith.constant true
      %broadcast_in_dim3A_801 = vector.broadcast %broadcast_in_dim3A_800 : i1 to vector<16xi1>
      %unique3A_802, %unique3A_803 = tpu.scan_count mask(%broadcast_in_dim3A_801 : vector<16xi1>) value(%get3A_797 : vector<16xi32>) : vector<16xi1>, vector<16xi32>
      %add3A_804 = arith.constant 112 : i32
      %add3A_805 = arith.addi %mul3A_736, %add3A_804 : i32
      %get3A_806 = arith.index_cast %add3A_805 : i32 to index
      %get3A_807 = tpu.vector_load %arg8[%get3A_806] {strides = array<i32>} : memref<4096xi32, #tpu.memory_space<vmem>>, vector<16xi32>,
      %get3A_808 = arith.index_cast %add3A_805 : i32 to index
      %get3A_809 = tpu.vector_load %arg10[%get3A_808] {strides = array<i32>} : memref<4096xf32, #tpu.memory_space<vmem>>, vector<16xf32>,
      %broadcast_in_dim3A_810 = arith.constant true
      %broadcast_in_dim3A_811 = vector.broadcast %broadcast_in_dim3A_810 : i1 to vector<16xi1>
      %unique3A_812, %unique3A_813 = tpu.scan_count mask(%broadcast_in_dim3A_811 : vector<16xi1>) value(%get3A_807 : vector<16xi32>) : vector<16xi1>, vector<16xi32>
      %add3A_814 = arith.constant 128 : i32
      %add3A_815 = arith.addi %mul3A_736, %add3A_814 : i32
      %get3A_816 = arith.index_cast %add3A_815 : i32 to index
      %get3A_817 = tpu.vector_load %arg8[%get3A_816] {strides = array<i32>} : memref<4096xi32, #tpu.memory_space<vmem>>, vector<16xi32>,
      %get3A_818 = arith.index_cast %add3A_815 : i32 to index
      %get3A_819 = tpu.vector_load %arg10[%get3A_818] {strides = array<i32>} : memref<4096xf32, #tpu.memory_space<vmem>>, vector<16xf32>,
      %broadcast_in_dim3A_820 = arith.constant true
      %broadcast_in_dim3A_821 = vector.broadcast %broadcast_in_dim3A_820 : i1 to vector<16xi1>
      %unique3A_822, %unique3A_823 = tpu.scan_count mask(%broadcast_in_dim3A_821 : vector<16xi1>) value(%get3A_817 : vector<16xi32>) : vector<16xi1>, vector<16xi32>
      %add3A_824 = arith.constant 144 : i32
      %add3A_825 = arith.addi %mul3A_736, %add3A_824 : i32
      %get3A_826 = arith.index_cast %add3A_825 : i32 to index
      %get3A_827 = tpu.vector_load %arg8[%get3A_826] {strides = array<i32>} : memref<4096xi32, #tpu.memory_space<vmem>>, vector<16xi32>,
      %get3A_828 = arith.index_cast %add3A_825 : i32 to index
      %get3A_829 = tpu.vector_load %arg10[%get3A_828] {strides = array<i32>} : memref<4096xf32, #tpu.memory_space<vmem>>, vector<16xf32>,
      %broadcast_in_dim3A_830 = arith.constant true
      %broadcast_in_dim3A_831 = vector.broadcast %broadcast_in_dim3A_830 : i1 to vector<16xi1>
      %unique3A_832, %unique3A_833 = tpu.scan_count mask(%broadcast_in_dim3A_831 : vector<16xi1>) value(%get3A_827 : vector<16xi32>) : vector<16xi1>, vector<16xi32>
      %add3A_834 = arith.constant 160 : i32
      %add3A_835 = arith.addi %mul3A_736, %add3A_834 : i32
      %get3A_836 = arith.index_cast %add3A_835 : i32 to index
      %get3A_837 = tpu.vector_load %arg8[%get3A_836] {strides = array<i32>} : memref<4096xi32, #tpu.memory_space<vmem>>, vector<16xi32>,
      %get3A_838 = arith.index_cast %add3A_835 : i32 to index
      %get3A_839 = tpu.vector_load %arg10[%get3A_838] {strides = array<i32>} : memref<4096xf32, #tpu.memory_space<vmem>>, vector<16xf32>,
      %broadcast_in_dim3A_840 = arith.constant true
      %broadcast_in_dim3A_841 = vector.broadcast %broadcast_in_dim3A_840 : i1 to vector<16xi1>
      %unique3A_842, %unique3A_843 = tpu.scan_count mask(%broadcast_in_dim3A_841 : vector<16xi1>) value(%get3A_837 : vector<16xi32>) : vector<16xi1>, vector<16xi32>
      %add3A_844 = arith.constant 176 : i32
      %add3A_845 = arith.addi %mul3A_736, %add3A_844 : i32
      %get3A_846 = arith.index_cast %add3A_845 : i32 to index
      %get3A_847 = tpu.vector_load %arg8[%get3A_846] {strides = array<i32>} : memref<4096xi32, #tpu.memory_space<vmem>>, vector<16xi32>,
      %get3A_848 = arith.index_cast %add3A_845 : i32 to index
      %get3A_849 = tpu.vector_load %arg10[%get3A_848] {strides = array<i32>} : memref<4096xf32, #tpu.memory_space<vmem>>, vector<16xf32>,
      %broadcast_in_dim3A_850 = arith.constant true
      %broadcast_in_dim3A_851 = vector.broadcast %broadcast_in_dim3A_850 : i1 to vector<16xi1>
      %unique3A_852, %unique3A_853 = tpu.scan_count mask(%broadcast_in_dim3A_851 : vector<16xi1>) value(%get3A_847 : vector<16xi32>) : vector<16xi1>, vector<16xi32>
      %add3A_854 = arith.constant 192 : i32
      %add3A_855 = arith.addi %mul3A_736, %add3A_854 : i32
      %get3A_856 = arith.index_cast %add3A_855 : i32 to index
      %get3A_857 = tpu.vector_load %arg8[%get3A_856] {strides = array<i32>} : memref<4096xi32, #tpu.memory_space<vmem>>, vector<16xi32>,
      %get3A_858 = arith.index_cast %add3A_855 : i32 to index
      %get3A_859 = tpu.vector_load %arg10[%get3A_858] {strides = array<i32>} : memref<4096xf32, #tpu.memory_space<vmem>>, vector<16xf32>,
      %broadcast_in_dim3A_860 = arith.constant true
      %broadcast_in_dim3A_861 = vector.broadcast %broadcast_in_dim3A_860 : i1 to vector<16xi1>
      %unique3A_862, %unique3A_863 = tpu.scan_count mask(%broadcast_in_dim3A_861 : vector<16xi1>) value(%get3A_857 : vector<16xi32>) : vector<16xi1>, vector<16xi32>
      %add3A_864 = arith.constant 208 : i32
      %add3A_865 = arith.addi %mul3A_736, %add3A_864 : i32
      %get3A_866 = arith.index_cast %add3A_865 : i32 to index
      %get3A_867 = tpu.vector_load %arg8[%get3A_866] {strides = array<i32>} : memref<4096xi32, #tpu.memory_space<vmem>>, vector<16xi32>,
      %get3A_868 = arith.index_cast %add3A_865 : i32 to index
      %get3A_869 = tpu.vector_load %arg10[%get3A_868] {strides = array<i32>} : memref<4096xf32, #tpu.memory_space<vmem>>, vector<16xf32>,
      %broadcast_in_dim3A_870 = arith.constant true
      %broadcast_in_dim3A_871 = vector.broadcast %broadcast_in_dim3A_870 : i1 to vector<16xi1>
      %unique3A_872, %unique3A_873 = tpu.scan_count mask(%broadcast_in_dim3A_871 : vector<16xi1>) value(%get3A_867 : vector<16xi32>) : vector<16xi1>, vector<16xi32>
      %add3A_874 = arith.constant 224 : i32
      %add3A_875 = arith.addi %mul3A_736, %add3A_874 : i32
      %get3A_876 = arith.index_cast %add3A_875 : i32 to index
      %get3A_877 = tpu.vector_load %arg8[%get3A_876] {strides = array<i32>} : memref<4096xi32, #tpu.memory_space<vmem>>, vector<16xi32>,
      %get3A_878 = arith.index_cast %add3A_875 : i32 to index
      %get3A_879 = tpu.vector_load %arg10[%get3A_878] {strides = array<i32>} : memref<4096xf32, #tpu.memory_space<vmem>>, vector<16xf32>,
      %broadcast_in_dim3A_880 = arith.constant true
      %broadcast_in_dim3A_881 = vector.broadcast %broadcast_in_dim3A_880 : i1 to vector<16xi1>
      %unique3A_882, %unique3A_883 = tpu.scan_count mask(%broadcast_in_dim3A_881 : vector<16xi1>) value(%get3A_877 : vector<16xi32>) : vector<16xi1>, vector<16xi32>
      %add3A_884 = arith.constant 240 : i32
      %add3A_885 = arith.addi %mul3A_736, %add3A_884 : i32
      %get3A_886 = arith.index_cast %add3A_885 : i32 to index
      %get3A_887 = tpu.vector_load %arg8[%get3A_886] {strides = array<i32>} : memref<4096xi32, #tpu.memory_space<vmem>>, vector<16xi32>,
      %get3A_888 = arith.index_cast %add3A_885 : i32 to index
      %get3A_889 = tpu.vector_load %arg10[%get3A_888] {strides = array<i32>} : memref<4096xf32, #tpu.memory_space<vmem>>, vector<16xf32>,
      %broadcast_in_dim3A_890 = arith.constant true
      %broadcast_in_dim3A_891 = vector.broadcast %broadcast_in_dim3A_890 : i1 to vector<16xi1>
      %unique3A_892, %unique3A_893 = tpu.scan_count mask(%broadcast_in_dim3A_891 : vector<16xi1>) value(%get3A_887 : vector<16xi32>) : vector<16xi1>, vector<16xi32>
      tpu.vector_store_idx %arg6[%get3A_739], %get3A_741 masked %unique3A : memref<100000xf32, #tpu.memory_space<vmem>>[vector<16xi32>], vector<16xf32>, vector<16xi1>
      tpu.vector_store_idx %arg6[%get3A_747], %get3A_749 masked %unique3A_752 : memref<100000xf32, #tpu.memory_space<vmem>>[vector<16xi32>], vector<16xf32>, vector<16xi1>
      tpu.vector_store_idx %arg6[%get3A_757], %get3A_759 masked %unique3A_762 : memref<100000xf32, #tpu.memory_space<vmem>>[vector<16xi32>], vector<16xf32>, vector<16xi1>
      tpu.vector_store_idx %arg6[%get3A_767], %get3A_769 masked %unique3A_772 : memref<100000xf32, #tpu.memory_space<vmem>>[vector<16xi32>], vector<16xf32>, vector<16xi1>
      tpu.vector_store_idx %arg6[%get3A_777], %get3A_779 masked %unique3A_782 : memref<100000xf32, #tpu.memory_space<vmem>>[vector<16xi32>], vector<16xf32>, vector<16xi1>
      tpu.vector_store_idx %arg6[%get3A_787], %get3A_789 masked %unique3A_792 : memref<100000xf32, #tpu.memory_space<vmem>>[vector<16xi32>], vector<16xf32>, vector<16xi1>
      tpu.vector_store_idx %arg6[%get3A_797], %get3A_799 masked %unique3A_802 : memref<100000xf32, #tpu.memory_space<vmem>>[vector<16xi32>], vector<16xf32>, vector<16xi1>
      tpu.vector_store_idx %arg6[%get3A_807], %get3A_809 masked %unique3A_812 : memref<100000xf32, #tpu.memory_space<vmem>>[vector<16xi32>], vector<16xf32>, vector<16xi1>
      tpu.vector_store_idx %arg6[%get3A_817], %get3A_819 masked %unique3A_822 : memref<100000xf32, #tpu.memory_space<vmem>>[vector<16xi32>], vector<16xf32>, vector<16xi1>
      tpu.vector_store_idx %arg6[%get3A_827], %get3A_829 masked %unique3A_832 : memref<100000xf32, #tpu.memory_space<vmem>>[vector<16xi32>], vector<16xf32>, vector<16xi1>
      tpu.vector_store_idx %arg6[%get3A_837], %get3A_839 masked %unique3A_842 : memref<100000xf32, #tpu.memory_space<vmem>>[vector<16xi32>], vector<16xf32>, vector<16xi1>
      tpu.vector_store_idx %arg6[%get3A_847], %get3A_849 masked %unique3A_852 : memref<100000xf32, #tpu.memory_space<vmem>>[vector<16xi32>], vector<16xf32>, vector<16xi1>
      tpu.vector_store_idx %arg6[%get3A_857], %get3A_859 masked %unique3A_862 : memref<100000xf32, #tpu.memory_space<vmem>>[vector<16xi32>], vector<16xf32>, vector<16xi1>
      tpu.vector_store_idx %arg6[%get3A_867], %get3A_869 masked %unique3A_872 : memref<100000xf32, #tpu.memory_space<vmem>>[vector<16xi32>], vector<16xf32>, vector<16xi1>
      tpu.vector_store_idx %arg6[%get3A_877], %get3A_879 masked %unique3A_882 : memref<100000xf32, #tpu.memory_space<vmem>>[vector<16xi32>], vector<16xf32>, vector<16xi1>
      tpu.vector_store_idx %arg6[%get3A_887], %get3A_889 masked %unique3A_892 : memref<100000xf32, #tpu.memory_space<vmem>>[vector<16xi32>], vector<16xf32>, vector<16xi1>
    }
    %scan3A_181 = arith.constant 16 : i32
    %add3A_182 = arith.constant 0 : i32
    %add3A_183 = arith.addi %add3A_182, %add3A : i32
    %dma_start3A_184 = arith.constant 0 : i32
    %dma_start3A_185 = tpu.memref_slice %arg5[%add3A_183, %dma_start3A_184] : memref<128x100000xf32, #tpu.memory_space<hbm>> -> memref<1x100000xf32, #tpu.memory_space<hbm>>
    %dma_start3A_186 = tpu.memref_squeeze %dma_start3A_185 : memref<1x100000xf32, #tpu.memory_space<hbm>> -> memref<100000xf32, #tpu.memory_space<hbm>>
    %dma_start3A_187 = arith.constant 0 : i32
    %dma_start3A_188 = tpu.memref_slice %arg5[%add3A_183, %dma_start3A_187] : memref<128x100000xf32, #tpu.memory_space<hbm>> -> memref<1x100000xf32, #tpu.memory_space<hbm>>
    %dma_start3A_189 = tpu.memref_squeeze %dma_start3A_188 : memref<1x100000xf32, #tpu.memory_space<hbm>> -> memref<100000xf32, #tpu.memory_space<hbm>>
    tpu.enqueue_dma source(%arg6 : memref<100000xf32, #tpu.memory_space<vmem>>) target(%dma_start3A_189 : memref<100000xf32, #tpu.memory_space<hbm>>) target_semaphore(%arg12 : memref<!tpu.dma_semaphore, #tpu.memory_space<semaphore_mem>>)
    %add3A_190 = arith.constant 0 : i32
    %add3A_191 = arith.addi %add3A_190, %add3A : i32
    %dma_wait3A_192 = arith.constant 0 : i32
    %dma_wait3A_193 = tpu.memref_slice %arg5[%add3A_191, %dma_wait3A_192] : memref<128x100000xf32, #tpu.memory_space<hbm>> -> memref<1x100000xf32, #tpu.memory_space<hbm>>
    %dma_wait3A_194 = tpu.memref_squeeze %dma_wait3A_193 : memref<1x100000xf32, #tpu.memory_space<hbm>> -> memref<100000xf32, #tpu.memory_space<hbm>>
    %dma_wait3A_195 = arith.constant 0 : i32
    %dma_wait3A_196 = tpu.memref_slice %arg5[%add3A_191, %dma_wait3A_195] : memref<128x100000xf32, #tpu.memory_space<hbm>> -> memref<1x100000xf32, #tpu.memory_space<hbm>>
    %dma_wait3A_197 = tpu.memref_squeeze %dma_wait3A_196 : memref<1x100000xf32, #tpu.memory_space<hbm>> -> memref<100000xf32, #tpu.memory_space<hbm>>
    tpu.wait_dma2 semaphore(%arg12 : memref<!tpu.dma_semaphore, #tpu.memory_space<semaphore_mem>>) src(%arg6 : memref<100000xf32, #tpu.memory_space<vmem>>) dst(%dma_wait3A_197 : memref<100000xf32, #tpu.memory_space<hbm>>)
    %add3A_198 = arith.constant 32 : i32
    %add3A_199 = arith.addi %add3A_198, %add3A : i32
    %dma_start3A_200 = arith.constant 0 : i32
    %dma_start3A_201 = tpu.memref_slice %arg2[%add3A_199, %dma_start3A_200] : memref<128x100000xf32, #tpu.memory_space<hbm>> -> memref<1x100000xf32, #tpu.memory_space<hbm>>
    %dma_start3A_202 = tpu.memref_squeeze %dma_start3A_201 : memref<1x100000xf32, #tpu.memory_space<hbm>> -> memref<100000xf32, #tpu.memory_space<hbm>>
    %dma_start3A_203 = arith.constant 0 : i32
    %dma_start3A_204 = tpu.memref_slice %arg2[%add3A_199, %dma_start3A_203] : memref<128x100000xf32, #tpu.memory_space<hbm>> -> memref<1x100000xf32, #tpu.memory_space<hbm>>
    %dma_start3A_205 = tpu.memref_squeeze %dma_start3A_204 : memref<1x100000xf32, #tpu.memory_space<hbm>> -> memref<100000xf32, #tpu.memory_space<hbm>>
    tpu.enqueue_dma source(%dma_start3A_205 : memref<100000xf32, #tpu.memory_space<hbm>>) target(%arg6 : memref<100000xf32, #tpu.memory_space<vmem>>) target_semaphore(%arg11 : memref<!tpu.dma_semaphore, #tpu.memory_space<semaphore_mem>>)
    %add3A_206 = arith.constant 32 : i32
    %add3A_207 = arith.addi %add3A_206, %add3A : i32
    %dma_wait3A_208 = arith.constant 0 : i32
    %dma_wait3A_209 = tpu.memref_slice %arg2[%add3A_207, %dma_wait3A_208] : memref<128x100000xf32, #tpu.memory_space<hbm>> -> memref<1x100000xf32, #tpu.memory_space<hbm>>
    %dma_wait3A_210 = tpu.memref_squeeze %dma_wait3A_209 : memref<1x100000xf32, #tpu.memory_space<hbm>> -> memref<100000xf32, #tpu.memory_space<hbm>>
    %dma_wait3A_211 = arith.constant 0 : i32
    %dma_wait3A_212 = tpu.memref_slice %arg2[%add3A_207, %dma_wait3A_211] : memref<128x100000xf32, #tpu.memory_space<hbm>> -> memref<1x100000xf32, #tpu.memory_space<hbm>>
    %dma_wait3A_213 = tpu.memref_squeeze %dma_wait3A_212 : memref<1x100000xf32, #tpu.memory_space<hbm>> -> memref<100000xf32, #tpu.memory_space<hbm>>
    tpu.wait_dma2 semaphore(%arg11 : memref<!tpu.dma_semaphore, #tpu.memory_space<semaphore_mem>>) src(%dma_wait3A_213 : memref<100000xf32, #tpu.memory_space<hbm>>) dst(%arg6 : memref<100000xf32, #tpu.memory_space<vmem>>)
    %add3A_214 = arith.constant 32 : i32
    %add3A_215 = arith.addi %add3A_214, %add3A : i32
    %add3A_216 = arith.constant 32 : i32
    %add3A_217 = arith.addi %add3A_216, %add3A : i32
    %dma_start3A_218 = arith.constant 4096 : i32
    %dma_start3A_219 = tpu.memref_slice %arg3[%add3A_215, %dma_start3A_218] : memref<128x16384xi32, #tpu.memory_space<hbm>> -> memref<1x4096xi32, #tpu.memory_space<hbm>>
    %dma_start3A_220 = tpu.memref_squeeze %dma_start3A_219 : memref<1x4096xi32, #tpu.memory_space<hbm>> -> memref<4096xi32, #tpu.memory_space<hbm>>
    %dma_start3A_221 = arith.constant 4096 : i32
    %dma_start3A_222 = tpu.memref_slice %arg3[%add3A_215, %dma_start3A_221] : memref<128x16384xi32, #tpu.memory_space<hbm>> -> memref<1x4096xi32, #tpu.memory_space<hbm>>
    %dma_start3A_223 = tpu.memref_squeeze %dma_start3A_222 : memref<1x4096xi32, #tpu.memory_space<hbm>> -> memref<4096xi32, #tpu.memory_space<hbm>>
    tpu.enqueue_dma source(%dma_start3A_223 : memref<4096xi32, #tpu.memory_space<hbm>>) target(%arg8 : memref<4096xi32, #tpu.memory_space<vmem>>) target_semaphore(%arg14 : memref<!tpu.dma_semaphore, #tpu.memory_space<semaphore_mem>>)
    %dma_start3A_224 = arith.constant 4096 : i32
    %dma_start3A_225 = tpu.memref_slice %arg4[%add3A_217, %dma_start3A_224] : memref<128x16384xf32, #tpu.memory_space<hbm>> -> memref<1x4096xf32, #tpu.memory_space<hbm>>
    %dma_start3A_226 = tpu.memref_squeeze %dma_start3A_225 : memref<1x4096xf32, #tpu.memory_space<hbm>> -> memref<4096xf32, #tpu.memory_space<hbm>>
    %dma_start3A_227 = arith.constant 4096 : i32
    %dma_start3A_228 = tpu.memref_slice %arg4[%add3A_217, %dma_start3A_227] : memref<128x16384xf32, #tpu.memory_space<hbm>> -> memref<1x4096xf32, #tpu.memory_space<hbm>>
    %dma_start3A_229 = tpu.memref_squeeze %dma_start3A_228 : memref<1x4096xf32, #tpu.memory_space<hbm>> -> memref<4096xf32, #tpu.memory_space<hbm>>
    tpu.enqueue_dma source(%dma_start3A_229 : memref<4096xf32, #tpu.memory_space<hbm>>) target(%arg10 : memref<4096xf32, #tpu.memory_space<vmem>>) target_semaphore(%arg14 : memref<!tpu.dma_semaphore, #tpu.memory_space<semaphore_mem>>)
    %add3A_230 = arith.constant 32 : i32
    %add3A_231 = arith.addi %add3A_230, %add3A : i32
    %add3A_232 = arith.constant 32 : i32
    %add3A_233 = arith.addi %add3A_232, %add3A : i32
    %dma_wait3A_234 = arith.constant 0 : i32
    %dma_wait3A_235 = tpu.memref_slice %arg3[%add3A_231, %dma_wait3A_234] : memref<128x16384xi32, #tpu.memory_space<hbm>> -> memref<1x4096xi32, #tpu.memory_space<hbm>>
    %dma_wait3A_236 = tpu.memref_squeeze %dma_wait3A_235 : memref<1x4096xi32, #tpu.memory_space<hbm>> -> memref<4096xi32, #tpu.memory_space<hbm>>
    %dma_wait3A_237 = arith.constant 0 : i32
    %dma_wait3A_238 = tpu.memref_slice %arg3[%add3A_231, %dma_wait3A_237] : memref<128x16384xi32, #tpu.memory_space<hbm>> -> memref<1x4096xi32, #tpu.memory_space<hbm>>
    %dma_wait3A_239 = tpu.memref_squeeze %dma_wait3A_238 : memref<1x4096xi32, #tpu.memory_space<hbm>> -> memref<4096xi32, #tpu.memory_space<hbm>>
    tpu.wait_dma2 semaphore(%arg13 : memref<!tpu.dma_semaphore, #tpu.memory_space<semaphore_mem>>) src(%dma_wait3A_239 : memref<4096xi32, #tpu.memory_space<hbm>>) dst(%arg7 : memref<4096xi32, #tpu.memory_space<vmem>>)
    %dma_wait3A_240 = arith.constant 0 : i32
    %dma_wait3A_241 = tpu.memref_slice %arg4[%add3A_233, %dma_wait3A_240] : memref<128x16384xf32, #tpu.memory_space<hbm>> -> memref<1x4096xf32, #tpu.memory_space<hbm>>
    %dma_wait3A_242 = tpu.memref_squeeze %dma_wait3A_241 : memref<1x4096xf32, #tpu.memory_space<hbm>> -> memref<4096xf32, #tpu.memory_space<hbm>>
    %dma_wait3A_243 = arith.constant 0 : i32
    %dma_wait3A_244 = tpu.memref_slice %arg4[%add3A_233, %dma_wait3A_243] : memref<128x16384xf32, #tpu.memory_space<hbm>> -> memref<1x4096xf32, #tpu.memory_space<hbm>>
    %dma_wait3A_245 = tpu.memref_squeeze %dma_wait3A_244 : memref<1x4096xf32, #tpu.memory_space<hbm>> -> memref<4096xf32, #tpu.memory_space<hbm>>
    tpu.wait_dma2 semaphore(%arg13 : memref<!tpu.dma_semaphore, #tpu.memory_space<semaphore_mem>>) src(%dma_wait3A_245 : memref<4096xf32, #tpu.memory_space<hbm>>) dst(%arg9 : memref<4096xf32, #tpu.memory_space<vmem>>)
    %scan3A_246 = arith.constant 0 : i32
    %scan3A_247 = arith.constant 0 : i32
    %scan3A_248 = arith.constant 16 : i32
    %scan3A_249 = arith.addi %scan3A_247, %scan3A_248 : i32
    %scan3A_250 = arith.constant 1 : i32
    scf.for %scan3A_734 = %scan3A_247 to %scan3A_249 step %scan3A_250  : i32 {
      %mul3A_735 = arith.constant 256 : i32
      %mul3A_736 = arith.muli %scan3A_734, %mul3A_735 : i32
      %add3A_737 = arith.constant 0 : i32
      %add3A_738 = arith.addi %mul3A_736, %add3A_737 : i32
      %get3A = arith.index_cast %add3A_738 : i32 to index
      %get3A_739 = tpu.vector_load %arg7[%get3A] {strides = array<i32>} : memref<4096xi32, #tpu.memory_space<vmem>>, vector<16xi32>,
      %get3A_740 = arith.index_cast %add3A_738 : i32 to index
      %get3A_741 = tpu.vector_load %arg9[%get3A_740] {strides = array<i32>} : memref<4096xf32, #tpu.memory_space<vmem>>, vector<16xf32>,
      %broadcast_in_dim3A = arith.constant true
      %broadcast_in_dim3A_742 = vector.broadcast %broadcast_in_dim3A : i1 to vector<16xi1>
      %unique3A, %unique3A_743 = tpu.scan_count mask(%broadcast_in_dim3A_742 : vector<16xi1>) value(%get3A_739 : vector<16xi32>) : vector<16xi1>, vector<16xi32>
      %add3A_744 = arith.constant 16 : i32
      %add3A_745 = arith.addi %mul3A_736, %add3A_744 : i32
      %get3A_746 = arith.index_cast %add3A_745 : i32 to index
      %get3A_747 = tpu.vector_load %arg7[%get3A_746] {strides = array<i32>} : memref<4096xi32, #tpu.memory_space<vmem>>, vector<16xi32>,
      %get3A_748 = arith.index_cast %add3A_745 : i32 to index
      %get3A_749 = tpu.vector_load %arg9[%get3A_748] {strides = array<i32>} : memref<4096xf32, #tpu.memory_space<vmem>>, vector<16xf32>,
      %broadcast_in_dim3A_750 = arith.constant true
      %broadcast_in_dim3A_751 = vector.broadcast %broadcast_in_dim3A_750 : i1 to vector<16xi1>
      %unique3A_752, %unique3A_753 = tpu.scan_count mask(%broadcast_in_dim3A_751 : vector<16xi1>) value(%get3A_747 : vector<16xi32>) : vector<16xi1>, vector<16xi32>
      %add3A_754 = arith.constant 32 : i32
      %add3A_755 = arith.addi %mul3A_736, %add3A_754 : i32
      %get3A_756 = arith.index_cast %add3A_755 : i32 to index
      %get3A_757 = tpu.vector_load %arg7[%get3A_756] {strides = array<i32>} : memref<4096xi32, #tpu.memory_space<vmem>>, vector<16xi32>,
      %get3A_758 = arith.index_cast %add3A_755 : i32 to index
      %get3A_759 = tpu.vector_load %arg9[%get3A_758] {strides = array<i32>} : memref<4096xf32, #tpu.memory_space<vmem>>, vector<16xf32>,
      %broadcast_in_dim3A_760 = arith.constant true
      %broadcast_in_dim3A_761 = vector.broadcast %broadcast_in_dim3A_760 : i1 to vector<16xi1>
      %unique3A_762, %unique3A_763 = tpu.scan_count mask(%broadcast_in_dim3A_761 : vector<16xi1>) value(%get3A_757 : vector<16xi32>) : vector<16xi1>, vector<16xi32>
      %add3A_764 = arith.constant 48 : i32
      %add3A_765 = arith.addi %mul3A_736, %add3A_764 : i32
      %get3A_766 = arith.index_cast %add3A_765 : i32 to index
      %get3A_767 = tpu.vector_load %arg7[%get3A_766] {strides = array<i32>} : memref<4096xi32, #tpu.memory_space<vmem>>, vector<16xi32>,
      %get3A_768 = arith.index_cast %add3A_765 : i32 to index
      %get3A_769 = tpu.vector_load %arg9[%get3A_768] {strides = array<i32>} : memref<4096xf32, #tpu.memory_space<vmem>>, vector<16xf32>,
      %broadcast_in_dim3A_770 = arith.constant true
      %broadcast_in_dim3A_771 = vector.broadcast %broadcast_in_dim3A_770 : i1 to vector<16xi1>
      %unique3A_772, %unique3A_773 = tpu.scan_count mask(%broadcast_in_dim3A_771 : vector<16xi1>) value(%get3A_767 : vector<16xi32>) : vector<16xi1>, vector<16xi32>
      %add3A_774 = arith.constant 64 : i32
      %add3A_775 = arith.addi %mul3A_736, %add3A_774 : i32
      %get3A_776 = arith.index_cast %add3A_775 : i32 to index
      %get3A_777 = tpu.vector_load %arg7[%get3A_776] {strides = array<i32>} : memref<4096xi32, #tpu.memory_space<vmem>>, vector<16xi32>,
      %get3A_778 = arith.index_cast %add3A_775 : i32 to index
      %get3A_779 = tpu.vector_load %arg9[%get3A_778] {strides = array<i32>} : memref<4096xf32, #tpu.memory_space<vmem>>, vector<16xf32>,
      %broadcast_in_dim3A_780 = arith.constant true
      %broadcast_in_dim3A_781 = vector.broadcast %broadcast_in_dim3A_780 : i1 to vector<16xi1>
      %unique3A_782, %unique3A_783 = tpu.scan_count mask(%broadcast_in_dim3A_781 : vector<16xi1>) value(%get3A_777 : vector<16xi32>) : vector<16xi1>, vector<16xi32>
      %add3A_784 = arith.constant 80 : i32
      %add3A_785 = arith.addi %mul3A_736, %add3A_784 : i32
      %get3A_786 = arith.index_cast %add3A_785 : i32 to index
      %get3A_787 = tpu.vector_load %arg7[%get3A_786] {strides = array<i32>} : memref<4096xi32, #tpu.memory_space<vmem>>, vector<16xi32>,
      %get3A_788 = arith.index_cast %add3A_785 : i32 to index
      %get3A_789 = tpu.vector_load %arg9[%get3A_788] {strides = array<i32>} : memref<4096xf32, #tpu.memory_space<vmem>>, vector<16xf32>,
      %broadcast_in_dim3A_790 = arith.constant true
      %broadcast_in_dim3A_791 = vector.broadcast %broadcast_in_dim3A_790 : i1 to vector<16xi1>
      %unique3A_792, %unique3A_793 = tpu.scan_count mask(%broadcast_in_dim3A_791 : vector<16xi1>) value(%get3A_787 : vector<16xi32>) : vector<16xi1>, vector<16xi32>
      %add3A_794 = arith.constant 96 : i32
      %add3A_795 = arith.addi %mul3A_736, %add3A_794 : i32
      %get3A_796 = arith.index_cast %add3A_795 : i32 to index
      %get3A_797 = tpu.vector_load %arg7[%get3A_796] {strides = array<i32>} : memref<4096xi32, #tpu.memory_space<vmem>>, vector<16xi32>,
      %get3A_798 = arith.index_cast %add3A_795 : i32 to index
      %get3A_799 = tpu.vector_load %arg9[%get3A_798] {strides = array<i32>} : memref<4096xf32, #tpu.memory_space<vmem>>, vector<16xf32>,
      %broadcast_in_dim3A_800 = arith.constant true
      %broadcast_in_dim3A_801 = vector.broadcast %broadcast_in_dim3A_800 : i1 to vector<16xi1>
      %unique3A_802, %unique3A_803 = tpu.scan_count mask(%broadcast_in_dim3A_801 : vector<16xi1>) value(%get3A_797 : vector<16xi32>) : vector<16xi1>, vector<16xi32>
      %add3A_804 = arith.constant 112 : i32
      %add3A_805 = arith.addi %mul3A_736, %add3A_804 : i32
      %get3A_806 = arith.index_cast %add3A_805 : i32 to index
      %get3A_807 = tpu.vector_load %arg7[%get3A_806] {strides = array<i32>} : memref<4096xi32, #tpu.memory_space<vmem>>, vector<16xi32>,
      %get3A_808 = arith.index_cast %add3A_805 : i32 to index
      %get3A_809 = tpu.vector_load %arg9[%get3A_808] {strides = array<i32>} : memref<4096xf32, #tpu.memory_space<vmem>>, vector<16xf32>,
      %broadcast_in_dim3A_810 = arith.constant true
      %broadcast_in_dim3A_811 = vector.broadcast %broadcast_in_dim3A_810 : i1 to vector<16xi1>
      %unique3A_812, %unique3A_813 = tpu.scan_count mask(%broadcast_in_dim3A_811 : vector<16xi1>) value(%get3A_807 : vector<16xi32>) : vector<16xi1>, vector<16xi32>
      %add3A_814 = arith.constant 128 : i32
      %add3A_815 = arith.addi %mul3A_736, %add3A_814 : i32
      %get3A_816 = arith.index_cast %add3A_815 : i32 to index
      %get3A_817 = tpu.vector_load %arg7[%get3A_816] {strides = array<i32>} : memref<4096xi32, #tpu.memory_space<vmem>>, vector<16xi32>,
      %get3A_818 = arith.index_cast %add3A_815 : i32 to index
      %get3A_819 = tpu.vector_load %arg9[%get3A_818] {strides = array<i32>} : memref<4096xf32, #tpu.memory_space<vmem>>, vector<16xf32>,
      %broadcast_in_dim3A_820 = arith.constant true
      %broadcast_in_dim3A_821 = vector.broadcast %broadcast_in_dim3A_820 : i1 to vector<16xi1>
      %unique3A_822, %unique3A_823 = tpu.scan_count mask(%broadcast_in_dim3A_821 : vector<16xi1>) value(%get3A_817 : vector<16xi32>) : vector<16xi1>, vector<16xi32>
      %add3A_824 = arith.constant 144 : i32
      %add3A_825 = arith.addi %mul3A_736, %add3A_824 : i32
      %get3A_826 = arith.index_cast %add3A_825 : i32 to index
      %get3A_827 = tpu.vector_load %arg7[%get3A_826] {strides = array<i32>} : memref<4096xi32, #tpu.memory_space<vmem>>, vector<16xi32>,
      %get3A_828 = arith.index_cast %add3A_825 : i32 to index
      %get3A_829 = tpu.vector_load %arg9[%get3A_828] {strides = array<i32>} : memref<4096xf32, #tpu.memory_space<vmem>>, vector<16xf32>,
      %broadcast_in_dim3A_830 = arith.constant true
      %broadcast_in_dim3A_831 = vector.broadcast %broadcast_in_dim3A_830 : i1 to vector<16xi1>
      %unique3A_832, %unique3A_833 = tpu.scan_count mask(%broadcast_in_dim3A_831 : vector<16xi1>) value(%get3A_827 : vector<16xi32>) : vector<16xi1>, vector<16xi32>
      %add3A_834 = arith.constant 160 : i32
      %add3A_835 = arith.addi %mul3A_736, %add3A_834 : i32
      %get3A_836 = arith.index_cast %add3A_835 : i32 to index
      %get3A_837 = tpu.vector_load %arg7[%get3A_836] {strides = array<i32>} : memref<4096xi32, #tpu.memory_space<vmem>>, vector<16xi32>,
      %get3A_838 = arith.index_cast %add3A_835 : i32 to index
      %get3A_839 = tpu.vector_load %arg9[%get3A_838] {strides = array<i32>} : memref<4096xf32, #tpu.memory_space<vmem>>, vector<16xf32>,
      %broadcast_in_dim3A_840 = arith.constant true
      %broadcast_in_dim3A_841 = vector.broadcast %broadcast_in_dim3A_840 : i1 to vector<16xi1>
      %unique3A_842, %unique3A_843 = tpu.scan_count mask(%broadcast_in_dim3A_841 : vector<16xi1>) value(%get3A_837 : vector<16xi32>) : vector<16xi1>, vector<16xi32>
      %add3A_844 = arith.constant 176 : i32
      %add3A_845 = arith.addi %mul3A_736, %add3A_844 : i32
      %get3A_846 = arith.index_cast %add3A_845 : i32 to index
      %get3A_847 = tpu.vector_load %arg7[%get3A_846] {strides = array<i32>} : memref<4096xi32, #tpu.memory_space<vmem>>, vector<16xi32>,
      %get3A_848 = arith.index_cast %add3A_845 : i32 to index
      %get3A_849 = tpu.vector_load %arg9[%get3A_848] {strides = array<i32>} : memref<4096xf32, #tpu.memory_space<vmem>>, vector<16xf32>,
      %broadcast_in_dim3A_850 = arith.constant true
      %broadcast_in_dim3A_851 = vector.broadcast %broadcast_in_dim3A_850 : i1 to vector<16xi1>
      %unique3A_852, %unique3A_853 = tpu.scan_count mask(%broadcast_in_dim3A_851 : vector<16xi1>) value(%get3A_847 : vector<16xi32>) : vector<16xi1>, vector<16xi32>
      %add3A_854 = arith.constant 192 : i32
      %add3A_855 = arith.addi %mul3A_736, %add3A_854 : i32
      %get3A_856 = arith.index_cast %add3A_855 : i32 to index
      %get3A_857 = tpu.vector_load %arg7[%get3A_856] {strides = array<i32>} : memref<4096xi32, #tpu.memory_space<vmem>>, vector<16xi32>,
      %get3A_858 = arith.index_cast %add3A_855 : i32 to index
      %get3A_859 = tpu.vector_load %arg9[%get3A_858] {strides = array<i32>} : memref<4096xf32, #tpu.memory_space<vmem>>, vector<16xf32>,
      %broadcast_in_dim3A_860 = arith.constant true
      %broadcast_in_dim3A_861 = vector.broadcast %broadcast_in_dim3A_860 : i1 to vector<16xi1>
      %unique3A_862, %unique3A_863 = tpu.scan_count mask(%broadcast_in_dim3A_861 : vector<16xi1>) value(%get3A_857 : vector<16xi32>) : vector<16xi1>, vector<16xi32>
      %add3A_864 = arith.constant 208 : i32
      %add3A_865 = arith.addi %mul3A_736, %add3A_864 : i32
      %get3A_866 = arith.index_cast %add3A_865 : i32 to index
      %get3A_867 = tpu.vector_load %arg7[%get3A_866] {strides = array<i32>} : memref<4096xi32, #tpu.memory_space<vmem>>, vector<16xi32>,
      %get3A_868 = arith.index_cast %add3A_865 : i32 to index
      %get3A_869 = tpu.vector_load %arg9[%get3A_868] {strides = array<i32>} : memref<4096xf32, #tpu.memory_space<vmem>>, vector<16xf32>,
      %broadcast_in_dim3A_870 = arith.constant true
      %broadcast_in_dim3A_871 = vector.broadcast %broadcast_in_dim3A_870 : i1 to vector<16xi1>
      %unique3A_872, %unique3A_873 = tpu.scan_count mask(%broadcast_in_dim3A_871 : vector<16xi1>) value(%get3A_867 : vector<16xi32>) : vector<16xi1>, vector<16xi32>
      %add3A_874 = arith.constant 224 : i32
      %add3A_875 = arith.addi %mul3A_736, %add3A_874 : i32
      %get3A_876 = arith.index_cast %add3A_875 : i32 to index
      %get3A_877 = tpu.vector_load %arg7[%get3A_876] {strides = array<i32>} : memref<4096xi32, #tpu.memory_space<vmem>>, vector<16xi32>,
      %get3A_878 = arith.index_cast %add3A_875 : i32 to index
      %get3A_879 = tpu.vector_load %arg9[%get3A_878] {strides = array<i32>} : memref<4096xf32, #tpu.memory_space<vmem>>, vector<16xf32>,
      %broadcast_in_dim3A_880 = arith.constant true
      %broadcast_in_dim3A_881 = vector.broadcast %broadcast_in_dim3A_880 : i1 to vector<16xi1>
      %unique3A_882, %unique3A_883 = tpu.scan_count mask(%broadcast_in_dim3A_881 : vector<16xi1>) value(%get3A_877 : vector<16xi32>) : vector<16xi1>, vector<16xi32>
      %add3A_884 = arith.constant 240 : i32
      %add3A_885 = arith.addi %mul3A_736, %add3A_884 : i32
      %get3A_886 = arith.index_cast %add3A_885 : i32 to index
      %get3A_887 = tpu.vector_load %arg7[%get3A_886] {strides = array<i32>} : memref<4096xi32, #tpu.memory_space<vmem>>, vector<16xi32>,
      %get3A_888 = arith.index_cast %add3A_885 : i32 to index
      %get3A_889 = tpu.vector_load %arg9[%get3A_888] {strides = array<i32>} : memref<4096xf32, #tpu.memory_space<vmem>>, vector<16xf32>,
      %broadcast_in_dim3A_890 = arith.constant true
      %broadcast_in_dim3A_891 = vector.broadcast %broadcast_in_dim3A_890 : i1 to vector<16xi1>
      %unique3A_892, %unique3A_893 = tpu.scan_count mask(%broadcast_in_dim3A_891 : vector<16xi1>) value(%get3A_887 : vector<16xi32>) : vector<16xi1>, vector<16xi32>
      tpu.vector_store_idx %arg6[%get3A_739], %get3A_741 masked %unique3A : memref<100000xf32, #tpu.memory_space<vmem>>[vector<16xi32>], vector<16xf32>, vector<16xi1>
      tpu.vector_store_idx %arg6[%get3A_747], %get3A_749 masked %unique3A_752 : memref<100000xf32, #tpu.memory_space<vmem>>[vector<16xi32>], vector<16xf32>, vector<16xi1>
      tpu.vector_store_idx %arg6[%get3A_757], %get3A_759 masked %unique3A_762 : memref<100000xf32, #tpu.memory_space<vmem>>[vector<16xi32>], vector<16xf32>, vector<16xi1>
      tpu.vector_store_idx %arg6[%get3A_767], %get3A_769 masked %unique3A_772 : memref<100000xf32, #tpu.memory_space<vmem>>[vector<16xi32>], vector<16xf32>, vector<16xi1>
      tpu.vector_store_idx %arg6[%get3A_777], %get3A_779 masked %unique3A_782 : memref<100000xf32, #tpu.memory_space<vmem>>[vector<16xi32>], vector<16xf32>, vector<16xi1>
      tpu.vector_store_idx %arg6[%get3A_787], %get3A_789 masked %unique3A_792 : memref<100000xf32, #tpu.memory_space<vmem>>[vector<16xi32>], vector<16xf32>, vector<16xi1>
      tpu.vector_store_idx %arg6[%get3A_797], %get3A_799 masked %unique3A_802 : memref<100000xf32, #tpu.memory_space<vmem>>[vector<16xi32>], vector<16xf32>, vector<16xi1>
      tpu.vector_store_idx %arg6[%get3A_807], %get3A_809 masked %unique3A_812 : memref<100000xf32, #tpu.memory_space<vmem>>[vector<16xi32>], vector<16xf32>, vector<16xi1>
      tpu.vector_store_idx %arg6[%get3A_817], %get3A_819 masked %unique3A_822 : memref<100000xf32, #tpu.memory_space<vmem>>[vector<16xi32>], vector<16xf32>, vector<16xi1>
      tpu.vector_store_idx %arg6[%get3A_827], %get3A_829 masked %unique3A_832 : memref<100000xf32, #tpu.memory_space<vmem>>[vector<16xi32>], vector<16xf32>, vector<16xi1>
      tpu.vector_store_idx %arg6[%get3A_837], %get3A_839 masked %unique3A_842 : memref<100000xf32, #tpu.memory_space<vmem>>[vector<16xi32>], vector<16xf32>, vector<16xi1>
      tpu.vector_store_idx %arg6[%get3A_847], %get3A_849 masked %unique3A_852 : memref<100000xf32, #tpu.memory_space<vmem>>[vector<16xi32>], vector<16xf32>, vector<16xi1>
      tpu.vector_store_idx %arg6[%get3A_857], %get3A_859 masked %unique3A_862 : memref<100000xf32, #tpu.memory_space<vmem>>[vector<16xi32>], vector<16xf32>, vector<16xi1>
      tpu.vector_store_idx %arg6[%get3A_867], %get3A_869 masked %unique3A_872 : memref<100000xf32, #tpu.memory_space<vmem>>[vector<16xi32>], vector<16xf32>, vector<16xi1>
      tpu.vector_store_idx %arg6[%get3A_877], %get3A_879 masked %unique3A_882 : memref<100000xf32, #tpu.memory_space<vmem>>[vector<16xi32>], vector<16xf32>, vector<16xi1>
      tpu.vector_store_idx %arg6[%get3A_887], %get3A_889 masked %unique3A_892 : memref<100000xf32, #tpu.memory_space<vmem>>[vector<16xi32>], vector<16xf32>, vector<16xi1>
    }
    %scan3A_251 = arith.constant 16 : i32
    %add3A_252 = arith.constant 32 : i32
    %add3A_253 = arith.addi %add3A_252, %add3A : i32
    %add3A_254 = arith.constant 32 : i32
    %add3A_255 = arith.addi %add3A_254, %add3A : i32
    %dma_start3A_256 = arith.constant 8192 : i32
    %dma_start3A_257 = tpu.memref_slice %arg3[%add3A_253, %dma_start3A_256] : memref<128x16384xi32, #tpu.memory_space<hbm>> -> memref<1x4096xi32, #tpu.memory_space<hbm>>
    %dma_start3A_258 = tpu.memref_squeeze %dma_start3A_257 : memref<1x4096xi32, #tpu.memory_space<hbm>> -> memref<4096xi32, #tpu.memory_space<hbm>>
    %dma_start3A_259 = arith.constant 8192 : i32
    %dma_start3A_260 = tpu.memref_slice %arg3[%add3A_253, %dma_start3A_259] : memref<128x16384xi32, #tpu.memory_space<hbm>> -> memref<1x4096xi32, #tpu.memory_space<hbm>>
    %dma_start3A_261 = tpu.memref_squeeze %dma_start3A_260 : memref<1x4096xi32, #tpu.memory_space<hbm>> -> memref<4096xi32, #tpu.memory_space<hbm>>
    tpu.enqueue_dma source(%dma_start3A_261 : memref<4096xi32, #tpu.memory_space<hbm>>) target(%arg7 : memref<4096xi32, #tpu.memory_space<vmem>>) target_semaphore(%arg13 : memref<!tpu.dma_semaphore, #tpu.memory_space<semaphore_mem>>)
    %dma_start3A_262 = arith.constant 8192 : i32
    %dma_start3A_263 = tpu.memref_slice %arg4[%add3A_255, %dma_start3A_262] : memref<128x16384xf32, #tpu.memory_space<hbm>> -> memref<1x4096xf32, #tpu.memory_space<hbm>>
    %dma_start3A_264 = tpu.memref_squeeze %dma_start3A_263 : memref<1x4096xf32, #tpu.memory_space<hbm>> -> memref<4096xf32, #tpu.memory_space<hbm>>
    %dma_start3A_265 = arith.constant 8192 : i32
    %dma_start3A_266 = tpu.memref_slice %arg4[%add3A_255, %dma_start3A_265] : memref<128x16384xf32, #tpu.memory_space<hbm>> -> memref<1x4096xf32, #tpu.memory_space<hbm>>
    %dma_start3A_267 = tpu.memref_squeeze %dma_start3A_266 : memref<1x4096xf32, #tpu.memory_space<hbm>> -> memref<4096xf32, #tpu.memory_space<hbm>>
    tpu.enqueue_dma source(%dma_start3A_267 : memref<4096xf32, #tpu.memory_space<hbm>>) target(%arg9 : memref<4096xf32, #tpu.memory_space<vmem>>) target_semaphore(%arg13 : memref<!tpu.dma_semaphore, #tpu.memory_space<semaphore_mem>>)
    %add3A_268 = arith.constant 32 : i32
    %add3A_269 = arith.addi %add3A_268, %add3A : i32
    %add3A_270 = arith.constant 32 : i32
    %add3A_271 = arith.addi %add3A_270, %add3A : i32
    %dma_wait3A_272 = arith.constant 4096 : i32
    %dma_wait3A_273 = tpu.memref_slice %arg3[%add3A_269, %dma_wait3A_272] : memref<128x16384xi32, #tpu.memory_space<hbm>> -> memref<1x4096xi32, #tpu.memory_space<hbm>>
    %dma_wait3A_274 = tpu.memref_squeeze %dma_wait3A_273 : memref<1x4096xi32, #tpu.memory_space<hbm>> -> memref<4096xi32, #tpu.memory_space<hbm>>
    %dma_wait3A_275 = arith.constant 4096 : i32
    %dma_wait3A_276 = tpu.memref_slice %arg3[%add3A_269, %dma_wait3A_275] : memref<128x16384xi32, #tpu.memory_space<hbm>> -> memref<1x4096xi32, #tpu.memory_space<hbm>>
    %dma_wait3A_277 = tpu.memref_squeeze %dma_wait3A_276 : memref<1x4096xi32, #tpu.memory_space<hbm>> -> memref<4096xi32, #tpu.memory_space<hbm>>
    tpu.wait_dma2 semaphore(%arg14 : memref<!tpu.dma_semaphore, #tpu.memory_space<semaphore_mem>>) src(%dma_wait3A_277 : memref<4096xi32, #tpu.memory_space<hbm>>) dst(%arg8 : memref<4096xi32, #tpu.memory_space<vmem>>)
    %dma_wait3A_278 = arith.constant 4096 : i32
    %dma_wait3A_279 = tpu.memref_slice %arg4[%add3A_271, %dma_wait3A_278] : memref<128x16384xf32, #tpu.memory_space<hbm>> -> memref<1x4096xf32, #tpu.memory_space<hbm>>
    %dma_wait3A_280 = tpu.memref_squeeze %dma_wait3A_279 : memref<1x4096xf32, #tpu.memory_space<hbm>> -> memref<4096xf32, #tpu.memory_space<hbm>>
    %dma_wait3A_281 = arith.constant 4096 : i32
    %dma_wait3A_282 = tpu.memref_slice %arg4[%add3A_271, %dma_wait3A_281] : memref<128x16384xf32, #tpu.memory_space<hbm>> -> memref<1x4096xf32, #tpu.memory_space<hbm>>
    %dma_wait3A_283 = tpu.memref_squeeze %dma_wait3A_282 : memref<1x4096xf32, #tpu.memory_space<hbm>> -> memref<4096xf32, #tpu.memory_space<hbm>>
    tpu.wait_dma2 semaphore(%arg14 : memref<!tpu.dma_semaphore, #tpu.memory_space<semaphore_mem>>) src(%dma_wait3A_283 : memref<4096xf32, #tpu.memory_space<hbm>>) dst(%arg10 : memref<4096xf32, #tpu.memory_space<vmem>>)
    %scan3A_284 = arith.constant 0 : i32
    %scan3A_285 = arith.constant 0 : i32
    %scan3A_286 = arith.constant 16 : i32
    %scan3A_287 = arith.addi %scan3A_285, %scan3A_286 : i32
    %scan3A_288 = arith.constant 1 : i32
    scf.for %scan3A_734 = %scan3A_285 to %scan3A_287 step %scan3A_288  : i32 {
      %mul3A_735 = arith.constant 256 : i32
      %mul3A_736 = arith.muli %scan3A_734, %mul3A_735 : i32
      %add3A_737 = arith.constant 0 : i32
      %add3A_738 = arith.addi %mul3A_736, %add3A_737 : i32
      %get3A = arith.index_cast %add3A_738 : i32 to index
      %get3A_739 = tpu.vector_load %arg8[%get3A] {strides = array<i32>} : memref<4096xi32, #tpu.memory_space<vmem>>, vector<16xi32>,
      %get3A_740 = arith.index_cast %add3A_738 : i32 to index
      %get3A_741 = tpu.vector_load %arg10[%get3A_740] {strides = array<i32>} : memref<4096xf32, #tpu.memory_space<vmem>>, vector<16xf32>,
      %broadcast_in_dim3A = arith.constant true
      %broadcast_in_dim3A_742 = vector.broadcast %broadcast_in_dim3A : i1 to vector<16xi1>
      %unique3A, %unique3A_743 = tpu.scan_count mask(%broadcast_in_dim3A_742 : vector<16xi1>) value(%get3A_739 : vector<16xi32>) : vector<16xi1>, vector<16xi32>
      %add3A_744 = arith.constant 16 : i32
      %add3A_745 = arith.addi %mul3A_736, %add3A_744 : i32
      %get3A_746 = arith.index_cast %add3A_745 : i32 to index
      %get3A_747 = tpu.vector_load %arg8[%get3A_746] {strides = array<i32>} : memref<4096xi32, #tpu.memory_space<vmem>>, vector<16xi32>,
      %get3A_748 = arith.index_cast %add3A_745 : i32 to index
      %get3A_749 = tpu.vector_load %arg10[%get3A_748] {strides = array<i32>} : memref<4096xf32, #tpu.memory_space<vmem>>, vector<16xf32>,
      %broadcast_in_dim3A_750 = arith.constant true
      %broadcast_in_dim3A_751 = vector.broadcast %broadcast_in_dim3A_750 : i1 to vector<16xi1>
      %unique3A_752, %unique3A_753 = tpu.scan_count mask(%broadcast_in_dim3A_751 : vector<16xi1>) value(%get3A_747 : vector<16xi32>) : vector<16xi1>, vector<16xi32>
      %add3A_754 = arith.constant 32 : i32
      %add3A_755 = arith.addi %mul3A_736, %add3A_754 : i32
      %get3A_756 = arith.index_cast %add3A_755 : i32 to index
      %get3A_757 = tpu.vector_load %arg8[%get3A_756] {strides = array<i32>} : memref<4096xi32, #tpu.memory_space<vmem>>, vector<16xi32>,
      %get3A_758 = arith.index_cast %add3A_755 : i32 to index
      %get3A_759 = tpu.vector_load %arg10[%get3A_758] {strides = array<i32>} : memref<4096xf32, #tpu.memory_space<vmem>>, vector<16xf32>,
      %broadcast_in_dim3A_760 = arith.constant true
      %broadcast_in_dim3A_761 = vector.broadcast %broadcast_in_dim3A_760 : i1 to vector<16xi1>
      %unique3A_762, %unique3A_763 = tpu.scan_count mask(%broadcast_in_dim3A_761 : vector<16xi1>) value(%get3A_757 : vector<16xi32>) : vector<16xi1>, vector<16xi32>
      %add3A_764 = arith.constant 48 : i32
      %add3A_765 = arith.addi %mul3A_736, %add3A_764 : i32
      %get3A_766 = arith.index_cast %add3A_765 : i32 to index
      %get3A_767 = tpu.vector_load %arg8[%get3A_766] {strides = array<i32>} : memref<4096xi32, #tpu.memory_space<vmem>>, vector<16xi32>,
      %get3A_768 = arith.index_cast %add3A_765 : i32 to index
      %get3A_769 = tpu.vector_load %arg10[%get3A_768] {strides = array<i32>} : memref<4096xf32, #tpu.memory_space<vmem>>, vector<16xf32>,
      %broadcast_in_dim3A_770 = arith.constant true
      %broadcast_in_dim3A_771 = vector.broadcast %broadcast_in_dim3A_770 : i1 to vector<16xi1>
      %unique3A_772, %unique3A_773 = tpu.scan_count mask(%broadcast_in_dim3A_771 : vector<16xi1>) value(%get3A_767 : vector<16xi32>) : vector<16xi1>, vector<16xi32>
      %add3A_774 = arith.constant 64 : i32
      %add3A_775 = arith.addi %mul3A_736, %add3A_774 : i32
      %get3A_776 = arith.index_cast %add3A_775 : i32 to index
      %get3A_777 = tpu.vector_load %arg8[%get3A_776] {strides = array<i32>} : memref<4096xi32, #tpu.memory_space<vmem>>, vector<16xi32>,
      %get3A_778 = arith.index_cast %add3A_775 : i32 to index
      %get3A_779 = tpu.vector_load %arg10[%get3A_778] {strides = array<i32>} : memref<4096xf32, #tpu.memory_space<vmem>>, vector<16xf32>,
      %broadcast_in_dim3A_780 = arith.constant true
      %broadcast_in_dim3A_781 = vector.broadcast %broadcast_in_dim3A_780 : i1 to vector<16xi1>
      %unique3A_782, %unique3A_783 = tpu.scan_count mask(%broadcast_in_dim3A_781 : vector<16xi1>) value(%get3A_777 : vector<16xi32>) : vector<16xi1>, vector<16xi32>
      %add3A_784 = arith.constant 80 : i32
      %add3A_785 = arith.addi %mul3A_736, %add3A_784 : i32
      %get3A_786 = arith.index_cast %add3A_785 : i32 to index
      %get3A_787 = tpu.vector_load %arg8[%get3A_786] {strides = array<i32>} : memref<4096xi32, #tpu.memory_space<vmem>>, vector<16xi32>,
      %get3A_788 = arith.index_cast %add3A_785 : i32 to index
      %get3A_789 = tpu.vector_load %arg10[%get3A_788] {strides = array<i32>} : memref<4096xf32, #tpu.memory_space<vmem>>, vector<16xf32>,
      %broadcast_in_dim3A_790 = arith.constant true
      %broadcast_in_dim3A_791 = vector.broadcast %broadcast_in_dim3A_790 : i1 to vector<16xi1>
      %unique3A_792, %unique3A_793 = tpu.scan_count mask(%broadcast_in_dim3A_791 : vector<16xi1>) value(%get3A_787 : vector<16xi32>) : vector<16xi1>, vector<16xi32>
      %add3A_794 = arith.constant 96 : i32
      %add3A_795 = arith.addi %mul3A_736, %add3A_794 : i32
      %get3A_796 = arith.index_cast %add3A_795 : i32 to index
      %get3A_797 = tpu.vector_load %arg8[%get3A_796] {strides = array<i32>} : memref<4096xi32, #tpu.memory_space<vmem>>, vector<16xi32>,
      %get3A_798 = arith.index_cast %add3A_795 : i32 to index
      %get3A_799 = tpu.vector_load %arg10[%get3A_798] {strides = array<i32>} : memref<4096xf32, #tpu.memory_space<vmem>>, vector<16xf32>,
      %broadcast_in_dim3A_800 = arith.constant true
      %broadcast_in_dim3A_801 = vector.broadcast %broadcast_in_dim3A_800 : i1 to vector<16xi1>
      %unique3A_802, %unique3A_803 = tpu.scan_count mask(%broadcast_in_dim3A_801 : vector<16xi1>) value(%get3A_797 : vector<16xi32>) : vector<16xi1>, vector<16xi32>
      %add3A_804 = arith.constant 112 : i32
      %add3A_805 = arith.addi %mul3A_736, %add3A_804 : i32
      %get3A_806 = arith.index_cast %add3A_805 : i32 to index
      %get3A_807 = tpu.vector_load %arg8[%get3A_806] {strides = array<i32>} : memref<4096xi32, #tpu.memory_space<vmem>>, vector<16xi32>,
      %get3A_808 = arith.index_cast %add3A_805 : i32 to index
      %get3A_809 = tpu.vector_load %arg10[%get3A_808] {strides = array<i32>} : memref<4096xf32, #tpu.memory_space<vmem>>, vector<16xf32>,
      %broadcast_in_dim3A_810 = arith.constant true
      %broadcast_in_dim3A_811 = vector.broadcast %broadcast_in_dim3A_810 : i1 to vector<16xi1>
      %unique3A_812, %unique3A_813 = tpu.scan_count mask(%broadcast_in_dim3A_811 : vector<16xi1>) value(%get3A_807 : vector<16xi32>) : vector<16xi1>, vector<16xi32>
      %add3A_814 = arith.constant 128 : i32
      %add3A_815 = arith.addi %mul3A_736, %add3A_814 : i32
      %get3A_816 = arith.index_cast %add3A_815 : i32 to index
      %get3A_817 = tpu.vector_load %arg8[%get3A_816] {strides = array<i32>} : memref<4096xi32, #tpu.memory_space<vmem>>, vector<16xi32>,
      %get3A_818 = arith.index_cast %add3A_815 : i32 to index
      %get3A_819 = tpu.vector_load %arg10[%get3A_818] {strides = array<i32>} : memref<4096xf32, #tpu.memory_space<vmem>>, vector<16xf32>,
      %broadcast_in_dim3A_820 = arith.constant true
      %broadcast_in_dim3A_821 = vector.broadcast %broadcast_in_dim3A_820 : i1 to vector<16xi1>
      %unique3A_822, %unique3A_823 = tpu.scan_count mask(%broadcast_in_dim3A_821 : vector<16xi1>) value(%get3A_817 : vector<16xi32>) : vector<16xi1>, vector<16xi32>
      %add3A_824 = arith.constant 144 : i32
      %add3A_825 = arith.addi %mul3A_736, %add3A_824 : i32
      %get3A_826 = arith.index_cast %add3A_825 : i32 to index
      %get3A_827 = tpu.vector_load %arg8[%get3A_826] {strides = array<i32>} : memref<4096xi32, #tpu.memory_space<vmem>>, vector<16xi32>,
      %get3A_828 = arith.index_cast %add3A_825 : i32 to index
      %get3A_829 = tpu.vector_load %arg10[%get3A_828] {strides = array<i32>} : memref<4096xf32, #tpu.memory_space<vmem>>, vector<16xf32>,
      %broadcast_in_dim3A_830 = arith.constant true
      %broadcast_in_dim3A_831 = vector.broadcast %broadcast_in_dim3A_830 : i1 to vector<16xi1>
      %unique3A_832, %unique3A_833 = tpu.scan_count mask(%broadcast_in_dim3A_831 : vector<16xi1>) value(%get3A_827 : vector<16xi32>) : vector<16xi1>, vector<16xi32>
      %add3A_834 = arith.constant 160 : i32
      %add3A_835 = arith.addi %mul3A_736, %add3A_834 : i32
      %get3A_836 = arith.index_cast %add3A_835 : i32 to index
      %get3A_837 = tpu.vector_load %arg8[%get3A_836] {strides = array<i32>} : memref<4096xi32, #tpu.memory_space<vmem>>, vector<16xi32>,
      %get3A_838 = arith.index_cast %add3A_835 : i32 to index
      %get3A_839 = tpu.vector_load %arg10[%get3A_838] {strides = array<i32>} : memref<4096xf32, #tpu.memory_space<vmem>>, vector<16xf32>,
      %broadcast_in_dim3A_840 = arith.constant true
      %broadcast_in_dim3A_841 = vector.broadcast %broadcast_in_dim3A_840 : i1 to vector<16xi1>
      %unique3A_842, %unique3A_843 = tpu.scan_count mask(%broadcast_in_dim3A_841 : vector<16xi1>) value(%get3A_837 : vector<16xi32>) : vector<16xi1>, vector<16xi32>
      %add3A_844 = arith.constant 176 : i32
      %add3A_845 = arith.addi %mul3A_736, %add3A_844 : i32
      %get3A_846 = arith.index_cast %add3A_845 : i32 to index
      %get3A_847 = tpu.vector_load %arg8[%get3A_846] {strides = array<i32>} : memref<4096xi32, #tpu.memory_space<vmem>>, vector<16xi32>,
      %get3A_848 = arith.index_cast %add3A_845 : i32 to index
      %get3A_849 = tpu.vector_load %arg10[%get3A_848] {strides = array<i32>} : memref<4096xf32, #tpu.memory_space<vmem>>, vector<16xf32>,
      %broadcast_in_dim3A_850 = arith.constant true
      %broadcast_in_dim3A_851 = vector.broadcast %broadcast_in_dim3A_850 : i1 to vector<16xi1>
      %unique3A_852, %unique3A_853 = tpu.scan_count mask(%broadcast_in_dim3A_851 : vector<16xi1>) value(%get3A_847 : vector<16xi32>) : vector<16xi1>, vector<16xi32>
      %add3A_854 = arith.constant 192 : i32
      %add3A_855 = arith.addi %mul3A_736, %add3A_854 : i32
      %get3A_856 = arith.index_cast %add3A_855 : i32 to index
      %get3A_857 = tpu.vector_load %arg8[%get3A_856] {strides = array<i32>} : memref<4096xi32, #tpu.memory_space<vmem>>, vector<16xi32>,
      %get3A_858 = arith.index_cast %add3A_855 : i32 to index
      %get3A_859 = tpu.vector_load %arg10[%get3A_858] {strides = array<i32>} : memref<4096xf32, #tpu.memory_space<vmem>>, vector<16xf32>,
      %broadcast_in_dim3A_860 = arith.constant true
      %broadcast_in_dim3A_861 = vector.broadcast %broadcast_in_dim3A_860 : i1 to vector<16xi1>
      %unique3A_862, %unique3A_863 = tpu.scan_count mask(%broadcast_in_dim3A_861 : vector<16xi1>) value(%get3A_857 : vector<16xi32>) : vector<16xi1>, vector<16xi32>
      %add3A_864 = arith.constant 208 : i32
      %add3A_865 = arith.addi %mul3A_736, %add3A_864 : i32
      %get3A_866 = arith.index_cast %add3A_865 : i32 to index
      %get3A_867 = tpu.vector_load %arg8[%get3A_866] {strides = array<i32>} : memref<4096xi32, #tpu.memory_space<vmem>>, vector<16xi32>,
      %get3A_868 = arith.index_cast %add3A_865 : i32 to index
      %get3A_869 = tpu.vector_load %arg10[%get3A_868] {strides = array<i32>} : memref<4096xf32, #tpu.memory_space<vmem>>, vector<16xf32>,
      %broadcast_in_dim3A_870 = arith.constant true
      %broadcast_in_dim3A_871 = vector.broadcast %broadcast_in_dim3A_870 : i1 to vector<16xi1>
      %unique3A_872, %unique3A_873 = tpu.scan_count mask(%broadcast_in_dim3A_871 : vector<16xi1>) value(%get3A_867 : vector<16xi32>) : vector<16xi1>, vector<16xi32>
      %add3A_874 = arith.constant 224 : i32
      %add3A_875 = arith.addi %mul3A_736, %add3A_874 : i32
      %get3A_876 = arith.index_cast %add3A_875 : i32 to index
      %get3A_877 = tpu.vector_load %arg8[%get3A_876] {strides = array<i32>} : memref<4096xi32, #tpu.memory_space<vmem>>, vector<16xi32>,
      %get3A_878 = arith.index_cast %add3A_875 : i32 to index
      %get3A_879 = tpu.vector_load %arg10[%get3A_878] {strides = array<i32>} : memref<4096xf32, #tpu.memory_space<vmem>>, vector<16xf32>,
      %broadcast_in_dim3A_880 = arith.constant true
      %broadcast_in_dim3A_881 = vector.broadcast %broadcast_in_dim3A_880 : i1 to vector<16xi1>
      %unique3A_882, %unique3A_883 = tpu.scan_count mask(%broadcast_in_dim3A_881 : vector<16xi1>) value(%get3A_877 : vector<16xi32>) : vector<16xi1>, vector<16xi32>
      %add3A_884 = arith.constant 240 : i32
      %add3A_885 = arith.addi %mul3A_736, %add3A_884 : i32
      %get3A_886 = arith.index_cast %add3A_885 : i32 to index
      %get3A_887 = tpu.vector_load %arg8[%get3A_886] {strides = array<i32>} : memref<4096xi32, #tpu.memory_space<vmem>>, vector<16xi32>,
      %get3A_888 = arith.index_cast %add3A_885 : i32 to index
      %get3A_889 = tpu.vector_load %arg10[%get3A_888] {strides = array<i32>} : memref<4096xf32, #tpu.memory_space<vmem>>, vector<16xf32>,
      %broadcast_in_dim3A_890 = arith.constant true
      %broadcast_in_dim3A_891 = vector.broadcast %broadcast_in_dim3A_890 : i1 to vector<16xi1>
      %unique3A_892, %unique3A_893 = tpu.scan_count mask(%broadcast_in_dim3A_891 : vector<16xi1>) value(%get3A_887 : vector<16xi32>) : vector<16xi1>, vector<16xi32>
      tpu.vector_store_idx %arg6[%get3A_739], %get3A_741 masked %unique3A : memref<100000xf32, #tpu.memory_space<vmem>>[vector<16xi32>], vector<16xf32>, vector<16xi1>
      tpu.vector_store_idx %arg6[%get3A_747], %get3A_749 masked %unique3A_752 : memref<100000xf32, #tpu.memory_space<vmem>>[vector<16xi32>], vector<16xf32>, vector<16xi1>
      tpu.vector_store_idx %arg6[%get3A_757], %get3A_759 masked %unique3A_762 : memref<100000xf32, #tpu.memory_space<vmem>>[vector<16xi32>], vector<16xf32>, vector<16xi1>
      tpu.vector_store_idx %arg6[%get3A_767], %get3A_769 masked %unique3A_772 : memref<100000xf32, #tpu.memory_space<vmem>>[vector<16xi32>], vector<16xf32>, vector<16xi1>
      tpu.vector_store_idx %arg6[%get3A_777], %get3A_779 masked %unique3A_782 : memref<100000xf32, #tpu.memory_space<vmem>>[vector<16xi32>], vector<16xf32>, vector<16xi1>
      tpu.vector_store_idx %arg6[%get3A_787], %get3A_789 masked %unique3A_792 : memref<100000xf32, #tpu.memory_space<vmem>>[vector<16xi32>], vector<16xf32>, vector<16xi1>
      tpu.vector_store_idx %arg6[%get3A_797], %get3A_799 masked %unique3A_802 : memref<100000xf32, #tpu.memory_space<vmem>>[vector<16xi32>], vector<16xf32>, vector<16xi1>
      tpu.vector_store_idx %arg6[%get3A_807], %get3A_809 masked %unique3A_812 : memref<100000xf32, #tpu.memory_space<vmem>>[vector<16xi32>], vector<16xf32>, vector<16xi1>
      tpu.vector_store_idx %arg6[%get3A_817], %get3A_819 masked %unique3A_822 : memref<100000xf32, #tpu.memory_space<vmem>>[vector<16xi32>], vector<16xf32>, vector<16xi1>
      tpu.vector_store_idx %arg6[%get3A_827], %get3A_829 masked %unique3A_832 : memref<100000xf32, #tpu.memory_space<vmem>>[vector<16xi32>], vector<16xf32>, vector<16xi1>
      tpu.vector_store_idx %arg6[%get3A_837], %get3A_839 masked %unique3A_842 : memref<100000xf32, #tpu.memory_space<vmem>>[vector<16xi32>], vector<16xf32>, vector<16xi1>
      tpu.vector_store_idx %arg6[%get3A_847], %get3A_849 masked %unique3A_852 : memref<100000xf32, #tpu.memory_space<vmem>>[vector<16xi32>], vector<16xf32>, vector<16xi1>
      tpu.vector_store_idx %arg6[%get3A_857], %get3A_859 masked %unique3A_862 : memref<100000xf32, #tpu.memory_space<vmem>>[vector<16xi32>], vector<16xf32>, vector<16xi1>
      tpu.vector_store_idx %arg6[%get3A_867], %get3A_869 masked %unique3A_872 : memref<100000xf32, #tpu.memory_space<vmem>>[vector<16xi32>], vector<16xf32>, vector<16xi1>
      tpu.vector_store_idx %arg6[%get3A_877], %get3A_879 masked %unique3A_882 : memref<100000xf32, #tpu.memory_space<vmem>>[vector<16xi32>], vector<16xf32>, vector<16xi1>
      tpu.vector_store_idx %arg6[%get3A_887], %get3A_889 masked %unique3A_892 : memref<100000xf32, #tpu.memory_space<vmem>>[vector<16xi32>], vector<16xf32>, vector<16xi1>
    }
    %scan3A_289 = arith.constant 16 : i32
    %add3A_290 = arith.constant 32 : i32
    %add3A_291 = arith.addi %add3A_290, %add3A : i32
    %add3A_292 = arith.constant 32 : i32
    %add3A_293 = arith.addi %add3A_292, %add3A : i32
    %dma_start3A_294 = arith.constant 12288 : i32
    %dma_start3A_295 = tpu.memref_slice %arg3[%add3A_291, %dma_start3A_294] : memref<128x16384xi32, #tpu.memory_space<hbm>> -> memref<1x4096xi32, #tpu.memory_space<hbm>>
    %dma_start3A_296 = tpu.memref_squeeze %dma_start3A_295 : memref<1x4096xi32, #tpu.memory_space<hbm>> -> memref<4096xi32, #tpu.memory_space<hbm>>
    %dma_start3A_297 = arith.constant 12288 : i32
    %dma_start3A_298 = tpu.memref_slice %arg3[%add3A_291, %dma_start3A_297] : memref<128x16384xi32, #tpu.memory_space<hbm>> -> memref<1x4096xi32, #tpu.memory_space<hbm>>
    %dma_start3A_299 = tpu.memref_squeeze %dma_start3A_298 : memref<1x4096xi32, #tpu.memory_space<hbm>> -> memref<4096xi32, #tpu.memory_space<hbm>>
    tpu.enqueue_dma source(%dma_start3A_299 : memref<4096xi32, #tpu.memory_space<hbm>>) target(%arg8 : memref<4096xi32, #tpu.memory_space<vmem>>) target_semaphore(%arg14 : memref<!tpu.dma_semaphore, #tpu.memory_space<semaphore_mem>>)
    %dma_start3A_300 = arith.constant 12288 : i32
    %dma_start3A_301 = tpu.memref_slice %arg4[%add3A_293, %dma_start3A_300] : memref<128x16384xf32, #tpu.memory_space<hbm>> -> memref<1x4096xf32, #tpu.memory_space<hbm>>
    %dma_start3A_302 = tpu.memref_squeeze %dma_start3A_301 : memref<1x4096xf32, #tpu.memory_space<hbm>> -> memref<4096xf32, #tpu.memory_space<hbm>>
    %dma_start3A_303 = arith.constant 12288 : i32
    %dma_start3A_304 = tpu.memref_slice %arg4[%add3A_293, %dma_start3A_303] : memref<128x16384xf32, #tpu.memory_space<hbm>> -> memref<1x4096xf32, #tpu.memory_space<hbm>>
    %dma_start3A_305 = tpu.memref_squeeze %dma_start3A_304 : memref<1x4096xf32, #tpu.memory_space<hbm>> -> memref<4096xf32, #tpu.memory_space<hbm>>
    tpu.enqueue_dma source(%dma_start3A_305 : memref<4096xf32, #tpu.memory_space<hbm>>) target(%arg10 : memref<4096xf32, #tpu.memory_space<vmem>>) target_semaphore(%arg14 : memref<!tpu.dma_semaphore, #tpu.memory_space<semaphore_mem>>)
    %add3A_306 = arith.constant 32 : i32
    %add3A_307 = arith.addi %add3A_306, %add3A : i32
    %add3A_308 = arith.constant 32 : i32
    %add3A_309 = arith.addi %add3A_308, %add3A : i32
    %dma_wait3A_310 = arith.constant 8192 : i32
    %dma_wait3A_311 = tpu.memref_slice %arg3[%add3A_307, %dma_wait3A_310] : memref<128x16384xi32, #tpu.memory_space<hbm>> -> memref<1x4096xi32, #tpu.memory_space<hbm>>
    %dma_wait3A_312 = tpu.memref_squeeze %dma_wait3A_311 : memref<1x4096xi32, #tpu.memory_space<hbm>> -> memref<4096xi32, #tpu.memory_space<hbm>>
    %dma_wait3A_313 = arith.constant 8192 : i32
    %dma_wait3A_314 = tpu.memref_slice %arg3[%add3A_307, %dma_wait3A_313] : memref<128x16384xi32, #tpu.memory_space<hbm>> -> memref<1x4096xi32, #tpu.memory_space<hbm>>
    %dma_wait3A_315 = tpu.memref_squeeze %dma_wait3A_314 : memref<1x4096xi32, #tpu.memory_space<hbm>> -> memref<4096xi32, #tpu.memory_space<hbm>>
    tpu.wait_dma2 semaphore(%arg13 : memref<!tpu.dma_semaphore, #tpu.memory_space<semaphore_mem>>) src(%dma_wait3A_315 : memref<4096xi32, #tpu.memory_space<hbm>>) dst(%arg7 : memref<4096xi32, #tpu.memory_space<vmem>>)
    %dma_wait3A_316 = arith.constant 8192 : i32
    %dma_wait3A_317 = tpu.memref_slice %arg4[%add3A_309, %dma_wait3A_316] : memref<128x16384xf32, #tpu.memory_space<hbm>> -> memref<1x4096xf32, #tpu.memory_space<hbm>>
    %dma_wait3A_318 = tpu.memref_squeeze %dma_wait3A_317 : memref<1x4096xf32, #tpu.memory_space<hbm>> -> memref<4096xf32, #tpu.memory_space<hbm>>
    %dma_wait3A_319 = arith.constant 8192 : i32
    %dma_wait3A_320 = tpu.memref_slice %arg4[%add3A_309, %dma_wait3A_319] : memref<128x16384xf32, #tpu.memory_space<hbm>> -> memref<1x4096xf32, #tpu.memory_space<hbm>>
    %dma_wait3A_321 = tpu.memref_squeeze %dma_wait3A_320 : memref<1x4096xf32, #tpu.memory_space<hbm>> -> memref<4096xf32, #tpu.memory_space<hbm>>
    tpu.wait_dma2 semaphore(%arg13 : memref<!tpu.dma_semaphore, #tpu.memory_space<semaphore_mem>>) src(%dma_wait3A_321 : memref<4096xf32, #tpu.memory_space<hbm>>) dst(%arg9 : memref<4096xf32, #tpu.memory_space<vmem>>)
    %scan3A_322 = arith.constant 0 : i32
    %scan3A_323 = arith.constant 0 : i32
    %scan3A_324 = arith.constant 16 : i32
    %scan3A_325 = arith.addi %scan3A_323, %scan3A_324 : i32
    %scan3A_326 = arith.constant 1 : i32
    scf.for %scan3A_734 = %scan3A_323 to %scan3A_325 step %scan3A_326  : i32 {
      %mul3A_735 = arith.constant 256 : i32
      %mul3A_736 = arith.muli %scan3A_734, %mul3A_735 : i32
      %add3A_737 = arith.constant 0 : i32
      %add3A_738 = arith.addi %mul3A_736, %add3A_737 : i32
      %get3A = arith.index_cast %add3A_738 : i32 to index
      %get3A_739 = tpu.vector_load %arg7[%get3A] {strides = array<i32>} : memref<4096xi32, #tpu.memory_space<vmem>>, vector<16xi32>,
      %get3A_740 = arith.index_cast %add3A_738 : i32 to index
      %get3A_741 = tpu.vector_load %arg9[%get3A_740] {strides = array<i32>} : memref<4096xf32, #tpu.memory_space<vmem>>, vector<16xf32>,
      %broadcast_in_dim3A = arith.constant true
      %broadcast_in_dim3A_742 = vector.broadcast %broadcast_in_dim3A : i1 to vector<16xi1>
      %unique3A, %unique3A_743 = tpu.scan_count mask(%broadcast_in_dim3A_742 : vector<16xi1>) value(%get3A_739 : vector<16xi32>) : vector<16xi1>, vector<16xi32>
      %add3A_744 = arith.constant 16 : i32
      %add3A_745 = arith.addi %mul3A_736, %add3A_744 : i32
      %get3A_746 = arith.index_cast %add3A_745 : i32 to index
      %get3A_747 = tpu.vector_load %arg7[%get3A_746] {strides = array<i32>} : memref<4096xi32, #tpu.memory_space<vmem>>, vector<16xi32>,
      %get3A_748 = arith.index_cast %add3A_745 : i32 to index
      %get3A_749 = tpu.vector_load %arg9[%get3A_748] {strides = array<i32>} : memref<4096xf32, #tpu.memory_space<vmem>>, vector<16xf32>,
      %broadcast_in_dim3A_750 = arith.constant true
      %broadcast_in_dim3A_751 = vector.broadcast %broadcast_in_dim3A_750 : i1 to vector<16xi1>
      %unique3A_752, %unique3A_753 = tpu.scan_count mask(%broadcast_in_dim3A_751 : vector<16xi1>) value(%get3A_747 : vector<16xi32>) : vector<16xi1>, vector<16xi32>
      %add3A_754 = arith.constant 32 : i32
      %add3A_755 = arith.addi %mul3A_736, %add3A_754 : i32
      %get3A_756 = arith.index_cast %add3A_755 : i32 to index
      %get3A_757 = tpu.vector_load %arg7[%get3A_756] {strides = array<i32>} : memref<4096xi32, #tpu.memory_space<vmem>>, vector<16xi32>,
      %get3A_758 = arith.index_cast %add3A_755 : i32 to index
      %get3A_759 = tpu.vector_load %arg9[%get3A_758] {strides = array<i32>} : memref<4096xf32, #tpu.memory_space<vmem>>, vector<16xf32>,
      %broadcast_in_dim3A_760 = arith.constant true
      %broadcast_in_dim3A_761 = vector.broadcast %broadcast_in_dim3A_760 : i1 to vector<16xi1>
      %unique3A_762, %unique3A_763 = tpu.scan_count mask(%broadcast_in_dim3A_761 : vector<16xi1>) value(%get3A_757 : vector<16xi32>) : vector<16xi1>, vector<16xi32>
      %add3A_764 = arith.constant 48 : i32
      %add3A_765 = arith.addi %mul3A_736, %add3A_764 : i32
      %get3A_766 = arith.index_cast %add3A_765 : i32 to index
      %get3A_767 = tpu.vector_load %arg7[%get3A_766] {strides = array<i32>} : memref<4096xi32, #tpu.memory_space<vmem>>, vector<16xi32>,
      %get3A_768 = arith.index_cast %add3A_765 : i32 to index
      %get3A_769 = tpu.vector_load %arg9[%get3A_768] {strides = array<i32>} : memref<4096xf32, #tpu.memory_space<vmem>>, vector<16xf32>,
      %broadcast_in_dim3A_770 = arith.constant true
      %broadcast_in_dim3A_771 = vector.broadcast %broadcast_in_dim3A_770 : i1 to vector<16xi1>
      %unique3A_772, %unique3A_773 = tpu.scan_count mask(%broadcast_in_dim3A_771 : vector<16xi1>) value(%get3A_767 : vector<16xi32>) : vector<16xi1>, vector<16xi32>
      %add3A_774 = arith.constant 64 : i32
      %add3A_775 = arith.addi %mul3A_736, %add3A_774 : i32
      %get3A_776 = arith.index_cast %add3A_775 : i32 to index
      %get3A_777 = tpu.vector_load %arg7[%get3A_776] {strides = array<i32>} : memref<4096xi32, #tpu.memory_space<vmem>>, vector<16xi32>,
      %get3A_778 = arith.index_cast %add3A_775 : i32 to index
      %get3A_779 = tpu.vector_load %arg9[%get3A_778] {strides = array<i32>} : memref<4096xf32, #tpu.memory_space<vmem>>, vector<16xf32>,
      %broadcast_in_dim3A_780 = arith.constant true
      %broadcast_in_dim3A_781 = vector.broadcast %broadcast_in_dim3A_780 : i1 to vector<16xi1>
      %unique3A_782, %unique3A_783 = tpu.scan_count mask(%broadcast_in_dim3A_781 : vector<16xi1>) value(%get3A_777 : vector<16xi32>) : vector<16xi1>, vector<16xi32>
      %add3A_784 = arith.constant 80 : i32
      %add3A_785 = arith.addi %mul3A_736, %add3A_784 : i32
      %get3A_786 = arith.index_cast %add3A_785 : i32 to index
      %get3A_787 = tpu.vector_load %arg7[%get3A_786] {strides = array<i32>} : memref<4096xi32, #tpu.memory_space<vmem>>, vector<16xi32>,
      %get3A_788 = arith.index_cast %add3A_785 : i32 to index
      %get3A_789 = tpu.vector_load %arg9[%get3A_788] {strides = array<i32>} : memref<4096xf32, #tpu.memory_space<vmem>>, vector<16xf32>,
      %broadcast_in_dim3A_790 = arith.constant true
      %broadcast_in_dim3A_791 = vector.broadcast %broadcast_in_dim3A_790 : i1 to vector<16xi1>
      %unique3A_792, %unique3A_793 = tpu.scan_count mask(%broadcast_in_dim3A_791 : vector<16xi1>) value(%get3A_787 : vector<16xi32>) : vector<16xi1>, vector<16xi32>
      %add3A_794 = arith.constant 96 : i32
      %add3A_795 = arith.addi %mul3A_736, %add3A_794 : i32
      %get3A_796 = arith.index_cast %add3A_795 : i32 to index
      %get3A_797 = tpu.vector_load %arg7[%get3A_796] {strides = array<i32>} : memref<4096xi32, #tpu.memory_space<vmem>>, vector<16xi32>,
      %get3A_798 = arith.index_cast %add3A_795 : i32 to index
      %get3A_799 = tpu.vector_load %arg9[%get3A_798] {strides = array<i32>} : memref<4096xf32, #tpu.memory_space<vmem>>, vector<16xf32>,
      %broadcast_in_dim3A_800 = arith.constant true
      %broadcast_in_dim3A_801 = vector.broadcast %broadcast_in_dim3A_800 : i1 to vector<16xi1>
      %unique3A_802, %unique3A_803 = tpu.scan_count mask(%broadcast_in_dim3A_801 : vector<16xi1>) value(%get3A_797 : vector<16xi32>) : vector<16xi1>, vector<16xi32>
      %add3A_804 = arith.constant 112 : i32
      %add3A_805 = arith.addi %mul3A_736, %add3A_804 : i32
      %get3A_806 = arith.index_cast %add3A_805 : i32 to index
      %get3A_807 = tpu.vector_load %arg7[%get3A_806] {strides = array<i32>} : memref<4096xi32, #tpu.memory_space<vmem>>, vector<16xi32>,
      %get3A_808 = arith.index_cast %add3A_805 : i32 to index
      %get3A_809 = tpu.vector_load %arg9[%get3A_808] {strides = array<i32>} : memref<4096xf32, #tpu.memory_space<vmem>>, vector<16xf32>,
      %broadcast_in_dim3A_810 = arith.constant true
      %broadcast_in_dim3A_811 = vector.broadcast %broadcast_in_dim3A_810 : i1 to vector<16xi1>
      %unique3A_812, %unique3A_813 = tpu.scan_count mask(%broadcast_in_dim3A_811 : vector<16xi1>) value(%get3A_807 : vector<16xi32>) : vector<16xi1>, vector<16xi32>
      %add3A_814 = arith.constant 128 : i32
      %add3A_815 = arith.addi %mul3A_736, %add3A_814 : i32
      %get3A_816 = arith.index_cast %add3A_815 : i32 to index
      %get3A_817 = tpu.vector_load %arg7[%get3A_816] {strides = array<i32>} : memref<4096xi32, #tpu.memory_space<vmem>>, vector<16xi32>,
      %get3A_818 = arith.index_cast %add3A_815 : i32 to index
      %get3A_819 = tpu.vector_load %arg9[%get3A_818] {strides = array<i32>} : memref<4096xf32, #tpu.memory_space<vmem>>, vector<16xf32>,
      %broadcast_in_dim3A_820 = arith.constant true
      %broadcast_in_dim3A_821 = vector.broadcast %broadcast_in_dim3A_820 : i1 to vector<16xi1>
      %unique3A_822, %unique3A_823 = tpu.scan_count mask(%broadcast_in_dim3A_821 : vector<16xi1>) value(%get3A_817 : vector<16xi32>) : vector<16xi1>, vector<16xi32>
      %add3A_824 = arith.constant 144 : i32
      %add3A_825 = arith.addi %mul3A_736, %add3A_824 : i32
      %get3A_826 = arith.index_cast %add3A_825 : i32 to index
      %get3A_827 = tpu.vector_load %arg7[%get3A_826] {strides = array<i32>} : memref<4096xi32, #tpu.memory_space<vmem>>, vector<16xi32>,
      %get3A_828 = arith.index_cast %add3A_825 : i32 to index
      %get3A_829 = tpu.vector_load %arg9[%get3A_828] {strides = array<i32>} : memref<4096xf32, #tpu.memory_space<vmem>>, vector<16xf32>,
      %broadcast_in_dim3A_830 = arith.constant true
      %broadcast_in_dim3A_831 = vector.broadcast %broadcast_in_dim3A_830 : i1 to vector<16xi1>
      %unique3A_832, %unique3A_833 = tpu.scan_count mask(%broadcast_in_dim3A_831 : vector<16xi1>) value(%get3A_827 : vector<16xi32>) : vector<16xi1>, vector<16xi32>
      %add3A_834 = arith.constant 160 : i32
      %add3A_835 = arith.addi %mul3A_736, %add3A_834 : i32
      %get3A_836 = arith.index_cast %add3A_835 : i32 to index
      %get3A_837 = tpu.vector_load %arg7[%get3A_836] {strides = array<i32>} : memref<4096xi32, #tpu.memory_space<vmem>>, vector<16xi32>,
      %get3A_838 = arith.index_cast %add3A_835 : i32 to index
      %get3A_839 = tpu.vector_load %arg9[%get3A_838] {strides = array<i32>} : memref<4096xf32, #tpu.memory_space<vmem>>, vector<16xf32>,
      %broadcast_in_dim3A_840 = arith.constant true
      %broadcast_in_dim3A_841 = vector.broadcast %broadcast_in_dim3A_840 : i1 to vector<16xi1>
      %unique3A_842, %unique3A_843 = tpu.scan_count mask(%broadcast_in_dim3A_841 : vector<16xi1>) value(%get3A_837 : vector<16xi32>) : vector<16xi1>, vector<16xi32>
      %add3A_844 = arith.constant 176 : i32
      %add3A_845 = arith.addi %mul3A_736, %add3A_844 : i32
      %get3A_846 = arith.index_cast %add3A_845 : i32 to index
      %get3A_847 = tpu.vector_load %arg7[%get3A_846] {strides = array<i32>} : memref<4096xi32, #tpu.memory_space<vmem>>, vector<16xi32>,
      %get3A_848 = arith.index_cast %add3A_845 : i32 to index
      %get3A_849 = tpu.vector_load %arg9[%get3A_848] {strides = array<i32>} : memref<4096xf32, #tpu.memory_space<vmem>>, vector<16xf32>,
      %broadcast_in_dim3A_850 = arith.constant true
      %broadcast_in_dim3A_851 = vector.broadcast %broadcast_in_dim3A_850 : i1 to vector<16xi1>
      %unique3A_852, %unique3A_853 = tpu.scan_count mask(%broadcast_in_dim3A_851 : vector<16xi1>) value(%get3A_847 : vector<16xi32>) : vector<16xi1>, vector<16xi32>
      %add3A_854 = arith.constant 192 : i32
      %add3A_855 = arith.addi %mul3A_736, %add3A_854 : i32
      %get3A_856 = arith.index_cast %add3A_855 : i32 to index
      %get3A_857 = tpu.vector_load %arg7[%get3A_856] {strides = array<i32>} : memref<4096xi32, #tpu.memory_space<vmem>>, vector<16xi32>,
      %get3A_858 = arith.index_cast %add3A_855 : i32 to index
      %get3A_859 = tpu.vector_load %arg9[%get3A_858] {strides = array<i32>} : memref<4096xf32, #tpu.memory_space<vmem>>, vector<16xf32>,
      %broadcast_in_dim3A_860 = arith.constant true
      %broadcast_in_dim3A_861 = vector.broadcast %broadcast_in_dim3A_860 : i1 to vector<16xi1>
      %unique3A_862, %unique3A_863 = tpu.scan_count mask(%broadcast_in_dim3A_861 : vector<16xi1>) value(%get3A_857 : vector<16xi32>) : vector<16xi1>, vector<16xi32>
      %add3A_864 = arith.constant 208 : i32
      %add3A_865 = arith.addi %mul3A_736, %add3A_864 : i32
      %get3A_866 = arith.index_cast %add3A_865 : i32 to index
      %get3A_867 = tpu.vector_load %arg7[%get3A_866] {strides = array<i32>} : memref<4096xi32, #tpu.memory_space<vmem>>, vector<16xi32>,
      %get3A_868 = arith.index_cast %add3A_865 : i32 to index
      %get3A_869 = tpu.vector_load %arg9[%get3A_868] {strides = array<i32>} : memref<4096xf32, #tpu.memory_space<vmem>>, vector<16xf32>,
      %broadcast_in_dim3A_870 = arith.constant true
      %broadcast_in_dim3A_871 = vector.broadcast %broadcast_in_dim3A_870 : i1 to vector<16xi1>
      %unique3A_872, %unique3A_873 = tpu.scan_count mask(%broadcast_in_dim3A_871 : vector<16xi1>) value(%get3A_867 : vector<16xi32>) : vector<16xi1>, vector<16xi32>
      %add3A_874 = arith.constant 224 : i32
      %add3A_875 = arith.addi %mul3A_736, %add3A_874 : i32
      %get3A_876 = arith.index_cast %add3A_875 : i32 to index
      %get3A_877 = tpu.vector_load %arg7[%get3A_876] {strides = array<i32>} : memref<4096xi32, #tpu.memory_space<vmem>>, vector<16xi32>,
      %get3A_878 = arith.index_cast %add3A_875 : i32 to index
      %get3A_879 = tpu.vector_load %arg9[%get3A_878] {strides = array<i32>} : memref<4096xf32, #tpu.memory_space<vmem>>, vector<16xf32>,
      %broadcast_in_dim3A_880 = arith.constant true
      %broadcast_in_dim3A_881 = vector.broadcast %broadcast_in_dim3A_880 : i1 to vector<16xi1>
      %unique3A_882, %unique3A_883 = tpu.scan_count mask(%broadcast_in_dim3A_881 : vector<16xi1>) value(%get3A_877 : vector<16xi32>) : vector<16xi1>, vector<16xi32>
      %add3A_884 = arith.constant 240 : i32
      %add3A_885 = arith.addi %mul3A_736, %add3A_884 : i32
      %get3A_886 = arith.index_cast %add3A_885 : i32 to index
      %get3A_887 = tpu.vector_load %arg7[%get3A_886] {strides = array<i32>} : memref<4096xi32, #tpu.memory_space<vmem>>, vector<16xi32>,
      %get3A_888 = arith.index_cast %add3A_885 : i32 to index
      %get3A_889 = tpu.vector_load %arg9[%get3A_888] {strides = array<i32>} : memref<4096xf32, #tpu.memory_space<vmem>>, vector<16xf32>,
      %broadcast_in_dim3A_890 = arith.constant true
      %broadcast_in_dim3A_891 = vector.broadcast %broadcast_in_dim3A_890 : i1 to vector<16xi1>
      %unique3A_892, %unique3A_893 = tpu.scan_count mask(%broadcast_in_dim3A_891 : vector<16xi1>) value(%get3A_887 : vector<16xi32>) : vector<16xi1>, vector<16xi32>
      tpu.vector_store_idx %arg6[%get3A_739], %get3A_741 masked %unique3A : memref<100000xf32, #tpu.memory_space<vmem>>[vector<16xi32>], vector<16xf32>, vector<16xi1>
      tpu.vector_store_idx %arg6[%get3A_747], %get3A_749 masked %unique3A_752 : memref<100000xf32, #tpu.memory_space<vmem>>[vector<16xi32>], vector<16xf32>, vector<16xi1>
      tpu.vector_store_idx %arg6[%get3A_757], %get3A_759 masked %unique3A_762 : memref<100000xf32, #tpu.memory_space<vmem>>[vector<16xi32>], vector<16xf32>, vector<16xi1>
      tpu.vector_store_idx %arg6[%get3A_767], %get3A_769 masked %unique3A_772 : memref<100000xf32, #tpu.memory_space<vmem>>[vector<16xi32>], vector<16xf32>, vector<16xi1>
      tpu.vector_store_idx %arg6[%get3A_777], %get3A_779 masked %unique3A_782 : memref<100000xf32, #tpu.memory_space<vmem>>[vector<16xi32>], vector<16xf32>, vector<16xi1>
      tpu.vector_store_idx %arg6[%get3A_787], %get3A_789 masked %unique3A_792 : memref<100000xf32, #tpu.memory_space<vmem>>[vector<16xi32>], vector<16xf32>, vector<16xi1>
      tpu.vector_store_idx %arg6[%get3A_797], %get3A_799 masked %unique3A_802 : memref<100000xf32, #tpu.memory_space<vmem>>[vector<16xi32>], vector<16xf32>, vector<16xi1>
      tpu.vector_store_idx %arg6[%get3A_807], %get3A_809 masked %unique3A_812 : memref<100000xf32, #tpu.memory_space<vmem>>[vector<16xi32>], vector<16xf32>, vector<16xi1>
      tpu.vector_store_idx %arg6[%get3A_817], %get3A_819 masked %unique3A_822 : memref<100000xf32, #tpu.memory_space<vmem>>[vector<16xi32>], vector<16xf32>, vector<16xi1>
      tpu.vector_store_idx %arg6[%get3A_827], %get3A_829 masked %unique3A_832 : memref<100000xf32, #tpu.memory_space<vmem>>[vector<16xi32>], vector<16xf32>, vector<16xi1>
      tpu.vector_store_idx %arg6[%get3A_837], %get3A_839 masked %unique3A_842 : memref<100000xf32, #tpu.memory_space<vmem>>[vector<16xi32>], vector<16xf32>, vector<16xi1>
      tpu.vector_store_idx %arg6[%get3A_847], %get3A_849 masked %unique3A_852 : memref<100000xf32, #tpu.memory_space<vmem>>[vector<16xi32>], vector<16xf32>, vector<16xi1>
      tpu.vector_store_idx %arg6[%get3A_857], %get3A_859 masked %unique3A_862 : memref<100000xf32, #tpu.memory_space<vmem>>[vector<16xi32>], vector<16xf32>, vector<16xi1>
      tpu.vector_store_idx %arg6[%get3A_867], %get3A_869 masked %unique3A_872 : memref<100000xf32, #tpu.memory_space<vmem>>[vector<16xi32>], vector<16xf32>, vector<16xi1>
      tpu.vector_store_idx %arg6[%get3A_877], %get3A_879 masked %unique3A_882 : memref<100000xf32, #tpu.memory_space<vmem>>[vector<16xi32>], vector<16xf32>, vector<16xi1>
      tpu.vector_store_idx %arg6[%get3A_887], %get3A_889 masked %unique3A_892 : memref<100000xf32, #tpu.memory_space<vmem>>[vector<16xi32>], vector<16xf32>, vector<16xi1>
    }
    %scan3A_327 = arith.constant 16 : i32
    %add3A_328 = arith.constant 64 : i32
    %add3A_329 = arith.addi %add3A_328, %add3A : i32
    %add3A_330 = arith.constant 64 : i32
    %add3A_331 = arith.addi %add3A_330, %add3A : i32
    %dma_start3A_332 = arith.constant 0 : i32
    %dma_start3A_333 = tpu.memref_slice %arg3[%add3A_329, %dma_start3A_332] : memref<128x16384xi32, #tpu.memory_space<hbm>> -> memref<1x4096xi32, #tpu.memory_space<hbm>>
    %dma_start3A_334 = tpu.memref_squeeze %dma_start3A_333 : memref<1x4096xi32, #tpu.memory_space<hbm>> -> memref<4096xi32, #tpu.memory_space<hbm>>
    %dma_start3A_335 = arith.constant 0 : i32
    %dma_start3A_336 = tpu.memref_slice %arg3[%add3A_329, %dma_start3A_335] : memref<128x16384xi32, #tpu.memory_space<hbm>> -> memref<1x4096xi32, #tpu.memory_space<hbm>>
    %dma_start3A_337 = tpu.memref_squeeze %dma_start3A_336 : memref<1x4096xi32, #tpu.memory_space<hbm>> -> memref<4096xi32, #tpu.memory_space<hbm>>
    tpu.enqueue_dma source(%dma_start3A_337 : memref<4096xi32, #tpu.memory_space<hbm>>) target(%arg7 : memref<4096xi32, #tpu.memory_space<vmem>>) target_semaphore(%arg13 : memref<!tpu.dma_semaphore, #tpu.memory_space<semaphore_mem>>)
    %dma_start3A_338 = arith.constant 0 : i32
    %dma_start3A_339 = tpu.memref_slice %arg4[%add3A_331, %dma_start3A_338] : memref<128x16384xf32, #tpu.memory_space<hbm>> -> memref<1x4096xf32, #tpu.memory_space<hbm>>
    %dma_start3A_340 = tpu.memref_squeeze %dma_start3A_339 : memref<1x4096xf32, #tpu.memory_space<hbm>> -> memref<4096xf32, #tpu.memory_space<hbm>>
    %dma_start3A_341 = arith.constant 0 : i32
    %dma_start3A_342 = tpu.memref_slice %arg4[%add3A_331, %dma_start3A_341] : memref<128x16384xf32, #tpu.memory_space<hbm>> -> memref<1x4096xf32, #tpu.memory_space<hbm>>
    %dma_start3A_343 = tpu.memref_squeeze %dma_start3A_342 : memref<1x4096xf32, #tpu.memory_space<hbm>> -> memref<4096xf32, #tpu.memory_space<hbm>>
    tpu.enqueue_dma source(%dma_start3A_343 : memref<4096xf32, #tpu.memory_space<hbm>>) target(%arg9 : memref<4096xf32, #tpu.memory_space<vmem>>) target_semaphore(%arg13 : memref<!tpu.dma_semaphore, #tpu.memory_space<semaphore_mem>>)
    %add3A_344 = arith.constant 32 : i32
    %add3A_345 = arith.addi %add3A_344, %add3A : i32
    %add3A_346 = arith.constant 32 : i32
    %add3A_347 = arith.addi %add3A_346, %add3A : i32
    %dma_wait3A_348 = arith.constant 12288 : i32
    %dma_wait3A_349 = tpu.memref_slice %arg3[%add3A_345, %dma_wait3A_348] : memref<128x16384xi32, #tpu.memory_space<hbm>> -> memref<1x4096xi32, #tpu.memory_space<hbm>>
    %dma_wait3A_350 = tpu.memref_squeeze %dma_wait3A_349 : memref<1x4096xi32, #tpu.memory_space<hbm>> -> memref<4096xi32, #tpu.memory_space<hbm>>
    %dma_wait3A_351 = arith.constant 12288 : i32
    %dma_wait3A_352 = tpu.memref_slice %arg3[%add3A_345, %dma_wait3A_351] : memref<128x16384xi32, #tpu.memory_space<hbm>> -> memref<1x4096xi32, #tpu.memory_space<hbm>>
    %dma_wait3A_353 = tpu.memref_squeeze %dma_wait3A_352 : memref<1x4096xi32, #tpu.memory_space<hbm>> -> memref<4096xi32, #tpu.memory_space<hbm>>
    tpu.wait_dma2 semaphore(%arg14 : memref<!tpu.dma_semaphore, #tpu.memory_space<semaphore_mem>>) src(%dma_wait3A_353 : memref<4096xi32, #tpu.memory_space<hbm>>) dst(%arg8 : memref<4096xi32, #tpu.memory_space<vmem>>)
    %dma_wait3A_354 = arith.constant 12288 : i32
    %dma_wait3A_355 = tpu.memref_slice %arg4[%add3A_347, %dma_wait3A_354] : memref<128x16384xf32, #tpu.memory_space<hbm>> -> memref<1x4096xf32, #tpu.memory_space<hbm>>
    %dma_wait3A_356 = tpu.memref_squeeze %dma_wait3A_355 : memref<1x4096xf32, #tpu.memory_space<hbm>> -> memref<4096xf32, #tpu.memory_space<hbm>>
    %dma_wait3A_357 = arith.constant 12288 : i32
    %dma_wait3A_358 = tpu.memref_slice %arg4[%add3A_347, %dma_wait3A_357] : memref<128x16384xf32, #tpu.memory_space<hbm>> -> memref<1x4096xf32, #tpu.memory_space<hbm>>
    %dma_wait3A_359 = tpu.memref_squeeze %dma_wait3A_358 : memref<1x4096xf32, #tpu.memory_space<hbm>> -> memref<4096xf32, #tpu.memory_space<hbm>>
    tpu.wait_dma2 semaphore(%arg14 : memref<!tpu.dma_semaphore, #tpu.memory_space<semaphore_mem>>) src(%dma_wait3A_359 : memref<4096xf32, #tpu.memory_space<hbm>>) dst(%arg10 : memref<4096xf32, #tpu.memory_space<vmem>>)
    %scan3A_360 = arith.constant 0 : i32
    %scan3A_361 = arith.constant 0 : i32
    %scan3A_362 = arith.constant 16 : i32
    %scan3A_363 = arith.addi %scan3A_361, %scan3A_362 : i32
    %scan3A_364 = arith.constant 1 : i32
    scf.for %scan3A_734 = %scan3A_361 to %scan3A_363 step %scan3A_364  : i32 {
      %mul3A_735 = arith.constant 256 : i32
      %mul3A_736 = arith.muli %scan3A_734, %mul3A_735 : i32
      %add3A_737 = arith.constant 0 : i32
      %add3A_738 = arith.addi %mul3A_736, %add3A_737 : i32
      %get3A = arith.index_cast %add3A_738 : i32 to index
      %get3A_739 = tpu.vector_load %arg8[%get3A] {strides = array<i32>} : memref<4096xi32, #tpu.memory_space<vmem>>, vector<16xi32>,
      %get3A_740 = arith.index_cast %add3A_738 : i32 to index
      %get3A_741 = tpu.vector_load %arg10[%get3A_740] {strides = array<i32>} : memref<4096xf32, #tpu.memory_space<vmem>>, vector<16xf32>,
      %broadcast_in_dim3A = arith.constant true
      %broadcast_in_dim3A_742 = vector.broadcast %broadcast_in_dim3A : i1 to vector<16xi1>
      %unique3A, %unique3A_743 = tpu.scan_count mask(%broadcast_in_dim3A_742 : vector<16xi1>) value(%get3A_739 : vector<16xi32>) : vector<16xi1>, vector<16xi32>
      %add3A_744 = arith.constant 16 : i32
      %add3A_745 = arith.addi %mul3A_736, %add3A_744 : i32
      %get3A_746 = arith.index_cast %add3A_745 : i32 to index
      %get3A_747 = tpu.vector_load %arg8[%get3A_746] {strides = array<i32>} : memref<4096xi32, #tpu.memory_space<vmem>>, vector<16xi32>,
      %get3A_748 = arith.index_cast %add3A_745 : i32 to index
      %get3A_749 = tpu.vector_load %arg10[%get3A_748] {strides = array<i32>} : memref<4096xf32, #tpu.memory_space<vmem>>, vector<16xf32>,
      %broadcast_in_dim3A_750 = arith.constant true
      %broadcast_in_dim3A_751 = vector.broadcast %broadcast_in_dim3A_750 : i1 to vector<16xi1>
      %unique3A_752, %unique3A_753 = tpu.scan_count mask(%broadcast_in_dim3A_751 : vector<16xi1>) value(%get3A_747 : vector<16xi32>) : vector<16xi1>, vector<16xi32>
      %add3A_754 = arith.constant 32 : i32
      %add3A_755 = arith.addi %mul3A_736, %add3A_754 : i32
      %get3A_756 = arith.index_cast %add3A_755 : i32 to index
      %get3A_757 = tpu.vector_load %arg8[%get3A_756] {strides = array<i32>} : memref<4096xi32, #tpu.memory_space<vmem>>, vector<16xi32>,
      %get3A_758 = arith.index_cast %add3A_755 : i32 to index
      %get3A_759 = tpu.vector_load %arg10[%get3A_758] {strides = array<i32>} : memref<4096xf32, #tpu.memory_space<vmem>>, vector<16xf32>,
      %broadcast_in_dim3A_760 = arith.constant true
      %broadcast_in_dim3A_761 = vector.broadcast %broadcast_in_dim3A_760 : i1 to vector<16xi1>
      %unique3A_762, %unique3A_763 = tpu.scan_count mask(%broadcast_in_dim3A_761 : vector<16xi1>) value(%get3A_757 : vector<16xi32>) : vector<16xi1>, vector<16xi32>
      %add3A_764 = arith.constant 48 : i32
      %add3A_765 = arith.addi %mul3A_736, %add3A_764 : i32
      %get3A_766 = arith.index_cast %add3A_765 : i32 to index
      %get3A_767 = tpu.vector_load %arg8[%get3A_766] {strides = array<i32>} : memref<4096xi32, #tpu.memory_space<vmem>>, vector<16xi32>,
      %get3A_768 = arith.index_cast %add3A_765 : i32 to index
      %get3A_769 = tpu.vector_load %arg10[%get3A_768] {strides = array<i32>} : memref<4096xf32, #tpu.memory_space<vmem>>, vector<16xf32>,
      %broadcast_in_dim3A_770 = arith.constant true
      %broadcast_in_dim3A_771 = vector.broadcast %broadcast_in_dim3A_770 : i1 to vector<16xi1>
      %unique3A_772, %unique3A_773 = tpu.scan_count mask(%broadcast_in_dim3A_771 : vector<16xi1>) value(%get3A_767 : vector<16xi32>) : vector<16xi1>, vector<16xi32>
      %add3A_774 = arith.constant 64 : i32
      %add3A_775 = arith.addi %mul3A_736, %add3A_774 : i32
      %get3A_776 = arith.index_cast %add3A_775 : i32 to index
      %get3A_777 = tpu.vector_load %arg8[%get3A_776] {strides = array<i32>} : memref<4096xi32, #tpu.memory_space<vmem>>, vector<16xi32>,
      %get3A_778 = arith.index_cast %add3A_775 : i32 to index
      %get3A_779 = tpu.vector_load %arg10[%get3A_778] {strides = array<i32>} : memref<4096xf32, #tpu.memory_space<vmem>>, vector<16xf32>,
      %broadcast_in_dim3A_780 = arith.constant true
      %broadcast_in_dim3A_781 = vector.broadcast %broadcast_in_dim3A_780 : i1 to vector<16xi1>
      %unique3A_782, %unique3A_783 = tpu.scan_count mask(%broadcast_in_dim3A_781 : vector<16xi1>) value(%get3A_777 : vector<16xi32>) : vector<16xi1>, vector<16xi32>
      %add3A_784 = arith.constant 80 : i32
      %add3A_785 = arith.addi %mul3A_736, %add3A_784 : i32
      %get3A_786 = arith.index_cast %add3A_785 : i32 to index
      %get3A_787 = tpu.vector_load %arg8[%get3A_786] {strides = array<i32>} : memref<4096xi32, #tpu.memory_space<vmem>>, vector<16xi32>,
      %get3A_788 = arith.index_cast %add3A_785 : i32 to index
      %get3A_789 = tpu.vector_load %arg10[%get3A_788] {strides = array<i32>} : memref<4096xf32, #tpu.memory_space<vmem>>, vector<16xf32>,
      %broadcast_in_dim3A_790 = arith.constant true
      %broadcast_in_dim3A_791 = vector.broadcast %broadcast_in_dim3A_790 : i1 to vector<16xi1>
      %unique3A_792, %unique3A_793 = tpu.scan_count mask(%broadcast_in_dim3A_791 : vector<16xi1>) value(%get3A_787 : vector<16xi32>) : vector<16xi1>, vector<16xi32>
      %add3A_794 = arith.constant 96 : i32
      %add3A_795 = arith.addi %mul3A_736, %add3A_794 : i32
      %get3A_796 = arith.index_cast %add3A_795 : i32 to index
      %get3A_797 = tpu.vector_load %arg8[%get3A_796] {strides = array<i32>} : memref<4096xi32, #tpu.memory_space<vmem>>, vector<16xi32>,
      %get3A_798 = arith.index_cast %add3A_795 : i32 to index
      %get3A_799 = tpu.vector_load %arg10[%get3A_798] {strides = array<i32>} : memref<4096xf32, #tpu.memory_space<vmem>>, vector<16xf32>,
      %broadcast_in_dim3A_800 = arith.constant true
      %broadcast_in_dim3A_801 = vector.broadcast %broadcast_in_dim3A_800 : i1 to vector<16xi1>
      %unique3A_802, %unique3A_803 = tpu.scan_count mask(%broadcast_in_dim3A_801 : vector<16xi1>) value(%get3A_797 : vector<16xi32>) : vector<16xi1>, vector<16xi32>
      %add3A_804 = arith.constant 112 : i32
      %add3A_805 = arith.addi %mul3A_736, %add3A_804 : i32
      %get3A_806 = arith.index_cast %add3A_805 : i32 to index
      %get3A_807 = tpu.vector_load %arg8[%get3A_806] {strides = array<i32>} : memref<4096xi32, #tpu.memory_space<vmem>>, vector<16xi32>,
      %get3A_808 = arith.index_cast %add3A_805 : i32 to index
      %get3A_809 = tpu.vector_load %arg10[%get3A_808] {strides = array<i32>} : memref<4096xf32, #tpu.memory_space<vmem>>, vector<16xf32>,
      %broadcast_in_dim3A_810 = arith.constant true
      %broadcast_in_dim3A_811 = vector.broadcast %broadcast_in_dim3A_810 : i1 to vector<16xi1>
      %unique3A_812, %unique3A_813 = tpu.scan_count mask(%broadcast_in_dim3A_811 : vector<16xi1>) value(%get3A_807 : vector<16xi32>) : vector<16xi1>, vector<16xi32>
      %add3A_814 = arith.constant 128 : i32
      %add3A_815 = arith.addi %mul3A_736, %add3A_814 : i32
      %get3A_816 = arith.index_cast %add3A_815 : i32 to index
      %get3A_817 = tpu.vector_load %arg8[%get3A_816] {strides = array<i32>} : memref<4096xi32, #tpu.memory_space<vmem>>, vector<16xi32>,
      %get3A_818 = arith.index_cast %add3A_815 : i32 to index
      %get3A_819 = tpu.vector_load %arg10[%get3A_818] {strides = array<i32>} : memref<4096xf32, #tpu.memory_space<vmem>>, vector<16xf32>,
      %broadcast_in_dim3A_820 = arith.constant true
      %broadcast_in_dim3A_821 = vector.broadcast %broadcast_in_dim3A_820 : i1 to vector<16xi1>
      %unique3A_822, %unique3A_823 = tpu.scan_count mask(%broadcast_in_dim3A_821 : vector<16xi1>) value(%get3A_817 : vector<16xi32>) : vector<16xi1>, vector<16xi32>
      %add3A_824 = arith.constant 144 : i32
      %add3A_825 = arith.addi %mul3A_736, %add3A_824 : i32
      %get3A_826 = arith.index_cast %add3A_825 : i32 to index
      %get3A_827 = tpu.vector_load %arg8[%get3A_826] {strides = array<i32>} : memref<4096xi32, #tpu.memory_space<vmem>>, vector<16xi32>,
      %get3A_828 = arith.index_cast %add3A_825 : i32 to index
      %get3A_829 = tpu.vector_load %arg10[%get3A_828] {strides = array<i32>} : memref<4096xf32, #tpu.memory_space<vmem>>, vector<16xf32>,
      %broadcast_in_dim3A_830 = arith.constant true
      %broadcast_in_dim3A_831 = vector.broadcast %broadcast_in_dim3A_830 : i1 to vector<16xi1>
      %unique3A_832, %unique3A_833 = tpu.scan_count mask(%broadcast_in_dim3A_831 : vector<16xi1>) value(%get3A_827 : vector<16xi32>) : vector<16xi1>, vector<16xi32>
      %add3A_834 = arith.constant 160 : i32
      %add3A_835 = arith.addi %mul3A_736, %add3A_834 : i32
      %get3A_836 = arith.index_cast %add3A_835 : i32 to index
      %get3A_837 = tpu.vector_load %arg8[%get3A_836] {strides = array<i32>} : memref<4096xi32, #tpu.memory_space<vmem>>, vector<16xi32>,
      %get3A_838 = arith.index_cast %add3A_835 : i32 to index
      %get3A_839 = tpu.vector_load %arg10[%get3A_838] {strides = array<i32>} : memref<4096xf32, #tpu.memory_space<vmem>>, vector<16xf32>,
      %broadcast_in_dim3A_840 = arith.constant true
      %broadcast_in_dim3A_841 = vector.broadcast %broadcast_in_dim3A_840 : i1 to vector<16xi1>
      %unique3A_842, %unique3A_843 = tpu.scan_count mask(%broadcast_in_dim3A_841 : vector<16xi1>) value(%get3A_837 : vector<16xi32>) : vector<16xi1>, vector<16xi32>
      %add3A_844 = arith.constant 176 : i32
      %add3A_845 = arith.addi %mul3A_736, %add3A_844 : i32
      %get3A_846 = arith.index_cast %add3A_845 : i32 to index
      %get3A_847 = tpu.vector_load %arg8[%get3A_846] {strides = array<i32>} : memref<4096xi32, #tpu.memory_space<vmem>>, vector<16xi32>,
      %get3A_848 = arith.index_cast %add3A_845 : i32 to index
      %get3A_849 = tpu.vector_load %arg10[%get3A_848] {strides = array<i32>} : memref<4096xf32, #tpu.memory_space<vmem>>, vector<16xf32>,
      %broadcast_in_dim3A_850 = arith.constant true
      %broadcast_in_dim3A_851 = vector.broadcast %broadcast_in_dim3A_850 : i1 to vector<16xi1>
      %unique3A_852, %unique3A_853 = tpu.scan_count mask(%broadcast_in_dim3A_851 : vector<16xi1>) value(%get3A_847 : vector<16xi32>) : vector<16xi1>, vector<16xi32>
      %add3A_854 = arith.constant 192 : i32
      %add3A_855 = arith.addi %mul3A_736, %add3A_854 : i32
      %get3A_856 = arith.index_cast %add3A_855 : i32 to index
      %get3A_857 = tpu.vector_load %arg8[%get3A_856] {strides = array<i32>} : memref<4096xi32, #tpu.memory_space<vmem>>, vector<16xi32>,
      %get3A_858 = arith.index_cast %add3A_855 : i32 to index
      %get3A_859 = tpu.vector_load %arg10[%get3A_858] {strides = array<i32>} : memref<4096xf32, #tpu.memory_space<vmem>>, vector<16xf32>,
      %broadcast_in_dim3A_860 = arith.constant true
      %broadcast_in_dim3A_861 = vector.broadcast %broadcast_in_dim3A_860 : i1 to vector<16xi1>
      %unique3A_862, %unique3A_863 = tpu.scan_count mask(%broadcast_in_dim3A_861 : vector<16xi1>) value(%get3A_857 : vector<16xi32>) : vector<16xi1>, vector<16xi32>
      %add3A_864 = arith.constant 208 : i32
      %add3A_865 = arith.addi %mul3A_736, %add3A_864 : i32
      %get3A_866 = arith.index_cast %add3A_865 : i32 to index
      %get3A_867 = tpu.vector_load %arg8[%get3A_866] {strides = array<i32>} : memref<4096xi32, #tpu.memory_space<vmem>>, vector<16xi32>,
      %get3A_868 = arith.index_cast %add3A_865 : i32 to index
      %get3A_869 = tpu.vector_load %arg10[%get3A_868] {strides = array<i32>} : memref<4096xf32, #tpu.memory_space<vmem>>, vector<16xf32>,
      %broadcast_in_dim3A_870 = arith.constant true
      %broadcast_in_dim3A_871 = vector.broadcast %broadcast_in_dim3A_870 : i1 to vector<16xi1>
      %unique3A_872, %unique3A_873 = tpu.scan_count mask(%broadcast_in_dim3A_871 : vector<16xi1>) value(%get3A_867 : vector<16xi32>) : vector<16xi1>, vector<16xi32>
      %add3A_874 = arith.constant 224 : i32
      %add3A_875 = arith.addi %mul3A_736, %add3A_874 : i32
      %get3A_876 = arith.index_cast %add3A_875 : i32 to index
      %get3A_877 = tpu.vector_load %arg8[%get3A_876] {strides = array<i32>} : memref<4096xi32, #tpu.memory_space<vmem>>, vector<16xi32>,
      %get3A_878 = arith.index_cast %add3A_875 : i32 to index
      %get3A_879 = tpu.vector_load %arg10[%get3A_878] {strides = array<i32>} : memref<4096xf32, #tpu.memory_space<vmem>>, vector<16xf32>,
      %broadcast_in_dim3A_880 = arith.constant true
      %broadcast_in_dim3A_881 = vector.broadcast %broadcast_in_dim3A_880 : i1 to vector<16xi1>
      %unique3A_882, %unique3A_883 = tpu.scan_count mask(%broadcast_in_dim3A_881 : vector<16xi1>) value(%get3A_877 : vector<16xi32>) : vector<16xi1>, vector<16xi32>
      %add3A_884 = arith.constant 240 : i32
      %add3A_885 = arith.addi %mul3A_736, %add3A_884 : i32
      %get3A_886 = arith.index_cast %add3A_885 : i32 to index
      %get3A_887 = tpu.vector_load %arg8[%get3A_886] {strides = array<i32>} : memref<4096xi32, #tpu.memory_space<vmem>>, vector<16xi32>,
      %get3A_888 = arith.index_cast %add3A_885 : i32 to index
      %get3A_889 = tpu.vector_load %arg10[%get3A_888] {strides = array<i32>} : memref<4096xf32, #tpu.memory_space<vmem>>, vector<16xf32>,
      %broadcast_in_dim3A_890 = arith.constant true
      %broadcast_in_dim3A_891 = vector.broadcast %broadcast_in_dim3A_890 : i1 to vector<16xi1>
      %unique3A_892, %unique3A_893 = tpu.scan_count mask(%broadcast_in_dim3A_891 : vector<16xi1>) value(%get3A_887 : vector<16xi32>) : vector<16xi1>, vector<16xi32>
      tpu.vector_store_idx %arg6[%get3A_739], %get3A_741 masked %unique3A : memref<100000xf32, #tpu.memory_space<vmem>>[vector<16xi32>], vector<16xf32>, vector<16xi1>
      tpu.vector_store_idx %arg6[%get3A_747], %get3A_749 masked %unique3A_752 : memref<100000xf32, #tpu.memory_space<vmem>>[vector<16xi32>], vector<16xf32>, vector<16xi1>
      tpu.vector_store_idx %arg6[%get3A_757], %get3A_759 masked %unique3A_762 : memref<100000xf32, #tpu.memory_space<vmem>>[vector<16xi32>], vector<16xf32>, vector<16xi1>
      tpu.vector_store_idx %arg6[%get3A_767], %get3A_769 masked %unique3A_772 : memref<100000xf32, #tpu.memory_space<vmem>>[vector<16xi32>], vector<16xf32>, vector<16xi1>
      tpu.vector_store_idx %arg6[%get3A_777], %get3A_779 masked %unique3A_782 : memref<100000xf32, #tpu.memory_space<vmem>>[vector<16xi32>], vector<16xf32>, vector<16xi1>
      tpu.vector_store_idx %arg6[%get3A_787], %get3A_789 masked %unique3A_792 : memref<100000xf32, #tpu.memory_space<vmem>>[vector<16xi32>], vector<16xf32>, vector<16xi1>
      tpu.vector_store_idx %arg6[%get3A_797], %get3A_799 masked %unique3A_802 : memref<100000xf32, #tpu.memory_space<vmem>>[vector<16xi32>], vector<16xf32>, vector<16xi1>
      tpu.vector_store_idx %arg6[%get3A_807], %get3A_809 masked %unique3A_812 : memref<100000xf32, #tpu.memory_space<vmem>>[vector<16xi32>], vector<16xf32>, vector<16xi1>
      tpu.vector_store_idx %arg6[%get3A_817], %get3A_819 masked %unique3A_822 : memref<100000xf32, #tpu.memory_space<vmem>>[vector<16xi32>], vector<16xf32>, vector<16xi1>
      tpu.vector_store_idx %arg6[%get3A_827], %get3A_829 masked %unique3A_832 : memref<100000xf32, #tpu.memory_space<vmem>>[vector<16xi32>], vector<16xf32>, vector<16xi1>
      tpu.vector_store_idx %arg6[%get3A_837], %get3A_839 masked %unique3A_842 : memref<100000xf32, #tpu.memory_space<vmem>>[vector<16xi32>], vector<16xf32>, vector<16xi1>
      tpu.vector_store_idx %arg6[%get3A_847], %get3A_849 masked %unique3A_852 : memref<100000xf32, #tpu.memory_space<vmem>>[vector<16xi32>], vector<16xf32>, vector<16xi1>
      tpu.vector_store_idx %arg6[%get3A_857], %get3A_859 masked %unique3A_862 : memref<100000xf32, #tpu.memory_space<vmem>>[vector<16xi32>], vector<16xf32>, vector<16xi1>
      tpu.vector_store_idx %arg6[%get3A_867], %get3A_869 masked %unique3A_872 : memref<100000xf32, #tpu.memory_space<vmem>>[vector<16xi32>], vector<16xf32>, vector<16xi1>
      tpu.vector_store_idx %arg6[%get3A_877], %get3A_879 masked %unique3A_882 : memref<100000xf32, #tpu.memory_space<vmem>>[vector<16xi32>], vector<16xf32>, vector<16xi1>
      tpu.vector_store_idx %arg6[%get3A_887], %get3A_889 masked %unique3A_892 : memref<100000xf32, #tpu.memory_space<vmem>>[vector<16xi32>], vector<16xf32>, vector<16xi1>
    }
    %scan3A_365 = arith.constant 16 : i32
    %add3A_366 = arith.constant 32 : i32
    %add3A_367 = arith.addi %add3A_366, %add3A : i32
    %dma_start3A_368 = arith.constant 0 : i32
    %dma_start3A_369 = tpu.memref_slice %arg5[%add3A_367, %dma_start3A_368] : memref<128x100000xf32, #tpu.memory_space<hbm>> -> memref<1x100000xf32, #tpu.memory_space<hbm>>
    %dma_start3A_370 = tpu.memref_squeeze %dma_start3A_369 : memref<1x100000xf32, #tpu.memory_space<hbm>> -> memref<100000xf32, #tpu.memory_space<hbm>>
    %dma_start3A_371 = arith.constant 0 : i32
    %dma_start3A_372 = tpu.memref_slice %arg5[%add3A_367, %dma_start3A_371] : memref<128x100000xf32, #tpu.memory_space<hbm>> -> memref<1x100000xf32, #tpu.memory_space<hbm>>
    %dma_start3A_373 = tpu.memref_squeeze %dma_start3A_372 : memref<1x100000xf32, #tpu.memory_space<hbm>> -> memref<100000xf32, #tpu.memory_space<hbm>>
    tpu.enqueue_dma source(%arg6 : memref<100000xf32, #tpu.memory_space<vmem>>) target(%dma_start3A_373 : memref<100000xf32, #tpu.memory_space<hbm>>) target_semaphore(%arg12 : memref<!tpu.dma_semaphore, #tpu.memory_space<semaphore_mem>>)
    %add3A_374 = arith.constant 32 : i32
    %add3A_375 = arith.addi %add3A_374, %add3A : i32
    %dma_wait3A_376 = arith.constant 0 : i32
    %dma_wait3A_377 = tpu.memref_slice %arg5[%add3A_375, %dma_wait3A_376] : memref<128x100000xf32, #tpu.memory_space<hbm>> -> memref<1x100000xf32, #tpu.memory_space<hbm>>
    %dma_wait3A_378 = tpu.memref_squeeze %dma_wait3A_377 : memref<1x100000xf32, #tpu.memory_space<hbm>> -> memref<100000xf32, #tpu.memory_space<hbm>>
    %dma_wait3A_379 = arith.constant 0 : i32
    %dma_wait3A_380 = tpu.memref_slice %arg5[%add3A_375, %dma_wait3A_379] : memref<128x100000xf32, #tpu.memory_space<hbm>> -> memref<1x100000xf32, #tpu.memory_space<hbm>>
    %dma_wait3A_381 = tpu.memref_squeeze %dma_wait3A_380 : memref<1x100000xf32, #tpu.memory_space<hbm>> -> memref<100000xf32, #tpu.memory_space<hbm>>
    tpu.wait_dma2 semaphore(%arg12 : memref<!tpu.dma_semaphore, #tpu.memory_space<semaphore_mem>>) src(%arg6 : memref<100000xf32, #tpu.memory_space<vmem>>) dst(%dma_wait3A_381 : memref<100000xf32, #tpu.memory_space<hbm>>)
    %add3A_382 = arith.constant 64 : i32
    %add3A_383 = arith.addi %add3A_382, %add3A : i32
    %dma_start3A_384 = arith.constant 0 : i32
    %dma_start3A_385 = tpu.memref_slice %arg2[%add3A_383, %dma_start3A_384] : memref<128x100000xf32, #tpu.memory_space<hbm>> -> memref<1x100000xf32, #tpu.memory_space<hbm>>
    %dma_start3A_386 = tpu.memref_squeeze %dma_start3A_385 : memref<1x100000xf32, #tpu.memory_space<hbm>> -> memref<100000xf32, #tpu.memory_space<hbm>>
    %dma_start3A_387 = arith.constant 0 : i32
    %dma_start3A_388 = tpu.memref_slice %arg2[%add3A_383, %dma_start3A_387] : memref<128x100000xf32, #tpu.memory_space<hbm>> -> memref<1x100000xf32, #tpu.memory_space<hbm>>
    %dma_start3A_389 = tpu.memref_squeeze %dma_start3A_388 : memref<1x100000xf32, #tpu.memory_space<hbm>> -> memref<100000xf32, #tpu.memory_space<hbm>>
    tpu.enqueue_dma source(%dma_start3A_389 : memref<100000xf32, #tpu.memory_space<hbm>>) target(%arg6 : memref<100000xf32, #tpu.memory_space<vmem>>) target_semaphore(%arg11 : memref<!tpu.dma_semaphore, #tpu.memory_space<semaphore_mem>>)
    %add3A_390 = arith.constant 64 : i32
    %add3A_391 = arith.addi %add3A_390, %add3A : i32
    %dma_wait3A_392 = arith.constant 0 : i32
    %dma_wait3A_393 = tpu.memref_slice %arg2[%add3A_391, %dma_wait3A_392] : memref<128x100000xf32, #tpu.memory_space<hbm>> -> memref<1x100000xf32, #tpu.memory_space<hbm>>
    %dma_wait3A_394 = tpu.memref_squeeze %dma_wait3A_393 : memref<1x100000xf32, #tpu.memory_space<hbm>> -> memref<100000xf32, #tpu.memory_space<hbm>>
    %dma_wait3A_395 = arith.constant 0 : i32
    %dma_wait3A_396 = tpu.memref_slice %arg2[%add3A_391, %dma_wait3A_395] : memref<128x100000xf32, #tpu.memory_space<hbm>> -> memref<1x100000xf32, #tpu.memory_space<hbm>>
    %dma_wait3A_397 = tpu.memref_squeeze %dma_wait3A_396 : memref<1x100000xf32, #tpu.memory_space<hbm>> -> memref<100000xf32, #tpu.memory_space<hbm>>
    tpu.wait_dma2 semaphore(%arg11 : memref<!tpu.dma_semaphore, #tpu.memory_space<semaphore_mem>>) src(%dma_wait3A_397 : memref<100000xf32, #tpu.memory_space<hbm>>) dst(%arg6 : memref<100000xf32, #tpu.memory_space<vmem>>)
    %add3A_398 = arith.constant 64 : i32
    %add3A_399 = arith.addi %add3A_398, %add3A : i32
    %add3A_400 = arith.constant 64 : i32
    %add3A_401 = arith.addi %add3A_400, %add3A : i32
    %dma_start3A_402 = arith.constant 4096 : i32
    %dma_start3A_403 = tpu.memref_slice %arg3[%add3A_399, %dma_start3A_402] : memref<128x16384xi32, #tpu.memory_space<hbm>> -> memref<1x4096xi32, #tpu.memory_space<hbm>>
    %dma_start3A_404 = tpu.memref_squeeze %dma_start3A_403 : memref<1x4096xi32, #tpu.memory_space<hbm>> -> memref<4096xi32, #tpu.memory_space<hbm>>
    %dma_start3A_405 = arith.constant 4096 : i32
    %dma_start3A_406 = tpu.memref_slice %arg3[%add3A_399, %dma_start3A_405] : memref<128x16384xi32, #tpu.memory_space<hbm>> -> memref<1x4096xi32, #tpu.memory_space<hbm>>
    %dma_start3A_407 = tpu.memref_squeeze %dma_start3A_406 : memref<1x4096xi32, #tpu.memory_space<hbm>> -> memref<4096xi32, #tpu.memory_space<hbm>>
    tpu.enqueue_dma source(%dma_start3A_407 : memref<4096xi32, #tpu.memory_space<hbm>>) target(%arg8 : memref<4096xi32, #tpu.memory_space<vmem>>) target_semaphore(%arg14 : memref<!tpu.dma_semaphore, #tpu.memory_space<semaphore_mem>>)
    %dma_start3A_408 = arith.constant 4096 : i32
    %dma_start3A_409 = tpu.memref_slice %arg4[%add3A_401, %dma_start3A_408] : memref<128x16384xf32, #tpu.memory_space<hbm>> -> memref<1x4096xf32, #tpu.memory_space<hbm>>
    %dma_start3A_410 = tpu.memref_squeeze %dma_start3A_409 : memref<1x4096xf32, #tpu.memory_space<hbm>> -> memref<4096xf32, #tpu.memory_space<hbm>>
    %dma_start3A_411 = arith.constant 4096 : i32
    %dma_start3A_412 = tpu.memref_slice %arg4[%add3A_401, %dma_start3A_411] : memref<128x16384xf32, #tpu.memory_space<hbm>> -> memref<1x4096xf32, #tpu.memory_space<hbm>>
    %dma_start3A_413 = tpu.memref_squeeze %dma_start3A_412 : memref<1x4096xf32, #tpu.memory_space<hbm>> -> memref<4096xf32, #tpu.memory_space<hbm>>
    tpu.enqueue_dma source(%dma_start3A_413 : memref<4096xf32, #tpu.memory_space<hbm>>) target(%arg10 : memref<4096xf32, #tpu.memory_space<vmem>>) target_semaphore(%arg14 : memref<!tpu.dma_semaphore, #tpu.memory_space<semaphore_mem>>)
    %add3A_414 = arith.constant 64 : i32
    %add3A_415 = arith.addi %add3A_414, %add3A : i32
    %add3A_416 = arith.constant 64 : i32
    %add3A_417 = arith.addi %add3A_416, %add3A : i32
    %dma_wait3A_418 = arith.constant 0 : i32
    %dma_wait3A_419 = tpu.memref_slice %arg3[%add3A_415, %dma_wait3A_418] : memref<128x16384xi32, #tpu.memory_space<hbm>> -> memref<1x4096xi32, #tpu.memory_space<hbm>>
    %dma_wait3A_420 = tpu.memref_squeeze %dma_wait3A_419 : memref<1x4096xi32, #tpu.memory_space<hbm>> -> memref<4096xi32, #tpu.memory_space<hbm>>
    %dma_wait3A_421 = arith.constant 0 : i32
    %dma_wait3A_422 = tpu.memref_slice %arg3[%add3A_415, %dma_wait3A_421] : memref<128x16384xi32, #tpu.memory_space<hbm>> -> memref<1x4096xi32, #tpu.memory_space<hbm>>
    %dma_wait3A_423 = tpu.memref_squeeze %dma_wait3A_422 : memref<1x4096xi32, #tpu.memory_space<hbm>> -> memref<4096xi32, #tpu.memory_space<hbm>>
    tpu.wait_dma2 semaphore(%arg13 : memref<!tpu.dma_semaphore, #tpu.memory_space<semaphore_mem>>) src(%dma_wait3A_423 : memref<4096xi32, #tpu.memory_space<hbm>>) dst(%arg7 : memref<4096xi32, #tpu.memory_space<vmem>>)
    %dma_wait3A_424 = arith.constant 0 : i32
    %dma_wait3A_425 = tpu.memref_slice %arg4[%add3A_417, %dma_wait3A_424] : memref<128x16384xf32, #tpu.memory_space<hbm>> -> memref<1x4096xf32, #tpu.memory_space<hbm>>
    %dma_wait3A_426 = tpu.memref_squeeze %dma_wait3A_425 : memref<1x4096xf32, #tpu.memory_space<hbm>> -> memref<4096xf32, #tpu.memory_space<hbm>>
    %dma_wait3A_427 = arith.constant 0 : i32
    %dma_wait3A_428 = tpu.memref_slice %arg4[%add3A_417, %dma_wait3A_427] : memref<128x16384xf32, #tpu.memory_space<hbm>> -> memref<1x4096xf32, #tpu.memory_space<hbm>>
    %dma_wait3A_429 = tpu.memref_squeeze %dma_wait3A_428 : memref<1x4096xf32, #tpu.memory_space<hbm>> -> memref<4096xf32, #tpu.memory_space<hbm>>
    tpu.wait_dma2 semaphore(%arg13 : memref<!tpu.dma_semaphore, #tpu.memory_space<semaphore_mem>>) src(%dma_wait3A_429 : memref<4096xf32, #tpu.memory_space<hbm>>) dst(%arg9 : memref<4096xf32, #tpu.memory_space<vmem>>)
    %scan3A_430 = arith.constant 0 : i32
    %scan3A_431 = arith.constant 0 : i32
    %scan3A_432 = arith.constant 16 : i32
    %scan3A_433 = arith.addi %scan3A_431, %scan3A_432 : i32
    %scan3A_434 = arith.constant 1 : i32
    scf.for %scan3A_734 = %scan3A_431 to %scan3A_433 step %scan3A_434  : i32 {
      %mul3A_735 = arith.constant 256 : i32
      %mul3A_736 = arith.muli %scan3A_734, %mul3A_735 : i32
      %add3A_737 = arith.constant 0 : i32
      %add3A_738 = arith.addi %mul3A_736, %add3A_737 : i32
      %get3A = arith.index_cast %add3A_738 : i32 to index
      %get3A_739 = tpu.vector_load %arg7[%get3A] {strides = array<i32>} : memref<4096xi32, #tpu.memory_space<vmem>>, vector<16xi32>,
      %get3A_740 = arith.index_cast %add3A_738 : i32 to index
      %get3A_741 = tpu.vector_load %arg9[%get3A_740] {strides = array<i32>} : memref<4096xf32, #tpu.memory_space<vmem>>, vector<16xf32>,
      %broadcast_in_dim3A = arith.constant true
      %broadcast_in_dim3A_742 = vector.broadcast %broadcast_in_dim3A : i1 to vector<16xi1>
      %unique3A, %unique3A_743 = tpu.scan_count mask(%broadcast_in_dim3A_742 : vector<16xi1>) value(%get3A_739 : vector<16xi32>) : vector<16xi1>, vector<16xi32>
      %add3A_744 = arith.constant 16 : i32
      %add3A_745 = arith.addi %mul3A_736, %add3A_744 : i32
      %get3A_746 = arith.index_cast %add3A_745 : i32 to index
      %get3A_747 = tpu.vector_load %arg7[%get3A_746] {strides = array<i32>} : memref<4096xi32, #tpu.memory_space<vmem>>, vector<16xi32>,
      %get3A_748 = arith.index_cast %add3A_745 : i32 to index
      %get3A_749 = tpu.vector_load %arg9[%get3A_748] {strides = array<i32>} : memref<4096xf32, #tpu.memory_space<vmem>>, vector<16xf32>,
      %broadcast_in_dim3A_750 = arith.constant true
      %broadcast_in_dim3A_751 = vector.broadcast %broadcast_in_dim3A_750 : i1 to vector<16xi1>
      %unique3A_752, %unique3A_753 = tpu.scan_count mask(%broadcast_in_dim3A_751 : vector<16xi1>) value(%get3A_747 : vector<16xi32>) : vector<16xi1>, vector<16xi32>
      %add3A_754 = arith.constant 32 : i32
      %add3A_755 = arith.addi %mul3A_736, %add3A_754 : i32
      %get3A_756 = arith.index_cast %add3A_755 : i32 to index
      %get3A_757 = tpu.vector_load %arg7[%get3A_756] {strides = array<i32>} : memref<4096xi32, #tpu.memory_space<vmem>>, vector<16xi32>,
      %get3A_758 = arith.index_cast %add3A_755 : i32 to index
      %get3A_759 = tpu.vector_load %arg9[%get3A_758] {strides = array<i32>} : memref<4096xf32, #tpu.memory_space<vmem>>, vector<16xf32>,
      %broadcast_in_dim3A_760 = arith.constant true
      %broadcast_in_dim3A_761 = vector.broadcast %broadcast_in_dim3A_760 : i1 to vector<16xi1>
      %unique3A_762, %unique3A_763 = tpu.scan_count mask(%broadcast_in_dim3A_761 : vector<16xi1>) value(%get3A_757 : vector<16xi32>) : vector<16xi1>, vector<16xi32>
      %add3A_764 = arith.constant 48 : i32
      %add3A_765 = arith.addi %mul3A_736, %add3A_764 : i32
      %get3A_766 = arith.index_cast %add3A_765 : i32 to index
      %get3A_767 = tpu.vector_load %arg7[%get3A_766] {strides = array<i32>} : memref<4096xi32, #tpu.memory_space<vmem>>, vector<16xi32>,
      %get3A_768 = arith.index_cast %add3A_765 : i32 to index
      %get3A_769 = tpu.vector_load %arg9[%get3A_768] {strides = array<i32>} : memref<4096xf32, #tpu.memory_space<vmem>>, vector<16xf32>,
      %broadcast_in_dim3A_770 = arith.constant true
      %broadcast_in_dim3A_771 = vector.broadcast %broadcast_in_dim3A_770 : i1 to vector<16xi1>
      %unique3A_772, %unique3A_773 = tpu.scan_count mask(%broadcast_in_dim3A_771 : vector<16xi1>) value(%get3A_767 : vector<16xi32>) : vector<16xi1>, vector<16xi32>
      %add3A_774 = arith.constant 64 : i32
      %add3A_775 = arith.addi %mul3A_736, %add3A_774 : i32
      %get3A_776 = arith.index_cast %add3A_775 : i32 to index
      %get3A_777 = tpu.vector_load %arg7[%get3A_776] {strides = array<i32>} : memref<4096xi32, #tpu.memory_space<vmem>>, vector<16xi32>,
      %get3A_778 = arith.index_cast %add3A_775 : i32 to index
      %get3A_779 = tpu.vector_load %arg9[%get3A_778] {strides = array<i32>} : memref<4096xf32, #tpu.memory_space<vmem>>, vector<16xf32>,
      %broadcast_in_dim3A_780 = arith.constant true
      %broadcast_in_dim3A_781 = vector.broadcast %broadcast_in_dim3A_780 : i1 to vector<16xi1>
      %unique3A_782, %unique3A_783 = tpu.scan_count mask(%broadcast_in_dim3A_781 : vector<16xi1>) value(%get3A_777 : vector<16xi32>) : vector<16xi1>, vector<16xi32>
      %add3A_784 = arith.constant 80 : i32
      %add3A_785 = arith.addi %mul3A_736, %add3A_784 : i32
      %get3A_786 = arith.index_cast %add3A_785 : i32 to index
      %get3A_787 = tpu.vector_load %arg7[%get3A_786] {strides = array<i32>} : memref<4096xi32, #tpu.memory_space<vmem>>, vector<16xi32>,
      %get3A_788 = arith.index_cast %add3A_785 : i32 to index
      %get3A_789 = tpu.vector_load %arg9[%get3A_788] {strides = array<i32>} : memref<4096xf32, #tpu.memory_space<vmem>>, vector<16xf32>,
      %broadcast_in_dim3A_790 = arith.constant true
      %broadcast_in_dim3A_791 = vector.broadcast %broadcast_in_dim3A_790 : i1 to vector<16xi1>
      %unique3A_792, %unique3A_793 = tpu.scan_count mask(%broadcast_in_dim3A_791 : vector<16xi1>) value(%get3A_787 : vector<16xi32>) : vector<16xi1>, vector<16xi32>
      %add3A_794 = arith.constant 96 : i32
      %add3A_795 = arith.addi %mul3A_736, %add3A_794 : i32
      %get3A_796 = arith.index_cast %add3A_795 : i32 to index
      %get3A_797 = tpu.vector_load %arg7[%get3A_796] {strides = array<i32>} : memref<4096xi32, #tpu.memory_space<vmem>>, vector<16xi32>,
      %get3A_798 = arith.index_cast %add3A_795 : i32 to index
      %get3A_799 = tpu.vector_load %arg9[%get3A_798] {strides = array<i32>} : memref<4096xf32, #tpu.memory_space<vmem>>, vector<16xf32>,
      %broadcast_in_dim3A_800 = arith.constant true
      %broadcast_in_dim3A_801 = vector.broadcast %broadcast_in_dim3A_800 : i1 to vector<16xi1>
      %unique3A_802, %unique3A_803 = tpu.scan_count mask(%broadcast_in_dim3A_801 : vector<16xi1>) value(%get3A_797 : vector<16xi32>) : vector<16xi1>, vector<16xi32>
      %add3A_804 = arith.constant 112 : i32
      %add3A_805 = arith.addi %mul3A_736, %add3A_804 : i32
      %get3A_806 = arith.index_cast %add3A_805 : i32 to index
      %get3A_807 = tpu.vector_load %arg7[%get3A_806] {strides = array<i32>} : memref<4096xi32, #tpu.memory_space<vmem>>, vector<16xi32>,
      %get3A_808 = arith.index_cast %add3A_805 : i32 to index
      %get3A_809 = tpu.vector_load %arg9[%get3A_808] {strides = array<i32>} : memref<4096xf32, #tpu.memory_space<vmem>>, vector<16xf32>,
      %broadcast_in_dim3A_810 = arith.constant true
      %broadcast_in_dim3A_811 = vector.broadcast %broadcast_in_dim3A_810 : i1 to vector<16xi1>
      %unique3A_812, %unique3A_813 = tpu.scan_count mask(%broadcast_in_dim3A_811 : vector<16xi1>) value(%get3A_807 : vector<16xi32>) : vector<16xi1>, vector<16xi32>
      %add3A_814 = arith.constant 128 : i32
      %add3A_815 = arith.addi %mul3A_736, %add3A_814 : i32
      %get3A_816 = arith.index_cast %add3A_815 : i32 to index
      %get3A_817 = tpu.vector_load %arg7[%get3A_816] {strides = array<i32>} : memref<4096xi32, #tpu.memory_space<vmem>>, vector<16xi32>,
      %get3A_818 = arith.index_cast %add3A_815 : i32 to index
      %get3A_819 = tpu.vector_load %arg9[%get3A_818] {strides = array<i32>} : memref<4096xf32, #tpu.memory_space<vmem>>, vector<16xf32>,
      %broadcast_in_dim3A_820 = arith.constant true
      %broadcast_in_dim3A_821 = vector.broadcast %broadcast_in_dim3A_820 : i1 to vector<16xi1>
      %unique3A_822, %unique3A_823 = tpu.scan_count mask(%broadcast_in_dim3A_821 : vector<16xi1>) value(%get3A_817 : vector<16xi32>) : vector<16xi1>, vector<16xi32>
      %add3A_824 = arith.constant 144 : i32
      %add3A_825 = arith.addi %mul3A_736, %add3A_824 : i32
      %get3A_826 = arith.index_cast %add3A_825 : i32 to index
      %get3A_827 = tpu.vector_load %arg7[%get3A_826] {strides = array<i32>} : memref<4096xi32, #tpu.memory_space<vmem>>, vector<16xi32>,
      %get3A_828 = arith.index_cast %add3A_825 : i32 to index
      %get3A_829 = tpu.vector_load %arg9[%get3A_828] {strides = array<i32>} : memref<4096xf32, #tpu.memory_space<vmem>>, vector<16xf32>,
      %broadcast_in_dim3A_830 = arith.constant true
      %broadcast_in_dim3A_831 = vector.broadcast %broadcast_in_dim3A_830 : i1 to vector<16xi1>
      %unique3A_832, %unique3A_833 = tpu.scan_count mask(%broadcast_in_dim3A_831 : vector<16xi1>) value(%get3A_827 : vector<16xi32>) : vector<16xi1>, vector<16xi32>
      %add3A_834 = arith.constant 160 : i32
      %add3A_835 = arith.addi %mul3A_736, %add3A_834 : i32
      %get3A_836 = arith.index_cast %add3A_835 : i32 to index
      %get3A_837 = tpu.vector_load %arg7[%get3A_836] {strides = array<i32>} : memref<4096xi32, #tpu.memory_space<vmem>>, vector<16xi32>,
      %get3A_838 = arith.index_cast %add3A_835 : i32 to index
      %get3A_839 = tpu.vector_load %arg9[%get3A_838] {strides = array<i32>} : memref<4096xf32, #tpu.memory_space<vmem>>, vector<16xf32>,
      %broadcast_in_dim3A_840 = arith.constant true
      %broadcast_in_dim3A_841 = vector.broadcast %broadcast_in_dim3A_840 : i1 to vector<16xi1>
      %unique3A_842, %unique3A_843 = tpu.scan_count mask(%broadcast_in_dim3A_841 : vector<16xi1>) value(%get3A_837 : vector<16xi32>) : vector<16xi1>, vector<16xi32>
      %add3A_844 = arith.constant 176 : i32
      %add3A_845 = arith.addi %mul3A_736, %add3A_844 : i32
      %get3A_846 = arith.index_cast %add3A_845 : i32 to index
      %get3A_847 = tpu.vector_load %arg7[%get3A_846] {strides = array<i32>} : memref<4096xi32, #tpu.memory_space<vmem>>, vector<16xi32>,
      %get3A_848 = arith.index_cast %add3A_845 : i32 to index
      %get3A_849 = tpu.vector_load %arg9[%get3A_848] {strides = array<i32>} : memref<4096xf32, #tpu.memory_space<vmem>>, vector<16xf32>,
      %broadcast_in_dim3A_850 = arith.constant true
      %broadcast_in_dim3A_851 = vector.broadcast %broadcast_in_dim3A_850 : i1 to vector<16xi1>
      %unique3A_852, %unique3A_853 = tpu.scan_count mask(%broadcast_in_dim3A_851 : vector<16xi1>) value(%get3A_847 : vector<16xi32>) : vector<16xi1>, vector<16xi32>
      %add3A_854 = arith.constant 192 : i32
      %add3A_855 = arith.addi %mul3A_736, %add3A_854 : i32
      %get3A_856 = arith.index_cast %add3A_855 : i32 to index
      %get3A_857 = tpu.vector_load %arg7[%get3A_856] {strides = array<i32>} : memref<4096xi32, #tpu.memory_space<vmem>>, vector<16xi32>,
      %get3A_858 = arith.index_cast %add3A_855 : i32 to index
      %get3A_859 = tpu.vector_load %arg9[%get3A_858] {strides = array<i32>} : memref<4096xf32, #tpu.memory_space<vmem>>, vector<16xf32>,
      %broadcast_in_dim3A_860 = arith.constant true
      %broadcast_in_dim3A_861 = vector.broadcast %broadcast_in_dim3A_860 : i1 to vector<16xi1>
      %unique3A_862, %unique3A_863 = tpu.scan_count mask(%broadcast_in_dim3A_861 : vector<16xi1>) value(%get3A_857 : vector<16xi32>) : vector<16xi1>, vector<16xi32>
      %add3A_864 = arith.constant 208 : i32
      %add3A_865 = arith.addi %mul3A_736, %add3A_864 : i32
      %get3A_866 = arith.index_cast %add3A_865 : i32 to index
      %get3A_867 = tpu.vector_load %arg7[%get3A_866] {strides = array<i32>} : memref<4096xi32, #tpu.memory_space<vmem>>, vector<16xi32>,
      %get3A_868 = arith.index_cast %add3A_865 : i32 to index
      %get3A_869 = tpu.vector_load %arg9[%get3A_868] {strides = array<i32>} : memref<4096xf32, #tpu.memory_space<vmem>>, vector<16xf32>,
      %broadcast_in_dim3A_870 = arith.constant true
      %broadcast_in_dim3A_871 = vector.broadcast %broadcast_in_dim3A_870 : i1 to vector<16xi1>
      %unique3A_872, %unique3A_873 = tpu.scan_count mask(%broadcast_in_dim3A_871 : vector<16xi1>) value(%get3A_867 : vector<16xi32>) : vector<16xi1>, vector<16xi32>
      %add3A_874 = arith.constant 224 : i32
      %add3A_875 = arith.addi %mul3A_736, %add3A_874 : i32
      %get3A_876 = arith.index_cast %add3A_875 : i32 to index
      %get3A_877 = tpu.vector_load %arg7[%get3A_876] {strides = array<i32>} : memref<4096xi32, #tpu.memory_space<vmem>>, vector<16xi32>,
      %get3A_878 = arith.index_cast %add3A_875 : i32 to index
      %get3A_879 = tpu.vector_load %arg9[%get3A_878] {strides = array<i32>} : memref<4096xf32, #tpu.memory_space<vmem>>, vector<16xf32>,
      %broadcast_in_dim3A_880 = arith.constant true
      %broadcast_in_dim3A_881 = vector.broadcast %broadcast_in_dim3A_880 : i1 to vector<16xi1>
      %unique3A_882, %unique3A_883 = tpu.scan_count mask(%broadcast_in_dim3A_881 : vector<16xi1>) value(%get3A_877 : vector<16xi32>) : vector<16xi1>, vector<16xi32>
      %add3A_884 = arith.constant 240 : i32
      %add3A_885 = arith.addi %mul3A_736, %add3A_884 : i32
      %get3A_886 = arith.index_cast %add3A_885 : i32 to index
      %get3A_887 = tpu.vector_load %arg7[%get3A_886] {strides = array<i32>} : memref<4096xi32, #tpu.memory_space<vmem>>, vector<16xi32>,
      %get3A_888 = arith.index_cast %add3A_885 : i32 to index
      %get3A_889 = tpu.vector_load %arg9[%get3A_888] {strides = array<i32>} : memref<4096xf32, #tpu.memory_space<vmem>>, vector<16xf32>,
      %broadcast_in_dim3A_890 = arith.constant true
      %broadcast_in_dim3A_891 = vector.broadcast %broadcast_in_dim3A_890 : i1 to vector<16xi1>
      %unique3A_892, %unique3A_893 = tpu.scan_count mask(%broadcast_in_dim3A_891 : vector<16xi1>) value(%get3A_887 : vector<16xi32>) : vector<16xi1>, vector<16xi32>
      tpu.vector_store_idx %arg6[%get3A_739], %get3A_741 masked %unique3A : memref<100000xf32, #tpu.memory_space<vmem>>[vector<16xi32>], vector<16xf32>, vector<16xi1>
      tpu.vector_store_idx %arg6[%get3A_747], %get3A_749 masked %unique3A_752 : memref<100000xf32, #tpu.memory_space<vmem>>[vector<16xi32>], vector<16xf32>, vector<16xi1>
      tpu.vector_store_idx %arg6[%get3A_757], %get3A_759 masked %unique3A_762 : memref<100000xf32, #tpu.memory_space<vmem>>[vector<16xi32>], vector<16xf32>, vector<16xi1>
      tpu.vector_store_idx %arg6[%get3A_767], %get3A_769 masked %unique3A_772 : memref<100000xf32, #tpu.memory_space<vmem>>[vector<16xi32>], vector<16xf32>, vector<16xi1>
      tpu.vector_store_idx %arg6[%get3A_777], %get3A_779 masked %unique3A_782 : memref<100000xf32, #tpu.memory_space<vmem>>[vector<16xi32>], vector<16xf32>, vector<16xi1>
      tpu.vector_store_idx %arg6[%get3A_787], %get3A_789 masked %unique3A_792 : memref<100000xf32, #tpu.memory_space<vmem>>[vector<16xi32>], vector<16xf32>, vector<16xi1>
      tpu.vector_store_idx %arg6[%get3A_797], %get3A_799 masked %unique3A_802 : memref<100000xf32, #tpu.memory_space<vmem>>[vector<16xi32>], vector<16xf32>, vector<16xi1>
      tpu.vector_store_idx %arg6[%get3A_807], %get3A_809 masked %unique3A_812 : memref<100000xf32, #tpu.memory_space<vmem>>[vector<16xi32>], vector<16xf32>, vector<16xi1>
      tpu.vector_store_idx %arg6[%get3A_817], %get3A_819 masked %unique3A_822 : memref<100000xf32, #tpu.memory_space<vmem>>[vector<16xi32>], vector<16xf32>, vector<16xi1>
      tpu.vector_store_idx %arg6[%get3A_827], %get3A_829 masked %unique3A_832 : memref<100000xf32, #tpu.memory_space<vmem>>[vector<16xi32>], vector<16xf32>, vector<16xi1>
      tpu.vector_store_idx %arg6[%get3A_837], %get3A_839 masked %unique3A_842 : memref<100000xf32, #tpu.memory_space<vmem>>[vector<16xi32>], vector<16xf32>, vector<16xi1>
      tpu.vector_store_idx %arg6[%get3A_847], %get3A_849 masked %unique3A_852 : memref<100000xf32, #tpu.memory_space<vmem>>[vector<16xi32>], vector<16xf32>, vector<16xi1>
      tpu.vector_store_idx %arg6[%get3A_857], %get3A_859 masked %unique3A_862 : memref<100000xf32, #tpu.memory_space<vmem>>[vector<16xi32>], vector<16xf32>, vector<16xi1>
      tpu.vector_store_idx %arg6[%get3A_867], %get3A_869 masked %unique3A_872 : memref<100000xf32, #tpu.memory_space<vmem>>[vector<16xi32>], vector<16xf32>, vector<16xi1>
      tpu.vector_store_idx %arg6[%get3A_877], %get3A_879 masked %unique3A_882 : memref<100000xf32, #tpu.memory_space<vmem>>[vector<16xi32>], vector<16xf32>, vector<16xi1>
      tpu.vector_store_idx %arg6[%get3A_887], %get3A_889 masked %unique3A_892 : memref<100000xf32, #tpu.memory_space<vmem>>[vector<16xi32>], vector<16xf32>, vector<16xi1>
    }
    %scan3A_435 = arith.constant 16 : i32
    %add3A_436 = arith.constant 64 : i32
    %add3A_437 = arith.addi %add3A_436, %add3A : i32
    %add3A_438 = arith.constant 64 : i32
    %add3A_439 = arith.addi %add3A_438, %add3A : i32
    %dma_start3A_440 = arith.constant 8192 : i32
    %dma_start3A_441 = tpu.memref_slice %arg3[%add3A_437, %dma_start3A_440] : memref<128x16384xi32, #tpu.memory_space<hbm>> -> memref<1x4096xi32, #tpu.memory_space<hbm>>
    %dma_start3A_442 = tpu.memref_squeeze %dma_start3A_441 : memref<1x4096xi32, #tpu.memory_space<hbm>> -> memref<4096xi32, #tpu.memory_space<hbm>>
    %dma_start3A_443 = arith.constant 8192 : i32
    %dma_start3A_444 = tpu.memref_slice %arg3[%add3A_437, %dma_start3A_443] : memref<128x16384xi32, #tpu.memory_space<hbm>> -> memref<1x4096xi32, #tpu.memory_space<hbm>>
    %dma_start3A_445 = tpu.memref_squeeze %dma_start3A_444 : memref<1x4096xi32, #tpu.memory_space<hbm>> -> memref<4096xi32, #tpu.memory_space<hbm>>
    tpu.enqueue_dma source(%dma_start3A_445 : memref<4096xi32, #tpu.memory_space<hbm>>) target(%arg7 : memref<4096xi32, #tpu.memory_space<vmem>>) target_semaphore(%arg13 : memref<!tpu.dma_semaphore, #tpu.memory_space<semaphore_mem>>)
    %dma_start3A_446 = arith.constant 8192 : i32
    %dma_start3A_447 = tpu.memref_slice %arg4[%add3A_439, %dma_start3A_446] : memref<128x16384xf32, #tpu.memory_space<hbm>> -> memref<1x4096xf32, #tpu.memory_space<hbm>>
    %dma_start3A_448 = tpu.memref_squeeze %dma_start3A_447 : memref<1x4096xf32, #tpu.memory_space<hbm>> -> memref<4096xf32, #tpu.memory_space<hbm>>
    %dma_start3A_449 = arith.constant 8192 : i32
    %dma_start3A_450 = tpu.memref_slice %arg4[%add3A_439, %dma_start3A_449] : memref<128x16384xf32, #tpu.memory_space<hbm>> -> memref<1x4096xf32, #tpu.memory_space<hbm>>
    %dma_start3A_451 = tpu.memref_squeeze %dma_start3A_450 : memref<1x4096xf32, #tpu.memory_space<hbm>> -> memref<4096xf32, #tpu.memory_space<hbm>>
    tpu.enqueue_dma source(%dma_start3A_451 : memref<4096xf32, #tpu.memory_space<hbm>>) target(%arg9 : memref<4096xf32, #tpu.memory_space<vmem>>) target_semaphore(%arg13 : memref<!tpu.dma_semaphore, #tpu.memory_space<semaphore_mem>>)
    %add3A_452 = arith.constant 64 : i32
    %add3A_453 = arith.addi %add3A_452, %add3A : i32
    %add3A_454 = arith.constant 64 : i32
    %add3A_455 = arith.addi %add3A_454, %add3A : i32
    %dma_wait3A_456 = arith.constant 4096 : i32
    %dma_wait3A_457 = tpu.memref_slice %arg3[%add3A_453, %dma_wait3A_456] : memref<128x16384xi32, #tpu.memory_space<hbm>> -> memref<1x4096xi32, #tpu.memory_space<hbm>>
    %dma_wait3A_458 = tpu.memref_squeeze %dma_wait3A_457 : memref<1x4096xi32, #tpu.memory_space<hbm>> -> memref<4096xi32, #tpu.memory_space<hbm>>
    %dma_wait3A_459 = arith.constant 4096 : i32
    %dma_wait3A_460 = tpu.memref_slice %arg3[%add3A_453, %dma_wait3A_459] : memref<128x16384xi32, #tpu.memory_space<hbm>> -> memref<1x4096xi32, #tpu.memory_space<hbm>>
    %dma_wait3A_461 = tpu.memref_squeeze %dma_wait3A_460 : memref<1x4096xi32, #tpu.memory_space<hbm>> -> memref<4096xi32, #tpu.memory_space<hbm>>
    tpu.wait_dma2 semaphore(%arg14 : memref<!tpu.dma_semaphore, #tpu.memory_space<semaphore_mem>>) src(%dma_wait3A_461 : memref<4096xi32, #tpu.memory_space<hbm>>) dst(%arg8 : memref<4096xi32, #tpu.memory_space<vmem>>)
    %dma_wait3A_462 = arith.constant 4096 : i32
    %dma_wait3A_463 = tpu.memref_slice %arg4[%add3A_455, %dma_wait3A_462] : memref<128x16384xf32, #tpu.memory_space<hbm>> -> memref<1x4096xf32, #tpu.memory_space<hbm>>
    %dma_wait3A_464 = tpu.memref_squeeze %dma_wait3A_463 : memref<1x4096xf32, #tpu.memory_space<hbm>> -> memref<4096xf32, #tpu.memory_space<hbm>>
    %dma_wait3A_465 = arith.constant 4096 : i32
    %dma_wait3A_466 = tpu.memref_slice %arg4[%add3A_455, %dma_wait3A_465] : memref<128x16384xf32, #tpu.memory_space<hbm>> -> memref<1x4096xf32, #tpu.memory_space<hbm>>
    %dma_wait3A_467 = tpu.memref_squeeze %dma_wait3A_466 : memref<1x4096xf32, #tpu.memory_space<hbm>> -> memref<4096xf32, #tpu.memory_space<hbm>>
    tpu.wait_dma2 semaphore(%arg14 : memref<!tpu.dma_semaphore, #tpu.memory_space<semaphore_mem>>) src(%dma_wait3A_467 : memref<4096xf32, #tpu.memory_space<hbm>>) dst(%arg10 : memref<4096xf32, #tpu.memory_space<vmem>>)
    %scan3A_468 = arith.constant 0 : i32
    %scan3A_469 = arith.constant 0 : i32
    %scan3A_470 = arith.constant 16 : i32
    %scan3A_471 = arith.addi %scan3A_469, %scan3A_470 : i32
    %scan3A_472 = arith.constant 1 : i32
    scf.for %scan3A_734 = %scan3A_469 to %scan3A_471 step %scan3A_472  : i32 {
      %mul3A_735 = arith.constant 256 : i32
      %mul3A_736 = arith.muli %scan3A_734, %mul3A_735 : i32
      %add3A_737 = arith.constant 0 : i32
      %add3A_738 = arith.addi %mul3A_736, %add3A_737 : i32
      %get3A = arith.index_cast %add3A_738 : i32 to index
      %get3A_739 = tpu.vector_load %arg8[%get3A] {strides = array<i32>} : memref<4096xi32, #tpu.memory_space<vmem>>, vector<16xi32>,
      %get3A_740 = arith.index_cast %add3A_738 : i32 to index
      %get3A_741 = tpu.vector_load %arg10[%get3A_740] {strides = array<i32>} : memref<4096xf32, #tpu.memory_space<vmem>>, vector<16xf32>,
      %broadcast_in_dim3A = arith.constant true
      %broadcast_in_dim3A_742 = vector.broadcast %broadcast_in_dim3A : i1 to vector<16xi1>
      %unique3A, %unique3A_743 = tpu.scan_count mask(%broadcast_in_dim3A_742 : vector<16xi1>) value(%get3A_739 : vector<16xi32>) : vector<16xi1>, vector<16xi32>
      %add3A_744 = arith.constant 16 : i32
      %add3A_745 = arith.addi %mul3A_736, %add3A_744 : i32
      %get3A_746 = arith.index_cast %add3A_745 : i32 to index
      %get3A_747 = tpu.vector_load %arg8[%get3A_746] {strides = array<i32>} : memref<4096xi32, #tpu.memory_space<vmem>>, vector<16xi32>,
      %get3A_748 = arith.index_cast %add3A_745 : i32 to index
      %get3A_749 = tpu.vector_load %arg10[%get3A_748] {strides = array<i32>} : memref<4096xf32, #tpu.memory_space<vmem>>, vector<16xf32>,
      %broadcast_in_dim3A_750 = arith.constant true
      %broadcast_in_dim3A_751 = vector.broadcast %broadcast_in_dim3A_750 : i1 to vector<16xi1>
      %unique3A_752, %unique3A_753 = tpu.scan_count mask(%broadcast_in_dim3A_751 : vector<16xi1>) value(%get3A_747 : vector<16xi32>) : vector<16xi1>, vector<16xi32>
      %add3A_754 = arith.constant 32 : i32
      %add3A_755 = arith.addi %mul3A_736, %add3A_754 : i32
      %get3A_756 = arith.index_cast %add3A_755 : i32 to index
      %get3A_757 = tpu.vector_load %arg8[%get3A_756] {strides = array<i32>} : memref<4096xi32, #tpu.memory_space<vmem>>, vector<16xi32>,
      %get3A_758 = arith.index_cast %add3A_755 : i32 to index
      %get3A_759 = tpu.vector_load %arg10[%get3A_758] {strides = array<i32>} : memref<4096xf32, #tpu.memory_space<vmem>>, vector<16xf32>,
      %broadcast_in_dim3A_760 = arith.constant true
      %broadcast_in_dim3A_761 = vector.broadcast %broadcast_in_dim3A_760 : i1 to vector<16xi1>
      %unique3A_762, %unique3A_763 = tpu.scan_count mask(%broadcast_in_dim3A_761 : vector<16xi1>) value(%get3A_757 : vector<16xi32>) : vector<16xi1>, vector<16xi32>
      %add3A_764 = arith.constant 48 : i32
      %add3A_765 = arith.addi %mul3A_736, %add3A_764 : i32
      %get3A_766 = arith.index_cast %add3A_765 : i32 to index
      %get3A_767 = tpu.vector_load %arg8[%get3A_766] {strides = array<i32>} : memref<4096xi32, #tpu.memory_space<vmem>>, vector<16xi32>,
      %get3A_768 = arith.index_cast %add3A_765 : i32 to index
      %get3A_769 = tpu.vector_load %arg10[%get3A_768] {strides = array<i32>} : memref<4096xf32, #tpu.memory_space<vmem>>, vector<16xf32>,
      %broadcast_in_dim3A_770 = arith.constant true
      %broadcast_in_dim3A_771 = vector.broadcast %broadcast_in_dim3A_770 : i1 to vector<16xi1>
      %unique3A_772, %unique3A_773 = tpu.scan_count mask(%broadcast_in_dim3A_771 : vector<16xi1>) value(%get3A_767 : vector<16xi32>) : vector<16xi1>, vector<16xi32>
      %add3A_774 = arith.constant 64 : i32
      %add3A_775 = arith.addi %mul3A_736, %add3A_774 : i32
      %get3A_776 = arith.index_cast %add3A_775 : i32 to index
      %get3A_777 = tpu.vector_load %arg8[%get3A_776] {strides = array<i32>} : memref<4096xi32, #tpu.memory_space<vmem>>, vector<16xi32>,
      %get3A_778 = arith.index_cast %add3A_775 : i32 to index
      %get3A_779 = tpu.vector_load %arg10[%get3A_778] {strides = array<i32>} : memref<4096xf32, #tpu.memory_space<vmem>>, vector<16xf32>,
      %broadcast_in_dim3A_780 = arith.constant true
      %broadcast_in_dim3A_781 = vector.broadcast %broadcast_in_dim3A_780 : i1 to vector<16xi1>
      %unique3A_782, %unique3A_783 = tpu.scan_count mask(%broadcast_in_dim3A_781 : vector<16xi1>) value(%get3A_777 : vector<16xi32>) : vector<16xi1>, vector<16xi32>
      %add3A_784 = arith.constant 80 : i32
      %add3A_785 = arith.addi %mul3A_736, %add3A_784 : i32
      %get3A_786 = arith.index_cast %add3A_785 : i32 to index
      %get3A_787 = tpu.vector_load %arg8[%get3A_786] {strides = array<i32>} : memref<4096xi32, #tpu.memory_space<vmem>>, vector<16xi32>,
      %get3A_788 = arith.index_cast %add3A_785 : i32 to index
      %get3A_789 = tpu.vector_load %arg10[%get3A_788] {strides = array<i32>} : memref<4096xf32, #tpu.memory_space<vmem>>, vector<16xf32>,
      %broadcast_in_dim3A_790 = arith.constant true
      %broadcast_in_dim3A_791 = vector.broadcast %broadcast_in_dim3A_790 : i1 to vector<16xi1>
      %unique3A_792, %unique3A_793 = tpu.scan_count mask(%broadcast_in_dim3A_791 : vector<16xi1>) value(%get3A_787 : vector<16xi32>) : vector<16xi1>, vector<16xi32>
      %add3A_794 = arith.constant 96 : i32
      %add3A_795 = arith.addi %mul3A_736, %add3A_794 : i32
      %get3A_796 = arith.index_cast %add3A_795 : i32 to index
      %get3A_797 = tpu.vector_load %arg8[%get3A_796] {strides = array<i32>} : memref<4096xi32, #tpu.memory_space<vmem>>, vector<16xi32>,
      %get3A_798 = arith.index_cast %add3A_795 : i32 to index
      %get3A_799 = tpu.vector_load %arg10[%get3A_798] {strides = array<i32>} : memref<4096xf32, #tpu.memory_space<vmem>>, vector<16xf32>,
      %broadcast_in_dim3A_800 = arith.constant true
      %broadcast_in_dim3A_801 = vector.broadcast %broadcast_in_dim3A_800 : i1 to vector<16xi1>
      %unique3A_802, %unique3A_803 = tpu.scan_count mask(%broadcast_in_dim3A_801 : vector<16xi1>) value(%get3A_797 : vector<16xi32>) : vector<16xi1>, vector<16xi32>
      %add3A_804 = arith.constant 112 : i32
      %add3A_805 = arith.addi %mul3A_736, %add3A_804 : i32
      %get3A_806 = arith.index_cast %add3A_805 : i32 to index
      %get3A_807 = tpu.vector_load %arg8[%get3A_806] {strides = array<i32>} : memref<4096xi32, #tpu.memory_space<vmem>>, vector<16xi32>,
      %get3A_808 = arith.index_cast %add3A_805 : i32 to index
      %get3A_809 = tpu.vector_load %arg10[%get3A_808] {strides = array<i32>} : memref<4096xf32, #tpu.memory_space<vmem>>, vector<16xf32>,
      %broadcast_in_dim3A_810 = arith.constant true
      %broadcast_in_dim3A_811 = vector.broadcast %broadcast_in_dim3A_810 : i1 to vector<16xi1>
      %unique3A_812, %unique3A_813 = tpu.scan_count mask(%broadcast_in_dim3A_811 : vector<16xi1>) value(%get3A_807 : vector<16xi32>) : vector<16xi1>, vector<16xi32>
      %add3A_814 = arith.constant 128 : i32
      %add3A_815 = arith.addi %mul3A_736, %add3A_814 : i32
      %get3A_816 = arith.index_cast %add3A_815 : i32 to index
      %get3A_817 = tpu.vector_load %arg8[%get3A_816] {strides = array<i32>} : memref<4096xi32, #tpu.memory_space<vmem>>, vector<16xi32>,
      %get3A_818 = arith.index_cast %add3A_815 : i32 to index
      %get3A_819 = tpu.vector_load %arg10[%get3A_818] {strides = array<i32>} : memref<4096xf32, #tpu.memory_space<vmem>>, vector<16xf32>,
      %broadcast_in_dim3A_820 = arith.constant true
      %broadcast_in_dim3A_821 = vector.broadcast %broadcast_in_dim3A_820 : i1 to vector<16xi1>
      %unique3A_822, %unique3A_823 = tpu.scan_count mask(%broadcast_in_dim3A_821 : vector<16xi1>) value(%get3A_817 : vector<16xi32>) : vector<16xi1>, vector<16xi32>
      %add3A_824 = arith.constant 144 : i32
      %add3A_825 = arith.addi %mul3A_736, %add3A_824 : i32
      %get3A_826 = arith.index_cast %add3A_825 : i32 to index
      %get3A_827 = tpu.vector_load %arg8[%get3A_826] {strides = array<i32>} : memref<4096xi32, #tpu.memory_space<vmem>>, vector<16xi32>,
      %get3A_828 = arith.index_cast %add3A_825 : i32 to index
      %get3A_829 = tpu.vector_load %arg10[%get3A_828] {strides = array<i32>} : memref<4096xf32, #tpu.memory_space<vmem>>, vector<16xf32>,
      %broadcast_in_dim3A_830 = arith.constant true
      %broadcast_in_dim3A_831 = vector.broadcast %broadcast_in_dim3A_830 : i1 to vector<16xi1>
      %unique3A_832, %unique3A_833 = tpu.scan_count mask(%broadcast_in_dim3A_831 : vector<16xi1>) value(%get3A_827 : vector<16xi32>) : vector<16xi1>, vector<16xi32>
      %add3A_834 = arith.constant 160 : i32
      %add3A_835 = arith.addi %mul3A_736, %add3A_834 : i32
      %get3A_836 = arith.index_cast %add3A_835 : i32 to index
      %get3A_837 = tpu.vector_load %arg8[%get3A_836] {strides = array<i32>} : memref<4096xi32, #tpu.memory_space<vmem>>, vector<16xi32>,
      %get3A_838 = arith.index_cast %add3A_835 : i32 to index
      %get3A_839 = tpu.vector_load %arg10[%get3A_838] {strides = array<i32>} : memref<4096xf32, #tpu.memory_space<vmem>>, vector<16xf32>,
      %broadcast_in_dim3A_840 = arith.constant true
      %broadcast_in_dim3A_841 = vector.broadcast %broadcast_in_dim3A_840 : i1 to vector<16xi1>
      %unique3A_842, %unique3A_843 = tpu.scan_count mask(%broadcast_in_dim3A_841 : vector<16xi1>) value(%get3A_837 : vector<16xi32>) : vector<16xi1>, vector<16xi32>
      %add3A_844 = arith.constant 176 : i32
      %add3A_845 = arith.addi %mul3A_736, %add3A_844 : i32
      %get3A_846 = arith.index_cast %add3A_845 : i32 to index
      %get3A_847 = tpu.vector_load %arg8[%get3A_846] {strides = array<i32>} : memref<4096xi32, #tpu.memory_space<vmem>>, vector<16xi32>,
      %get3A_848 = arith.index_cast %add3A_845 : i32 to index
      %get3A_849 = tpu.vector_load %arg10[%get3A_848] {strides = array<i32>} : memref<4096xf32, #tpu.memory_space<vmem>>, vector<16xf32>,
      %broadcast_in_dim3A_850 = arith.constant true
      %broadcast_in_dim3A_851 = vector.broadcast %broadcast_in_dim3A_850 : i1 to vector<16xi1>
      %unique3A_852, %unique3A_853 = tpu.scan_count mask(%broadcast_in_dim3A_851 : vector<16xi1>) value(%get3A_847 : vector<16xi32>) : vector<16xi1>, vector<16xi32>
      %add3A_854 = arith.constant 192 : i32
      %add3A_855 = arith.addi %mul3A_736, %add3A_854 : i32
      %get3A_856 = arith.index_cast %add3A_855 : i32 to index
      %get3A_857 = tpu.vector_load %arg8[%get3A_856] {strides = array<i32>} : memref<4096xi32, #tpu.memory_space<vmem>>, vector<16xi32>,
      %get3A_858 = arith.index_cast %add3A_855 : i32 to index
      %get3A_859 = tpu.vector_load %arg10[%get3A_858] {strides = array<i32>} : memref<4096xf32, #tpu.memory_space<vmem>>, vector<16xf32>,
      %broadcast_in_dim3A_860 = arith.constant true
      %broadcast_in_dim3A_861 = vector.broadcast %broadcast_in_dim3A_860 : i1 to vector<16xi1>
      %unique3A_862, %unique3A_863 = tpu.scan_count mask(%broadcast_in_dim3A_861 : vector<16xi1>) value(%get3A_857 : vector<16xi32>) : vector<16xi1>, vector<16xi32>
      %add3A_864 = arith.constant 208 : i32
      %add3A_865 = arith.addi %mul3A_736, %add3A_864 : i32
      %get3A_866 = arith.index_cast %add3A_865 : i32 to index
      %get3A_867 = tpu.vector_load %arg8[%get3A_866] {strides = array<i32>} : memref<4096xi32, #tpu.memory_space<vmem>>, vector<16xi32>,
      %get3A_868 = arith.index_cast %add3A_865 : i32 to index
      %get3A_869 = tpu.vector_load %arg10[%get3A_868] {strides = array<i32>} : memref<4096xf32, #tpu.memory_space<vmem>>, vector<16xf32>,
      %broadcast_in_dim3A_870 = arith.constant true
      %broadcast_in_dim3A_871 = vector.broadcast %broadcast_in_dim3A_870 : i1 to vector<16xi1>
      %unique3A_872, %unique3A_873 = tpu.scan_count mask(%broadcast_in_dim3A_871 : vector<16xi1>) value(%get3A_867 : vector<16xi32>) : vector<16xi1>, vector<16xi32>
      %add3A_874 = arith.constant 224 : i32
      %add3A_875 = arith.addi %mul3A_736, %add3A_874 : i32
      %get3A_876 = arith.index_cast %add3A_875 : i32 to index
      %get3A_877 = tpu.vector_load %arg8[%get3A_876] {strides = array<i32>} : memref<4096xi32, #tpu.memory_space<vmem>>, vector<16xi32>,
      %get3A_878 = arith.index_cast %add3A_875 : i32 to index
      %get3A_879 = tpu.vector_load %arg10[%get3A_878] {strides = array<i32>} : memref<4096xf32, #tpu.memory_space<vmem>>, vector<16xf32>,
      %broadcast_in_dim3A_880 = arith.constant true
      %broadcast_in_dim3A_881 = vector.broadcast %broadcast_in_dim3A_880 : i1 to vector<16xi1>
      %unique3A_882, %unique3A_883 = tpu.scan_count mask(%broadcast_in_dim3A_881 : vector<16xi1>) value(%get3A_877 : vector<16xi32>) : vector<16xi1>, vector<16xi32>
      %add3A_884 = arith.constant 240 : i32
      %add3A_885 = arith.addi %mul3A_736, %add3A_884 : i32
      %get3A_886 = arith.index_cast %add3A_885 : i32 to index
      %get3A_887 = tpu.vector_load %arg8[%get3A_886] {strides = array<i32>} : memref<4096xi32, #tpu.memory_space<vmem>>, vector<16xi32>,
      %get3A_888 = arith.index_cast %add3A_885 : i32 to index
      %get3A_889 = tpu.vector_load %arg10[%get3A_888] {strides = array<i32>} : memref<4096xf32, #tpu.memory_space<vmem>>, vector<16xf32>,
      %broadcast_in_dim3A_890 = arith.constant true
      %broadcast_in_dim3A_891 = vector.broadcast %broadcast_in_dim3A_890 : i1 to vector<16xi1>
      %unique3A_892, %unique3A_893 = tpu.scan_count mask(%broadcast_in_dim3A_891 : vector<16xi1>) value(%get3A_887 : vector<16xi32>) : vector<16xi1>, vector<16xi32>
      tpu.vector_store_idx %arg6[%get3A_739], %get3A_741 masked %unique3A : memref<100000xf32, #tpu.memory_space<vmem>>[vector<16xi32>], vector<16xf32>, vector<16xi1>
      tpu.vector_store_idx %arg6[%get3A_747], %get3A_749 masked %unique3A_752 : memref<100000xf32, #tpu.memory_space<vmem>>[vector<16xi32>], vector<16xf32>, vector<16xi1>
      tpu.vector_store_idx %arg6[%get3A_757], %get3A_759 masked %unique3A_762 : memref<100000xf32, #tpu.memory_space<vmem>>[vector<16xi32>], vector<16xf32>, vector<16xi1>
      tpu.vector_store_idx %arg6[%get3A_767], %get3A_769 masked %unique3A_772 : memref<100000xf32, #tpu.memory_space<vmem>>[vector<16xi32>], vector<16xf32>, vector<16xi1>
      tpu.vector_store_idx %arg6[%get3A_777], %get3A_779 masked %unique3A_782 : memref<100000xf32, #tpu.memory_space<vmem>>[vector<16xi32>], vector<16xf32>, vector<16xi1>
      tpu.vector_store_idx %arg6[%get3A_787], %get3A_789 masked %unique3A_792 : memref<100000xf32, #tpu.memory_space<vmem>>[vector<16xi32>], vector<16xf32>, vector<16xi1>
      tpu.vector_store_idx %arg6[%get3A_797], %get3A_799 masked %unique3A_802 : memref<100000xf32, #tpu.memory_space<vmem>>[vector<16xi32>], vector<16xf32>, vector<16xi1>
      tpu.vector_store_idx %arg6[%get3A_807], %get3A_809 masked %unique3A_812 : memref<100000xf32, #tpu.memory_space<vmem>>[vector<16xi32>], vector<16xf32>, vector<16xi1>
      tpu.vector_store_idx %arg6[%get3A_817], %get3A_819 masked %unique3A_822 : memref<100000xf32, #tpu.memory_space<vmem>>[vector<16xi32>], vector<16xf32>, vector<16xi1>
      tpu.vector_store_idx %arg6[%get3A_827], %get3A_829 masked %unique3A_832 : memref<100000xf32, #tpu.memory_space<vmem>>[vector<16xi32>], vector<16xf32>, vector<16xi1>
      tpu.vector_store_idx %arg6[%get3A_837], %get3A_839 masked %unique3A_842 : memref<100000xf32, #tpu.memory_space<vmem>>[vector<16xi32>], vector<16xf32>, vector<16xi1>
      tpu.vector_store_idx %arg6[%get3A_847], %get3A_849 masked %unique3A_852 : memref<100000xf32, #tpu.memory_space<vmem>>[vector<16xi32>], vector<16xf32>, vector<16xi1>
      tpu.vector_store_idx %arg6[%get3A_857], %get3A_859 masked %unique3A_862 : memref<100000xf32, #tpu.memory_space<vmem>>[vector<16xi32>], vector<16xf32>, vector<16xi1>
      tpu.vector_store_idx %arg6[%get3A_867], %get3A_869 masked %unique3A_872 : memref<100000xf32, #tpu.memory_space<vmem>>[vector<16xi32>], vector<16xf32>, vector<16xi1>
      tpu.vector_store_idx %arg6[%get3A_877], %get3A_879 masked %unique3A_882 : memref<100000xf32, #tpu.memory_space<vmem>>[vector<16xi32>], vector<16xf32>, vector<16xi1>
      tpu.vector_store_idx %arg6[%get3A_887], %get3A_889 masked %unique3A_892 : memref<100000xf32, #tpu.memory_space<vmem>>[vector<16xi32>], vector<16xf32>, vector<16xi1>
    }
    %scan3A_473 = arith.constant 16 : i32
    %add3A_474 = arith.constant 64 : i32
    %add3A_475 = arith.addi %add3A_474, %add3A : i32
    %add3A_476 = arith.constant 64 : i32
    %add3A_477 = arith.addi %add3A_476, %add3A : i32
    %dma_start3A_478 = arith.constant 12288 : i32
    %dma_start3A_479 = tpu.memref_slice %arg3[%add3A_475, %dma_start3A_478] : memref<128x16384xi32, #tpu.memory_space<hbm>> -> memref<1x4096xi32, #tpu.memory_space<hbm>>
    %dma_start3A_480 = tpu.memref_squeeze %dma_start3A_479 : memref<1x4096xi32, #tpu.memory_space<hbm>> -> memref<4096xi32, #tpu.memory_space<hbm>>
    %dma_start3A_481 = arith.constant 12288 : i32
    %dma_start3A_482 = tpu.memref_slice %arg3[%add3A_475, %dma_start3A_481] : memref<128x16384xi32, #tpu.memory_space<hbm>> -> memref<1x4096xi32, #tpu.memory_space<hbm>>
    %dma_start3A_483 = tpu.memref_squeeze %dma_start3A_482 : memref<1x4096xi32, #tpu.memory_space<hbm>> -> memref<4096xi32, #tpu.memory_space<hbm>>
    tpu.enqueue_dma source(%dma_start3A_483 : memref<4096xi32, #tpu.memory_space<hbm>>) target(%arg8 : memref<4096xi32, #tpu.memory_space<vmem>>) target_semaphore(%arg14 : memref<!tpu.dma_semaphore, #tpu.memory_space<semaphore_mem>>)
    %dma_start3A_484 = arith.constant 12288 : i32
    %dma_start3A_485 = tpu.memref_slice %arg4[%add3A_477, %dma_start3A_484] : memref<128x16384xf32, #tpu.memory_space<hbm>> -> memref<1x4096xf32, #tpu.memory_space<hbm>>
    %dma_start3A_486 = tpu.memref_squeeze %dma_start3A_485 : memref<1x4096xf32, #tpu.memory_space<hbm>> -> memref<4096xf32, #tpu.memory_space<hbm>>
    %dma_start3A_487 = arith.constant 12288 : i32
    %dma_start3A_488 = tpu.memref_slice %arg4[%add3A_477, %dma_start3A_487] : memref<128x16384xf32, #tpu.memory_space<hbm>> -> memref<1x4096xf32, #tpu.memory_space<hbm>>
    %dma_start3A_489 = tpu.memref_squeeze %dma_start3A_488 : memref<1x4096xf32, #tpu.memory_space<hbm>> -> memref<4096xf32, #tpu.memory_space<hbm>>
    tpu.enqueue_dma source(%dma_start3A_489 : memref<4096xf32, #tpu.memory_space<hbm>>) target(%arg10 : memref<4096xf32, #tpu.memory_space<vmem>>) target_semaphore(%arg14 : memref<!tpu.dma_semaphore, #tpu.memory_space<semaphore_mem>>)
    %add3A_490 = arith.constant 64 : i32
    %add3A_491 = arith.addi %add3A_490, %add3A : i32
    %add3A_492 = arith.constant 64 : i32
    %add3A_493 = arith.addi %add3A_492, %add3A : i32
    %dma_wait3A_494 = arith.constant 8192 : i32
    %dma_wait3A_495 = tpu.memref_slice %arg3[%add3A_491, %dma_wait3A_494] : memref<128x16384xi32, #tpu.memory_space<hbm>> -> memref<1x4096xi32, #tpu.memory_space<hbm>>
    %dma_wait3A_496 = tpu.memref_squeeze %dma_wait3A_495 : memref<1x4096xi32, #tpu.memory_space<hbm>> -> memref<4096xi32, #tpu.memory_space<hbm>>
    %dma_wait3A_497 = arith.constant 8192 : i32
    %dma_wait3A_498 = tpu.memref_slice %arg3[%add3A_491, %dma_wait3A_497] : memref<128x16384xi32, #tpu.memory_space<hbm>> -> memref<1x4096xi32, #tpu.memory_space<hbm>>
    %dma_wait3A_499 = tpu.memref_squeeze %dma_wait3A_498 : memref<1x4096xi32, #tpu.memory_space<hbm>> -> memref<4096xi32, #tpu.memory_space<hbm>>
    tpu.wait_dma2 semaphore(%arg13 : memref<!tpu.dma_semaphore, #tpu.memory_space<semaphore_mem>>) src(%dma_wait3A_499 : memref<4096xi32, #tpu.memory_space<hbm>>) dst(%arg7 : memref<4096xi32, #tpu.memory_space<vmem>>)
    %dma_wait3A_500 = arith.constant 8192 : i32
    %dma_wait3A_501 = tpu.memref_slice %arg4[%add3A_493, %dma_wait3A_500] : memref<128x16384xf32, #tpu.memory_space<hbm>> -> memref<1x4096xf32, #tpu.memory_space<hbm>>
    %dma_wait3A_502 = tpu.memref_squeeze %dma_wait3A_501 : memref<1x4096xf32, #tpu.memory_space<hbm>> -> memref<4096xf32, #tpu.memory_space<hbm>>
    %dma_wait3A_503 = arith.constant 8192 : i32
    %dma_wait3A_504 = tpu.memref_slice %arg4[%add3A_493, %dma_wait3A_503] : memref<128x16384xf32, #tpu.memory_space<hbm>> -> memref<1x4096xf32, #tpu.memory_space<hbm>>
    %dma_wait3A_505 = tpu.memref_squeeze %dma_wait3A_504 : memref<1x4096xf32, #tpu.memory_space<hbm>> -> memref<4096xf32, #tpu.memory_space<hbm>>
    tpu.wait_dma2 semaphore(%arg13 : memref<!tpu.dma_semaphore, #tpu.memory_space<semaphore_mem>>) src(%dma_wait3A_505 : memref<4096xf32, #tpu.memory_space<hbm>>) dst(%arg9 : memref<4096xf32, #tpu.memory_space<vmem>>)
    %scan3A_506 = arith.constant 0 : i32
    %scan3A_507 = arith.constant 0 : i32
    %scan3A_508 = arith.constant 16 : i32
    %scan3A_509 = arith.addi %scan3A_507, %scan3A_508 : i32
    %scan3A_510 = arith.constant 1 : i32
    scf.for %scan3A_734 = %scan3A_507 to %scan3A_509 step %scan3A_510  : i32 {
      %mul3A_735 = arith.constant 256 : i32
      %mul3A_736 = arith.muli %scan3A_734, %mul3A_735 : i32
      %add3A_737 = arith.constant 0 : i32
      %add3A_738 = arith.addi %mul3A_736, %add3A_737 : i32
      %get3A = arith.index_cast %add3A_738 : i32 to index
      %get3A_739 = tpu.vector_load %arg7[%get3A] {strides = array<i32>} : memref<4096xi32, #tpu.memory_space<vmem>>, vector<16xi32>,
      %get3A_740 = arith.index_cast %add3A_738 : i32 to index
      %get3A_741 = tpu.vector_load %arg9[%get3A_740] {strides = array<i32>} : memref<4096xf32, #tpu.memory_space<vmem>>, vector<16xf32>,
      %broadcast_in_dim3A = arith.constant true
      %broadcast_in_dim3A_742 = vector.broadcast %broadcast_in_dim3A : i1 to vector<16xi1>
      %unique3A, %unique3A_743 = tpu.scan_count mask(%broadcast_in_dim3A_742 : vector<16xi1>) value(%get3A_739 : vector<16xi32>) : vector<16xi1>, vector<16xi32>
      %add3A_744 = arith.constant 16 : i32
      %add3A_745 = arith.addi %mul3A_736, %add3A_744 : i32
      %get3A_746 = arith.index_cast %add3A_745 : i32 to index
      %get3A_747 = tpu.vector_load %arg7[%get3A_746] {strides = array<i32>} : memref<4096xi32, #tpu.memory_space<vmem>>, vector<16xi32>,
      %get3A_748 = arith.index_cast %add3A_745 : i32 to index
      %get3A_749 = tpu.vector_load %arg9[%get3A_748] {strides = array<i32>} : memref<4096xf32, #tpu.memory_space<vmem>>, vector<16xf32>,
      %broadcast_in_dim3A_750 = arith.constant true
      %broadcast_in_dim3A_751 = vector.broadcast %broadcast_in_dim3A_750 : i1 to vector<16xi1>
      %unique3A_752, %unique3A_753 = tpu.scan_count mask(%broadcast_in_dim3A_751 : vector<16xi1>) value(%get3A_747 : vector<16xi32>) : vector<16xi1>, vector<16xi32>
      %add3A_754 = arith.constant 32 : i32
      %add3A_755 = arith.addi %mul3A_736, %add3A_754 : i32
      %get3A_756 = arith.index_cast %add3A_755 : i32 to index
      %get3A_757 = tpu.vector_load %arg7[%get3A_756] {strides = array<i32>} : memref<4096xi32, #tpu.memory_space<vmem>>, vector<16xi32>,
      %get3A_758 = arith.index_cast %add3A_755 : i32 to index
      %get3A_759 = tpu.vector_load %arg9[%get3A_758] {strides = array<i32>} : memref<4096xf32, #tpu.memory_space<vmem>>, vector<16xf32>,
      %broadcast_in_dim3A_760 = arith.constant true
      %broadcast_in_dim3A_761 = vector.broadcast %broadcast_in_dim3A_760 : i1 to vector<16xi1>
      %unique3A_762, %unique3A_763 = tpu.scan_count mask(%broadcast_in_dim3A_761 : vector<16xi1>) value(%get3A_757 : vector<16xi32>) : vector<16xi1>, vector<16xi32>
      %add3A_764 = arith.constant 48 : i32
      %add3A_765 = arith.addi %mul3A_736, %add3A_764 : i32
      %get3A_766 = arith.index_cast %add3A_765 : i32 to index
      %get3A_767 = tpu.vector_load %arg7[%get3A_766] {strides = array<i32>} : memref<4096xi32, #tpu.memory_space<vmem>>, vector<16xi32>,
      %get3A_768 = arith.index_cast %add3A_765 : i32 to index
      %get3A_769 = tpu.vector_load %arg9[%get3A_768] {strides = array<i32>} : memref<4096xf32, #tpu.memory_space<vmem>>, vector<16xf32>,
      %broadcast_in_dim3A_770 = arith.constant true
      %broadcast_in_dim3A_771 = vector.broadcast %broadcast_in_dim3A_770 : i1 to vector<16xi1>
      %unique3A_772, %unique3A_773 = tpu.scan_count mask(%broadcast_in_dim3A_771 : vector<16xi1>) value(%get3A_767 : vector<16xi32>) : vector<16xi1>, vector<16xi32>
      %add3A_774 = arith.constant 64 : i32
      %add3A_775 = arith.addi %mul3A_736, %add3A_774 : i32
      %get3A_776 = arith.index_cast %add3A_775 : i32 to index
      %get3A_777 = tpu.vector_load %arg7[%get3A_776] {strides = array<i32>} : memref<4096xi32, #tpu.memory_space<vmem>>, vector<16xi32>,
      %get3A_778 = arith.index_cast %add3A_775 : i32 to index
      %get3A_779 = tpu.vector_load %arg9[%get3A_778] {strides = array<i32>} : memref<4096xf32, #tpu.memory_space<vmem>>, vector<16xf32>,
      %broadcast_in_dim3A_780 = arith.constant true
      %broadcast_in_dim3A_781 = vector.broadcast %broadcast_in_dim3A_780 : i1 to vector<16xi1>
      %unique3A_782, %unique3A_783 = tpu.scan_count mask(%broadcast_in_dim3A_781 : vector<16xi1>) value(%get3A_777 : vector<16xi32>) : vector<16xi1>, vector<16xi32>
      %add3A_784 = arith.constant 80 : i32
      %add3A_785 = arith.addi %mul3A_736, %add3A_784 : i32
      %get3A_786 = arith.index_cast %add3A_785 : i32 to index
      %get3A_787 = tpu.vector_load %arg7[%get3A_786] {strides = array<i32>} : memref<4096xi32, #tpu.memory_space<vmem>>, vector<16xi32>,
      %get3A_788 = arith.index_cast %add3A_785 : i32 to index
      %get3A_789 = tpu.vector_load %arg9[%get3A_788] {strides = array<i32>} : memref<4096xf32, #tpu.memory_space<vmem>>, vector<16xf32>,
      %broadcast_in_dim3A_790 = arith.constant true
      %broadcast_in_dim3A_791 = vector.broadcast %broadcast_in_dim3A_790 : i1 to vector<16xi1>
      %unique3A_792, %unique3A_793 = tpu.scan_count mask(%broadcast_in_dim3A_791 : vector<16xi1>) value(%get3A_787 : vector<16xi32>) : vector<16xi1>, vector<16xi32>
      %add3A_794 = arith.constant 96 : i32
      %add3A_795 = arith.addi %mul3A_736, %add3A_794 : i32
      %get3A_796 = arith.index_cast %add3A_795 : i32 to index
      %get3A_797 = tpu.vector_load %arg7[%get3A_796] {strides = array<i32>} : memref<4096xi32, #tpu.memory_space<vmem>>, vector<16xi32>,
      %get3A_798 = arith.index_cast %add3A_795 : i32 to index
      %get3A_799 = tpu.vector_load %arg9[%get3A_798] {strides = array<i32>} : memref<4096xf32, #tpu.memory_space<vmem>>, vector<16xf32>,
      %broadcast_in_dim3A_800 = arith.constant true
      %broadcast_in_dim3A_801 = vector.broadcast %broadcast_in_dim3A_800 : i1 to vector<16xi1>
      %unique3A_802, %unique3A_803 = tpu.scan_count mask(%broadcast_in_dim3A_801 : vector<16xi1>) value(%get3A_797 : vector<16xi32>) : vector<16xi1>, vector<16xi32>
      %add3A_804 = arith.constant 112 : i32
      %add3A_805 = arith.addi %mul3A_736, %add3A_804 : i32
      %get3A_806 = arith.index_cast %add3A_805 : i32 to index
      %get3A_807 = tpu.vector_load %arg7[%get3A_806] {strides = array<i32>} : memref<4096xi32, #tpu.memory_space<vmem>>, vector<16xi32>,
      %get3A_808 = arith.index_cast %add3A_805 : i32 to index
      %get3A_809 = tpu.vector_load %arg9[%get3A_808] {strides = array<i32>} : memref<4096xf32, #tpu.memory_space<vmem>>, vector<16xf32>,
      %broadcast_in_dim3A_810 = arith.constant true
      %broadcast_in_dim3A_811 = vector.broadcast %broadcast_in_dim3A_810 : i1 to vector<16xi1>
      %unique3A_812, %unique3A_813 = tpu.scan_count mask(%broadcast_in_dim3A_811 : vector<16xi1>) value(%get3A_807 : vector<16xi32>) : vector<16xi1>, vector<16xi32>
      %add3A_814 = arith.constant 128 : i32
      %add3A_815 = arith.addi %mul3A_736, %add3A_814 : i32
      %get3A_816 = arith.index_cast %add3A_815 : i32 to index
      %get3A_817 = tpu.vector_load %arg7[%get3A_816] {strides = array<i32>} : memref<4096xi32, #tpu.memory_space<vmem>>, vector<16xi32>,
      %get3A_818 = arith.index_cast %add3A_815 : i32 to index
      %get3A_819 = tpu.vector_load %arg9[%get3A_818] {strides = array<i32>} : memref<4096xf32, #tpu.memory_space<vmem>>, vector<16xf32>,
      %broadcast_in_dim3A_820 = arith.constant true
      %broadcast_in_dim3A_821 = vector.broadcast %broadcast_in_dim3A_820 : i1 to vector<16xi1>
      %unique3A_822, %unique3A_823 = tpu.scan_count mask(%broadcast_in_dim3A_821 : vector<16xi1>) value(%get3A_817 : vector<16xi32>) : vector<16xi1>, vector<16xi32>
      %add3A_824 = arith.constant 144 : i32
      %add3A_825 = arith.addi %mul3A_736, %add3A_824 : i32
      %get3A_826 = arith.index_cast %add3A_825 : i32 to index
      %get3A_827 = tpu.vector_load %arg7[%get3A_826] {strides = array<i32>} : memref<4096xi32, #tpu.memory_space<vmem>>, vector<16xi32>,
      %get3A_828 = arith.index_cast %add3A_825 : i32 to index
      %get3A_829 = tpu.vector_load %arg9[%get3A_828] {strides = array<i32>} : memref<4096xf32, #tpu.memory_space<vmem>>, vector<16xf32>,
      %broadcast_in_dim3A_830 = arith.constant true
      %broadcast_in_dim3A_831 = vector.broadcast %broadcast_in_dim3A_830 : i1 to vector<16xi1>
      %unique3A_832, %unique3A_833 = tpu.scan_count mask(%broadcast_in_dim3A_831 : vector<16xi1>) value(%get3A_827 : vector<16xi32>) : vector<16xi1>, vector<16xi32>
      %add3A_834 = arith.constant 160 : i32
      %add3A_835 = arith.addi %mul3A_736, %add3A_834 : i32
      %get3A_836 = arith.index_cast %add3A_835 : i32 to index
      %get3A_837 = tpu.vector_load %arg7[%get3A_836] {strides = array<i32>} : memref<4096xi32, #tpu.memory_space<vmem>>, vector<16xi32>,
      %get3A_838 = arith.index_cast %add3A_835 : i32 to index
      %get3A_839 = tpu.vector_load %arg9[%get3A_838] {strides = array<i32>} : memref<4096xf32, #tpu.memory_space<vmem>>, vector<16xf32>,
      %broadcast_in_dim3A_840 = arith.constant true
      %broadcast_in_dim3A_841 = vector.broadcast %broadcast_in_dim3A_840 : i1 to vector<16xi1>
      %unique3A_842, %unique3A_843 = tpu.scan_count mask(%broadcast_in_dim3A_841 : vector<16xi1>) value(%get3A_837 : vector<16xi32>) : vector<16xi1>, vector<16xi32>
      %add3A_844 = arith.constant 176 : i32
      %add3A_845 = arith.addi %mul3A_736, %add3A_844 : i32
      %get3A_846 = arith.index_cast %add3A_845 : i32 to index
      %get3A_847 = tpu.vector_load %arg7[%get3A_846] {strides = array<i32>} : memref<4096xi32, #tpu.memory_space<vmem>>, vector<16xi32>,
      %get3A_848 = arith.index_cast %add3A_845 : i32 to index
      %get3A_849 = tpu.vector_load %arg9[%get3A_848] {strides = array<i32>} : memref<4096xf32, #tpu.memory_space<vmem>>, vector<16xf32>,
      %broadcast_in_dim3A_850 = arith.constant true
      %broadcast_in_dim3A_851 = vector.broadcast %broadcast_in_dim3A_850 : i1 to vector<16xi1>
      %unique3A_852, %unique3A_853 = tpu.scan_count mask(%broadcast_in_dim3A_851 : vector<16xi1>) value(%get3A_847 : vector<16xi32>) : vector<16xi1>, vector<16xi32>
      %add3A_854 = arith.constant 192 : i32
      %add3A_855 = arith.addi %mul3A_736, %add3A_854 : i32
      %get3A_856 = arith.index_cast %add3A_855 : i32 to index
      %get3A_857 = tpu.vector_load %arg7[%get3A_856] {strides = array<i32>} : memref<4096xi32, #tpu.memory_space<vmem>>, vector<16xi32>,
      %get3A_858 = arith.index_cast %add3A_855 : i32 to index
      %get3A_859 = tpu.vector_load %arg9[%get3A_858] {strides = array<i32>} : memref<4096xf32, #tpu.memory_space<vmem>>, vector<16xf32>,
      %broadcast_in_dim3A_860 = arith.constant true
      %broadcast_in_dim3A_861 = vector.broadcast %broadcast_in_dim3A_860 : i1 to vector<16xi1>
      %unique3A_862, %unique3A_863 = tpu.scan_count mask(%broadcast_in_dim3A_861 : vector<16xi1>) value(%get3A_857 : vector<16xi32>) : vector<16xi1>, vector<16xi32>
      %add3A_864 = arith.constant 208 : i32
      %add3A_865 = arith.addi %mul3A_736, %add3A_864 : i32
      %get3A_866 = arith.index_cast %add3A_865 : i32 to index
      %get3A_867 = tpu.vector_load %arg7[%get3A_866] {strides = array<i32>} : memref<4096xi32, #tpu.memory_space<vmem>>, vector<16xi32>,
      %get3A_868 = arith.index_cast %add3A_865 : i32 to index
      %get3A_869 = tpu.vector_load %arg9[%get3A_868] {strides = array<i32>} : memref<4096xf32, #tpu.memory_space<vmem>>, vector<16xf32>,
      %broadcast_in_dim3A_870 = arith.constant true
      %broadcast_in_dim3A_871 = vector.broadcast %broadcast_in_dim3A_870 : i1 to vector<16xi1>
      %unique3A_872, %unique3A_873 = tpu.scan_count mask(%broadcast_in_dim3A_871 : vector<16xi1>) value(%get3A_867 : vector<16xi32>) : vector<16xi1>, vector<16xi32>
      %add3A_874 = arith.constant 224 : i32
      %add3A_875 = arith.addi %mul3A_736, %add3A_874 : i32
      %get3A_876 = arith.index_cast %add3A_875 : i32 to index
      %get3A_877 = tpu.vector_load %arg7[%get3A_876] {strides = array<i32>} : memref<4096xi32, #tpu.memory_space<vmem>>, vector<16xi32>,
      %get3A_878 = arith.index_cast %add3A_875 : i32 to index
      %get3A_879 = tpu.vector_load %arg9[%get3A_878] {strides = array<i32>} : memref<4096xf32, #tpu.memory_space<vmem>>, vector<16xf32>,
      %broadcast_in_dim3A_880 = arith.constant true
      %broadcast_in_dim3A_881 = vector.broadcast %broadcast_in_dim3A_880 : i1 to vector<16xi1>
      %unique3A_882, %unique3A_883 = tpu.scan_count mask(%broadcast_in_dim3A_881 : vector<16xi1>) value(%get3A_877 : vector<16xi32>) : vector<16xi1>, vector<16xi32>
      %add3A_884 = arith.constant 240 : i32
      %add3A_885 = arith.addi %mul3A_736, %add3A_884 : i32
      %get3A_886 = arith.index_cast %add3A_885 : i32 to index
      %get3A_887 = tpu.vector_load %arg7[%get3A_886] {strides = array<i32>} : memref<4096xi32, #tpu.memory_space<vmem>>, vector<16xi32>,
      %get3A_888 = arith.index_cast %add3A_885 : i32 to index
      %get3A_889 = tpu.vector_load %arg9[%get3A_888] {strides = array<i32>} : memref<4096xf32, #tpu.memory_space<vmem>>, vector<16xf32>,
      %broadcast_in_dim3A_890 = arith.constant true
      %broadcast_in_dim3A_891 = vector.broadcast %broadcast_in_dim3A_890 : i1 to vector<16xi1>
      %unique3A_892, %unique3A_893 = tpu.scan_count mask(%broadcast_in_dim3A_891 : vector<16xi1>) value(%get3A_887 : vector<16xi32>) : vector<16xi1>, vector<16xi32>
      tpu.vector_store_idx %arg6[%get3A_739], %get3A_741 masked %unique3A : memref<100000xf32, #tpu.memory_space<vmem>>[vector<16xi32>], vector<16xf32>, vector<16xi1>
      tpu.vector_store_idx %arg6[%get3A_747], %get3A_749 masked %unique3A_752 : memref<100000xf32, #tpu.memory_space<vmem>>[vector<16xi32>], vector<16xf32>, vector<16xi1>
      tpu.vector_store_idx %arg6[%get3A_757], %get3A_759 masked %unique3A_762 : memref<100000xf32, #tpu.memory_space<vmem>>[vector<16xi32>], vector<16xf32>, vector<16xi1>
      tpu.vector_store_idx %arg6[%get3A_767], %get3A_769 masked %unique3A_772 : memref<100000xf32, #tpu.memory_space<vmem>>[vector<16xi32>], vector<16xf32>, vector<16xi1>
      tpu.vector_store_idx %arg6[%get3A_777], %get3A_779 masked %unique3A_782 : memref<100000xf32, #tpu.memory_space<vmem>>[vector<16xi32>], vector<16xf32>, vector<16xi1>
      tpu.vector_store_idx %arg6[%get3A_787], %get3A_789 masked %unique3A_792 : memref<100000xf32, #tpu.memory_space<vmem>>[vector<16xi32>], vector<16xf32>, vector<16xi1>
      tpu.vector_store_idx %arg6[%get3A_797], %get3A_799 masked %unique3A_802 : memref<100000xf32, #tpu.memory_space<vmem>>[vector<16xi32>], vector<16xf32>, vector<16xi1>
      tpu.vector_store_idx %arg6[%get3A_807], %get3A_809 masked %unique3A_812 : memref<100000xf32, #tpu.memory_space<vmem>>[vector<16xi32>], vector<16xf32>, vector<16xi1>
      tpu.vector_store_idx %arg6[%get3A_817], %get3A_819 masked %unique3A_822 : memref<100000xf32, #tpu.memory_space<vmem>>[vector<16xi32>], vector<16xf32>, vector<16xi1>
      tpu.vector_store_idx %arg6[%get3A_827], %get3A_829 masked %unique3A_832 : memref<100000xf32, #tpu.memory_space<vmem>>[vector<16xi32>], vector<16xf32>, vector<16xi1>
      tpu.vector_store_idx %arg6[%get3A_837], %get3A_839 masked %unique3A_842 : memref<100000xf32, #tpu.memory_space<vmem>>[vector<16xi32>], vector<16xf32>, vector<16xi1>
      tpu.vector_store_idx %arg6[%get3A_847], %get3A_849 masked %unique3A_852 : memref<100000xf32, #tpu.memory_space<vmem>>[vector<16xi32>], vector<16xf32>, vector<16xi1>
      tpu.vector_store_idx %arg6[%get3A_857], %get3A_859 masked %unique3A_862 : memref<100000xf32, #tpu.memory_space<vmem>>[vector<16xi32>], vector<16xf32>, vector<16xi1>
      tpu.vector_store_idx %arg6[%get3A_867], %get3A_869 masked %unique3A_872 : memref<100000xf32, #tpu.memory_space<vmem>>[vector<16xi32>], vector<16xf32>, vector<16xi1>
      tpu.vector_store_idx %arg6[%get3A_877], %get3A_879 masked %unique3A_882 : memref<100000xf32, #tpu.memory_space<vmem>>[vector<16xi32>], vector<16xf32>, vector<16xi1>
      tpu.vector_store_idx %arg6[%get3A_887], %get3A_889 masked %unique3A_892 : memref<100000xf32, #tpu.memory_space<vmem>>[vector<16xi32>], vector<16xf32>, vector<16xi1>
    }
    %scan3A_511 = arith.constant 16 : i32
    %add3A_512 = arith.constant 96 : i32
    %add3A_513 = arith.addi %add3A_512, %add3A : i32
    %add3A_514 = arith.constant 96 : i32
    %add3A_515 = arith.addi %add3A_514, %add3A : i32
    %dma_start3A_516 = arith.constant 0 : i32
    %dma_start3A_517 = tpu.memref_slice %arg3[%add3A_513, %dma_start3A_516] : memref<128x16384xi32, #tpu.memory_space<hbm>> -> memref<1x4096xi32, #tpu.memory_space<hbm>>
    %dma_start3A_518 = tpu.memref_squeeze %dma_start3A_517 : memref<1x4096xi32, #tpu.memory_space<hbm>> -> memref<4096xi32, #tpu.memory_space<hbm>>
    %dma_start3A_519 = arith.constant 0 : i32
    %dma_start3A_520 = tpu.memref_slice %arg3[%add3A_513, %dma_start3A_519] : memref<128x16384xi32, #tpu.memory_space<hbm>> -> memref<1x4096xi32, #tpu.memory_space<hbm>>
    %dma_start3A_521 = tpu.memref_squeeze %dma_start3A_520 : memref<1x4096xi32, #tpu.memory_space<hbm>> -> memref<4096xi32, #tpu.memory_space<hbm>>
    tpu.enqueue_dma source(%dma_start3A_521 : memref<4096xi32, #tpu.memory_space<hbm>>) target(%arg7 : memref<4096xi32, #tpu.memory_space<vmem>>) target_semaphore(%arg13 : memref<!tpu.dma_semaphore, #tpu.memory_space<semaphore_mem>>)
    %dma_start3A_522 = arith.constant 0 : i32
    %dma_start3A_523 = tpu.memref_slice %arg4[%add3A_515, %dma_start3A_522] : memref<128x16384xf32, #tpu.memory_space<hbm>> -> memref<1x4096xf32, #tpu.memory_space<hbm>>
    %dma_start3A_524 = tpu.memref_squeeze %dma_start3A_523 : memref<1x4096xf32, #tpu.memory_space<hbm>> -> memref<4096xf32, #tpu.memory_space<hbm>>
    %dma_start3A_525 = arith.constant 0 : i32
    %dma_start3A_526 = tpu.memref_slice %arg4[%add3A_515, %dma_start3A_525] : memref<128x16384xf32, #tpu.memory_space<hbm>> -> memref<1x4096xf32, #tpu.memory_space<hbm>>
    %dma_start3A_527 = tpu.memref_squeeze %dma_start3A_526 : memref<1x4096xf32, #tpu.memory_space<hbm>> -> memref<4096xf32, #tpu.memory_space<hbm>>
    tpu.enqueue_dma source(%dma_start3A_527 : memref<4096xf32, #tpu.memory_space<hbm>>) target(%arg9 : memref<4096xf32, #tpu.memory_space<vmem>>) target_semaphore(%arg13 : memref<!tpu.dma_semaphore, #tpu.memory_space<semaphore_mem>>)
    %add3A_528 = arith.constant 64 : i32
    %add3A_529 = arith.addi %add3A_528, %add3A : i32
    %add3A_530 = arith.constant 64 : i32
    %add3A_531 = arith.addi %add3A_530, %add3A : i32
    %dma_wait3A_532 = arith.constant 12288 : i32
    %dma_wait3A_533 = tpu.memref_slice %arg3[%add3A_529, %dma_wait3A_532] : memref<128x16384xi32, #tpu.memory_space<hbm>> -> memref<1x4096xi32, #tpu.memory_space<hbm>>
    %dma_wait3A_534 = tpu.memref_squeeze %dma_wait3A_533 : memref<1x4096xi32, #tpu.memory_space<hbm>> -> memref<4096xi32, #tpu.memory_space<hbm>>
    %dma_wait3A_535 = arith.constant 12288 : i32
    %dma_wait3A_536 = tpu.memref_slice %arg3[%add3A_529, %dma_wait3A_535] : memref<128x16384xi32, #tpu.memory_space<hbm>> -> memref<1x4096xi32, #tpu.memory_space<hbm>>
    %dma_wait3A_537 = tpu.memref_squeeze %dma_wait3A_536 : memref<1x4096xi32, #tpu.memory_space<hbm>> -> memref<4096xi32, #tpu.memory_space<hbm>>
    tpu.wait_dma2 semaphore(%arg14 : memref<!tpu.dma_semaphore, #tpu.memory_space<semaphore_mem>>) src(%dma_wait3A_537 : memref<4096xi32, #tpu.memory_space<hbm>>) dst(%arg8 : memref<4096xi32, #tpu.memory_space<vmem>>)
    %dma_wait3A_538 = arith.constant 12288 : i32
    %dma_wait3A_539 = tpu.memref_slice %arg4[%add3A_531, %dma_wait3A_538] : memref<128x16384xf32, #tpu.memory_space<hbm>> -> memref<1x4096xf32, #tpu.memory_space<hbm>>
    %dma_wait3A_540 = tpu.memref_squeeze %dma_wait3A_539 : memref<1x4096xf32, #tpu.memory_space<hbm>> -> memref<4096xf32, #tpu.memory_space<hbm>>
    %dma_wait3A_541 = arith.constant 12288 : i32
    %dma_wait3A_542 = tpu.memref_slice %arg4[%add3A_531, %dma_wait3A_541] : memref<128x16384xf32, #tpu.memory_space<hbm>> -> memref<1x4096xf32, #tpu.memory_space<hbm>>
    %dma_wait3A_543 = tpu.memref_squeeze %dma_wait3A_542 : memref<1x4096xf32, #tpu.memory_space<hbm>> -> memref<4096xf32, #tpu.memory_space<hbm>>
    tpu.wait_dma2 semaphore(%arg14 : memref<!tpu.dma_semaphore, #tpu.memory_space<semaphore_mem>>) src(%dma_wait3A_543 : memref<4096xf32, #tpu.memory_space<hbm>>) dst(%arg10 : memref<4096xf32, #tpu.memory_space<vmem>>)
    %scan3A_544 = arith.constant 0 : i32
    %scan3A_545 = arith.constant 0 : i32
    %scan3A_546 = arith.constant 16 : i32
    %scan3A_547 = arith.addi %scan3A_545, %scan3A_546 : i32
    %scan3A_548 = arith.constant 1 : i32
    scf.for %scan3A_734 = %scan3A_545 to %scan3A_547 step %scan3A_548  : i32 {
      %mul3A_735 = arith.constant 256 : i32
      %mul3A_736 = arith.muli %scan3A_734, %mul3A_735 : i32
      %add3A_737 = arith.constant 0 : i32
      %add3A_738 = arith.addi %mul3A_736, %add3A_737 : i32
      %get3A = arith.index_cast %add3A_738 : i32 to index
      %get3A_739 = tpu.vector_load %arg8[%get3A] {strides = array<i32>} : memref<4096xi32, #tpu.memory_space<vmem>>, vector<16xi32>,
      %get3A_740 = arith.index_cast %add3A_738 : i32 to index
      %get3A_741 = tpu.vector_load %arg10[%get3A_740] {strides = array<i32>} : memref<4096xf32, #tpu.memory_space<vmem>>, vector<16xf32>,
      %broadcast_in_dim3A = arith.constant true
      %broadcast_in_dim3A_742 = vector.broadcast %broadcast_in_dim3A : i1 to vector<16xi1>
      %unique3A, %unique3A_743 = tpu.scan_count mask(%broadcast_in_dim3A_742 : vector<16xi1>) value(%get3A_739 : vector<16xi32>) : vector<16xi1>, vector<16xi32>
      %add3A_744 = arith.constant 16 : i32
      %add3A_745 = arith.addi %mul3A_736, %add3A_744 : i32
      %get3A_746 = arith.index_cast %add3A_745 : i32 to index
      %get3A_747 = tpu.vector_load %arg8[%get3A_746] {strides = array<i32>} : memref<4096xi32, #tpu.memory_space<vmem>>, vector<16xi32>,
      %get3A_748 = arith.index_cast %add3A_745 : i32 to index
      %get3A_749 = tpu.vector_load %arg10[%get3A_748] {strides = array<i32>} : memref<4096xf32, #tpu.memory_space<vmem>>, vector<16xf32>,
      %broadcast_in_dim3A_750 = arith.constant true
      %broadcast_in_dim3A_751 = vector.broadcast %broadcast_in_dim3A_750 : i1 to vector<16xi1>
      %unique3A_752, %unique3A_753 = tpu.scan_count mask(%broadcast_in_dim3A_751 : vector<16xi1>) value(%get3A_747 : vector<16xi32>) : vector<16xi1>, vector<16xi32>
      %add3A_754 = arith.constant 32 : i32
      %add3A_755 = arith.addi %mul3A_736, %add3A_754 : i32
      %get3A_756 = arith.index_cast %add3A_755 : i32 to index
      %get3A_757 = tpu.vector_load %arg8[%get3A_756] {strides = array<i32>} : memref<4096xi32, #tpu.memory_space<vmem>>, vector<16xi32>,
      %get3A_758 = arith.index_cast %add3A_755 : i32 to index
      %get3A_759 = tpu.vector_load %arg10[%get3A_758] {strides = array<i32>} : memref<4096xf32, #tpu.memory_space<vmem>>, vector<16xf32>,
      %broadcast_in_dim3A_760 = arith.constant true
      %broadcast_in_dim3A_761 = vector.broadcast %broadcast_in_dim3A_760 : i1 to vector<16xi1>
      %unique3A_762, %unique3A_763 = tpu.scan_count mask(%broadcast_in_dim3A_761 : vector<16xi1>) value(%get3A_757 : vector<16xi32>) : vector<16xi1>, vector<16xi32>
      %add3A_764 = arith.constant 48 : i32
      %add3A_765 = arith.addi %mul3A_736, %add3A_764 : i32
      %get3A_766 = arith.index_cast %add3A_765 : i32 to index
      %get3A_767 = tpu.vector_load %arg8[%get3A_766] {strides = array<i32>} : memref<4096xi32, #tpu.memory_space<vmem>>, vector<16xi32>,
      %get3A_768 = arith.index_cast %add3A_765 : i32 to index
      %get3A_769 = tpu.vector_load %arg10[%get3A_768] {strides = array<i32>} : memref<4096xf32, #tpu.memory_space<vmem>>, vector<16xf32>,
      %broadcast_in_dim3A_770 = arith.constant true
      %broadcast_in_dim3A_771 = vector.broadcast %broadcast_in_dim3A_770 : i1 to vector<16xi1>
      %unique3A_772, %unique3A_773 = tpu.scan_count mask(%broadcast_in_dim3A_771 : vector<16xi1>) value(%get3A_767 : vector<16xi32>) : vector<16xi1>, vector<16xi32>
      %add3A_774 = arith.constant 64 : i32
      %add3A_775 = arith.addi %mul3A_736, %add3A_774 : i32
      %get3A_776 = arith.index_cast %add3A_775 : i32 to index
      %get3A_777 = tpu.vector_load %arg8[%get3A_776] {strides = array<i32>} : memref<4096xi32, #tpu.memory_space<vmem>>, vector<16xi32>,
      %get3A_778 = arith.index_cast %add3A_775 : i32 to index
      %get3A_779 = tpu.vector_load %arg10[%get3A_778] {strides = array<i32>} : memref<4096xf32, #tpu.memory_space<vmem>>, vector<16xf32>,
      %broadcast_in_dim3A_780 = arith.constant true
      %broadcast_in_dim3A_781 = vector.broadcast %broadcast_in_dim3A_780 : i1 to vector<16xi1>
      %unique3A_782, %unique3A_783 = tpu.scan_count mask(%broadcast_in_dim3A_781 : vector<16xi1>) value(%get3A_777 : vector<16xi32>) : vector<16xi1>, vector<16xi32>
      %add3A_784 = arith.constant 80 : i32
      %add3A_785 = arith.addi %mul3A_736, %add3A_784 : i32
      %get3A_786 = arith.index_cast %add3A_785 : i32 to index
      %get3A_787 = tpu.vector_load %arg8[%get3A_786] {strides = array<i32>} : memref<4096xi32, #tpu.memory_space<vmem>>, vector<16xi32>,
      %get3A_788 = arith.index_cast %add3A_785 : i32 to index
      %get3A_789 = tpu.vector_load %arg10[%get3A_788] {strides = array<i32>} : memref<4096xf32, #tpu.memory_space<vmem>>, vector<16xf32>,
      %broadcast_in_dim3A_790 = arith.constant true
      %broadcast_in_dim3A_791 = vector.broadcast %broadcast_in_dim3A_790 : i1 to vector<16xi1>
      %unique3A_792, %unique3A_793 = tpu.scan_count mask(%broadcast_in_dim3A_791 : vector<16xi1>) value(%get3A_787 : vector<16xi32>) : vector<16xi1>, vector<16xi32>
      %add3A_794 = arith.constant 96 : i32
      %add3A_795 = arith.addi %mul3A_736, %add3A_794 : i32
      %get3A_796 = arith.index_cast %add3A_795 : i32 to index
      %get3A_797 = tpu.vector_load %arg8[%get3A_796] {strides = array<i32>} : memref<4096xi32, #tpu.memory_space<vmem>>, vector<16xi32>,
      %get3A_798 = arith.index_cast %add3A_795 : i32 to index
      %get3A_799 = tpu.vector_load %arg10[%get3A_798] {strides = array<i32>} : memref<4096xf32, #tpu.memory_space<vmem>>, vector<16xf32>,
      %broadcast_in_dim3A_800 = arith.constant true
      %broadcast_in_dim3A_801 = vector.broadcast %broadcast_in_dim3A_800 : i1 to vector<16xi1>
      %unique3A_802, %unique3A_803 = tpu.scan_count mask(%broadcast_in_dim3A_801 : vector<16xi1>) value(%get3A_797 : vector<16xi32>) : vector<16xi1>, vector<16xi32>
      %add3A_804 = arith.constant 112 : i32
      %add3A_805 = arith.addi %mul3A_736, %add3A_804 : i32
      %get3A_806 = arith.index_cast %add3A_805 : i32 to index
      %get3A_807 = tpu.vector_load %arg8[%get3A_806] {strides = array<i32>} : memref<4096xi32, #tpu.memory_space<vmem>>, vector<16xi32>,
      %get3A_808 = arith.index_cast %add3A_805 : i32 to index
      %get3A_809 = tpu.vector_load %arg10[%get3A_808] {strides = array<i32>} : memref<4096xf32, #tpu.memory_space<vmem>>, vector<16xf32>,
      %broadcast_in_dim3A_810 = arith.constant true
      %broadcast_in_dim3A_811 = vector.broadcast %broadcast_in_dim3A_810 : i1 to vector<16xi1>
      %unique3A_812, %unique3A_813 = tpu.scan_count mask(%broadcast_in_dim3A_811 : vector<16xi1>) value(%get3A_807 : vector<16xi32>) : vector<16xi1>, vector<16xi32>
      %add3A_814 = arith.constant 128 : i32
      %add3A_815 = arith.addi %mul3A_736, %add3A_814 : i32
      %get3A_816 = arith.index_cast %add3A_815 : i32 to index
      %get3A_817 = tpu.vector_load %arg8[%get3A_816] {strides = array<i32>} : memref<4096xi32, #tpu.memory_space<vmem>>, vector<16xi32>,
      %get3A_818 = arith.index_cast %add3A_815 : i32 to index
      %get3A_819 = tpu.vector_load %arg10[%get3A_818] {strides = array<i32>} : memref<4096xf32, #tpu.memory_space<vmem>>, vector<16xf32>,
      %broadcast_in_dim3A_820 = arith.constant true
      %broadcast_in_dim3A_821 = vector.broadcast %broadcast_in_dim3A_820 : i1 to vector<16xi1>
      %unique3A_822, %unique3A_823 = tpu.scan_count mask(%broadcast_in_dim3A_821 : vector<16xi1>) value(%get3A_817 : vector<16xi32>) : vector<16xi1>, vector<16xi32>
      %add3A_824 = arith.constant 144 : i32
      %add3A_825 = arith.addi %mul3A_736, %add3A_824 : i32
      %get3A_826 = arith.index_cast %add3A_825 : i32 to index
      %get3A_827 = tpu.vector_load %arg8[%get3A_826] {strides = array<i32>} : memref<4096xi32, #tpu.memory_space<vmem>>, vector<16xi32>,
      %get3A_828 = arith.index_cast %add3A_825 : i32 to index
      %get3A_829 = tpu.vector_load %arg10[%get3A_828] {strides = array<i32>} : memref<4096xf32, #tpu.memory_space<vmem>>, vector<16xf32>,
      %broadcast_in_dim3A_830 = arith.constant true
      %broadcast_in_dim3A_831 = vector.broadcast %broadcast_in_dim3A_830 : i1 to vector<16xi1>
      %unique3A_832, %unique3A_833 = tpu.scan_count mask(%broadcast_in_dim3A_831 : vector<16xi1>) value(%get3A_827 : vector<16xi32>) : vector<16xi1>, vector<16xi32>
      %add3A_834 = arith.constant 160 : i32
      %add3A_835 = arith.addi %mul3A_736, %add3A_834 : i32
      %get3A_836 = arith.index_cast %add3A_835 : i32 to index
      %get3A_837 = tpu.vector_load %arg8[%get3A_836] {strides = array<i32>} : memref<4096xi32, #tpu.memory_space<vmem>>, vector<16xi32>,
      %get3A_838 = arith.index_cast %add3A_835 : i32 to index
      %get3A_839 = tpu.vector_load %arg10[%get3A_838] {strides = array<i32>} : memref<4096xf32, #tpu.memory_space<vmem>>, vector<16xf32>,
      %broadcast_in_dim3A_840 = arith.constant true
      %broadcast_in_dim3A_841 = vector.broadcast %broadcast_in_dim3A_840 : i1 to vector<16xi1>
      %unique3A_842, %unique3A_843 = tpu.scan_count mask(%broadcast_in_dim3A_841 : vector<16xi1>) value(%get3A_837 : vector<16xi32>) : vector<16xi1>, vector<16xi32>
      %add3A_844 = arith.constant 176 : i32
      %add3A_845 = arith.addi %mul3A_736, %add3A_844 : i32
      %get3A_846 = arith.index_cast %add3A_845 : i32 to index
      %get3A_847 = tpu.vector_load %arg8[%get3A_846] {strides = array<i32>} : memref<4096xi32, #tpu.memory_space<vmem>>, vector<16xi32>,
      %get3A_848 = arith.index_cast %add3A_845 : i32 to index
      %get3A_849 = tpu.vector_load %arg10[%get3A_848] {strides = array<i32>} : memref<4096xf32, #tpu.memory_space<vmem>>, vector<16xf32>,
      %broadcast_in_dim3A_850 = arith.constant true
      %broadcast_in_dim3A_851 = vector.broadcast %broadcast_in_dim3A_850 : i1 to vector<16xi1>
      %unique3A_852, %unique3A_853 = tpu.scan_count mask(%broadcast_in_dim3A_851 : vector<16xi1>) value(%get3A_847 : vector<16xi32>) : vector<16xi1>, vector<16xi32>
      %add3A_854 = arith.constant 192 : i32
      %add3A_855 = arith.addi %mul3A_736, %add3A_854 : i32
      %get3A_856 = arith.index_cast %add3A_855 : i32 to index
      %get3A_857 = tpu.vector_load %arg8[%get3A_856] {strides = array<i32>} : memref<4096xi32, #tpu.memory_space<vmem>>, vector<16xi32>,
      %get3A_858 = arith.index_cast %add3A_855 : i32 to index
      %get3A_859 = tpu.vector_load %arg10[%get3A_858] {strides = array<i32>} : memref<4096xf32, #tpu.memory_space<vmem>>, vector<16xf32>,
      %broadcast_in_dim3A_860 = arith.constant true
      %broadcast_in_dim3A_861 = vector.broadcast %broadcast_in_dim3A_860 : i1 to vector<16xi1>
      %unique3A_862, %unique3A_863 = tpu.scan_count mask(%broadcast_in_dim3A_861 : vector<16xi1>) value(%get3A_857 : vector<16xi32>) : vector<16xi1>, vector<16xi32>
      %add3A_864 = arith.constant 208 : i32
      %add3A_865 = arith.addi %mul3A_736, %add3A_864 : i32
      %get3A_866 = arith.index_cast %add3A_865 : i32 to index
      %get3A_867 = tpu.vector_load %arg8[%get3A_866] {strides = array<i32>} : memref<4096xi32, #tpu.memory_space<vmem>>, vector<16xi32>,
      %get3A_868 = arith.index_cast %add3A_865 : i32 to index
      %get3A_869 = tpu.vector_load %arg10[%get3A_868] {strides = array<i32>} : memref<4096xf32, #tpu.memory_space<vmem>>, vector<16xf32>,
      %broadcast_in_dim3A_870 = arith.constant true
      %broadcast_in_dim3A_871 = vector.broadcast %broadcast_in_dim3A_870 : i1 to vector<16xi1>
      %unique3A_872, %unique3A_873 = tpu.scan_count mask(%broadcast_in_dim3A_871 : vector<16xi1>) value(%get3A_867 : vector<16xi32>) : vector<16xi1>, vector<16xi32>
      %add3A_874 = arith.constant 224 : i32
      %add3A_875 = arith.addi %mul3A_736, %add3A_874 : i32
      %get3A_876 = arith.index_cast %add3A_875 : i32 to index
      %get3A_877 = tpu.vector_load %arg8[%get3A_876] {strides = array<i32>} : memref<4096xi32, #tpu.memory_space<vmem>>, vector<16xi32>,
      %get3A_878 = arith.index_cast %add3A_875 : i32 to index
      %get3A_879 = tpu.vector_load %arg10[%get3A_878] {strides = array<i32>} : memref<4096xf32, #tpu.memory_space<vmem>>, vector<16xf32>,
      %broadcast_in_dim3A_880 = arith.constant true
      %broadcast_in_dim3A_881 = vector.broadcast %broadcast_in_dim3A_880 : i1 to vector<16xi1>
      %unique3A_882, %unique3A_883 = tpu.scan_count mask(%broadcast_in_dim3A_881 : vector<16xi1>) value(%get3A_877 : vector<16xi32>) : vector<16xi1>, vector<16xi32>
      %add3A_884 = arith.constant 240 : i32
      %add3A_885 = arith.addi %mul3A_736, %add3A_884 : i32
      %get3A_886 = arith.index_cast %add3A_885 : i32 to index
      %get3A_887 = tpu.vector_load %arg8[%get3A_886] {strides = array<i32>} : memref<4096xi32, #tpu.memory_space<vmem>>, vector<16xi32>,
      %get3A_888 = arith.index_cast %add3A_885 : i32 to index
      %get3A_889 = tpu.vector_load %arg10[%get3A_888] {strides = array<i32>} : memref<4096xf32, #tpu.memory_space<vmem>>, vector<16xf32>,
      %broadcast_in_dim3A_890 = arith.constant true
      %broadcast_in_dim3A_891 = vector.broadcast %broadcast_in_dim3A_890 : i1 to vector<16xi1>
      %unique3A_892, %unique3A_893 = tpu.scan_count mask(%broadcast_in_dim3A_891 : vector<16xi1>) value(%get3A_887 : vector<16xi32>) : vector<16xi1>, vector<16xi32>
      tpu.vector_store_idx %arg6[%get3A_739], %get3A_741 masked %unique3A : memref<100000xf32, #tpu.memory_space<vmem>>[vector<16xi32>], vector<16xf32>, vector<16xi1>
      tpu.vector_store_idx %arg6[%get3A_747], %get3A_749 masked %unique3A_752 : memref<100000xf32, #tpu.memory_space<vmem>>[vector<16xi32>], vector<16xf32>, vector<16xi1>
      tpu.vector_store_idx %arg6[%get3A_757], %get3A_759 masked %unique3A_762 : memref<100000xf32, #tpu.memory_space<vmem>>[vector<16xi32>], vector<16xf32>, vector<16xi1>
      tpu.vector_store_idx %arg6[%get3A_767], %get3A_769 masked %unique3A_772 : memref<100000xf32, #tpu.memory_space<vmem>>[vector<16xi32>], vector<16xf32>, vector<16xi1>
      tpu.vector_store_idx %arg6[%get3A_777], %get3A_779 masked %unique3A_782 : memref<100000xf32, #tpu.memory_space<vmem>>[vector<16xi32>], vector<16xf32>, vector<16xi1>
      tpu.vector_store_idx %arg6[%get3A_787], %get3A_789 masked %unique3A_792 : memref<100000xf32, #tpu.memory_space<vmem>>[vector<16xi32>], vector<16xf32>, vector<16xi1>
      tpu.vector_store_idx %arg6[%get3A_797], %get3A_799 masked %unique3A_802 : memref<100000xf32, #tpu.memory_space<vmem>>[vector<16xi32>], vector<16xf32>, vector<16xi1>
      tpu.vector_store_idx %arg6[%get3A_807], %get3A_809 masked %unique3A_812 : memref<100000xf32, #tpu.memory_space<vmem>>[vector<16xi32>], vector<16xf32>, vector<16xi1>
      tpu.vector_store_idx %arg6[%get3A_817], %get3A_819 masked %unique3A_822 : memref<100000xf32, #tpu.memory_space<vmem>>[vector<16xi32>], vector<16xf32>, vector<16xi1>
      tpu.vector_store_idx %arg6[%get3A_827], %get3A_829 masked %unique3A_832 : memref<100000xf32, #tpu.memory_space<vmem>>[vector<16xi32>], vector<16xf32>, vector<16xi1>
      tpu.vector_store_idx %arg6[%get3A_837], %get3A_839 masked %unique3A_842 : memref<100000xf32, #tpu.memory_space<vmem>>[vector<16xi32>], vector<16xf32>, vector<16xi1>
      tpu.vector_store_idx %arg6[%get3A_847], %get3A_849 masked %unique3A_852 : memref<100000xf32, #tpu.memory_space<vmem>>[vector<16xi32>], vector<16xf32>, vector<16xi1>
      tpu.vector_store_idx %arg6[%get3A_857], %get3A_859 masked %unique3A_862 : memref<100000xf32, #tpu.memory_space<vmem>>[vector<16xi32>], vector<16xf32>, vector<16xi1>
      tpu.vector_store_idx %arg6[%get3A_867], %get3A_869 masked %unique3A_872 : memref<100000xf32, #tpu.memory_space<vmem>>[vector<16xi32>], vector<16xf32>, vector<16xi1>
      tpu.vector_store_idx %arg6[%get3A_877], %get3A_879 masked %unique3A_882 : memref<100000xf32, #tpu.memory_space<vmem>>[vector<16xi32>], vector<16xf32>, vector<16xi1>
      tpu.vector_store_idx %arg6[%get3A_887], %get3A_889 masked %unique3A_892 : memref<100000xf32, #tpu.memory_space<vmem>>[vector<16xi32>], vector<16xf32>, vector<16xi1>
    }
    %scan3A_549 = arith.constant 16 : i32
    %add3A_550 = arith.constant 64 : i32
    %add3A_551 = arith.addi %add3A_550, %add3A : i32
    %dma_start3A_552 = arith.constant 0 : i32
    %dma_start3A_553 = tpu.memref_slice %arg5[%add3A_551, %dma_start3A_552] : memref<128x100000xf32, #tpu.memory_space<hbm>> -> memref<1x100000xf32, #tpu.memory_space<hbm>>
    %dma_start3A_554 = tpu.memref_squeeze %dma_start3A_553 : memref<1x100000xf32, #tpu.memory_space<hbm>> -> memref<100000xf32, #tpu.memory_space<hbm>>
    %dma_start3A_555 = arith.constant 0 : i32
    %dma_start3A_556 = tpu.memref_slice %arg5[%add3A_551, %dma_start3A_555] : memref<128x100000xf32, #tpu.memory_space<hbm>> -> memref<1x100000xf32, #tpu.memory_space<hbm>>
    %dma_start3A_557 = tpu.memref_squeeze %dma_start3A_556 : memref<1x100000xf32, #tpu.memory_space<hbm>> -> memref<100000xf32, #tpu.memory_space<hbm>>
    tpu.enqueue_dma source(%arg6 : memref<100000xf32, #tpu.memory_space<vmem>>) target(%dma_start3A_557 : memref<100000xf32, #tpu.memory_space<hbm>>) target_semaphore(%arg12 : memref<!tpu.dma_semaphore, #tpu.memory_space<semaphore_mem>>)
    %add3A_558 = arith.constant 64 : i32
    %add3A_559 = arith.addi %add3A_558, %add3A : i32
    %dma_wait3A_560 = arith.constant 0 : i32
    %dma_wait3A_561 = tpu.memref_slice %arg5[%add3A_559, %dma_wait3A_560] : memref<128x100000xf32, #tpu.memory_space<hbm>> -> memref<1x100000xf32, #tpu.memory_space<hbm>>
    %dma_wait3A_562 = tpu.memref_squeeze %dma_wait3A_561 : memref<1x100000xf32, #tpu.memory_space<hbm>> -> memref<100000xf32, #tpu.memory_space<hbm>>
    %dma_wait3A_563 = arith.constant 0 : i32
    %dma_wait3A_564 = tpu.memref_slice %arg5[%add3A_559, %dma_wait3A_563] : memref<128x100000xf32, #tpu.memory_space<hbm>> -> memref<1x100000xf32, #tpu.memory_space<hbm>>
    %dma_wait3A_565 = tpu.memref_squeeze %dma_wait3A_564 : memref<1x100000xf32, #tpu.memory_space<hbm>> -> memref<100000xf32, #tpu.memory_space<hbm>>
    tpu.wait_dma2 semaphore(%arg12 : memref<!tpu.dma_semaphore, #tpu.memory_space<semaphore_mem>>) src(%arg6 : memref<100000xf32, #tpu.memory_space<vmem>>) dst(%dma_wait3A_565 : memref<100000xf32, #tpu.memory_space<hbm>>)
    %add3A_566 = arith.constant 96 : i32
    %add3A_567 = arith.addi %add3A_566, %add3A : i32
    %dma_start3A_568 = arith.constant 0 : i32
    %dma_start3A_569 = tpu.memref_slice %arg2[%add3A_567, %dma_start3A_568] : memref<128x100000xf32, #tpu.memory_space<hbm>> -> memref<1x100000xf32, #tpu.memory_space<hbm>>
    %dma_start3A_570 = tpu.memref_squeeze %dma_start3A_569 : memref<1x100000xf32, #tpu.memory_space<hbm>> -> memref<100000xf32, #tpu.memory_space<hbm>>
    %dma_start3A_571 = arith.constant 0 : i32
    %dma_start3A_572 = tpu.memref_slice %arg2[%add3A_567, %dma_start3A_571] : memref<128x100000xf32, #tpu.memory_space<hbm>> -> memref<1x100000xf32, #tpu.memory_space<hbm>>
    %dma_start3A_573 = tpu.memref_squeeze %dma_start3A_572 : memref<1x100000xf32, #tpu.memory_space<hbm>> -> memref<100000xf32, #tpu.memory_space<hbm>>
    tpu.enqueue_dma source(%dma_start3A_573 : memref<100000xf32, #tpu.memory_space<hbm>>) target(%arg6 : memref<100000xf32, #tpu.memory_space<vmem>>) target_semaphore(%arg11 : memref<!tpu.dma_semaphore, #tpu.memory_space<semaphore_mem>>)
    %add3A_574 = arith.constant 96 : i32
    %add3A_575 = arith.addi %add3A_574, %add3A : i32
    %dma_wait3A_576 = arith.constant 0 : i32
    %dma_wait3A_577 = tpu.memref_slice %arg2[%add3A_575, %dma_wait3A_576] : memref<128x100000xf32, #tpu.memory_space<hbm>> -> memref<1x100000xf32, #tpu.memory_space<hbm>>
    %dma_wait3A_578 = tpu.memref_squeeze %dma_wait3A_577 : memref<1x100000xf32, #tpu.memory_space<hbm>> -> memref<100000xf32, #tpu.memory_space<hbm>>
    %dma_wait3A_579 = arith.constant 0 : i32
    %dma_wait3A_580 = tpu.memref_slice %arg2[%add3A_575, %dma_wait3A_579] : memref<128x100000xf32, #tpu.memory_space<hbm>> -> memref<1x100000xf32, #tpu.memory_space<hbm>>
    %dma_wait3A_581 = tpu.memref_squeeze %dma_wait3A_580 : memref<1x100000xf32, #tpu.memory_space<hbm>> -> memref<100000xf32, #tpu.memory_space<hbm>>
    tpu.wait_dma2 semaphore(%arg11 : memref<!tpu.dma_semaphore, #tpu.memory_space<semaphore_mem>>) src(%dma_wait3A_581 : memref<100000xf32, #tpu.memory_space<hbm>>) dst(%arg6 : memref<100000xf32, #tpu.memory_space<vmem>>)
    %add3A_582 = arith.constant 96 : i32
    %add3A_583 = arith.addi %add3A_582, %add3A : i32
    %add3A_584 = arith.constant 96 : i32
    %add3A_585 = arith.addi %add3A_584, %add3A : i32
    %dma_start3A_586 = arith.constant 4096 : i32
    %dma_start3A_587 = tpu.memref_slice %arg3[%add3A_583, %dma_start3A_586] : memref<128x16384xi32, #tpu.memory_space<hbm>> -> memref<1x4096xi32, #tpu.memory_space<hbm>>
    %dma_start3A_588 = tpu.memref_squeeze %dma_start3A_587 : memref<1x4096xi32, #tpu.memory_space<hbm>> -> memref<4096xi32, #tpu.memory_space<hbm>>
    %dma_start3A_589 = arith.constant 4096 : i32
    %dma_start3A_590 = tpu.memref_slice %arg3[%add3A_583, %dma_start3A_589] : memref<128x16384xi32, #tpu.memory_space<hbm>> -> memref<1x4096xi32, #tpu.memory_space<hbm>>
    %dma_start3A_591 = tpu.memref_squeeze %dma_start3A_590 : memref<1x4096xi32, #tpu.memory_space<hbm>> -> memref<4096xi32, #tpu.memory_space<hbm>>
    tpu.enqueue_dma source(%dma_start3A_591 : memref<4096xi32, #tpu.memory_space<hbm>>) target(%arg8 : memref<4096xi32, #tpu.memory_space<vmem>>) target_semaphore(%arg14 : memref<!tpu.dma_semaphore, #tpu.memory_space<semaphore_mem>>)
    %dma_start3A_592 = arith.constant 4096 : i32
    %dma_start3A_593 = tpu.memref_slice %arg4[%add3A_585, %dma_start3A_592] : memref<128x16384xf32, #tpu.memory_space<hbm>> -> memref<1x4096xf32, #tpu.memory_space<hbm>>
    %dma_start3A_594 = tpu.memref_squeeze %dma_start3A_593 : memref<1x4096xf32, #tpu.memory_space<hbm>> -> memref<4096xf32, #tpu.memory_space<hbm>>
    %dma_start3A_595 = arith.constant 4096 : i32
    %dma_start3A_596 = tpu.memref_slice %arg4[%add3A_585, %dma_start3A_595] : memref<128x16384xf32, #tpu.memory_space<hbm>> -> memref<1x4096xf32, #tpu.memory_space<hbm>>
    %dma_start3A_597 = tpu.memref_squeeze %dma_start3A_596 : memref<1x4096xf32, #tpu.memory_space<hbm>> -> memref<4096xf32, #tpu.memory_space<hbm>>
    tpu.enqueue_dma source(%dma_start3A_597 : memref<4096xf32, #tpu.memory_space<hbm>>) target(%arg10 : memref<4096xf32, #tpu.memory_space<vmem>>) target_semaphore(%arg14 : memref<!tpu.dma_semaphore, #tpu.memory_space<semaphore_mem>>)
    %add3A_598 = arith.constant 96 : i32
    %add3A_599 = arith.addi %add3A_598, %add3A : i32
    %add3A_600 = arith.constant 96 : i32
    %add3A_601 = arith.addi %add3A_600, %add3A : i32
    %dma_wait3A_602 = arith.constant 0 : i32
    %dma_wait3A_603 = tpu.memref_slice %arg3[%add3A_599, %dma_wait3A_602] : memref<128x16384xi32, #tpu.memory_space<hbm>> -> memref<1x4096xi32, #tpu.memory_space<hbm>>
    %dma_wait3A_604 = tpu.memref_squeeze %dma_wait3A_603 : memref<1x4096xi32, #tpu.memory_space<hbm>> -> memref<4096xi32, #tpu.memory_space<hbm>>
    %dma_wait3A_605 = arith.constant 0 : i32
    %dma_wait3A_606 = tpu.memref_slice %arg3[%add3A_599, %dma_wait3A_605] : memref<128x16384xi32, #tpu.memory_space<hbm>> -> memref<1x4096xi32, #tpu.memory_space<hbm>>
    %dma_wait3A_607 = tpu.memref_squeeze %dma_wait3A_606 : memref<1x4096xi32, #tpu.memory_space<hbm>> -> memref<4096xi32, #tpu.memory_space<hbm>>
    tpu.wait_dma2 semaphore(%arg13 : memref<!tpu.dma_semaphore, #tpu.memory_space<semaphore_mem>>) src(%dma_wait3A_607 : memref<4096xi32, #tpu.memory_space<hbm>>) dst(%arg7 : memref<4096xi32, #tpu.memory_space<vmem>>)
    %dma_wait3A_608 = arith.constant 0 : i32
    %dma_wait3A_609 = tpu.memref_slice %arg4[%add3A_601, %dma_wait3A_608] : memref<128x16384xf32, #tpu.memory_space<hbm>> -> memref<1x4096xf32, #tpu.memory_space<hbm>>
    %dma_wait3A_610 = tpu.memref_squeeze %dma_wait3A_609 : memref<1x4096xf32, #tpu.memory_space<hbm>> -> memref<4096xf32, #tpu.memory_space<hbm>>
    %dma_wait3A_611 = arith.constant 0 : i32
    %dma_wait3A_612 = tpu.memref_slice %arg4[%add3A_601, %dma_wait3A_611] : memref<128x16384xf32, #tpu.memory_space<hbm>> -> memref<1x4096xf32, #tpu.memory_space<hbm>>
    %dma_wait3A_613 = tpu.memref_squeeze %dma_wait3A_612 : memref<1x4096xf32, #tpu.memory_space<hbm>> -> memref<4096xf32, #tpu.memory_space<hbm>>
    tpu.wait_dma2 semaphore(%arg13 : memref<!tpu.dma_semaphore, #tpu.memory_space<semaphore_mem>>) src(%dma_wait3A_613 : memref<4096xf32, #tpu.memory_space<hbm>>) dst(%arg9 : memref<4096xf32, #tpu.memory_space<vmem>>)
    %scan3A_614 = arith.constant 0 : i32
    %scan3A_615 = arith.constant 0 : i32
    %scan3A_616 = arith.constant 16 : i32
    %scan3A_617 = arith.addi %scan3A_615, %scan3A_616 : i32
    %scan3A_618 = arith.constant 1 : i32
    scf.for %scan3A_734 = %scan3A_615 to %scan3A_617 step %scan3A_618  : i32 {
      %mul3A_735 = arith.constant 256 : i32
      %mul3A_736 = arith.muli %scan3A_734, %mul3A_735 : i32
      %add3A_737 = arith.constant 0 : i32
      %add3A_738 = arith.addi %mul3A_736, %add3A_737 : i32
      %get3A = arith.index_cast %add3A_738 : i32 to index
      %get3A_739 = tpu.vector_load %arg7[%get3A] {strides = array<i32>} : memref<4096xi32, #tpu.memory_space<vmem>>, vector<16xi32>,
      %get3A_740 = arith.index_cast %add3A_738 : i32 to index
      %get3A_741 = tpu.vector_load %arg9[%get3A_740] {strides = array<i32>} : memref<4096xf32, #tpu.memory_space<vmem>>, vector<16xf32>,
      %broadcast_in_dim3A = arith.constant true
      %broadcast_in_dim3A_742 = vector.broadcast %broadcast_in_dim3A : i1 to vector<16xi1>
      %unique3A, %unique3A_743 = tpu.scan_count mask(%broadcast_in_dim3A_742 : vector<16xi1>) value(%get3A_739 : vector<16xi32>) : vector<16xi1>, vector<16xi32>
      %add3A_744 = arith.constant 16 : i32
      %add3A_745 = arith.addi %mul3A_736, %add3A_744 : i32
      %get3A_746 = arith.index_cast %add3A_745 : i32 to index
      %get3A_747 = tpu.vector_load %arg7[%get3A_746] {strides = array<i32>} : memref<4096xi32, #tpu.memory_space<vmem>>, vector<16xi32>,
      %get3A_748 = arith.index_cast %add3A_745 : i32 to index
      %get3A_749 = tpu.vector_load %arg9[%get3A_748] {strides = array<i32>} : memref<4096xf32, #tpu.memory_space<vmem>>, vector<16xf32>,
      %broadcast_in_dim3A_750 = arith.constant true
      %broadcast_in_dim3A_751 = vector.broadcast %broadcast_in_dim3A_750 : i1 to vector<16xi1>
      %unique3A_752, %unique3A_753 = tpu.scan_count mask(%broadcast_in_dim3A_751 : vector<16xi1>) value(%get3A_747 : vector<16xi32>) : vector<16xi1>, vector<16xi32>
      %add3A_754 = arith.constant 32 : i32
      %add3A_755 = arith.addi %mul3A_736, %add3A_754 : i32
      %get3A_756 = arith.index_cast %add3A_755 : i32 to index
      %get3A_757 = tpu.vector_load %arg7[%get3A_756] {strides = array<i32>} : memref<4096xi32, #tpu.memory_space<vmem>>, vector<16xi32>,
      %get3A_758 = arith.index_cast %add3A_755 : i32 to index
      %get3A_759 = tpu.vector_load %arg9[%get3A_758] {strides = array<i32>} : memref<4096xf32, #tpu.memory_space<vmem>>, vector<16xf32>,
      %broadcast_in_dim3A_760 = arith.constant true
      %broadcast_in_dim3A_761 = vector.broadcast %broadcast_in_dim3A_760 : i1 to vector<16xi1>
      %unique3A_762, %unique3A_763 = tpu.scan_count mask(%broadcast_in_dim3A_761 : vector<16xi1>) value(%get3A_757 : vector<16xi32>) : vector<16xi1>, vector<16xi32>
      %add3A_764 = arith.constant 48 : i32
      %add3A_765 = arith.addi %mul3A_736, %add3A_764 : i32
      %get3A_766 = arith.index_cast %add3A_765 : i32 to index
      %get3A_767 = tpu.vector_load %arg7[%get3A_766] {strides = array<i32>} : memref<4096xi32, #tpu.memory_space<vmem>>, vector<16xi32>,
      %get3A_768 = arith.index_cast %add3A_765 : i32 to index
      %get3A_769 = tpu.vector_load %arg9[%get3A_768] {strides = array<i32>} : memref<4096xf32, #tpu.memory_space<vmem>>, vector<16xf32>,
      %broadcast_in_dim3A_770 = arith.constant true
      %broadcast_in_dim3A_771 = vector.broadcast %broadcast_in_dim3A_770 : i1 to vector<16xi1>
      %unique3A_772, %unique3A_773 = tpu.scan_count mask(%broadcast_in_dim3A_771 : vector<16xi1>) value(%get3A_767 : vector<16xi32>) : vector<16xi1>, vector<16xi32>
      %add3A_774 = arith.constant 64 : i32
      %add3A_775 = arith.addi %mul3A_736, %add3A_774 : i32
      %get3A_776 = arith.index_cast %add3A_775 : i32 to index
      %get3A_777 = tpu.vector_load %arg7[%get3A_776] {strides = array<i32>} : memref<4096xi32, #tpu.memory_space<vmem>>, vector<16xi32>,
      %get3A_778 = arith.index_cast %add3A_775 : i32 to index
      %get3A_779 = tpu.vector_load %arg9[%get3A_778] {strides = array<i32>} : memref<4096xf32, #tpu.memory_space<vmem>>, vector<16xf32>,
      %broadcast_in_dim3A_780 = arith.constant true
      %broadcast_in_dim3A_781 = vector.broadcast %broadcast_in_dim3A_780 : i1 to vector<16xi1>
      %unique3A_782, %unique3A_783 = tpu.scan_count mask(%broadcast_in_dim3A_781 : vector<16xi1>) value(%get3A_777 : vector<16xi32>) : vector<16xi1>, vector<16xi32>
      %add3A_784 = arith.constant 80 : i32
      %add3A_785 = arith.addi %mul3A_736, %add3A_784 : i32
      %get3A_786 = arith.index_cast %add3A_785 : i32 to index
      %get3A_787 = tpu.vector_load %arg7[%get3A_786] {strides = array<i32>} : memref<4096xi32, #tpu.memory_space<vmem>>, vector<16xi32>,
      %get3A_788 = arith.index_cast %add3A_785 : i32 to index
      %get3A_789 = tpu.vector_load %arg9[%get3A_788] {strides = array<i32>} : memref<4096xf32, #tpu.memory_space<vmem>>, vector<16xf32>,
      %broadcast_in_dim3A_790 = arith.constant true
      %broadcast_in_dim3A_791 = vector.broadcast %broadcast_in_dim3A_790 : i1 to vector<16xi1>
      %unique3A_792, %unique3A_793 = tpu.scan_count mask(%broadcast_in_dim3A_791 : vector<16xi1>) value(%get3A_787 : vector<16xi32>) : vector<16xi1>, vector<16xi32>
      %add3A_794 = arith.constant 96 : i32
      %add3A_795 = arith.addi %mul3A_736, %add3A_794 : i32
      %get3A_796 = arith.index_cast %add3A_795 : i32 to index
      %get3A_797 = tpu.vector_load %arg7[%get3A_796] {strides = array<i32>} : memref<4096xi32, #tpu.memory_space<vmem>>, vector<16xi32>,
      %get3A_798 = arith.index_cast %add3A_795 : i32 to index
      %get3A_799 = tpu.vector_load %arg9[%get3A_798] {strides = array<i32>} : memref<4096xf32, #tpu.memory_space<vmem>>, vector<16xf32>,
      %broadcast_in_dim3A_800 = arith.constant true
      %broadcast_in_dim3A_801 = vector.broadcast %broadcast_in_dim3A_800 : i1 to vector<16xi1>
      %unique3A_802, %unique3A_803 = tpu.scan_count mask(%broadcast_in_dim3A_801 : vector<16xi1>) value(%get3A_797 : vector<16xi32>) : vector<16xi1>, vector<16xi32>
      %add3A_804 = arith.constant 112 : i32
      %add3A_805 = arith.addi %mul3A_736, %add3A_804 : i32
      %get3A_806 = arith.index_cast %add3A_805 : i32 to index
      %get3A_807 = tpu.vector_load %arg7[%get3A_806] {strides = array<i32>} : memref<4096xi32, #tpu.memory_space<vmem>>, vector<16xi32>,
      %get3A_808 = arith.index_cast %add3A_805 : i32 to index
      %get3A_809 = tpu.vector_load %arg9[%get3A_808] {strides = array<i32>} : memref<4096xf32, #tpu.memory_space<vmem>>, vector<16xf32>,
      %broadcast_in_dim3A_810 = arith.constant true
      %broadcast_in_dim3A_811 = vector.broadcast %broadcast_in_dim3A_810 : i1 to vector<16xi1>
      %unique3A_812, %unique3A_813 = tpu.scan_count mask(%broadcast_in_dim3A_811 : vector<16xi1>) value(%get3A_807 : vector<16xi32>) : vector<16xi1>, vector<16xi32>
      %add3A_814 = arith.constant 128 : i32
      %add3A_815 = arith.addi %mul3A_736, %add3A_814 : i32
      %get3A_816 = arith.index_cast %add3A_815 : i32 to index
      %get3A_817 = tpu.vector_load %arg7[%get3A_816] {strides = array<i32>} : memref<4096xi32, #tpu.memory_space<vmem>>, vector<16xi32>,
      %get3A_818 = arith.index_cast %add3A_815 : i32 to index
      %get3A_819 = tpu.vector_load %arg9[%get3A_818] {strides = array<i32>} : memref<4096xf32, #tpu.memory_space<vmem>>, vector<16xf32>,
      %broadcast_in_dim3A_820 = arith.constant true
      %broadcast_in_dim3A_821 = vector.broadcast %broadcast_in_dim3A_820 : i1 to vector<16xi1>
      %unique3A_822, %unique3A_823 = tpu.scan_count mask(%broadcast_in_dim3A_821 : vector<16xi1>) value(%get3A_817 : vector<16xi32>) : vector<16xi1>, vector<16xi32>
      %add3A_824 = arith.constant 144 : i32
      %add3A_825 = arith.addi %mul3A_736, %add3A_824 : i32
      %get3A_826 = arith.index_cast %add3A_825 : i32 to index
      %get3A_827 = tpu.vector_load %arg7[%get3A_826] {strides = array<i32>} : memref<4096xi32, #tpu.memory_space<vmem>>, vector<16xi32>,
      %get3A_828 = arith.index_cast %add3A_825 : i32 to index
      %get3A_829 = tpu.vector_load %arg9[%get3A_828] {strides = array<i32>} : memref<4096xf32, #tpu.memory_space<vmem>>, vector<16xf32>,
      %broadcast_in_dim3A_830 = arith.constant true
      %broadcast_in_dim3A_831 = vector.broadcast %broadcast_in_dim3A_830 : i1 to vector<16xi1>
      %unique3A_832, %unique3A_833 = tpu.scan_count mask(%broadcast_in_dim3A_831 : vector<16xi1>) value(%get3A_827 : vector<16xi32>) : vector<16xi1>, vector<16xi32>
      %add3A_834 = arith.constant 160 : i32
      %add3A_835 = arith.addi %mul3A_736, %add3A_834 : i32
      %get3A_836 = arith.index_cast %add3A_835 : i32 to index
      %get3A_837 = tpu.vector_load %arg7[%get3A_836] {strides = array<i32>} : memref<4096xi32, #tpu.memory_space<vmem>>, vector<16xi32>,
      %get3A_838 = arith.index_cast %add3A_835 : i32 to index
      %get3A_839 = tpu.vector_load %arg9[%get3A_838] {strides = array<i32>} : memref<4096xf32, #tpu.memory_space<vmem>>, vector<16xf32>,
      %broadcast_in_dim3A_840 = arith.constant true
      %broadcast_in_dim3A_841 = vector.broadcast %broadcast_in_dim3A_840 : i1 to vector<16xi1>
      %unique3A_842, %unique3A_843 = tpu.scan_count mask(%broadcast_in_dim3A_841 : vector<16xi1>) value(%get3A_837 : vector<16xi32>) : vector<16xi1>, vector<16xi32>
      %add3A_844 = arith.constant 176 : i32
      %add3A_845 = arith.addi %mul3A_736, %add3A_844 : i32
      %get3A_846 = arith.index_cast %add3A_845 : i32 to index
      %get3A_847 = tpu.vector_load %arg7[%get3A_846] {strides = array<i32>} : memref<4096xi32, #tpu.memory_space<vmem>>, vector<16xi32>,
      %get3A_848 = arith.index_cast %add3A_845 : i32 to index
      %get3A_849 = tpu.vector_load %arg9[%get3A_848] {strides = array<i32>} : memref<4096xf32, #tpu.memory_space<vmem>>, vector<16xf32>,
      %broadcast_in_dim3A_850 = arith.constant true
      %broadcast_in_dim3A_851 = vector.broadcast %broadcast_in_dim3A_850 : i1 to vector<16xi1>
      %unique3A_852, %unique3A_853 = tpu.scan_count mask(%broadcast_in_dim3A_851 : vector<16xi1>) value(%get3A_847 : vector<16xi32>) : vector<16xi1>, vector<16xi32>
      %add3A_854 = arith.constant 192 : i32
      %add3A_855 = arith.addi %mul3A_736, %add3A_854 : i32
      %get3A_856 = arith.index_cast %add3A_855 : i32 to index
      %get3A_857 = tpu.vector_load %arg7[%get3A_856] {strides = array<i32>} : memref<4096xi32, #tpu.memory_space<vmem>>, vector<16xi32>,
      %get3A_858 = arith.index_cast %add3A_855 : i32 to index
      %get3A_859 = tpu.vector_load %arg9[%get3A_858] {strides = array<i32>} : memref<4096xf32, #tpu.memory_space<vmem>>, vector<16xf32>,
      %broadcast_in_dim3A_860 = arith.constant true
      %broadcast_in_dim3A_861 = vector.broadcast %broadcast_in_dim3A_860 : i1 to vector<16xi1>
      %unique3A_862, %unique3A_863 = tpu.scan_count mask(%broadcast_in_dim3A_861 : vector<16xi1>) value(%get3A_857 : vector<16xi32>) : vector<16xi1>, vector<16xi32>
      %add3A_864 = arith.constant 208 : i32
      %add3A_865 = arith.addi %mul3A_736, %add3A_864 : i32
      %get3A_866 = arith.index_cast %add3A_865 : i32 to index
      %get3A_867 = tpu.vector_load %arg7[%get3A_866] {strides = array<i32>} : memref<4096xi32, #tpu.memory_space<vmem>>, vector<16xi32>,
      %get3A_868 = arith.index_cast %add3A_865 : i32 to index
      %get3A_869 = tpu.vector_load %arg9[%get3A_868] {strides = array<i32>} : memref<4096xf32, #tpu.memory_space<vmem>>, vector<16xf32>,
      %broadcast_in_dim3A_870 = arith.constant true
      %broadcast_in_dim3A_871 = vector.broadcast %broadcast_in_dim3A_870 : i1 to vector<16xi1>
      %unique3A_872, %unique3A_873 = tpu.scan_count mask(%broadcast_in_dim3A_871 : vector<16xi1>) value(%get3A_867 : vector<16xi32>) : vector<16xi1>, vector<16xi32>
      %add3A_874 = arith.constant 224 : i32
      %add3A_875 = arith.addi %mul3A_736, %add3A_874 : i32
      %get3A_876 = arith.index_cast %add3A_875 : i32 to index
      %get3A_877 = tpu.vector_load %arg7[%get3A_876] {strides = array<i32>} : memref<4096xi32, #tpu.memory_space<vmem>>, vector<16xi32>,
      %get3A_878 = arith.index_cast %add3A_875 : i32 to index
      %get3A_879 = tpu.vector_load %arg9[%get3A_878] {strides = array<i32>} : memref<4096xf32, #tpu.memory_space<vmem>>, vector<16xf32>,
      %broadcast_in_dim3A_880 = arith.constant true
      %broadcast_in_dim3A_881 = vector.broadcast %broadcast_in_dim3A_880 : i1 to vector<16xi1>
      %unique3A_882, %unique3A_883 = tpu.scan_count mask(%broadcast_in_dim3A_881 : vector<16xi1>) value(%get3A_877 : vector<16xi32>) : vector<16xi1>, vector<16xi32>
      %add3A_884 = arith.constant 240 : i32
      %add3A_885 = arith.addi %mul3A_736, %add3A_884 : i32
      %get3A_886 = arith.index_cast %add3A_885 : i32 to index
      %get3A_887 = tpu.vector_load %arg7[%get3A_886] {strides = array<i32>} : memref<4096xi32, #tpu.memory_space<vmem>>, vector<16xi32>,
      %get3A_888 = arith.index_cast %add3A_885 : i32 to index
      %get3A_889 = tpu.vector_load %arg9[%get3A_888] {strides = array<i32>} : memref<4096xf32, #tpu.memory_space<vmem>>, vector<16xf32>,
      %broadcast_in_dim3A_890 = arith.constant true
      %broadcast_in_dim3A_891 = vector.broadcast %broadcast_in_dim3A_890 : i1 to vector<16xi1>
      %unique3A_892, %unique3A_893 = tpu.scan_count mask(%broadcast_in_dim3A_891 : vector<16xi1>) value(%get3A_887 : vector<16xi32>) : vector<16xi1>, vector<16xi32>
      tpu.vector_store_idx %arg6[%get3A_739], %get3A_741 masked %unique3A : memref<100000xf32, #tpu.memory_space<vmem>>[vector<16xi32>], vector<16xf32>, vector<16xi1>
      tpu.vector_store_idx %arg6[%get3A_747], %get3A_749 masked %unique3A_752 : memref<100000xf32, #tpu.memory_space<vmem>>[vector<16xi32>], vector<16xf32>, vector<16xi1>
      tpu.vector_store_idx %arg6[%get3A_757], %get3A_759 masked %unique3A_762 : memref<100000xf32, #tpu.memory_space<vmem>>[vector<16xi32>], vector<16xf32>, vector<16xi1>
      tpu.vector_store_idx %arg6[%get3A_767], %get3A_769 masked %unique3A_772 : memref<100000xf32, #tpu.memory_space<vmem>>[vector<16xi32>], vector<16xf32>, vector<16xi1>
      tpu.vector_store_idx %arg6[%get3A_777], %get3A_779 masked %unique3A_782 : memref<100000xf32, #tpu.memory_space<vmem>>[vector<16xi32>], vector<16xf32>, vector<16xi1>
      tpu.vector_store_idx %arg6[%get3A_787], %get3A_789 masked %unique3A_792 : memref<100000xf32, #tpu.memory_space<vmem>>[vector<16xi32>], vector<16xf32>, vector<16xi1>
      tpu.vector_store_idx %arg6[%get3A_797], %get3A_799 masked %unique3A_802 : memref<100000xf32, #tpu.memory_space<vmem>>[vector<16xi32>], vector<16xf32>, vector<16xi1>
      tpu.vector_store_idx %arg6[%get3A_807], %get3A_809 masked %unique3A_812 : memref<100000xf32, #tpu.memory_space<vmem>>[vector<16xi32>], vector<16xf32>, vector<16xi1>
      tpu.vector_store_idx %arg6[%get3A_817], %get3A_819 masked %unique3A_822 : memref<100000xf32, #tpu.memory_space<vmem>>[vector<16xi32>], vector<16xf32>, vector<16xi1>
      tpu.vector_store_idx %arg6[%get3A_827], %get3A_829 masked %unique3A_832 : memref<100000xf32, #tpu.memory_space<vmem>>[vector<16xi32>], vector<16xf32>, vector<16xi1>
      tpu.vector_store_idx %arg6[%get3A_837], %get3A_839 masked %unique3A_842 : memref<100000xf32, #tpu.memory_space<vmem>>[vector<16xi32>], vector<16xf32>, vector<16xi1>
      tpu.vector_store_idx %arg6[%get3A_847], %get3A_849 masked %unique3A_852 : memref<100000xf32, #tpu.memory_space<vmem>>[vector<16xi32>], vector<16xf32>, vector<16xi1>
      tpu.vector_store_idx %arg6[%get3A_857], %get3A_859 masked %unique3A_862 : memref<100000xf32, #tpu.memory_space<vmem>>[vector<16xi32>], vector<16xf32>, vector<16xi1>
      tpu.vector_store_idx %arg6[%get3A_867], %get3A_869 masked %unique3A_872 : memref<100000xf32, #tpu.memory_space<vmem>>[vector<16xi32>], vector<16xf32>, vector<16xi1>
      tpu.vector_store_idx %arg6[%get3A_877], %get3A_879 masked %unique3A_882 : memref<100000xf32, #tpu.memory_space<vmem>>[vector<16xi32>], vector<16xf32>, vector<16xi1>
      tpu.vector_store_idx %arg6[%get3A_887], %get3A_889 masked %unique3A_892 : memref<100000xf32, #tpu.memory_space<vmem>>[vector<16xi32>], vector<16xf32>, vector<16xi1>
    }
    %scan3A_619 = arith.constant 16 : i32
    %add3A_620 = arith.constant 96 : i32
    %add3A_621 = arith.addi %add3A_620, %add3A : i32
    %add3A_622 = arith.constant 96 : i32
    %add3A_623 = arith.addi %add3A_622, %add3A : i32
    %dma_start3A_624 = arith.constant 8192 : i32
    %dma_start3A_625 = tpu.memref_slice %arg3[%add3A_621, %dma_start3A_624] : memref<128x16384xi32, #tpu.memory_space<hbm>> -> memref<1x4096xi32, #tpu.memory_space<hbm>>
    %dma_start3A_626 = tpu.memref_squeeze %dma_start3A_625 : memref<1x4096xi32, #tpu.memory_space<hbm>> -> memref<4096xi32, #tpu.memory_space<hbm>>
    %dma_start3A_627 = arith.constant 8192 : i32
    %dma_start3A_628 = tpu.memref_slice %arg3[%add3A_621, %dma_start3A_627] : memref<128x16384xi32, #tpu.memory_space<hbm>> -> memref<1x4096xi32, #tpu.memory_space<hbm>>
    %dma_start3A_629 = tpu.memref_squeeze %dma_start3A_628 : memref<1x4096xi32, #tpu.memory_space<hbm>> -> memref<4096xi32, #tpu.memory_space<hbm>>
    tpu.enqueue_dma source(%dma_start3A_629 : memref<4096xi32, #tpu.memory_space<hbm>>) target(%arg7 : memref<4096xi32, #tpu.memory_space<vmem>>) target_semaphore(%arg13 : memref<!tpu.dma_semaphore, #tpu.memory_space<semaphore_mem>>)
    %dma_start3A_630 = arith.constant 8192 : i32
    %dma_start3A_631 = tpu.memref_slice %arg4[%add3A_623, %dma_start3A_630] : memref<128x16384xf32, #tpu.memory_space<hbm>> -> memref<1x4096xf32, #tpu.memory_space<hbm>>
    %dma_start3A_632 = tpu.memref_squeeze %dma_start3A_631 : memref<1x4096xf32, #tpu.memory_space<hbm>> -> memref<4096xf32, #tpu.memory_space<hbm>>
    %dma_start3A_633 = arith.constant 8192 : i32
    %dma_start3A_634 = tpu.memref_slice %arg4[%add3A_623, %dma_start3A_633] : memref<128x16384xf32, #tpu.memory_space<hbm>> -> memref<1x4096xf32, #tpu.memory_space<hbm>>
    %dma_start3A_635 = tpu.memref_squeeze %dma_start3A_634 : memref<1x4096xf32, #tpu.memory_space<hbm>> -> memref<4096xf32, #tpu.memory_space<hbm>>
    tpu.enqueue_dma source(%dma_start3A_635 : memref<4096xf32, #tpu.memory_space<hbm>>) target(%arg9 : memref<4096xf32, #tpu.memory_space<vmem>>) target_semaphore(%arg13 : memref<!tpu.dma_semaphore, #tpu.memory_space<semaphore_mem>>)
    %add3A_636 = arith.constant 96 : i32
    %add3A_637 = arith.addi %add3A_636, %add3A : i32
    %add3A_638 = arith.constant 96 : i32
    %add3A_639 = arith.addi %add3A_638, %add3A : i32
    %dma_wait3A_640 = arith.constant 4096 : i32
    %dma_wait3A_641 = tpu.memref_slice %arg3[%add3A_637, %dma_wait3A_640] : memref<128x16384xi32, #tpu.memory_space<hbm>> -> memref<1x4096xi32, #tpu.memory_space<hbm>>
    %dma_wait3A_642 = tpu.memref_squeeze %dma_wait3A_641 : memref<1x4096xi32, #tpu.memory_space<hbm>> -> memref<4096xi32, #tpu.memory_space<hbm>>
    %dma_wait3A_643 = arith.constant 4096 : i32
    %dma_wait3A_644 = tpu.memref_slice %arg3[%add3A_637, %dma_wait3A_643] : memref<128x16384xi32, #tpu.memory_space<hbm>> -> memref<1x4096xi32, #tpu.memory_space<hbm>>
    %dma_wait3A_645 = tpu.memref_squeeze %dma_wait3A_644 : memref<1x4096xi32, #tpu.memory_space<hbm>> -> memref<4096xi32, #tpu.memory_space<hbm>>
    tpu.wait_dma2 semaphore(%arg14 : memref<!tpu.dma_semaphore, #tpu.memory_space<semaphore_mem>>) src(%dma_wait3A_645 : memref<4096xi32, #tpu.memory_space<hbm>>) dst(%arg8 : memref<4096xi32, #tpu.memory_space<vmem>>)
    %dma_wait3A_646 = arith.constant 4096 : i32
    %dma_wait3A_647 = tpu.memref_slice %arg4[%add3A_639, %dma_wait3A_646] : memref<128x16384xf32, #tpu.memory_space<hbm>> -> memref<1x4096xf32, #tpu.memory_space<hbm>>
    %dma_wait3A_648 = tpu.memref_squeeze %dma_wait3A_647 : memref<1x4096xf32, #tpu.memory_space<hbm>> -> memref<4096xf32, #tpu.memory_space<hbm>>
    %dma_wait3A_649 = arith.constant 4096 : i32
    %dma_wait3A_650 = tpu.memref_slice %arg4[%add3A_639, %dma_wait3A_649] : memref<128x16384xf32, #tpu.memory_space<hbm>> -> memref<1x4096xf32, #tpu.memory_space<hbm>>
    %dma_wait3A_651 = tpu.memref_squeeze %dma_wait3A_650 : memref<1x4096xf32, #tpu.memory_space<hbm>> -> memref<4096xf32, #tpu.memory_space<hbm>>
    tpu.wait_dma2 semaphore(%arg14 : memref<!tpu.dma_semaphore, #tpu.memory_space<semaphore_mem>>) src(%dma_wait3A_651 : memref<4096xf32, #tpu.memory_space<hbm>>) dst(%arg10 : memref<4096xf32, #tpu.memory_space<vmem>>)
    %scan3A_652 = arith.constant 0 : i32
    %scan3A_653 = arith.constant 0 : i32
    %scan3A_654 = arith.constant 16 : i32
    %scan3A_655 = arith.addi %scan3A_653, %scan3A_654 : i32
    %scan3A_656 = arith.constant 1 : i32
    scf.for %scan3A_734 = %scan3A_653 to %scan3A_655 step %scan3A_656  : i32 {
      %mul3A_735 = arith.constant 256 : i32
      %mul3A_736 = arith.muli %scan3A_734, %mul3A_735 : i32
      %add3A_737 = arith.constant 0 : i32
      %add3A_738 = arith.addi %mul3A_736, %add3A_737 : i32
      %get3A = arith.index_cast %add3A_738 : i32 to index
      %get3A_739 = tpu.vector_load %arg8[%get3A] {strides = array<i32>} : memref<4096xi32, #tpu.memory_space<vmem>>, vector<16xi32>,
      %get3A_740 = arith.index_cast %add3A_738 : i32 to index
      %get3A_741 = tpu.vector_load %arg10[%get3A_740] {strides = array<i32>} : memref<4096xf32, #tpu.memory_space<vmem>>, vector<16xf32>,
      %broadcast_in_dim3A = arith.constant true
      %broadcast_in_dim3A_742 = vector.broadcast %broadcast_in_dim3A : i1 to vector<16xi1>
      %unique3A, %unique3A_743 = tpu.scan_count mask(%broadcast_in_dim3A_742 : vector<16xi1>) value(%get3A_739 : vector<16xi32>) : vector<16xi1>, vector<16xi32>
      %add3A_744 = arith.constant 16 : i32
      %add3A_745 = arith.addi %mul3A_736, %add3A_744 : i32
      %get3A_746 = arith.index_cast %add3A_745 : i32 to index
      %get3A_747 = tpu.vector_load %arg8[%get3A_746] {strides = array<i32>} : memref<4096xi32, #tpu.memory_space<vmem>>, vector<16xi32>,
      %get3A_748 = arith.index_cast %add3A_745 : i32 to index
      %get3A_749 = tpu.vector_load %arg10[%get3A_748] {strides = array<i32>} : memref<4096xf32, #tpu.memory_space<vmem>>, vector<16xf32>,
      %broadcast_in_dim3A_750 = arith.constant true
      %broadcast_in_dim3A_751 = vector.broadcast %broadcast_in_dim3A_750 : i1 to vector<16xi1>
      %unique3A_752, %unique3A_753 = tpu.scan_count mask(%broadcast_in_dim3A_751 : vector<16xi1>) value(%get3A_747 : vector<16xi32>) : vector<16xi1>, vector<16xi32>
      %add3A_754 = arith.constant 32 : i32
      %add3A_755 = arith.addi %mul3A_736, %add3A_754 : i32
      %get3A_756 = arith.index_cast %add3A_755 : i32 to index
      %get3A_757 = tpu.vector_load %arg8[%get3A_756] {strides = array<i32>} : memref<4096xi32, #tpu.memory_space<vmem>>, vector<16xi32>,
      %get3A_758 = arith.index_cast %add3A_755 : i32 to index
      %get3A_759 = tpu.vector_load %arg10[%get3A_758] {strides = array<i32>} : memref<4096xf32, #tpu.memory_space<vmem>>, vector<16xf32>,
      %broadcast_in_dim3A_760 = arith.constant true
      %broadcast_in_dim3A_761 = vector.broadcast %broadcast_in_dim3A_760 : i1 to vector<16xi1>
      %unique3A_762, %unique3A_763 = tpu.scan_count mask(%broadcast_in_dim3A_761 : vector<16xi1>) value(%get3A_757 : vector<16xi32>) : vector<16xi1>, vector<16xi32>
      %add3A_764 = arith.constant 48 : i32
      %add3A_765 = arith.addi %mul3A_736, %add3A_764 : i32
      %get3A_766 = arith.index_cast %add3A_765 : i32 to index
      %get3A_767 = tpu.vector_load %arg8[%get3A_766] {strides = array<i32>} : memref<4096xi32, #tpu.memory_space<vmem>>, vector<16xi32>,
      %get3A_768 = arith.index_cast %add3A_765 : i32 to index
      %get3A_769 = tpu.vector_load %arg10[%get3A_768] {strides = array<i32>} : memref<4096xf32, #tpu.memory_space<vmem>>, vector<16xf32>,
      %broadcast_in_dim3A_770 = arith.constant true
      %broadcast_in_dim3A_771 = vector.broadcast %broadcast_in_dim3A_770 : i1 to vector<16xi1>
      %unique3A_772, %unique3A_773 = tpu.scan_count mask(%broadcast_in_dim3A_771 : vector<16xi1>) value(%get3A_767 : vector<16xi32>) : vector<16xi1>, vector<16xi32>
      %add3A_774 = arith.constant 64 : i32
      %add3A_775 = arith.addi %mul3A_736, %add3A_774 : i32
      %get3A_776 = arith.index_cast %add3A_775 : i32 to index
      %get3A_777 = tpu.vector_load %arg8[%get3A_776] {strides = array<i32>} : memref<4096xi32, #tpu.memory_space<vmem>>, vector<16xi32>,
      %get3A_778 = arith.index_cast %add3A_775 : i32 to index
      %get3A_779 = tpu.vector_load %arg10[%get3A_778] {strides = array<i32>} : memref<4096xf32, #tpu.memory_space<vmem>>, vector<16xf32>,
      %broadcast_in_dim3A_780 = arith.constant true
      %broadcast_in_dim3A_781 = vector.broadcast %broadcast_in_dim3A_780 : i1 to vector<16xi1>
      %unique3A_782, %unique3A_783 = tpu.scan_count mask(%broadcast_in_dim3A_781 : vector<16xi1>) value(%get3A_777 : vector<16xi32>) : vector<16xi1>, vector<16xi32>
      %add3A_784 = arith.constant 80 : i32
      %add3A_785 = arith.addi %mul3A_736, %add3A_784 : i32
      %get3A_786 = arith.index_cast %add3A_785 : i32 to index
      %get3A_787 = tpu.vector_load %arg8[%get3A_786] {strides = array<i32>} : memref<4096xi32, #tpu.memory_space<vmem>>, vector<16xi32>,
      %get3A_788 = arith.index_cast %add3A_785 : i32 to index
      %get3A_789 = tpu.vector_load %arg10[%get3A_788] {strides = array<i32>} : memref<4096xf32, #tpu.memory_space<vmem>>, vector<16xf32>,
      %broadcast_in_dim3A_790 = arith.constant true
      %broadcast_in_dim3A_791 = vector.broadcast %broadcast_in_dim3A_790 : i1 to vector<16xi1>
      %unique3A_792, %unique3A_793 = tpu.scan_count mask(%broadcast_in_dim3A_791 : vector<16xi1>) value(%get3A_787 : vector<16xi32>) : vector<16xi1>, vector<16xi32>
      %add3A_794 = arith.constant 96 : i32
      %add3A_795 = arith.addi %mul3A_736, %add3A_794 : i32
      %get3A_796 = arith.index_cast %add3A_795 : i32 to index
      %get3A_797 = tpu.vector_load %arg8[%get3A_796] {strides = array<i32>} : memref<4096xi32, #tpu.memory_space<vmem>>, vector<16xi32>,
      %get3A_798 = arith.index_cast %add3A_795 : i32 to index
      %get3A_799 = tpu.vector_load %arg10[%get3A_798] {strides = array<i32>} : memref<4096xf32, #tpu.memory_space<vmem>>, vector<16xf32>,
      %broadcast_in_dim3A_800 = arith.constant true
      %broadcast_in_dim3A_801 = vector.broadcast %broadcast_in_dim3A_800 : i1 to vector<16xi1>
      %unique3A_802, %unique3A_803 = tpu.scan_count mask(%broadcast_in_dim3A_801 : vector<16xi1>) value(%get3A_797 : vector<16xi32>) : vector<16xi1>, vector<16xi32>
      %add3A_804 = arith.constant 112 : i32
      %add3A_805 = arith.addi %mul3A_736, %add3A_804 : i32
      %get3A_806 = arith.index_cast %add3A_805 : i32 to index
      %get3A_807 = tpu.vector_load %arg8[%get3A_806] {strides = array<i32>} : memref<4096xi32, #tpu.memory_space<vmem>>, vector<16xi32>,
      %get3A_808 = arith.index_cast %add3A_805 : i32 to index
      %get3A_809 = tpu.vector_load %arg10[%get3A_808] {strides = array<i32>} : memref<4096xf32, #tpu.memory_space<vmem>>, vector<16xf32>,
      %broadcast_in_dim3A_810 = arith.constant true
      %broadcast_in_dim3A_811 = vector.broadcast %broadcast_in_dim3A_810 : i1 to vector<16xi1>
      %unique3A_812, %unique3A_813 = tpu.scan_count mask(%broadcast_in_dim3A_811 : vector<16xi1>) value(%get3A_807 : vector<16xi32>) : vector<16xi1>, vector<16xi32>
      %add3A_814 = arith.constant 128 : i32
      %add3A_815 = arith.addi %mul3A_736, %add3A_814 : i32
      %get3A_816 = arith.index_cast %add3A_815 : i32 to index
      %get3A_817 = tpu.vector_load %arg8[%get3A_816] {strides = array<i32>} : memref<4096xi32, #tpu.memory_space<vmem>>, vector<16xi32>,
      %get3A_818 = arith.index_cast %add3A_815 : i32 to index
      %get3A_819 = tpu.vector_load %arg10[%get3A_818] {strides = array<i32>} : memref<4096xf32, #tpu.memory_space<vmem>>, vector<16xf32>,
      %broadcast_in_dim3A_820 = arith.constant true
      %broadcast_in_dim3A_821 = vector.broadcast %broadcast_in_dim3A_820 : i1 to vector<16xi1>
      %unique3A_822, %unique3A_823 = tpu.scan_count mask(%broadcast_in_dim3A_821 : vector<16xi1>) value(%get3A_817 : vector<16xi32>) : vector<16xi1>, vector<16xi32>
      %add3A_824 = arith.constant 144 : i32
      %add3A_825 = arith.addi %mul3A_736, %add3A_824 : i32
      %get3A_826 = arith.index_cast %add3A_825 : i32 to index
      %get3A_827 = tpu.vector_load %arg8[%get3A_826] {strides = array<i32>} : memref<4096xi32, #tpu.memory_space<vmem>>, vector<16xi32>,
      %get3A_828 = arith.index_cast %add3A_825 : i32 to index
      %get3A_829 = tpu.vector_load %arg10[%get3A_828] {strides = array<i32>} : memref<4096xf32, #tpu.memory_space<vmem>>, vector<16xf32>,
      %broadcast_in_dim3A_830 = arith.constant true
      %broadcast_in_dim3A_831 = vector.broadcast %broadcast_in_dim3A_830 : i1 to vector<16xi1>
      %unique3A_832, %unique3A_833 = tpu.scan_count mask(%broadcast_in_dim3A_831 : vector<16xi1>) value(%get3A_827 : vector<16xi32>) : vector<16xi1>, vector<16xi32>
      %add3A_834 = arith.constant 160 : i32
      %add3A_835 = arith.addi %mul3A_736, %add3A_834 : i32
      %get3A_836 = arith.index_cast %add3A_835 : i32 to index
      %get3A_837 = tpu.vector_load %arg8[%get3A_836] {strides = array<i32>} : memref<4096xi32, #tpu.memory_space<vmem>>, vector<16xi32>,
      %get3A_838 = arith.index_cast %add3A_835 : i32 to index
      %get3A_839 = tpu.vector_load %arg10[%get3A_838] {strides = array<i32>} : memref<4096xf32, #tpu.memory_space<vmem>>, vector<16xf32>,
      %broadcast_in_dim3A_840 = arith.constant true
      %broadcast_in_dim3A_841 = vector.broadcast %broadcast_in_dim3A_840 : i1 to vector<16xi1>
      %unique3A_842, %unique3A_843 = tpu.scan_count mask(%broadcast_in_dim3A_841 : vector<16xi1>) value(%get3A_837 : vector<16xi32>) : vector<16xi1>, vector<16xi32>
      %add3A_844 = arith.constant 176 : i32
      %add3A_845 = arith.addi %mul3A_736, %add3A_844 : i32
      %get3A_846 = arith.index_cast %add3A_845 : i32 to index
      %get3A_847 = tpu.vector_load %arg8[%get3A_846] {strides = array<i32>} : memref<4096xi32, #tpu.memory_space<vmem>>, vector<16xi32>,
      %get3A_848 = arith.index_cast %add3A_845 : i32 to index
      %get3A_849 = tpu.vector_load %arg10[%get3A_848] {strides = array<i32>} : memref<4096xf32, #tpu.memory_space<vmem>>, vector<16xf32>,
      %broadcast_in_dim3A_850 = arith.constant true
      %broadcast_in_dim3A_851 = vector.broadcast %broadcast_in_dim3A_850 : i1 to vector<16xi1>
      %unique3A_852, %unique3A_853 = tpu.scan_count mask(%broadcast_in_dim3A_851 : vector<16xi1>) value(%get3A_847 : vector<16xi32>) : vector<16xi1>, vector<16xi32>
      %add3A_854 = arith.constant 192 : i32
      %add3A_855 = arith.addi %mul3A_736, %add3A_854 : i32
      %get3A_856 = arith.index_cast %add3A_855 : i32 to index
      %get3A_857 = tpu.vector_load %arg8[%get3A_856] {strides = array<i32>} : memref<4096xi32, #tpu.memory_space<vmem>>, vector<16xi32>,
      %get3A_858 = arith.index_cast %add3A_855 : i32 to index
      %get3A_859 = tpu.vector_load %arg10[%get3A_858] {strides = array<i32>} : memref<4096xf32, #tpu.memory_space<vmem>>, vector<16xf32>,
      %broadcast_in_dim3A_860 = arith.constant true
      %broadcast_in_dim3A_861 = vector.broadcast %broadcast_in_dim3A_860 : i1 to vector<16xi1>
      %unique3A_862, %unique3A_863 = tpu.scan_count mask(%broadcast_in_dim3A_861 : vector<16xi1>) value(%get3A_857 : vector<16xi32>) : vector<16xi1>, vector<16xi32>
      %add3A_864 = arith.constant 208 : i32
      %add3A_865 = arith.addi %mul3A_736, %add3A_864 : i32
      %get3A_866 = arith.index_cast %add3A_865 : i32 to index
      %get3A_867 = tpu.vector_load %arg8[%get3A_866] {strides = array<i32>} : memref<4096xi32, #tpu.memory_space<vmem>>, vector<16xi32>,
      %get3A_868 = arith.index_cast %add3A_865 : i32 to index
      %get3A_869 = tpu.vector_load %arg10[%get3A_868] {strides = array<i32>} : memref<4096xf32, #tpu.memory_space<vmem>>, vector<16xf32>,
      %broadcast_in_dim3A_870 = arith.constant true
      %broadcast_in_dim3A_871 = vector.broadcast %broadcast_in_dim3A_870 : i1 to vector<16xi1>
      %unique3A_872, %unique3A_873 = tpu.scan_count mask(%broadcast_in_dim3A_871 : vector<16xi1>) value(%get3A_867 : vector<16xi32>) : vector<16xi1>, vector<16xi32>
      %add3A_874 = arith.constant 224 : i32
      %add3A_875 = arith.addi %mul3A_736, %add3A_874 : i32
      %get3A_876 = arith.index_cast %add3A_875 : i32 to index
      %get3A_877 = tpu.vector_load %arg8[%get3A_876] {strides = array<i32>} : memref<4096xi32, #tpu.memory_space<vmem>>, vector<16xi32>,
      %get3A_878 = arith.index_cast %add3A_875 : i32 to index
      %get3A_879 = tpu.vector_load %arg10[%get3A_878] {strides = array<i32>} : memref<4096xf32, #tpu.memory_space<vmem>>, vector<16xf32>,
      %broadcast_in_dim3A_880 = arith.constant true
      %broadcast_in_dim3A_881 = vector.broadcast %broadcast_in_dim3A_880 : i1 to vector<16xi1>
      %unique3A_882, %unique3A_883 = tpu.scan_count mask(%broadcast_in_dim3A_881 : vector<16xi1>) value(%get3A_877 : vector<16xi32>) : vector<16xi1>, vector<16xi32>
      %add3A_884 = arith.constant 240 : i32
      %add3A_885 = arith.addi %mul3A_736, %add3A_884 : i32
      %get3A_886 = arith.index_cast %add3A_885 : i32 to index
      %get3A_887 = tpu.vector_load %arg8[%get3A_886] {strides = array<i32>} : memref<4096xi32, #tpu.memory_space<vmem>>, vector<16xi32>,
      %get3A_888 = arith.index_cast %add3A_885 : i32 to index
      %get3A_889 = tpu.vector_load %arg10[%get3A_888] {strides = array<i32>} : memref<4096xf32, #tpu.memory_space<vmem>>, vector<16xf32>,
      %broadcast_in_dim3A_890 = arith.constant true
      %broadcast_in_dim3A_891 = vector.broadcast %broadcast_in_dim3A_890 : i1 to vector<16xi1>
      %unique3A_892, %unique3A_893 = tpu.scan_count mask(%broadcast_in_dim3A_891 : vector<16xi1>) value(%get3A_887 : vector<16xi32>) : vector<16xi1>, vector<16xi32>
      tpu.vector_store_idx %arg6[%get3A_739], %get3A_741 masked %unique3A : memref<100000xf32, #tpu.memory_space<vmem>>[vector<16xi32>], vector<16xf32>, vector<16xi1>
      tpu.vector_store_idx %arg6[%get3A_747], %get3A_749 masked %unique3A_752 : memref<100000xf32, #tpu.memory_space<vmem>>[vector<16xi32>], vector<16xf32>, vector<16xi1>
      tpu.vector_store_idx %arg6[%get3A_757], %get3A_759 masked %unique3A_762 : memref<100000xf32, #tpu.memory_space<vmem>>[vector<16xi32>], vector<16xf32>, vector<16xi1>
      tpu.vector_store_idx %arg6[%get3A_767], %get3A_769 masked %unique3A_772 : memref<100000xf32, #tpu.memory_space<vmem>>[vector<16xi32>], vector<16xf32>, vector<16xi1>
      tpu.vector_store_idx %arg6[%get3A_777], %get3A_779 masked %unique3A_782 : memref<100000xf32, #tpu.memory_space<vmem>>[vector<16xi32>], vector<16xf32>, vector<16xi1>
      tpu.vector_store_idx %arg6[%get3A_787], %get3A_789 masked %unique3A_792 : memref<100000xf32, #tpu.memory_space<vmem>>[vector<16xi32>], vector<16xf32>, vector<16xi1>
      tpu.vector_store_idx %arg6[%get3A_797], %get3A_799 masked %unique3A_802 : memref<100000xf32, #tpu.memory_space<vmem>>[vector<16xi32>], vector<16xf32>, vector<16xi1>
      tpu.vector_store_idx %arg6[%get3A_807], %get3A_809 masked %unique3A_812 : memref<100000xf32, #tpu.memory_space<vmem>>[vector<16xi32>], vector<16xf32>, vector<16xi1>
      tpu.vector_store_idx %arg6[%get3A_817], %get3A_819 masked %unique3A_822 : memref<100000xf32, #tpu.memory_space<vmem>>[vector<16xi32>], vector<16xf32>, vector<16xi1>
      tpu.vector_store_idx %arg6[%get3A_827], %get3A_829 masked %unique3A_832 : memref<100000xf32, #tpu.memory_space<vmem>>[vector<16xi32>], vector<16xf32>, vector<16xi1>
      tpu.vector_store_idx %arg6[%get3A_837], %get3A_839 masked %unique3A_842 : memref<100000xf32, #tpu.memory_space<vmem>>[vector<16xi32>], vector<16xf32>, vector<16xi1>
      tpu.vector_store_idx %arg6[%get3A_847], %get3A_849 masked %unique3A_852 : memref<100000xf32, #tpu.memory_space<vmem>>[vector<16xi32>], vector<16xf32>, vector<16xi1>
      tpu.vector_store_idx %arg6[%get3A_857], %get3A_859 masked %unique3A_862 : memref<100000xf32, #tpu.memory_space<vmem>>[vector<16xi32>], vector<16xf32>, vector<16xi1>
      tpu.vector_store_idx %arg6[%get3A_867], %get3A_869 masked %unique3A_872 : memref<100000xf32, #tpu.memory_space<vmem>>[vector<16xi32>], vector<16xf32>, vector<16xi1>
      tpu.vector_store_idx %arg6[%get3A_877], %get3A_879 masked %unique3A_882 : memref<100000xf32, #tpu.memory_space<vmem>>[vector<16xi32>], vector<16xf32>, vector<16xi1>
      tpu.vector_store_idx %arg6[%get3A_887], %get3A_889 masked %unique3A_892 : memref<100000xf32, #tpu.memory_space<vmem>>[vector<16xi32>], vector<16xf32>, vector<16xi1>
    }
    %scan3A_657 = arith.constant 16 : i32
    %add3A_658 = arith.constant 96 : i32
    %add3A_659 = arith.addi %add3A_658, %add3A : i32
    %add3A_660 = arith.constant 96 : i32
    %add3A_661 = arith.addi %add3A_660, %add3A : i32
    %dma_start3A_662 = arith.constant 12288 : i32
    %dma_start3A_663 = tpu.memref_slice %arg3[%add3A_659, %dma_start3A_662] : memref<128x16384xi32, #tpu.memory_space<hbm>> -> memref<1x4096xi32, #tpu.memory_space<hbm>>
    %dma_start3A_664 = tpu.memref_squeeze %dma_start3A_663 : memref<1x4096xi32, #tpu.memory_space<hbm>> -> memref<4096xi32, #tpu.memory_space<hbm>>
    %dma_start3A_665 = arith.constant 12288 : i32
    %dma_start3A_666 = tpu.memref_slice %arg3[%add3A_659, %dma_start3A_665] : memref<128x16384xi32, #tpu.memory_space<hbm>> -> memref<1x4096xi32, #tpu.memory_space<hbm>>
    %dma_start3A_667 = tpu.memref_squeeze %dma_start3A_666 : memref<1x4096xi32, #tpu.memory_space<hbm>> -> memref<4096xi32, #tpu.memory_space<hbm>>
    tpu.enqueue_dma source(%dma_start3A_667 : memref<4096xi32, #tpu.memory_space<hbm>>) target(%arg8 : memref<4096xi32, #tpu.memory_space<vmem>>) target_semaphore(%arg14 : memref<!tpu.dma_semaphore, #tpu.memory_space<semaphore_mem>>)
    %dma_start3A_668 = arith.constant 12288 : i32
    %dma_start3A_669 = tpu.memref_slice %arg4[%add3A_661, %dma_start3A_668] : memref<128x16384xf32, #tpu.memory_space<hbm>> -> memref<1x4096xf32, #tpu.memory_space<hbm>>
    %dma_start3A_670 = tpu.memref_squeeze %dma_start3A_669 : memref<1x4096xf32, #tpu.memory_space<hbm>> -> memref<4096xf32, #tpu.memory_space<hbm>>
    %dma_start3A_671 = arith.constant 12288 : i32
    %dma_start3A_672 = tpu.memref_slice %arg4[%add3A_661, %dma_start3A_671] : memref<128x16384xf32, #tpu.memory_space<hbm>> -> memref<1x4096xf32, #tpu.memory_space<hbm>>
    %dma_start3A_673 = tpu.memref_squeeze %dma_start3A_672 : memref<1x4096xf32, #tpu.memory_space<hbm>> -> memref<4096xf32, #tpu.memory_space<hbm>>
    tpu.enqueue_dma source(%dma_start3A_673 : memref<4096xf32, #tpu.memory_space<hbm>>) target(%arg10 : memref<4096xf32, #tpu.memory_space<vmem>>) target_semaphore(%arg14 : memref<!tpu.dma_semaphore, #tpu.memory_space<semaphore_mem>>)
    %add3A_674 = arith.constant 96 : i32
    %add3A_675 = arith.addi %add3A_674, %add3A : i32
    %add3A_676 = arith.constant 96 : i32
    %add3A_677 = arith.addi %add3A_676, %add3A : i32
    %dma_wait3A_678 = arith.constant 8192 : i32
    %dma_wait3A_679 = tpu.memref_slice %arg3[%add3A_675, %dma_wait3A_678] : memref<128x16384xi32, #tpu.memory_space<hbm>> -> memref<1x4096xi32, #tpu.memory_space<hbm>>
    %dma_wait3A_680 = tpu.memref_squeeze %dma_wait3A_679 : memref<1x4096xi32, #tpu.memory_space<hbm>> -> memref<4096xi32, #tpu.memory_space<hbm>>
    %dma_wait3A_681 = arith.constant 8192 : i32
    %dma_wait3A_682 = tpu.memref_slice %arg3[%add3A_675, %dma_wait3A_681] : memref<128x16384xi32, #tpu.memory_space<hbm>> -> memref<1x4096xi32, #tpu.memory_space<hbm>>
    %dma_wait3A_683 = tpu.memref_squeeze %dma_wait3A_682 : memref<1x4096xi32, #tpu.memory_space<hbm>> -> memref<4096xi32, #tpu.memory_space<hbm>>
    tpu.wait_dma2 semaphore(%arg13 : memref<!tpu.dma_semaphore, #tpu.memory_space<semaphore_mem>>) src(%dma_wait3A_683 : memref<4096xi32, #tpu.memory_space<hbm>>) dst(%arg7 : memref<4096xi32, #tpu.memory_space<vmem>>)
    %dma_wait3A_684 = arith.constant 8192 : i32
    %dma_wait3A_685 = tpu.memref_slice %arg4[%add3A_677, %dma_wait3A_684] : memref<128x16384xf32, #tpu.memory_space<hbm>> -> memref<1x4096xf32, #tpu.memory_space<hbm>>
    %dma_wait3A_686 = tpu.memref_squeeze %dma_wait3A_685 : memref<1x4096xf32, #tpu.memory_space<hbm>> -> memref<4096xf32, #tpu.memory_space<hbm>>
    %dma_wait3A_687 = arith.constant 8192 : i32
    %dma_wait3A_688 = tpu.memref_slice %arg4[%add3A_677, %dma_wait3A_687] : memref<128x16384xf32, #tpu.memory_space<hbm>> -> memref<1x4096xf32, #tpu.memory_space<hbm>>
    %dma_wait3A_689 = tpu.memref_squeeze %dma_wait3A_688 : memref<1x4096xf32, #tpu.memory_space<hbm>> -> memref<4096xf32, #tpu.memory_space<hbm>>
    tpu.wait_dma2 semaphore(%arg13 : memref<!tpu.dma_semaphore, #tpu.memory_space<semaphore_mem>>) src(%dma_wait3A_689 : memref<4096xf32, #tpu.memory_space<hbm>>) dst(%arg9 : memref<4096xf32, #tpu.memory_space<vmem>>)
    %scan3A_690 = arith.constant 0 : i32
    %scan3A_691 = arith.constant 0 : i32
    %scan3A_692 = arith.constant 16 : i32
    %scan3A_693 = arith.addi %scan3A_691, %scan3A_692 : i32
    %scan3A_694 = arith.constant 1 : i32
    scf.for %scan3A_734 = %scan3A_691 to %scan3A_693 step %scan3A_694  : i32 {
      %mul3A_735 = arith.constant 256 : i32
      %mul3A_736 = arith.muli %scan3A_734, %mul3A_735 : i32
      %add3A_737 = arith.constant 0 : i32
      %add3A_738 = arith.addi %mul3A_736, %add3A_737 : i32
      %get3A = arith.index_cast %add3A_738 : i32 to index
      %get3A_739 = tpu.vector_load %arg7[%get3A] {strides = array<i32>} : memref<4096xi32, #tpu.memory_space<vmem>>, vector<16xi32>,
      %get3A_740 = arith.index_cast %add3A_738 : i32 to index
      %get3A_741 = tpu.vector_load %arg9[%get3A_740] {strides = array<i32>} : memref<4096xf32, #tpu.memory_space<vmem>>, vector<16xf32>,
      %broadcast_in_dim3A = arith.constant true
      %broadcast_in_dim3A_742 = vector.broadcast %broadcast_in_dim3A : i1 to vector<16xi1>
      %unique3A, %unique3A_743 = tpu.scan_count mask(%broadcast_in_dim3A_742 : vector<16xi1>) value(%get3A_739 : vector<16xi32>) : vector<16xi1>, vector<16xi32>
      %add3A_744 = arith.constant 16 : i32
      %add3A_745 = arith.addi %mul3A_736, %add3A_744 : i32
      %get3A_746 = arith.index_cast %add3A_745 : i32 to index
      %get3A_747 = tpu.vector_load %arg7[%get3A_746] {strides = array<i32>} : memref<4096xi32, #tpu.memory_space<vmem>>, vector<16xi32>,
      %get3A_748 = arith.index_cast %add3A_745 : i32 to index
      %get3A_749 = tpu.vector_load %arg9[%get3A_748] {strides = array<i32>} : memref<4096xf32, #tpu.memory_space<vmem>>, vector<16xf32>,
      %broadcast_in_dim3A_750 = arith.constant true
      %broadcast_in_dim3A_751 = vector.broadcast %broadcast_in_dim3A_750 : i1 to vector<16xi1>
      %unique3A_752, %unique3A_753 = tpu.scan_count mask(%broadcast_in_dim3A_751 : vector<16xi1>) value(%get3A_747 : vector<16xi32>) : vector<16xi1>, vector<16xi32>
      %add3A_754 = arith.constant 32 : i32
      %add3A_755 = arith.addi %mul3A_736, %add3A_754 : i32
      %get3A_756 = arith.index_cast %add3A_755 : i32 to index
      %get3A_757 = tpu.vector_load %arg7[%get3A_756] {strides = array<i32>} : memref<4096xi32, #tpu.memory_space<vmem>>, vector<16xi32>,
      %get3A_758 = arith.index_cast %add3A_755 : i32 to index
      %get3A_759 = tpu.vector_load %arg9[%get3A_758] {strides = array<i32>} : memref<4096xf32, #tpu.memory_space<vmem>>, vector<16xf32>,
      %broadcast_in_dim3A_760 = arith.constant true
      %broadcast_in_dim3A_761 = vector.broadcast %broadcast_in_dim3A_760 : i1 to vector<16xi1>
      %unique3A_762, %unique3A_763 = tpu.scan_count mask(%broadcast_in_dim3A_761 : vector<16xi1>) value(%get3A_757 : vector<16xi32>) : vector<16xi1>, vector<16xi32>
      %add3A_764 = arith.constant 48 : i32
      %add3A_765 = arith.addi %mul3A_736, %add3A_764 : i32
      %get3A_766 = arith.index_cast %add3A_765 : i32 to index
      %get3A_767 = tpu.vector_load %arg7[%get3A_766] {strides = array<i32>} : memref<4096xi32, #tpu.memory_space<vmem>>, vector<16xi32>,
      %get3A_768 = arith.index_cast %add3A_765 : i32 to index
      %get3A_769 = tpu.vector_load %arg9[%get3A_768] {strides = array<i32>} : memref<4096xf32, #tpu.memory_space<vmem>>, vector<16xf32>,
      %broadcast_in_dim3A_770 = arith.constant true
      %broadcast_in_dim3A_771 = vector.broadcast %broadcast_in_dim3A_770 : i1 to vector<16xi1>
      %unique3A_772, %unique3A_773 = tpu.scan_count mask(%broadcast_in_dim3A_771 : vector<16xi1>) value(%get3A_767 : vector<16xi32>) : vector<16xi1>, vector<16xi32>
      %add3A_774 = arith.constant 64 : i32
      %add3A_775 = arith.addi %mul3A_736, %add3A_774 : i32
      %get3A_776 = arith.index_cast %add3A_775 : i32 to index
      %get3A_777 = tpu.vector_load %arg7[%get3A_776] {strides = array<i32>} : memref<4096xi32, #tpu.memory_space<vmem>>, vector<16xi32>,
      %get3A_778 = arith.index_cast %add3A_775 : i32 to index
      %get3A_779 = tpu.vector_load %arg9[%get3A_778] {strides = array<i32>} : memref<4096xf32, #tpu.memory_space<vmem>>, vector<16xf32>,
      %broadcast_in_dim3A_780 = arith.constant true
      %broadcast_in_dim3A_781 = vector.broadcast %broadcast_in_dim3A_780 : i1 to vector<16xi1>
      %unique3A_782, %unique3A_783 = tpu.scan_count mask(%broadcast_in_dim3A_781 : vector<16xi1>) value(%get3A_777 : vector<16xi32>) : vector<16xi1>, vector<16xi32>
      %add3A_784 = arith.constant 80 : i32
      %add3A_785 = arith.addi %mul3A_736, %add3A_784 : i32
      %get3A_786 = arith.index_cast %add3A_785 : i32 to index
      %get3A_787 = tpu.vector_load %arg7[%get3A_786] {strides = array<i32>} : memref<4096xi32, #tpu.memory_space<vmem>>, vector<16xi32>,
      %get3A_788 = arith.index_cast %add3A_785 : i32 to index
      %get3A_789 = tpu.vector_load %arg9[%get3A_788] {strides = array<i32>} : memref<4096xf32, #tpu.memory_space<vmem>>, vector<16xf32>,
      %broadcast_in_dim3A_790 = arith.constant true
      %broadcast_in_dim3A_791 = vector.broadcast %broadcast_in_dim3A_790 : i1 to vector<16xi1>
      %unique3A_792, %unique3A_793 = tpu.scan_count mask(%broadcast_in_dim3A_791 : vector<16xi1>) value(%get3A_787 : vector<16xi32>) : vector<16xi1>, vector<16xi32>
      %add3A_794 = arith.constant 96 : i32
      %add3A_795 = arith.addi %mul3A_736, %add3A_794 : i32
      %get3A_796 = arith.index_cast %add3A_795 : i32 to index
      %get3A_797 = tpu.vector_load %arg7[%get3A_796] {strides = array<i32>} : memref<4096xi32, #tpu.memory_space<vmem>>, vector<16xi32>,
      %get3A_798 = arith.index_cast %add3A_795 : i32 to index
      %get3A_799 = tpu.vector_load %arg9[%get3A_798] {strides = array<i32>} : memref<4096xf32, #tpu.memory_space<vmem>>, vector<16xf32>,
      %broadcast_in_dim3A_800 = arith.constant true
      %broadcast_in_dim3A_801 = vector.broadcast %broadcast_in_dim3A_800 : i1 to vector<16xi1>
      %unique3A_802, %unique3A_803 = tpu.scan_count mask(%broadcast_in_dim3A_801 : vector<16xi1>) value(%get3A_797 : vector<16xi32>) : vector<16xi1>, vector<16xi32>
      %add3A_804 = arith.constant 112 : i32
      %add3A_805 = arith.addi %mul3A_736, %add3A_804 : i32
      %get3A_806 = arith.index_cast %add3A_805 : i32 to index
      %get3A_807 = tpu.vector_load %arg7[%get3A_806] {strides = array<i32>} : memref<4096xi32, #tpu.memory_space<vmem>>, vector<16xi32>,
      %get3A_808 = arith.index_cast %add3A_805 : i32 to index
      %get3A_809 = tpu.vector_load %arg9[%get3A_808] {strides = array<i32>} : memref<4096xf32, #tpu.memory_space<vmem>>, vector<16xf32>,
      %broadcast_in_dim3A_810 = arith.constant true
      %broadcast_in_dim3A_811 = vector.broadcast %broadcast_in_dim3A_810 : i1 to vector<16xi1>
      %unique3A_812, %unique3A_813 = tpu.scan_count mask(%broadcast_in_dim3A_811 : vector<16xi1>) value(%get3A_807 : vector<16xi32>) : vector<16xi1>, vector<16xi32>
      %add3A_814 = arith.constant 128 : i32
      %add3A_815 = arith.addi %mul3A_736, %add3A_814 : i32
      %get3A_816 = arith.index_cast %add3A_815 : i32 to index
      %get3A_817 = tpu.vector_load %arg7[%get3A_816] {strides = array<i32>} : memref<4096xi32, #tpu.memory_space<vmem>>, vector<16xi32>,
      %get3A_818 = arith.index_cast %add3A_815 : i32 to index
      %get3A_819 = tpu.vector_load %arg9[%get3A_818] {strides = array<i32>} : memref<4096xf32, #tpu.memory_space<vmem>>, vector<16xf32>,
      %broadcast_in_dim3A_820 = arith.constant true
      %broadcast_in_dim3A_821 = vector.broadcast %broadcast_in_dim3A_820 : i1 to vector<16xi1>
      %unique3A_822, %unique3A_823 = tpu.scan_count mask(%broadcast_in_dim3A_821 : vector<16xi1>) value(%get3A_817 : vector<16xi32>) : vector<16xi1>, vector<16xi32>
      %add3A_824 = arith.constant 144 : i32
      %add3A_825 = arith.addi %mul3A_736, %add3A_824 : i32
      %get3A_826 = arith.index_cast %add3A_825 : i32 to index
      %get3A_827 = tpu.vector_load %arg7[%get3A_826] {strides = array<i32>} : memref<4096xi32, #tpu.memory_space<vmem>>, vector<16xi32>,
      %get3A_828 = arith.index_cast %add3A_825 : i32 to index
      %get3A_829 = tpu.vector_load %arg9[%get3A_828] {strides = array<i32>} : memref<4096xf32, #tpu.memory_space<vmem>>, vector<16xf32>,
      %broadcast_in_dim3A_830 = arith.constant true
      %broadcast_in_dim3A_831 = vector.broadcast %broadcast_in_dim3A_830 : i1 to vector<16xi1>
      %unique3A_832, %unique3A_833 = tpu.scan_count mask(%broadcast_in_dim3A_831 : vector<16xi1>) value(%get3A_827 : vector<16xi32>) : vector<16xi1>, vector<16xi32>
      %add3A_834 = arith.constant 160 : i32
      %add3A_835 = arith.addi %mul3A_736, %add3A_834 : i32
      %get3A_836 = arith.index_cast %add3A_835 : i32 to index
      %get3A_837 = tpu.vector_load %arg7[%get3A_836] {strides = array<i32>} : memref<4096xi32, #tpu.memory_space<vmem>>, vector<16xi32>,
      %get3A_838 = arith.index_cast %add3A_835 : i32 to index
      %get3A_839 = tpu.vector_load %arg9[%get3A_838] {strides = array<i32>} : memref<4096xf32, #tpu.memory_space<vmem>>, vector<16xf32>,
      %broadcast_in_dim3A_840 = arith.constant true
      %broadcast_in_dim3A_841 = vector.broadcast %broadcast_in_dim3A_840 : i1 to vector<16xi1>
      %unique3A_842, %unique3A_843 = tpu.scan_count mask(%broadcast_in_dim3A_841 : vector<16xi1>) value(%get3A_837 : vector<16xi32>) : vector<16xi1>, vector<16xi32>
      %add3A_844 = arith.constant 176 : i32
      %add3A_845 = arith.addi %mul3A_736, %add3A_844 : i32
      %get3A_846 = arith.index_cast %add3A_845 : i32 to index
      %get3A_847 = tpu.vector_load %arg7[%get3A_846] {strides = array<i32>} : memref<4096xi32, #tpu.memory_space<vmem>>, vector<16xi32>,
      %get3A_848 = arith.index_cast %add3A_845 : i32 to index
      %get3A_849 = tpu.vector_load %arg9[%get3A_848] {strides = array<i32>} : memref<4096xf32, #tpu.memory_space<vmem>>, vector<16xf32>,
      %broadcast_in_dim3A_850 = arith.constant true
      %broadcast_in_dim3A_851 = vector.broadcast %broadcast_in_dim3A_850 : i1 to vector<16xi1>
      %unique3A_852, %unique3A_853 = tpu.scan_count mask(%broadcast_in_dim3A_851 : vector<16xi1>) value(%get3A_847 : vector<16xi32>) : vector<16xi1>, vector<16xi32>
      %add3A_854 = arith.constant 192 : i32
      %add3A_855 = arith.addi %mul3A_736, %add3A_854 : i32
      %get3A_856 = arith.index_cast %add3A_855 : i32 to index
      %get3A_857 = tpu.vector_load %arg7[%get3A_856] {strides = array<i32>} : memref<4096xi32, #tpu.memory_space<vmem>>, vector<16xi32>,
      %get3A_858 = arith.index_cast %add3A_855 : i32 to index
      %get3A_859 = tpu.vector_load %arg9[%get3A_858] {strides = array<i32>} : memref<4096xf32, #tpu.memory_space<vmem>>, vector<16xf32>,
      %broadcast_in_dim3A_860 = arith.constant true
      %broadcast_in_dim3A_861 = vector.broadcast %broadcast_in_dim3A_860 : i1 to vector<16xi1>
      %unique3A_862, %unique3A_863 = tpu.scan_count mask(%broadcast_in_dim3A_861 : vector<16xi1>) value(%get3A_857 : vector<16xi32>) : vector<16xi1>, vector<16xi32>
      %add3A_864 = arith.constant 208 : i32
      %add3A_865 = arith.addi %mul3A_736, %add3A_864 : i32
      %get3A_866 = arith.index_cast %add3A_865 : i32 to index
      %get3A_867 = tpu.vector_load %arg7[%get3A_866] {strides = array<i32>} : memref<4096xi32, #tpu.memory_space<vmem>>, vector<16xi32>,
      %get3A_868 = arith.index_cast %add3A_865 : i32 to index
      %get3A_869 = tpu.vector_load %arg9[%get3A_868] {strides = array<i32>} : memref<4096xf32, #tpu.memory_space<vmem>>, vector<16xf32>,
      %broadcast_in_dim3A_870 = arith.constant true
      %broadcast_in_dim3A_871 = vector.broadcast %broadcast_in_dim3A_870 : i1 to vector<16xi1>
      %unique3A_872, %unique3A_873 = tpu.scan_count mask(%broadcast_in_dim3A_871 : vector<16xi1>) value(%get3A_867 : vector<16xi32>) : vector<16xi1>, vector<16xi32>
      %add3A_874 = arith.constant 224 : i32
      %add3A_875 = arith.addi %mul3A_736, %add3A_874 : i32
      %get3A_876 = arith.index_cast %add3A_875 : i32 to index
      %get3A_877 = tpu.vector_load %arg7[%get3A_876] {strides = array<i32>} : memref<4096xi32, #tpu.memory_space<vmem>>, vector<16xi32>,
      %get3A_878 = arith.index_cast %add3A_875 : i32 to index
      %get3A_879 = tpu.vector_load %arg9[%get3A_878] {strides = array<i32>} : memref<4096xf32, #tpu.memory_space<vmem>>, vector<16xf32>,
      %broadcast_in_dim3A_880 = arith.constant true
      %broadcast_in_dim3A_881 = vector.broadcast %broadcast_in_dim3A_880 : i1 to vector<16xi1>
      %unique3A_882, %unique3A_883 = tpu.scan_count mask(%broadcast_in_dim3A_881 : vector<16xi1>) value(%get3A_877 : vector<16xi32>) : vector<16xi1>, vector<16xi32>
      %add3A_884 = arith.constant 240 : i32
      %add3A_885 = arith.addi %mul3A_736, %add3A_884 : i32
      %get3A_886 = arith.index_cast %add3A_885 : i32 to index
      %get3A_887 = tpu.vector_load %arg7[%get3A_886] {strides = array<i32>} : memref<4096xi32, #tpu.memory_space<vmem>>, vector<16xi32>,
      %get3A_888 = arith.index_cast %add3A_885 : i32 to index
      %get3A_889 = tpu.vector_load %arg9[%get3A_888] {strides = array<i32>} : memref<4096xf32, #tpu.memory_space<vmem>>, vector<16xf32>,
      %broadcast_in_dim3A_890 = arith.constant true
      %broadcast_in_dim3A_891 = vector.broadcast %broadcast_in_dim3A_890 : i1 to vector<16xi1>
      %unique3A_892, %unique3A_893 = tpu.scan_count mask(%broadcast_in_dim3A_891 : vector<16xi1>) value(%get3A_887 : vector<16xi32>) : vector<16xi1>, vector<16xi32>
      tpu.vector_store_idx %arg6[%get3A_739], %get3A_741 masked %unique3A : memref<100000xf32, #tpu.memory_space<vmem>>[vector<16xi32>], vector<16xf32>, vector<16xi1>
      tpu.vector_store_idx %arg6[%get3A_747], %get3A_749 masked %unique3A_752 : memref<100000xf32, #tpu.memory_space<vmem>>[vector<16xi32>], vector<16xf32>, vector<16xi1>
      tpu.vector_store_idx %arg6[%get3A_757], %get3A_759 masked %unique3A_762 : memref<100000xf32, #tpu.memory_space<vmem>>[vector<16xi32>], vector<16xf32>, vector<16xi1>
      tpu.vector_store_idx %arg6[%get3A_767], %get3A_769 masked %unique3A_772 : memref<100000xf32, #tpu.memory_space<vmem>>[vector<16xi32>], vector<16xf32>, vector<16xi1>
      tpu.vector_store_idx %arg6[%get3A_777], %get3A_779 masked %unique3A_782 : memref<100000xf32, #tpu.memory_space<vmem>>[vector<16xi32>], vector<16xf32>, vector<16xi1>
      tpu.vector_store_idx %arg6[%get3A_787], %get3A_789 masked %unique3A_792 : memref<100000xf32, #tpu.memory_space<vmem>>[vector<16xi32>], vector<16xf32>, vector<16xi1>
      tpu.vector_store_idx %arg6[%get3A_797], %get3A_799 masked %unique3A_802 : memref<100000xf32, #tpu.memory_space<vmem>>[vector<16xi32>], vector<16xf32>, vector<16xi1>
      tpu.vector_store_idx %arg6[%get3A_807], %get3A_809 masked %unique3A_812 : memref<100000xf32, #tpu.memory_space<vmem>>[vector<16xi32>], vector<16xf32>, vector<16xi1>
      tpu.vector_store_idx %arg6[%get3A_817], %get3A_819 masked %unique3A_822 : memref<100000xf32, #tpu.memory_space<vmem>>[vector<16xi32>], vector<16xf32>, vector<16xi1>
      tpu.vector_store_idx %arg6[%get3A_827], %get3A_829 masked %unique3A_832 : memref<100000xf32, #tpu.memory_space<vmem>>[vector<16xi32>], vector<16xf32>, vector<16xi1>
      tpu.vector_store_idx %arg6[%get3A_837], %get3A_839 masked %unique3A_842 : memref<100000xf32, #tpu.memory_space<vmem>>[vector<16xi32>], vector<16xf32>, vector<16xi1>
      tpu.vector_store_idx %arg6[%get3A_847], %get3A_849 masked %unique3A_852 : memref<100000xf32, #tpu.memory_space<vmem>>[vector<16xi32>], vector<16xf32>, vector<16xi1>
      tpu.vector_store_idx %arg6[%get3A_857], %get3A_859 masked %unique3A_862 : memref<100000xf32, #tpu.memory_space<vmem>>[vector<16xi32>], vector<16xf32>, vector<16xi1>
      tpu.vector_store_idx %arg6[%get3A_867], %get3A_869 masked %unique3A_872 : memref<100000xf32, #tpu.memory_space<vmem>>[vector<16xi32>], vector<16xf32>, vector<16xi1>
      tpu.vector_store_idx %arg6[%get3A_877], %get3A_879 masked %unique3A_882 : memref<100000xf32, #tpu.memory_space<vmem>>[vector<16xi32>], vector<16xf32>, vector<16xi1>
      tpu.vector_store_idx %arg6[%get3A_887], %get3A_889 masked %unique3A_892 : memref<100000xf32, #tpu.memory_space<vmem>>[vector<16xi32>], vector<16xf32>, vector<16xi1>
    }
    %scan3A_695 = arith.constant 16 : i32
    %add3A_696 = arith.constant 96 : i32
    %add3A_697 = arith.addi %add3A_696, %add3A : i32
    %add3A_698 = arith.constant 96 : i32
    %add3A_699 = arith.addi %add3A_698, %add3A : i32
    %dma_wait3A_700 = arith.constant 12288 : i32
    %dma_wait3A_701 = tpu.memref_slice %arg3[%add3A_697, %dma_wait3A_700] : memref<128x16384xi32, #tpu.memory_space<hbm>> -> memref<1x4096xi32, #tpu.memory_space<hbm>>
    %dma_wait3A_702 = tpu.memref_squeeze %dma_wait3A_701 : memref<1x4096xi32, #tpu.memory_space<hbm>> -> memref<4096xi32, #tpu.memory_space<hbm>>
    %dma_wait3A_703 = arith.constant 12288 : i32
    %dma_wait3A_704 = tpu.memref_slice %arg3[%add3A_697, %dma_wait3A_703] : memref<128x16384xi32, #tpu.memory_space<hbm>> -> memref<1x4096xi32, #tpu.memory_space<hbm>>
    %dma_wait3A_705 = tpu.memref_squeeze %dma_wait3A_704 : memref<1x4096xi32, #tpu.memory_space<hbm>> -> memref<4096xi32, #tpu.memory_space<hbm>>
    tpu.wait_dma2 semaphore(%arg14 : memref<!tpu.dma_semaphore, #tpu.memory_space<semaphore_mem>>) src(%dma_wait3A_705 : memref<4096xi32, #tpu.memory_space<hbm>>) dst(%arg8 : memref<4096xi32, #tpu.memory_space<vmem>>)
    %dma_wait3A_706 = arith.constant 12288 : i32
    %dma_wait3A_707 = tpu.memref_slice %arg4[%add3A_699, %dma_wait3A_706] : memref<128x16384xf32, #tpu.memory_space<hbm>> -> memref<1x4096xf32, #tpu.memory_space<hbm>>
    %dma_wait3A_708 = tpu.memref_squeeze %dma_wait3A_707 : memref<1x4096xf32, #tpu.memory_space<hbm>> -> memref<4096xf32, #tpu.memory_space<hbm>>
    %dma_wait3A_709 = arith.constant 12288 : i32
    %dma_wait3A_710 = tpu.memref_slice %arg4[%add3A_699, %dma_wait3A_709] : memref<128x16384xf32, #tpu.memory_space<hbm>> -> memref<1x4096xf32, #tpu.memory_space<hbm>>
    %dma_wait3A_711 = tpu.memref_squeeze %dma_wait3A_710 : memref<1x4096xf32, #tpu.memory_space<hbm>> -> memref<4096xf32, #tpu.memory_space<hbm>>
    tpu.wait_dma2 semaphore(%arg14 : memref<!tpu.dma_semaphore, #tpu.memory_space<semaphore_mem>>) src(%dma_wait3A_711 : memref<4096xf32, #tpu.memory_space<hbm>>) dst(%arg10 : memref<4096xf32, #tpu.memory_space<vmem>>)
    %scan3A_712 = arith.constant 0 : i32
    %scan3A_713 = arith.constant 0 : i32
    %scan3A_714 = arith.constant 16 : i32
    %scan3A_715 = arith.addi %scan3A_713, %scan3A_714 : i32
    %scan3A_716 = arith.constant 1 : i32
    scf.for %scan3A_734 = %scan3A_713 to %scan3A_715 step %scan3A_716  : i32 {
      %mul3A_735 = arith.constant 256 : i32
      %mul3A_736 = arith.muli %scan3A_734, %mul3A_735 : i32
      %add3A_737 = arith.constant 0 : i32
      %add3A_738 = arith.addi %mul3A_736, %add3A_737 : i32
      %get3A = arith.index_cast %add3A_738 : i32 to index
      %get3A_739 = tpu.vector_load %arg8[%get3A] {strides = array<i32>} : memref<4096xi32, #tpu.memory_space<vmem>>, vector<16xi32>,
      %get3A_740 = arith.index_cast %add3A_738 : i32 to index
      %get3A_741 = tpu.vector_load %arg10[%get3A_740] {strides = array<i32>} : memref<4096xf32, #tpu.memory_space<vmem>>, vector<16xf32>,
      %broadcast_in_dim3A = arith.constant true
      %broadcast_in_dim3A_742 = vector.broadcast %broadcast_in_dim3A : i1 to vector<16xi1>
      %unique3A, %unique3A_743 = tpu.scan_count mask(%broadcast_in_dim3A_742 : vector<16xi1>) value(%get3A_739 : vector<16xi32>) : vector<16xi1>, vector<16xi32>
      %add3A_744 = arith.constant 16 : i32
      %add3A_745 = arith.addi %mul3A_736, %add3A_744 : i32
      %get3A_746 = arith.index_cast %add3A_745 : i32 to index
      %get3A_747 = tpu.vector_load %arg8[%get3A_746] {strides = array<i32>} : memref<4096xi32, #tpu.memory_space<vmem>>, vector<16xi32>,
      %get3A_748 = arith.index_cast %add3A_745 : i32 to index
      %get3A_749 = tpu.vector_load %arg10[%get3A_748] {strides = array<i32>} : memref<4096xf32, #tpu.memory_space<vmem>>, vector<16xf32>,
      %broadcast_in_dim3A_750 = arith.constant true
      %broadcast_in_dim3A_751 = vector.broadcast %broadcast_in_dim3A_750 : i1 to vector<16xi1>
      %unique3A_752, %unique3A_753 = tpu.scan_count mask(%broadcast_in_dim3A_751 : vector<16xi1>) value(%get3A_747 : vector<16xi32>) : vector<16xi1>, vector<16xi32>
      %add3A_754 = arith.constant 32 : i32
      %add3A_755 = arith.addi %mul3A_736, %add3A_754 : i32
      %get3A_756 = arith.index_cast %add3A_755 : i32 to index
      %get3A_757 = tpu.vector_load %arg8[%get3A_756] {strides = array<i32>} : memref<4096xi32, #tpu.memory_space<vmem>>, vector<16xi32>,
      %get3A_758 = arith.index_cast %add3A_755 : i32 to index
      %get3A_759 = tpu.vector_load %arg10[%get3A_758] {strides = array<i32>} : memref<4096xf32, #tpu.memory_space<vmem>>, vector<16xf32>,
      %broadcast_in_dim3A_760 = arith.constant true
      %broadcast_in_dim3A_761 = vector.broadcast %broadcast_in_dim3A_760 : i1 to vector<16xi1>
      %unique3A_762, %unique3A_763 = tpu.scan_count mask(%broadcast_in_dim3A_761 : vector<16xi1>) value(%get3A_757 : vector<16xi32>) : vector<16xi1>, vector<16xi32>
      %add3A_764 = arith.constant 48 : i32
      %add3A_765 = arith.addi %mul3A_736, %add3A_764 : i32
      %get3A_766 = arith.index_cast %add3A_765 : i32 to index
      %get3A_767 = tpu.vector_load %arg8[%get3A_766] {strides = array<i32>} : memref<4096xi32, #tpu.memory_space<vmem>>, vector<16xi32>,
      %get3A_768 = arith.index_cast %add3A_765 : i32 to index
      %get3A_769 = tpu.vector_load %arg10[%get3A_768] {strides = array<i32>} : memref<4096xf32, #tpu.memory_space<vmem>>, vector<16xf32>,
      %broadcast_in_dim3A_770 = arith.constant true
      %broadcast_in_dim3A_771 = vector.broadcast %broadcast_in_dim3A_770 : i1 to vector<16xi1>
      %unique3A_772, %unique3A_773 = tpu.scan_count mask(%broadcast_in_dim3A_771 : vector<16xi1>) value(%get3A_767 : vector<16xi32>) : vector<16xi1>, vector<16xi32>
      %add3A_774 = arith.constant 64 : i32
      %add3A_775 = arith.addi %mul3A_736, %add3A_774 : i32
      %get3A_776 = arith.index_cast %add3A_775 : i32 to index
      %get3A_777 = tpu.vector_load %arg8[%get3A_776] {strides = array<i32>} : memref<4096xi32, #tpu.memory_space<vmem>>, vector<16xi32>,
      %get3A_778 = arith.index_cast %add3A_775 : i32 to index
      %get3A_779 = tpu.vector_load %arg10[%get3A_778] {strides = array<i32>} : memref<4096xf32, #tpu.memory_space<vmem>>, vector<16xf32>,
      %broadcast_in_dim3A_780 = arith.constant true
      %broadcast_in_dim3A_781 = vector.broadcast %broadcast_in_dim3A_780 : i1 to vector<16xi1>
      %unique3A_782, %unique3A_783 = tpu.scan_count mask(%broadcast_in_dim3A_781 : vector<16xi1>) value(%get3A_777 : vector<16xi32>) : vector<16xi1>, vector<16xi32>
      %add3A_784 = arith.constant 80 : i32
      %add3A_785 = arith.addi %mul3A_736, %add3A_784 : i32
      %get3A_786 = arith.index_cast %add3A_785 : i32 to index
      %get3A_787 = tpu.vector_load %arg8[%get3A_786] {strides = array<i32>} : memref<4096xi32, #tpu.memory_space<vmem>>, vector<16xi32>,
      %get3A_788 = arith.index_cast %add3A_785 : i32 to index
      %get3A_789 = tpu.vector_load %arg10[%get3A_788] {strides = array<i32>} : memref<4096xf32, #tpu.memory_space<vmem>>, vector<16xf32>,
      %broadcast_in_dim3A_790 = arith.constant true
      %broadcast_in_dim3A_791 = vector.broadcast %broadcast_in_dim3A_790 : i1 to vector<16xi1>
      %unique3A_792, %unique3A_793 = tpu.scan_count mask(%broadcast_in_dim3A_791 : vector<16xi1>) value(%get3A_787 : vector<16xi32>) : vector<16xi1>, vector<16xi32>
      %add3A_794 = arith.constant 96 : i32
      %add3A_795 = arith.addi %mul3A_736, %add3A_794 : i32
      %get3A_796 = arith.index_cast %add3A_795 : i32 to index
      %get3A_797 = tpu.vector_load %arg8[%get3A_796] {strides = array<i32>} : memref<4096xi32, #tpu.memory_space<vmem>>, vector<16xi32>,
      %get3A_798 = arith.index_cast %add3A_795 : i32 to index
      %get3A_799 = tpu.vector_load %arg10[%get3A_798] {strides = array<i32>} : memref<4096xf32, #tpu.memory_space<vmem>>, vector<16xf32>,
      %broadcast_in_dim3A_800 = arith.constant true
      %broadcast_in_dim3A_801 = vector.broadcast %broadcast_in_dim3A_800 : i1 to vector<16xi1>
      %unique3A_802, %unique3A_803 = tpu.scan_count mask(%broadcast_in_dim3A_801 : vector<16xi1>) value(%get3A_797 : vector<16xi32>) : vector<16xi1>, vector<16xi32>
      %add3A_804 = arith.constant 112 : i32
      %add3A_805 = arith.addi %mul3A_736, %add3A_804 : i32
      %get3A_806 = arith.index_cast %add3A_805 : i32 to index
      %get3A_807 = tpu.vector_load %arg8[%get3A_806] {strides = array<i32>} : memref<4096xi32, #tpu.memory_space<vmem>>, vector<16xi32>,
      %get3A_808 = arith.index_cast %add3A_805 : i32 to index
      %get3A_809 = tpu.vector_load %arg10[%get3A_808] {strides = array<i32>} : memref<4096xf32, #tpu.memory_space<vmem>>, vector<16xf32>,
      %broadcast_in_dim3A_810 = arith.constant true
      %broadcast_in_dim3A_811 = vector.broadcast %broadcast_in_dim3A_810 : i1 to vector<16xi1>
      %unique3A_812, %unique3A_813 = tpu.scan_count mask(%broadcast_in_dim3A_811 : vector<16xi1>) value(%get3A_807 : vector<16xi32>) : vector<16xi1>, vector<16xi32>
      %add3A_814 = arith.constant 128 : i32
      %add3A_815 = arith.addi %mul3A_736, %add3A_814 : i32
      %get3A_816 = arith.index_cast %add3A_815 : i32 to index
      %get3A_817 = tpu.vector_load %arg8[%get3A_816] {strides = array<i32>} : memref<4096xi32, #tpu.memory_space<vmem>>, vector<16xi32>,
      %get3A_818 = arith.index_cast %add3A_815 : i32 to index
      %get3A_819 = tpu.vector_load %arg10[%get3A_818] {strides = array<i32>} : memref<4096xf32, #tpu.memory_space<vmem>>, vector<16xf32>,
      %broadcast_in_dim3A_820 = arith.constant true
      %broadcast_in_dim3A_821 = vector.broadcast %broadcast_in_dim3A_820 : i1 to vector<16xi1>
      %unique3A_822, %unique3A_823 = tpu.scan_count mask(%broadcast_in_dim3A_821 : vector<16xi1>) value(%get3A_817 : vector<16xi32>) : vector<16xi1>, vector<16xi32>
      %add3A_824 = arith.constant 144 : i32
      %add3A_825 = arith.addi %mul3A_736, %add3A_824 : i32
      %get3A_826 = arith.index_cast %add3A_825 : i32 to index
      %get3A_827 = tpu.vector_load %arg8[%get3A_826] {strides = array<i32>} : memref<4096xi32, #tpu.memory_space<vmem>>, vector<16xi32>,
      %get3A_828 = arith.index_cast %add3A_825 : i32 to index
      %get3A_829 = tpu.vector_load %arg10[%get3A_828] {strides = array<i32>} : memref<4096xf32, #tpu.memory_space<vmem>>, vector<16xf32>,
      %broadcast_in_dim3A_830 = arith.constant true
      %broadcast_in_dim3A_831 = vector.broadcast %broadcast_in_dim3A_830 : i1 to vector<16xi1>
      %unique3A_832, %unique3A_833 = tpu.scan_count mask(%broadcast_in_dim3A_831 : vector<16xi1>) value(%get3A_827 : vector<16xi32>) : vector<16xi1>, vector<16xi32>
      %add3A_834 = arith.constant 160 : i32
      %add3A_835 = arith.addi %mul3A_736, %add3A_834 : i32
      %get3A_836 = arith.index_cast %add3A_835 : i32 to index
      %get3A_837 = tpu.vector_load %arg8[%get3A_836] {strides = array<i32>} : memref<4096xi32, #tpu.memory_space<vmem>>, vector<16xi32>,
      %get3A_838 = arith.index_cast %add3A_835 : i32 to index
      %get3A_839 = tpu.vector_load %arg10[%get3A_838] {strides = array<i32>} : memref<4096xf32, #tpu.memory_space<vmem>>, vector<16xf32>,
      %broadcast_in_dim3A_840 = arith.constant true
      %broadcast_in_dim3A_841 = vector.broadcast %broadcast_in_dim3A_840 : i1 to vector<16xi1>
      %unique3A_842, %unique3A_843 = tpu.scan_count mask(%broadcast_in_dim3A_841 : vector<16xi1>) value(%get3A_837 : vector<16xi32>) : vector<16xi1>, vector<16xi32>
      %add3A_844 = arith.constant 176 : i32
      %add3A_845 = arith.addi %mul3A_736, %add3A_844 : i32
      %get3A_846 = arith.index_cast %add3A_845 : i32 to index
      %get3A_847 = tpu.vector_load %arg8[%get3A_846] {strides = array<i32>} : memref<4096xi32, #tpu.memory_space<vmem>>, vector<16xi32>,
      %get3A_848 = arith.index_cast %add3A_845 : i32 to index
      %get3A_849 = tpu.vector_load %arg10[%get3A_848] {strides = array<i32>} : memref<4096xf32, #tpu.memory_space<vmem>>, vector<16xf32>,
      %broadcast_in_dim3A_850 = arith.constant true
      %broadcast_in_dim3A_851 = vector.broadcast %broadcast_in_dim3A_850 : i1 to vector<16xi1>
      %unique3A_852, %unique3A_853 = tpu.scan_count mask(%broadcast_in_dim3A_851 : vector<16xi1>) value(%get3A_847 : vector<16xi32>) : vector<16xi1>, vector<16xi32>
      %add3A_854 = arith.constant 192 : i32
      %add3A_855 = arith.addi %mul3A_736, %add3A_854 : i32
      %get3A_856 = arith.index_cast %add3A_855 : i32 to index
      %get3A_857 = tpu.vector_load %arg8[%get3A_856] {strides = array<i32>} : memref<4096xi32, #tpu.memory_space<vmem>>, vector<16xi32>,
      %get3A_858 = arith.index_cast %add3A_855 : i32 to index
      %get3A_859 = tpu.vector_load %arg10[%get3A_858] {strides = array<i32>} : memref<4096xf32, #tpu.memory_space<vmem>>, vector<16xf32>,
      %broadcast_in_dim3A_860 = arith.constant true
      %broadcast_in_dim3A_861 = vector.broadcast %broadcast_in_dim3A_860 : i1 to vector<16xi1>
      %unique3A_862, %unique3A_863 = tpu.scan_count mask(%broadcast_in_dim3A_861 : vector<16xi1>) value(%get3A_857 : vector<16xi32>) : vector<16xi1>, vector<16xi32>
      %add3A_864 = arith.constant 208 : i32
      %add3A_865 = arith.addi %mul3A_736, %add3A_864 : i32
      %get3A_866 = arith.index_cast %add3A_865 : i32 to index
      %get3A_867 = tpu.vector_load %arg8[%get3A_866] {strides = array<i32>} : memref<4096xi32, #tpu.memory_space<vmem>>, vector<16xi32>,
      %get3A_868 = arith.index_cast %add3A_865 : i32 to index
      %get3A_869 = tpu.vector_load %arg10[%get3A_868] {strides = array<i32>} : memref<4096xf32, #tpu.memory_space<vmem>>, vector<16xf32>,
      %broadcast_in_dim3A_870 = arith.constant true
      %broadcast_in_dim3A_871 = vector.broadcast %broadcast_in_dim3A_870 : i1 to vector<16xi1>
      %unique3A_872, %unique3A_873 = tpu.scan_count mask(%broadcast_in_dim3A_871 : vector<16xi1>) value(%get3A_867 : vector<16xi32>) : vector<16xi1>, vector<16xi32>
      %add3A_874 = arith.constant 224 : i32
      %add3A_875 = arith.addi %mul3A_736, %add3A_874 : i32
      %get3A_876 = arith.index_cast %add3A_875 : i32 to index
      %get3A_877 = tpu.vector_load %arg8[%get3A_876] {strides = array<i32>} : memref<4096xi32, #tpu.memory_space<vmem>>, vector<16xi32>,
      %get3A_878 = arith.index_cast %add3A_875 : i32 to index
      %get3A_879 = tpu.vector_load %arg10[%get3A_878] {strides = array<i32>} : memref<4096xf32, #tpu.memory_space<vmem>>, vector<16xf32>,
      %broadcast_in_dim3A_880 = arith.constant true
      %broadcast_in_dim3A_881 = vector.broadcast %broadcast_in_dim3A_880 : i1 to vector<16xi1>
      %unique3A_882, %unique3A_883 = tpu.scan_count mask(%broadcast_in_dim3A_881 : vector<16xi1>) value(%get3A_877 : vector<16xi32>) : vector<16xi1>, vector<16xi32>
      %add3A_884 = arith.constant 240 : i32
      %add3A_885 = arith.addi %mul3A_736, %add3A_884 : i32
      %get3A_886 = arith.index_cast %add3A_885 : i32 to index
      %get3A_887 = tpu.vector_load %arg8[%get3A_886] {strides = array<i32>} : memref<4096xi32, #tpu.memory_space<vmem>>, vector<16xi32>,
      %get3A_888 = arith.index_cast %add3A_885 : i32 to index
      %get3A_889 = tpu.vector_load %arg10[%get3A_888] {strides = array<i32>} : memref<4096xf32, #tpu.memory_space<vmem>>, vector<16xf32>,
      %broadcast_in_dim3A_890 = arith.constant true
      %broadcast_in_dim3A_891 = vector.broadcast %broadcast_in_dim3A_890 : i1 to vector<16xi1>
      %unique3A_892, %unique3A_893 = tpu.scan_count mask(%broadcast_in_dim3A_891 : vector<16xi1>) value(%get3A_887 : vector<16xi32>) : vector<16xi1>, vector<16xi32>
      tpu.vector_store_idx %arg6[%get3A_739], %get3A_741 masked %unique3A : memref<100000xf32, #tpu.memory_space<vmem>>[vector<16xi32>], vector<16xf32>, vector<16xi1>
      tpu.vector_store_idx %arg6[%get3A_747], %get3A_749 masked %unique3A_752 : memref<100000xf32, #tpu.memory_space<vmem>>[vector<16xi32>], vector<16xf32>, vector<16xi1>
      tpu.vector_store_idx %arg6[%get3A_757], %get3A_759 masked %unique3A_762 : memref<100000xf32, #tpu.memory_space<vmem>>[vector<16xi32>], vector<16xf32>, vector<16xi1>
      tpu.vector_store_idx %arg6[%get3A_767], %get3A_769 masked %unique3A_772 : memref<100000xf32, #tpu.memory_space<vmem>>[vector<16xi32>], vector<16xf32>, vector<16xi1>
      tpu.vector_store_idx %arg6[%get3A_777], %get3A_779 masked %unique3A_782 : memref<100000xf32, #tpu.memory_space<vmem>>[vector<16xi32>], vector<16xf32>, vector<16xi1>
      tpu.vector_store_idx %arg6[%get3A_787], %get3A_789 masked %unique3A_792 : memref<100000xf32, #tpu.memory_space<vmem>>[vector<16xi32>], vector<16xf32>, vector<16xi1>
      tpu.vector_store_idx %arg6[%get3A_797], %get3A_799 masked %unique3A_802 : memref<100000xf32, #tpu.memory_space<vmem>>[vector<16xi32>], vector<16xf32>, vector<16xi1>
      tpu.vector_store_idx %arg6[%get3A_807], %get3A_809 masked %unique3A_812 : memref<100000xf32, #tpu.memory_space<vmem>>[vector<16xi32>], vector<16xf32>, vector<16xi1>
      tpu.vector_store_idx %arg6[%get3A_817], %get3A_819 masked %unique3A_822 : memref<100000xf32, #tpu.memory_space<vmem>>[vector<16xi32>], vector<16xf32>, vector<16xi1>
      tpu.vector_store_idx %arg6[%get3A_827], %get3A_829 masked %unique3A_832 : memref<100000xf32, #tpu.memory_space<vmem>>[vector<16xi32>], vector<16xf32>, vector<16xi1>
      tpu.vector_store_idx %arg6[%get3A_837], %get3A_839 masked %unique3A_842 : memref<100000xf32, #tpu.memory_space<vmem>>[vector<16xi32>], vector<16xf32>, vector<16xi1>
      tpu.vector_store_idx %arg6[%get3A_847], %get3A_849 masked %unique3A_852 : memref<100000xf32, #tpu.memory_space<vmem>>[vector<16xi32>], vector<16xf32>, vector<16xi1>
      tpu.vector_store_idx %arg6[%get3A_857], %get3A_859 masked %unique3A_862 : memref<100000xf32, #tpu.memory_space<vmem>>[vector<16xi32>], vector<16xf32>, vector<16xi1>
      tpu.vector_store_idx %arg6[%get3A_867], %get3A_869 masked %unique3A_872 : memref<100000xf32, #tpu.memory_space<vmem>>[vector<16xi32>], vector<16xf32>, vector<16xi1>
      tpu.vector_store_idx %arg6[%get3A_877], %get3A_879 masked %unique3A_882 : memref<100000xf32, #tpu.memory_space<vmem>>[vector<16xi32>], vector<16xf32>, vector<16xi1>
      tpu.vector_store_idx %arg6[%get3A_887], %get3A_889 masked %unique3A_892 : memref<100000xf32, #tpu.memory_space<vmem>>[vector<16xi32>], vector<16xf32>, vector<16xi1>
    }
    %scan3A_717 = arith.constant 16 : i32
    %add3A_718 = arith.constant 96 : i32
    %add3A_719 = arith.addi %add3A_718, %add3A : i32
    %dma_start3A_720 = arith.constant 0 : i32
    %dma_start3A_721 = tpu.memref_slice %arg5[%add3A_719, %dma_start3A_720] : memref<128x100000xf32, #tpu.memory_space<hbm>> -> memref<1x100000xf32, #tpu.memory_space<hbm>>
    %dma_start3A_722 = tpu.memref_squeeze %dma_start3A_721 : memref<1x100000xf32, #tpu.memory_space<hbm>> -> memref<100000xf32, #tpu.memory_space<hbm>>
    %dma_start3A_723 = arith.constant 0 : i32
    %dma_start3A_724 = tpu.memref_slice %arg5[%add3A_719, %dma_start3A_723] : memref<128x100000xf32, #tpu.memory_space<hbm>> -> memref<1x100000xf32, #tpu.memory_space<hbm>>
    %dma_start3A_725 = tpu.memref_squeeze %dma_start3A_724 : memref<1x100000xf32, #tpu.memory_space<hbm>> -> memref<100000xf32, #tpu.memory_space<hbm>>
    tpu.enqueue_dma source(%arg6 : memref<100000xf32, #tpu.memory_space<vmem>>) target(%dma_start3A_725 : memref<100000xf32, #tpu.memory_space<hbm>>) target_semaphore(%arg12 : memref<!tpu.dma_semaphore, #tpu.memory_space<semaphore_mem>>)
    %add3A_726 = arith.constant 96 : i32
    %add3A_727 = arith.addi %add3A_726, %add3A : i32
    %dma_wait3A_728 = arith.constant 0 : i32
    %dma_wait3A_729 = tpu.memref_slice %arg5[%add3A_727, %dma_wait3A_728] : memref<128x100000xf32, #tpu.memory_space<hbm>> -> memref<1x100000xf32, #tpu.memory_space<hbm>>
    %dma_wait3A_730 = tpu.memref_squeeze %dma_wait3A_729 : memref<1x100000xf32, #tpu.memory_space<hbm>> -> memref<100000xf32, #tpu.memory_space<hbm>>
    %dma_wait3A_731 = arith.constant 0 : i32
    %dma_wait3A_732 = tpu.memref_slice %arg5[%add3A_727, %dma_wait3A_731] : memref<128x100000xf32, #tpu.memory_space<hbm>> -> memref<1x100000xf32, #tpu.memory_space<hbm>>
    %dma_wait3A_733 = tpu.memref_squeeze %dma_wait3A_732 : memref<1x100000xf32, #tpu.memory_space<hbm>> -> memref<100000xf32, #tpu.memory_space<hbm>>
    tpu.wait_dma2 semaphore(%arg12 : memref<!tpu.dma_semaphore, #tpu.memory_space<semaphore_mem>>) src(%arg6 : memref<100000xf32, #tpu.memory_space<vmem>>) dst(%dma_wait3A_733 : memref<100000xf32, #tpu.memory_space<hbm>>)
    return
  }
}

</mosaic_0001>

<sc_bundles>
// kernel: kernel.3.cloned.1.call-start
scs
__scs_entry_jumppad:
0x0: {  	(pc) =	sbr.rel $0x88, $3  }
0x1: {  	(tag) =	ssettag $0x0;
	lr =	simm.s32 $0x1  }
0x2: {  	[smem:$0x3F9D] =	sst lr;
	_ =	strace $0xD0000000  }
0x3: {  	_ = 	snop  }
0x4: {  	_ = 	snop  }
0x5: {  	_ = 	snop  }
0x6: {  	_ = 	snop  }
0x7: {  	_ = 	snop  }
__scs_overlays_trampoline_lowered:
0x8: {  	[smem:$0x3FAC] =	sst s0  }
0x9: {  	[smem:$0x3FAD] =	sst s1  }
0xa: {  	[smem:$0x3FAE] =	sst s2  }
0xb: {  	[smem:$0x3FAF] =	sst s3  }
0xc: {  	[smem:$0x3FB0] =	sst s4  }
0xd: {  	[smem:$0x3FB1] =	sst s5  }
0xe: {  	[smem:$0x3FB2] =	sst s6  }
0xf: {  	[smem:$0x3FB3] =	sst s7  }
0x10: {  	[smem:$0x3FB4] =	sst s8  }
0x11: {  	[smem:$0x3FB5] =	sst s9;
	s0 =	simm.s32 @!p0 $0x0  }
0x12: {  	s1 =	sld [smem:$0x3F9B];
	s0 =	simm.s32 @p0 $0x1  }
0x13: {  	[smem:$0x3FB6] =	sst s0;
	s0 =	simm.s32 @!p1 $0x0  }
0x14: {  	s2 =	sld [smem:$0x3F9A];
	s0 =	simm.s32 @p1 $0x1  }
0x15: {  	[smem:$0x3FB7] =	sst s0;
	s0 =	simm.s32 @!p2 $0x0  }
0x16: {  	s3 =	sld [smem:$0x3FDB];
	s0 =	simm.s32 @p2 $0x1  }
0x17: {  	s4 =	simm.s32 $0x1BF5;
	[smem:$0x3FB9] =	sst s0  }
0x18: {  	s0 =	sld [smem:$0x3F9C];
	_ =	swait.ge [sflag:s4], $0x0  }
0x19: {  	s7 =	sld [smem:$0x3F9D]  }
0x1a: {  	s8 =	sadd.s32 $0xFFFFE003, lr  }
0x1b: {  	s9 =	sadd.s32 $0xFFFFFEF7, lr;
	s5 =	simm.s32 $0xFFFFFFFF;
	p2 =	slt.u32 s8, $0xFFFFF086  }
0x1c: {  	p1 =	slt.u32 s9, $0xF7A;
	s5 =	simm.s32 @!p2 $0x0  }
0x1d: {  	s5 =	simm.s32 @p1 $0x1;
	p0 =	seq.s32 s7, s2  }
0x1e: {  	s7 =	smul.u32 @!p0 $0xF7A, s2;
	p2 =	seq.s32 @!p0 s5, $0x0  }
0x1f: {  	s9 =	smul.u32 $0xF7A, s1;
	s8 =	simm.s32 @!p0 $0x1BF5;
	p2 =	por !p2, p0  }
0x20: {  	[sflag:s8] =	ssyncset.s32 @!p0 $0xFFFFF086;
	s6 =	sadd.s32 @!p0 s3, s7;
	s7 =	simm.s32 @!p0 $0x108  }
0x21: {  	s3 =	sadd.s32 s3, s9;
	s6 =	sadd.s32 @!p0 $0x88, s6;
	s7 =	simm.s32 @p2 $0x1082  }
0x22: {  	[simem:s7], [sflag:s8] =	dma.local @!p0 [hbm:s6], $0xF7A  }
0x23: {  	s9 =	sor.u32 $0xD0000000, s2;
	s6 =	simm.s32 $0x108;
	_ =	swait.ge @!p0 [sflag:s8], $0x0  }
0x24: {  	s3 =	sadd.s32 $0x88, s3;
	s6 =	simm.s32 @!p1 $0x1082;
	[sflag:s4] =	ssyncset.s32 $0xFFFFF086  }
0x25: {  	[simem:s6], [sflag:s4] =	dma.local [hbm:s3], $0xF7A  }
0x26: {  	[smem:$0x3F9D] =	sst s1;
	(tag) =	ssettag s2;
	_ =	strace s9  }
0x27: {  	s1 =	sld [smem:$0x3FAD]  }
0x28: {  	s2 =	sld [smem:$0x3FAE]  }
0x29: {  	s4 =	sld [smem:$0x3FB0]  }
0x2a: {  	p0 =	seq.s32 s5, $0x0;
	s5 =	sld [smem:$0x3FB1]  }
0x2b: {  	s6 =	sld [smem:$0x3FB2]  }
0x2c: {  	s7 =	sld [smem:$0x3FB3]  }
0x2d: {  	s3 =	simm.s32 $0x108;
	s8 =	sld [smem:$0x3FB4]  }
0x2e: {  	s3 =	simm.s32 @!p0 $0x1082;
	s9 =	sld [smem:$0x3FB5]  }
0x2f: {  	lr =	sadd.s32 s0, s3;
	s0 =	sld [smem:$0x3FAC]  }
0x30: {  	s3 =	sld [smem:$0x3FAF]  }
0x31: {  	[smem:$0x3FB8] =	sst s10  }
0x32: {  	s10 =	sld [smem:$0x3FB6];
	_ =	sdelay $0x3  }
0x33: {  	p0 =	seq.s32 s10, $0x1;
	s10 =	sld [smem:$0x3FB8];
	_ =	sdelay $0x3  }
0x34: {  	[smem:$0x3FB8] =	sst s10  }
0x35: {  	s10 =	sld [smem:$0x3FB7];
	_ =	sdelay $0x3  }
0x36: {  	p1 =	seq.s32 s10, $0x1;
	s10 =	sld [smem:$0x3FB8];
	_ =	sdelay $0x3  }
0x37: {  	[smem:$0x3FB8] =	sst s10  }
0x38: {  	s10 =	sld [smem:$0x3FB9]  }
0x39: {  	_ = 	snop;
	(pc) =	sbr.ind lr, $3  }
0x3a: {  	_ = 	snop  }
0x3b: {  	_ = 	snop  }
0x3c: {  	p2 =	seq.s32 s10, $0x1;
	s10 =	sld [smem:$0x3FB8]  }
0x3d: {  	_ =	shalt  }
0x3e: {  	_ =	shalt  }
0x3f: {  	_ =	shalt  }
0x40: {  	_ =	shalt  }
0x41: {  	_ =	shalt  }
0x42: {  	_ =	shalt  }
0x43: {  	_ =	shalt  }
0x44: {  	_ =	shalt  }
0x45: {  	_ =	shalt  }
0x46: {  	_ =	shalt  }
0x47: {  	_ =	shalt  }
0x48: {  	_ =	shalt  }
0x49: {  	_ =	shalt  }
0x4a: {  	_ =	shalt  }
0x4b: {  	_ =	shalt  }
0x4c: {  	_ =	shalt  }
0x4d: {  	_ =	shalt  }
0x4e: {  	_ =	shalt  }
0x4f: {  	_ =	shalt  }
0x50: {  	_ =	shalt  }
0x51: {  	_ =	shalt  }
0x52: {  	_ =	shalt  }
0x53: {  	_ =	shalt  }
0x54: {  	_ =	shalt  }
0x55: {  	_ =	shalt  }
0x56: {  	_ =	shalt  }
0x57: {  	_ =	shalt  }
0x58: {  	_ =	shalt  }
0x59: {  	_ =	shalt  }
0x5a: {  	_ =	shalt  }
0x5b: {  	_ =	shalt  }
0x5c: {  	_ =	shalt  }
0x5d: {  	_ =	shalt  }
0x5e: {  	_ =	shalt  }
0x5f: {  	_ =	shalt  }
0x60: {  	_ =	shalt  }
0x61: {  	_ =	shalt  }
0x62: {  	_ =	shalt  }
0x63: {  	_ =	shalt  }
0x64: {  	_ =	shalt  }
0x65: {  	_ =	shalt  }
0x66: {  	_ =	shalt  }
0x67: {  	_ =	shalt  }
0x68: {  	_ =	shalt  }
0x69: {  	_ =	shalt  }
0x6a: {  	_ =	shalt  }
0x6b: {  	_ =	shalt  }
0x6c: {  	_ =	shalt  }
0x6d: {  	_ =	shalt  }
0x6e: {  	_ =	shalt  }
0x6f: {  	_ =	shalt  }
0x70: {  	_ =	shalt  }
0x71: {  	_ =	shalt  }
0x72: {  	_ =	shalt  }
0x73: {  	_ =	shalt  }
0x74: {  	_ =	shalt  }
0x75: {  	_ =	shalt  }
0x76: {  	_ =	shalt  }
0x77: {  	_ =	shalt  }
0x78: {  	_ =	shalt  }
0x79: {  	_ =	shalt  }
0x7a: {  	_ =	shalt  }
0x7b: {  	_ =	shalt  }
0x7c: {  	_ =	shalt  }
0x7d: {  	_ =	shalt  }
0x7e: {  	_ =	shalt  }
0x7f: {  	_ =	shalt  }
0x80: {  	_ =	shalt  }
0x81: {  	_ =	shalt  }
0x82: {  	_ =	shalt  }
0x83: {  	_ =	shalt  }
0x84: {  	_ =	shalt  }
0x85: {  	_ =	shalt  }
0x86: {  	_ =	shalt  }
0x87: {  	_ =	shalt  }
.Lfunc_end0:
.L_simem_size_0:
called_computation.1_lowered:
.L_overlay_start_0:
0x88: {  	s2 =	sld [smem:$0x3FD9]  }
0x89: {  	s3 =	sld [smem:$0x3FFE];
	_ =	sdelay $0x1  }
0x8a: {  	s1 =	srdreg.scid  }
0x8b: {  	s0 =	sand.u32 $0x1, s1  }
0x8c: {  	s17 =	sshll.u32 s0, $0xA;
	s2 =	sadd.s32 s3, s2  }
0x8d: {  	s2 =	sadd.s32 s2, s17  }
0x8e: {  	[smem:$0x3FC4] =	sst s2  }
0x8f: {  	_ = 	snop  }
0x90: {  	s2 =	sld [smem:$0x3FD0];
	(tm) =	ssettm $0x1  }
0x91: {  	s18 =	sld [smem:$0x3FFB];
	_ =	sdelay $0x3  }
0x92: {  	_ =	strace s18  }
0x93: {  	s3 =	sld [smem:$0x3FFC];
	_ =	sdelay $0x3  }
0x94: {  	_ =	strace s3  }
0x95: {  	s3 =	sld [smem:$0x3FFD];
	_ =	sdelay $0x3  }
0x96: {  	_ =	strace s3  }
0x97: {  	_ =	strace $0x8FFFFFFF  }
0x98: {  	s19 =	sld [smem:$0x3FDB];
	_ =	sdelay $0x1  }
0x99: {  	s4 =	simm.s32 $_scs_section_size  }
0x9a: {  	s5 =	simm.s32 $_size__tile_overlayer_lowered;
	s6 =	simm.s32 $_tile_overlayer_lowered  }
0x9b: {  	s22 =	simm.s32 $0x1BFF;
	s21 =	sshll.u32 s6, $0x1;
	s3 =	sadd.s32 s4, s19  }
0x9c: {  	s7 =	simm.s32 $0x0;
	s20 =	sshll.u32 s5, $0x1;
	s5 =	sadd.s32 s21, s3  }
0x9d: {  	[timem:s7], [sflag:s22] =	dma.local [hbm:s5], s20  }
0x9e: {  	_ =	swait.ge [sflag:s22], s20  }
0x9f: {  	s4 =	ssub.s32 $0x0, s20;
	[sflag:s22] =	ssyncset.done $0x0  }
0xa0: {  	[sflag:s22] =	ssyncadd.s32 s4;
	_ =	sdelay $0x1  }
0xa1: {  	s23 =	simm.s32 $0x1B8B  }
0xa2: {  	_ =	swait.ge [sflag:s23], $0x1  }
0xa3: {  	[sflag:s23] =	ssyncset.done $0x0  }
0xa4: {  	s25 =	simm.s32 $0x1B8E;
	s24 =	sld [smem:$0x3FFE];
	[sflag:s23] =	ssyncadd.s32 $0xFFFFFFFF  }
0xa5: {  	s26 =	simm.s32 $execute0_lowered;
	[smem:$0x3FD2] =	sst s25  }
0xa6: {  	s5 =	sshll.u32 s26, $0x1;
	_ =	strace $0x80000046;
	[dreg:$0x1] =	wrdreg $0xFFFFFFFF  }
0xa7: {  	s28 =	simm.s32 $_size_execute0_lowered;
	s3 =	sadd.s32 s3, s5;
	[dreg:$0x0] =	wrdreg $0x0  }
0xa8: {  	s5 =	sshll.u32 s28, $0x1;
	[dreg:$0x2] =	wrdreg s3  }
0xa9: {  	[dreg:$0x3] =	wrdreg s5  }
0xaa: {  	[dreg:$0x4] =	wrdreg $0xC0  }
0xab: {  	_ =	task [dreg:s7], $0x5FFFF  }
0xac: {  	[dreg:$0x1] =	wrdreg $0xFFFFFFFF  }
0xad: {  	[dreg:$0x0] =	wrdreg $0x60  }
0xae: {  	[dreg:$0x2] =	wrdreg s24  }
0xaf: {  	[dreg:$0x3] =	wrdreg s2  }
0xb0: {  	[dreg:$0x4] =	wrdreg $0x9  }
0xb1: {  	_ =	task.clear_ibuf [dreg:s7], $0x5FFFF;
	_ =	strace $0x90000046  }
0xb2: {  	s29 =	simm.s32 $0x9;
	_ =	strace $0x80000048  }
0xb3: {  	_ =	swait.ge [sflag:s29], $0x1  }
0xb4: {  	[sflag:s29] =	ssyncadd.s32 $0xFFFFFFFF  }
0xb5: {  	_ =	strace $0x90000048  }
0xb6: {  	_ =	sfence  }
0xb7: {  	s30 =	sld [smem:$0x0];
	_ =	sdelay $0x2  }
0xb8: {  	s31 =	sshll.u32 s1, $0xD;
	s1 =	sshrl.u32 s1, $0x2  }
0xb9: {  	s3 =	sand.u32 $0x4000, s31;
	s1 =	sadd.s32 s1, s30  }
0xba: {  	s0 =	sor.u32 s3, s0;
	s1 =	sshll.u32 s1, $0x11  }
0xbb: {  	s0 =	sor.u32 s1, s0  }
0xbc: {  	s0 =	sadd.s32 $0x8F2B, s0  }
0xbd: {  	[sflag:s0] =	ssyncadd.remote.s32 $0x1  }
0xbe: {  	_ =	sfence.sel $0xFFFF  }
0xbf: {  	[dreg:$0x0] =	wrdreg $0xFFFFFFFF;
	(pc) =	sbr.abs _section_cstart, $3  }
0xc0: {  	[dreg:$0x1] =	wrdreg $0xFFFFFFFF  }
0xc1: {  	_ =	task.clear_ibuf [dreg:s7], $0x2FFFF;
	_ =	strace $0x9FFFFFFF  }
0xc2: {  	(tm) =	ssettm $0x7FFFFFFF  }
0xc3: {  	_ =	shalt  }
tec
execute0_lowered:
.L_overlay_start_1:
0x0: {  	(tag) =	ssettag $0x1  }
0x1: {  	s3 =	rddreg [dreg:$0x0];
	s1 =	srdreg.scid  }
0x2: {  	s5 =	stileid.u32;
	s0 =	rddreg [dreg:$0x1];
	s1 =	sand.u32 $0x1, s1  }
0x3: {  	s2 =	sshll.u32 s5, $0x8;
	s5 =	sshrl.u32 s5, $0x2;
	s4 =	sshll.u32 s1, $0x7  }
0x4: {  	s2 =	sand.u32 $0x300, s2;
	s6 =	ssub.s32 $0x2, s1;
	s19 =	sshll.u32 s5, $0x11  }
0x5: {  	s7 =	smul.u32 $0xC3800, s5;
	s1 =	sadd.s32 $0xA00, s3;
	s25 =	sor.u32 $0x4, s5  }
0x6: {  	s17 =	sor.u32 $0x8, s5;
	s5 =	sor.u32 $0xC, s5;
	s4 =	sor.u32 s4, s2  }
0x7: {  	s20 =	sshrl.u32 s6, $0x1;
	s9 =	sshll.u32 s25, $0x11;
	s8 =	sor.u32 s19, s4  }
0x8: {  	s11 =	ssub.s32 s6, s20;
	s2 =	sor.u32 s7, s4;
	s21 =	sshrl.u32 s8, $0x3  }
0x9: {  	s19 =	smul.u32 $0xC3800, s17;
	s11 =	smax.u32 s11, $0x1;
	s22 =	sadd.s32 s0, s21  }
0xa: {  	s23 =	sor.u32 $0x1000, s21;
	s8 =	sadd.s32 s1, s21;
	[dreg:$0x3] =	wrdreg s22  }
0xb: {  	s26 =	sor.u32 $0x2000, s21;
	[dreg:$0x4] =	wrdreg s8;
	s24 =	sadd.s32 s0, s23  }
0xc: {  	s6 =	sor.u32 $0x3000, s21;
	s7 =	sadd.s32 s1, s23;
	[dreg:$0x5] =	wrdreg s24  }
0xd: {  	s10 =	sadd.s32 s0, s26;
	s8 =	smul.u32 $0xC3800, s25;
	[dreg:$0x6] =	wrdreg s7  }
0xe: {  	s12 =	sadd.s32 s0, s6;
	s6 =	sadd.s32 s1, s6;
	[dreg:$0x7] =	wrdreg s10  }
0xf: {  	s7 =	sadd.s32 s1, s26;
	s10 =	sor.u32 s4, s9;
	[dreg:$0x9] =	wrdreg s12  }
0x10: {  	[dreg:$0xa] =	wrdreg s6;
	s12 =	sshll.u32 s5, $0x11;
	s5 =	smul.u32 $0xC3800, s5  }
0x11: {  	[dreg:$0x8] =	wrdreg s7;
	s7 =	sshrl.u32 s10, $0x3;
	s6 =	sor.u32 s4, s8  }
0x12: {  	s10 =	sor.u32 s4, s19;
	s12 =	sor.u32 s4, s12;
	s13 =	sadd.s32 s0, s7  }
0x13: {  	s14 =	sadd.s32 s1, s7;
	s15 =	sor.u32 $0x1000, s7;
	[dreg:$0xb] =	wrdreg s13  }
0x14: {  	s18 =	sor.u32 $0x2000, s7;
	[dreg:$0xc] =	wrdreg s14;
	s16 =	sadd.s32 s0, s15  }
0x15: {  	s21 =	sor.u32 $0x3000, s7;
	s8 =	sadd.s32 s1, s15;
	[dreg:$0xd] =	wrdreg s16  }
0x16: {  	s6 =	sshrl.u32 s6, $0x3;
	s20 =	sadd.s32 s0, s18;
	[dreg:$0xe] =	wrdreg s8  }
0x17: {  	s13 =	sor.u32 s4, s5;
	s22 =	sadd.s32 s1, s18;
	[dreg:$0xf] =	wrdreg s20  }
0x18: {  	s7 =	sadd.s32 s0, s21;
	s14 =	sshrl.u32 s12, $0x3;
	[dreg:$0x10] =	wrdreg s22  }
0x19: {  	s12 =	simm.s32 $0x80;
	s8 =	sshll.u32 s17, $0x11;
	[dreg:$0x11] =	wrdreg s7  }
0x1a: {  	s17 =	sor.u32 $0x1000, s14;
	s28 =	sadd.s32 s0, s14;
	s19 =	sor.u32 $0x2000, s14  }
0x1b: {  	s29 =	sadd.s32 s1, s14;
	s20 =	sshrl.u32 s2, $0x3;
	s2 =	simm.s32 $0x0  }
0x1c: {  	s22 =	sadd.s32 $0x1C7A00, s3;
	s8 =	sor.u32 s4, s8;
	s4 =	sadd.s32 s1, s21  }
0x1d: {  	s30 =	sadd.s32 s0, s19;
	s31 =	sadd.s32 s1, s19;
	s21 =	sadd.s32 $0x40A00, s3  }
0x1e: {  	[smem:$0x7FF] =	sst s2;
	s19 =	simm.s32 $0x3;
	s23 =	sshrl.u32 s8, $0x3  }
0x1f: {  	[dreg:$0x12] =	wrdreg s4;
	s3 =	sadd.s32 s21, s20;
	s24 =	sor.u32 $0x1000, s23  }
0x20: {  	s25 =	sor.u32 $0x2000, s23;
	s15 =	sadd.s32 s0, s23;
	s16 =	sadd.s32 s1, s23  }
0x21: {  	s5 =	sor.u32 $0x3000, s23;
	s23 =	sshrl.u32 s10, $0x3;
	[dreg:$0x17] =	wrdreg s15  }
0x22: {  	s26 =	sadd.s32 s0, s24;
	s4 =	sadd.s32 s1, s24;
	[dreg:$0x18] =	wrdreg s16  }
0x23: {  	s8 =	sadd.s32 s0, s25;
	s9 =	sadd.s32 s1, s25;
	[dreg:$0x13] =	wrdreg s26  }
0x24: {  	s18 =	sadd.s32 s0, s5;
	s5 =	sadd.s32 s1, s5;
	[dreg:$0x14] =	wrdreg s4  }
0x25: {  	s25 =	sadd.s32 s0, s17;
	s7 =	sadd.s32 s21, s23;
	[dreg:$0x15] =	wrdreg s8  }
0x26: {  	s24 =	sshrl.u32 s13, $0x3;
	s13 =	simm.s32 $0x400;
	[dreg:$0x16] =	wrdreg s9  }
0x27: {  	s15 =	simm.s32 $0x1A700;
	s16 =	simm.s32 $0x1;
	[dreg:$0x19] =	wrdreg s18  }
0x28: {  	[dreg:$0x1a] =	wrdreg s5;
	s26 =	sadd.s32 s1, s17;
	s4 =	sor.u32 $0x3000, s14  }
0x29: {  	s5 =	sadd.s32 s21, s6;
	s6 =	sadd.s32 s22, s6;
	s8 =	sadd.s32 s22, s23  }
0x2a: {  	s9 =	sadd.s32 s21, s24;
	s10 =	sadd.s32 s22, s24;
	s14 =	simm.s32 $0x18700  }
0x2b: {  	s17 =	simm.s32 $0x19700;
	s18 =	simm.s32 $0x1B700;
	s21 =	simm.s32 $0x2  }
0x2c: {  	s0 =	sadd.s32 s0, s4;
	s1 =	sadd.s32 s1, s4;
	s4 =	sadd.s32 s22, s20  }
0x2d: {  	_ =	strace $0x80000047;
	s20 =	simm.s32 $0x4;
	s22 =	simm.s32 $0x0  }
.LBB2_1:
0x2e: {  	[tilespmem:s2], [sflag:$0x1] =	stream.strided.gather [hbm4b:s3+s12], $0x18700, s13, s12, $0x38;
	[tilespmem:$0x1C700] =	vst v63  }
0x2f: {  	s23 =	rddreg [dreg:$0x3]  }
0x30: {  	[tilespmem:s14], [sflag:$0x3] =	stream.strided.gather [hbm4b:s23+s12], $0x1000, s13, s12, $0x38;
	[tilespmem:$0x1C700] =	vst v63  }
0x31: {  	s24 =	rddreg [dreg:$0x4]  }
0x32: {  	[tilespmem:s15], [sflag:$0x3] =	stream.strided.gather [hbm4b:s24+s12], $0x1000, s13, s12, $0x38;
	[tilespmem:$0x1C700] =	vst v63  }
0x33: {  	_ =	swait.ge [sflag:s16], $0x18700  }
0x34: {  	[sflag:s16] =	ssyncset.done $0x0  }
0x35: {  	s24 =	rddreg [dreg:$0x5];
	[sflag:s16] =	ssyncadd.s32 $0xFFFE7900  }
0x36: {  	[tilespmem:s17], [sflag:$0x4] =	stream.strided.gather [hbm4b:s24+s12], $0x1000, s13, s12, $0x38;
	[tilespmem:$0x1C700] =	vst v63  }
0x37: {  	s24 =	rddreg [dreg:$0x6]  }
0x38: {  	[tilespmem:s18], [sflag:$0x4] =	stream.strided.gather [hbm4b:s24+s12], $0x1000, s13, s12, $0x38;
	[tilespmem:$0x1C700] =	vst v63  }
0x39: {  	_ =	swait.ge [sflag:s19], $0x1000  }
0x3a: {  	[sflag:s19] =	ssyncset.done $0x0  }
0x3b: {  	[sflag:s19] =	ssyncadd.s32 $0xFFFFF000  }
0x3c: {  	_ =	swait.ge [sflag:s19], $0x1000  }
0x3d: {  	[sflag:s19] =	ssyncset.done $0x0  }
0x3e: {  	s24 =	simm.s32 $0x0;
	[sflag:s19] =	ssyncadd.s32 $0xFFFFF000  }
0x3f: {  	v16 =	vld [tilespmem:s24+$0x18770]  }
0x40: {  	v17 =	vld [tilespmem:s24+$0x18760]  }
0x41: {  	v18 =	vld [tilespmem:s24+$0x18750]  }
0x42: {  	v19 =	vld [tilespmem:s24+$0x18740]  }
0x43: {  	v20 =	vld [tilespmem:s24+$0x18730]  }
0x44: {  	v21 =	vld [tilespmem:s24+$0x18720];
	(xrf1) =	vunique.msk.u32 $0xffff, v16  }
0x45: {  	v22 =	vld [tilespmem:s24+$0x18710];
	(xrf1) =	vunique.msk.u32 $0xffff, v17  }
0x46: {  	v23 =	vld [tilespmem:s24+$0x18700];
	(xrf1) =	vunique.msk.u32 $0xffff, v18  }
0x47: {  	(xrf1) =	vunique.msk.u32 $0xffff, v19  }
0x48: {  	v0 =	vld [tilespmem:s24+$0x18780];
	(xrf1) =	vunique.msk.u32 $0xffff, v20  }
0x49: {  	v1 =	vld [tilespmem:s24+$0x18790];
	(xrf1) =	vunique.msk.u32 $0xffff, v21  }
0x4a: {  	v2 =	vld [tilespmem:s24+$0x187A0];
	(xrf1) =	vunique.msk.u32 $0xffff, v22  }
0x4b: {  	v3 =	vld [tilespmem:s24+$0x187B0];
	(xrf1) =	vunique.msk.u32 $0xffff, v23  }
0x4c: {  	v4 =	vld [tilespmem:s24+$0x187C0]  }
0x4d: {  	v5 =	vld [tilespmem:s24+$0x187D0]  }
0x4e: {  	v6 =	vld [tilespmem:s24+$0x187E0]  }
0x4f: {  	v7 =	vld [tilespmem:s24+$0x187F0]  }
0x50: {  	v8 =	vld [tilespmem:s24+$0x1A780]  }
0x51: {  	v24 =	vld [tilespmem:s24+$0x1A770];
	(xrf1) =	vunique.msk.u32 $0xffff, v0  }
0x52: {  	v25 =	vld [tilespmem:s24+$0x1A760];
	(xrf1) =	vunique.msk.u32 $0xffff, v1;
	_, v9, vm0 =	vpop (xrf1)  }
0x53: {  	v26 =	vld [tilespmem:s24+$0x1A750];
	(xrf1) =	vunique.msk.u32 $0xffff, v2;
	_, v9, vm4 =	vpop (xrf1)  }
0x54: {  	v27 =	vld [tilespmem:s24+$0x1A700];
	(xrf1) =	vunique.msk.u32 $0xffff, v3;
	_, v9, vm8 =	vpop (xrf1)  }
0x55: {  	v28 =	vld [tilespmem:s24+$0x1A710];
	(xrf1) =	vunique.msk.u32 $0xffff, v4;
	_, v9, vm7 =	vpop (xrf1)  }
0x56: {  	v29 =	vld [tilespmem:s24+$0x1A720];
	(xrf1) =	vunique.msk.u32 $0xffff, v5;
	_, v9, vm6 =	vpop (xrf1)  }
0x57: {  	v30 =	vld [tilespmem:s24+$0x1A730];
	(xrf1) =	vunique.msk.u32 $0xffff, v6;
	_, v9, vm5 =	vpop (xrf1)  }
0x58: {  	v31 =	vld [tilespmem:s24+$0x1A740];
	(xrf1) =	vunique.msk.u32 $0xffff, v7;
	_, v9, vm3 =	vpop (xrf1)  }
0x59: {  	v10 =	vld [tilespmem:s24+$0x1A790];
	_, v11, vm2 =	vpop (xrf1)  }
0x5a: {  	v13 =	vld [tilespmem:s24+$0x1A7A0]  }
0x5b: {  	v12 =	vld [tilespmem:s24+$0x1A7D0]  }
0x5c: {  	v14 =	vld [tilespmem:s24+$0x1A7E0]  }
0x5d: {  	v15 =	vld [tilespmem:s24+$0x1A7F0]  }
0x5e: {  	v9 =	vld [tilespmem:s24+$0x1A7B0]  }
0x5f: {  	v11 =	vld [tilespmem:s24+$0x1A7C0];
	_, v32, vm1 =	vpop (xrf1);
	[tilespmem:v23+s2+$0x0] =	vst.idx.msk vm2, v27  }
0x60: {  	_, v23, vm2 =	vpop (xrf1);
	[tilespmem:v22+s2+$0x0] =	vst.idx.msk vm3, v28  }
0x61: {  	_, v22, vm3 =	vpop (xrf1);
	[tilespmem:v21+s2+$0x0] =	vst.idx.msk vm5, v29  }
0x62: {  	_, v21, vm5 =	vpop (xrf1);
	[tilespmem:v20+s2+$0x0] =	vst.idx.msk vm6, v30  }
0x63: {  	_, v20, vm6 =	vpop (xrf1);
	[tilespmem:v19+s2+$0x0] =	vst.idx.msk vm7, v31  }
0x64: {  	_, v19, vm7 =	vpop (xrf1);
	[tilespmem:v18+s2+$0x0] =	vst.idx.msk vm8, v26  }
0x65: {  	_, v63, vm9 =	vpop (xrf1);
	[tilespmem:v17+s2+$0x0] =	vst.idx.msk vm4, v25  }
0x66: {  	s23 =	simm.s32 $0x400;
	_, v17, vm10 =	vpop (xrf1);
	[tilespmem:v16+s2+$0x0] =	vst.idx.msk vm0, v24  }
.LBB2_2:
0x67: {  	p0 =	sne.s32 s23, $0x3C00;
	[tilespmem:v0+s2+$0x0] =	vst.idx.msk vm1, v8;
	s24 =	smov.u32 s23;
	s23 =	sadd.s32 $0x400, s23  }
0x68: {  	[tilespmem:v1+s2+$0x0] =	vst.idx.msk vm2, v10  }
0x69: {  	[tilespmem:v2+s2+$0x0] =	vst.idx.msk vm3, v13  }
0x6a: {  	[tilespmem:v3+s2+$0x0] =	vst.idx.msk vm5, v9  }
0x6b: {  	[tilespmem:v4+s2+$0x0] =	vst.idx.msk vm6, v11  }
0x6c: {  	[tilespmem:v5+s2+$0x0] =	vst.idx.msk vm7, v12  }
0x6d: {  	[tilespmem:v6+s2+$0x0] =	vst.idx.msk vm9, v14  }
0x6e: {  	s24 =	sshra.s32 s24, $0x2;
	[tilespmem:v7+s2+$0x0] =	vst.idx.msk vm10, v15  }
0x6f: {  	v16 =	vld [tilespmem:s24+$0x18770]  }
0x70: {  	v17 =	vld [tilespmem:s24+$0x18760]  }
0x71: {  	v18 =	vld [tilespmem:s24+$0x18750]  }
0x72: {  	v19 =	vld [tilespmem:s24+$0x18740]  }
0x73: {  	v20 =	vld [tilespmem:s24+$0x18730]  }
0x74: {  	v21 =	vld [tilespmem:s24+$0x18720];
	(xrf1) =	vunique.msk.u32 $0xffff, v16  }
0x75: {  	v22 =	vld [tilespmem:s24+$0x18710];
	(xrf1) =	vunique.msk.u32 $0xffff, v17  }
0x76: {  	v23 =	vld [tilespmem:s24+$0x18700];
	(xrf1) =	vunique.msk.u32 $0xffff, v18  }
0x77: {  	v0 =	vld [tilespmem:s24+$0x18780];
	(xrf1) =	vunique.msk.u32 $0xffff, v19  }
0x78: {  	v1 =	vld [tilespmem:s24+$0x18790];
	(xrf1) =	vunique.msk.u32 $0xffff, v20  }
0x79: {  	v2 =	vld [tilespmem:s24+$0x187A0];
	(xrf1) =	vunique.msk.u32 $0xffff, v21  }
0x7a: {  	v3 =	vld [tilespmem:s24+$0x187B0];
	(xrf1) =	vunique.msk.u32 $0xffff, v22  }
0x7b: {  	v4 =	vld [tilespmem:s24+$0x187C0];
	(xrf1) =	vunique.msk.u32 $0xffff, v23  }
0x7c: {  	v5 =	vld [tilespmem:s24+$0x187D0];
	(xrf1) =	vunique.msk.u32 $0xffff, v0  }
0x7d: {  	v6 =	vld [tilespmem:s24+$0x187E0];
	(xrf1) =	vunique.msk.u32 $0xffff, v1  }
0x7e: {  	v7 =	vld [tilespmem:s24+$0x187F0];
	(xrf1) =	vunique.msk.u32 $0xffff, v2  }
0x7f: {  	v8 =	vld [tilespmem:s24+$0x1A780];
	(xrf1) =	vunique.msk.u32 $0xffff, v3  }
0x80: {  	v24 =	vld [tilespmem:s24+$0x1A770];
	(xrf1) =	vunique.msk.u32 $0xffff, v4  }
0x81: {  	v25 =	vld [tilespmem:s24+$0x1A760];
	(xrf1) =	vunique.msk.u32 $0xffff, v5  }
0x82: {  	v26 =	vld [tilespmem:s24+$0x1A750];
	_, v9, vm0 =	vpop (xrf1);
	(xrf1) =	vunique.msk.u32 $0xffff, v6  }
0x83: {  	v27 =	vld [tilespmem:s24+$0x1A700];
	_, v9, vm4 =	vpop (xrf1);
	(xrf1) =	vunique.msk.u32 $0xffff, v7  }
0x84: {  	v28 =	vld [tilespmem:s24+$0x1A710];
	_, v9, vm8 =	vpop (xrf1)  }
0x85: {  	v29 =	vld [tilespmem:s24+$0x1A720];
	_, v9, vm11 =	vpop (xrf1)  }
0x86: {  	v30 =	vld [tilespmem:s24+$0x1A730];
	_, v9, vm12 =	vpop (xrf1)  }
0x87: {  	v31 =	vld [tilespmem:s24+$0x1A740];
	_, v9, vm10 =	vpop (xrf1)  }
0x88: {  	v10 =	vld [tilespmem:s24+$0x1A790];
	_, v9, vm9 =	vpop (xrf1)  }
0x89: {  	v9 =	vld [tilespmem:s24+$0x1A7B0];
	_, v11, vm7 =	vpop (xrf1)  }
0x8a: {  	v13 =	vld [tilespmem:s24+$0x1A7A0];
	_, v11, vm1 =	vpop (xrf1)  }
0x8b: {  	v11 =	vld [tilespmem:s24+$0x1A7C0];
	_, v12, vm2 =	vpop (xrf1)  }
0x8c: {  	v12 =	vld [tilespmem:s24+$0x1A7D0];
	_, v14, vm3 =	vpop (xrf1)  }
0x8d: {  	v14 =	vld [tilespmem:s24+$0x1A7E0];
	_, v15, vm5 =	vpop (xrf1)  }
0x8e: {  	v15 =	vld [tilespmem:s24+$0x1A7F0];
	_, v32, vm6 =	vpop (xrf1)  }
0x8f: {  	[tilespmem:v23+s2+$0x0] =	vst.idx.msk vm7, v27;
	_, v23, vm7 =	vpop (xrf1)  }
0x90: {  	[tilespmem:v22+s2+$0x0] =	vst.idx.msk vm9, v28;
	_, v22, vm9 =	vpop (xrf1)  }
0x91: {  	[tilespmem:v21+s2+$0x0] =	vst.idx.msk vm10, v29;
	_, v21, vm10 =	vpop (xrf1)  }
.Ltmp0:
0x92: {  	[tilespmem:v20+s2+$0x0] =	vst.idx.msk vm12, v30;
	(pc) =	sbr.rel @p0 .LBB2_2-.Ltmp0, $4  }
0x93: {  	[tilespmem:v19+s2+$0x0] =	vst.idx.msk vm11, v31  }
0x94: {  	[tilespmem:v18+s2+$0x0] =	vst.idx.msk vm8, v26  }
0x95: {  	[tilespmem:v17+s2+$0x0] =	vst.idx.msk vm4, v25  }
0x96: {  	[tilespmem:v16+s2+$0x0] =	vst.idx.msk vm0, v24  }
0x97: {  	_ =	sdelay $0x4  }
0x98: {  	[tilespmem:v0+s2+$0x0] =	vst.idx.msk vm1, v8  }
0x99: {  	[tilespmem:v1+s2+$0x0] =	vst.idx.msk vm2, v10  }
0x9a: {  	[tilespmem:v2+s2+$0x0] =	vst.idx.msk vm3, v13  }
0x9b: {  	[tilespmem:v3+s2+$0x0] =	vst.idx.msk vm5, v9  }
0x9c: {  	[tilespmem:v4+s2+$0x0] =	vst.idx.msk vm6, v11  }
0x9d: {  	[tilespmem:v5+s2+$0x0] =	vst.idx.msk vm7, v12  }
0x9e: {  	[tilespmem:v6+s2+$0x0] =	vst.idx.msk vm9, v14  }
0x9f: {  	s23 =	rddreg [dreg:$0x7];
	[tilespmem:v7+s2+$0x0] =	vst.idx.msk vm10, v15  }
0xa0: {  	[tilespmem:s14], [sflag:$0x3] =	stream.strided.gather [hbm4b:s23+s12], $0x1000, s13, s12, $0x38;
	[tilespmem:$0x1C700] =	vst v63  }
0xa1: {  	s24 =	rddreg [dreg:$0x8]  }
0xa2: {  	[tilespmem:s15], [sflag:$0x3] =	stream.strided.gather [hbm4b:s24+s12], $0x1000, s13, s12, $0x38;
	[tilespmem:$0x1C700] =	vst v63  }
0xa3: {  	_ =	swait.ge [sflag:s20], $0x1000  }
0xa4: {  	[sflag:s20] =	ssyncset.done $0x0  }
0xa5: {  	[sflag:s20] =	ssyncadd.s32 $0xFFFFF000  }
0xa6: {  	_ =	swait.ge [sflag:s20], $0x1000  }
0xa7: {  	[sflag:s20] =	ssyncset.done $0x0  }
0xa8: {  	s24 =	simm.s32 $0x0;
	[sflag:s20] =	ssyncadd.s32 $0xFFFFF000  }
0xa9: {  	v16 =	vld [tilespmem:s24+$0x19770]  }
0xaa: {  	v17 =	vld [tilespmem:s24+$0x19760]  }
0xab: {  	v18 =	vld [tilespmem:s24+$0x19750]  }
0xac: {  	v19 =	vld [tilespmem:s24+$0x19740]  }
0xad: {  	v20 =	vld [tilespmem:s24+$0x19730]  }
0xae: {  	v21 =	vld [tilespmem:s24+$0x19720];
	(xrf1) =	vunique.msk.u32 $0xffff, v16  }
0xaf: {  	v22 =	vld [tilespmem:s24+$0x19710];
	(xrf1) =	vunique.msk.u32 $0xffff, v17  }
0xb0: {  	v23 =	vld [tilespmem:s24+$0x19700];
	(xrf1) =	vunique.msk.u32 $0xffff, v18  }
0xb1: {  	(xrf1) =	vunique.msk.u32 $0xffff, v19  }
0xb2: {  	v0 =	vld [tilespmem:s24+$0x19780];
	(xrf1) =	vunique.msk.u32 $0xffff, v20  }
0xb3: {  	v1 =	vld [tilespmem:s24+$0x19790];
	(xrf1) =	vunique.msk.u32 $0xffff, v21  }
0xb4: {  	v2 =	vld [tilespmem:s24+$0x197A0];
	(xrf1) =	vunique.msk.u32 $0xffff, v22  }
0xb5: {  	v3 =	vld [tilespmem:s24+$0x197B0];
	(xrf1) =	vunique.msk.u32 $0xffff, v23  }
0xb6: {  	v4 =	vld [tilespmem:s24+$0x197C0]  }
0xb7: {  	v5 =	vld [tilespmem:s24+$0x197D0]  }
0xb8: {  	v6 =	vld [tilespmem:s24+$0x197E0]  }
0xb9: {  	v7 =	vld [tilespmem:s24+$0x197F0]  }
0xba: {  	v8 =	vld [tilespmem:s24+$0x1B780]  }
0xbb: {  	v24 =	vld [tilespmem:s24+$0x1B770];
	(xrf1) =	vunique.msk.u32 $0xffff, v0  }
0xbc: {  	v25 =	vld [tilespmem:s24+$0x1B760];
	(xrf1) =	vunique.msk.u32 $0xffff, v1;
	_, v9, vm0 =	vpop (xrf1)  }
0xbd: {  	v26 =	vld [tilespmem:s24+$0x1B750];
	(xrf1) =	vunique.msk.u32 $0xffff, v2;
	_, v9, vm4 =	vpop (xrf1)  }
0xbe: {  	v27 =	vld [tilespmem:s24+$0x1B700];
	(xrf1) =	vunique.msk.u32 $0xffff, v3;
	_, v9, vm8 =	vpop (xrf1)  }
0xbf: {  	v28 =	vld [tilespmem:s24+$0x1B710];
	(xrf1) =	vunique.msk.u32 $0xffff, v4;
	_, v9, vm7 =	vpop (xrf1)  }
0xc0: {  	v29 =	vld [tilespmem:s24+$0x1B720];
	(xrf1) =	vunique.msk.u32 $0xffff, v5;
	_, v9, vm6 =	vpop (xrf1)  }
0xc1: {  	v30 =	vld [tilespmem:s24+$0x1B730];
	(xrf1) =	vunique.msk.u32 $0xffff, v6;
	_, v9, vm5 =	vpop (xrf1)  }
0xc2: {  	v31 =	vld [tilespmem:s24+$0x1B740];
	(xrf1) =	vunique.msk.u32 $0xffff, v7;
	_, v9, vm3 =	vpop (xrf1)  }
0xc3: {  	v10 =	vld [tilespmem:s24+$0x1B790];
	_, v11, vm2 =	vpop (xrf1)  }
0xc4: {  	v13 =	vld [tilespmem:s24+$0x1B7A0]  }
0xc5: {  	v12 =	vld [tilespmem:s24+$0x1B7D0]  }
0xc6: {  	v14 =	vld [tilespmem:s24+$0x1B7E0]  }
0xc7: {  	v15 =	vld [tilespmem:s24+$0x1B7F0]  }
0xc8: {  	v9 =	vld [tilespmem:s24+$0x1B7B0]  }
0xc9: {  	v11 =	vld [tilespmem:s24+$0x1B7C0];
	_, v32, vm1 =	vpop (xrf1);
	[tilespmem:v23+s2+$0x0] =	vst.idx.msk vm2, v27  }
0xca: {  	_, v23, vm2 =	vpop (xrf1);
	[tilespmem:v22+s2+$0x0] =	vst.idx.msk vm3, v28  }
0xcb: {  	_, v22, vm3 =	vpop (xrf1);
	[tilespmem:v21+s2+$0x0] =	vst.idx.msk vm5, v29  }
0xcc: {  	_, v21, vm5 =	vpop (xrf1);
	[tilespmem:v20+s2+$0x0] =	vst.idx.msk vm6, v30  }
0xcd: {  	_, v20, vm6 =	vpop (xrf1);
	[tilespmem:v19+s2+$0x0] =	vst.idx.msk vm7, v31  }
0xce: {  	_, v19, vm7 =	vpop (xrf1);
	[tilespmem:v18+s2+$0x0] =	vst.idx.msk vm8, v26  }
0xcf: {  	_, v63, vm9 =	vpop (xrf1);
	[tilespmem:v17+s2+$0x0] =	vst.idx.msk vm4, v25  }
0xd0: {  	s23 =	simm.s32 $0x400;
	_, v17, vm10 =	vpop (xrf1);
	[tilespmem:v16+s2+$0x0] =	vst.idx.msk vm0, v24  }
.LBB2_4:
0xd1: {  	p0 =	sne.s32 s23, $0x3C00;
	[tilespmem:v0+s2+$0x0] =	vst.idx.msk vm1, v8;
	s24 =	smov.u32 s23;
	s23 =	sadd.s32 $0x400, s23  }
0xd2: {  	[tilespmem:v1+s2+$0x0] =	vst.idx.msk vm2, v10  }
0xd3: {  	[tilespmem:v2+s2+$0x0] =	vst.idx.msk vm3, v13  }
0xd4: {  	[tilespmem:v3+s2+$0x0] =	vst.idx.msk vm5, v9  }
0xd5: {  	[tilespmem:v4+s2+$0x0] =	vst.idx.msk vm6, v11  }
0xd6: {  	[tilespmem:v5+s2+$0x0] =	vst.idx.msk vm7, v12  }
0xd7: {  	[tilespmem:v6+s2+$0x0] =	vst.idx.msk vm9, v14  }
0xd8: {  	s24 =	sshra.s32 s24, $0x2;
	[tilespmem:v7+s2+$0x0] =	vst.idx.msk vm10, v15  }
0xd9: {  	v16 =	vld [tilespmem:s24+$0x19770]  }
0xda: {  	v17 =	vld [tilespmem:s24+$0x19760]  }
0xdb: {  	v18 =	vld [tilespmem:s24+$0x19750]  }
0xdc: {  	v19 =	vld [tilespmem:s24+$0x19740]  }
0xdd: {  	v20 =	vld [tilespmem:s24+$0x19730]  }
0xde: {  	v21 =	vld [tilespmem:s24+$0x19720];
	(xrf1) =	vunique.msk.u32 $0xffff, v16  }
0xdf: {  	v22 =	vld [tilespmem:s24+$0x19710];
	(xrf1) =	vunique.msk.u32 $0xffff, v17  }
0xe0: {  	v23 =	vld [tilespmem:s24+$0x19700];
	(xrf1) =	vunique.msk.u32 $0xffff, v18  }
0xe1: {  	v0 =	vld [tilespmem:s24+$0x19780];
	(xrf1) =	vunique.msk.u32 $0xffff, v19  }
0xe2: {  	v1 =	vld [tilespmem:s24+$0x19790];
	(xrf1) =	vunique.msk.u32 $0xffff, v20  }
0xe3: {  	v2 =	vld [tilespmem:s24+$0x197A0];
	(xrf1) =	vunique.msk.u32 $0xffff, v21  }
0xe4: {  	v3 =	vld [tilespmem:s24+$0x197B0];
	(xrf1) =	vunique.msk.u32 $0xffff, v22  }
0xe5: {  	v4 =	vld [tilespmem:s24+$0x197C0];
	(xrf1) =	vunique.msk.u32 $0xffff, v23  }
0xe6: {  	v5 =	vld [tilespmem:s24+$0x197D0];
	(xrf1) =	vunique.msk.u32 $0xffff, v0  }
0xe7: {  	v6 =	vld [tilespmem:s24+$0x197E0];
	(xrf1) =	vunique.msk.u32 $0xffff, v1  }
0xe8: {  	v7 =	vld [tilespmem:s24+$0x197F0];
	(xrf1) =	vunique.msk.u32 $0xffff, v2  }
0xe9: {  	v8 =	vld [tilespmem:s24+$0x1B780];
	(xrf1) =	vunique.msk.u32 $0xffff, v3  }
0xea: {  	v24 =	vld [tilespmem:s24+$0x1B770];
	(xrf1) =	vunique.msk.u32 $0xffff, v4  }
0xeb: {  	v25 =	vld [tilespmem:s24+$0x1B760];
	(xrf1) =	vunique.msk.u32 $0xffff, v5  }
0xec: {  	v26 =	vld [tilespmem:s24+$0x1B750];
	_, v9, vm0 =	vpop (xrf1);
	(xrf1) =	vunique.msk.u32 $0xffff, v6  }
0xed: {  	v27 =	vld [tilespmem:s24+$0x1B700];
	_, v9, vm4 =	vpop (xrf1);
	(xrf1) =	vunique.msk.u32 $0xffff, v7  }
0xee: {  	v28 =	vld [tilespmem:s24+$0x1B710];
	_, v9, vm8 =	vpop (xrf1)  }
0xef: {  	v29 =	vld [tilespmem:s24+$0x1B720];
	_, v9, vm11 =	vpop (xrf1)  }
0xf0: {  	v30 =	vld [tilespmem:s24+$0x1B730];
	_, v9, vm12 =	vpop (xrf1)  }
0xf1: {  	v31 =	vld [tilespmem:s24+$0x1B740];
	_, v9, vm10 =	vpop (xrf1)  }
0xf2: {  	v10 =	vld [tilespmem:s24+$0x1B790];
	_, v9, vm9 =	vpop (xrf1)  }
0xf3: {  	v9 =	vld [tilespmem:s24+$0x1B7B0];
	_, v11, vm7 =	vpop (xrf1)  }
0xf4: {  	v13 =	vld [tilespmem:s24+$0x1B7A0];
	_, v11, vm1 =	vpop (xrf1)  }
0xf5: {  	v11 =	vld [tilespmem:s24+$0x1B7C0];
	_, v12, vm2 =	vpop (xrf1)  }
0xf6: {  	v12 =	vld [tilespmem:s24+$0x1B7D0];
	_, v14, vm3 =	vpop (xrf1)  }
0xf7: {  	v14 =	vld [tilespmem:s24+$0x1B7E0];
	_, v15, vm5 =	vpop (xrf1)  }
0xf8: {  	v15 =	vld [tilespmem:s24+$0x1B7F0];
	_, v32, vm6 =	vpop (xrf1)  }
0xf9: {  	[tilespmem:v23+s2+$0x0] =	vst.idx.msk vm7, v27;
	_, v23, vm7 =	vpop (xrf1)  }
0xfa: {  	[tilespmem:v22+s2+$0x0] =	vst.idx.msk vm9, v28;
	_, v22, vm9 =	vpop (xrf1)  }
0xfb: {  	[tilespmem:v21+s2+$0x0] =	vst.idx.msk vm10, v29;
	_, v21, vm10 =	vpop (xrf1)  }
.Ltmp1:
0xfc: {  	[tilespmem:v20+s2+$0x0] =	vst.idx.msk vm12, v30;
	(pc) =	sbr.rel @p0 .LBB2_4-.Ltmp1, $4  }
0xfd: {  	[tilespmem:v19+s2+$0x0] =	vst.idx.msk vm11, v31  }
0xfe: {  	[tilespmem:v18+s2+$0x0] =	vst.idx.msk vm8, v26  }
0xff: {  	[tilespmem:v17+s2+$0x0] =	vst.idx.msk vm4, v25  }
0x100: {  	[tilespmem:v16+s2+$0x0] =	vst.idx.msk vm0, v24  }
0x101: {  	_ =	sdelay $0x4  }
0x102: {  	[tilespmem:v0+s2+$0x0] =	vst.idx.msk vm1, v8  }
0x103: {  	[tilespmem:v1+s2+$0x0] =	vst.idx.msk vm2, v10  }
0x104: {  	[tilespmem:v2+s2+$0x0] =	vst.idx.msk vm3, v13  }
0x105: {  	[tilespmem:v3+s2+$0x0] =	vst.idx.msk vm5, v9  }
0x106: {  	[tilespmem:v4+s2+$0x0] =	vst.idx.msk vm6, v11  }
0x107: {  	[tilespmem:v5+s2+$0x0] =	vst.idx.msk vm7, v12  }
0x108: {  	[tilespmem:v6+s2+$0x0] =	vst.idx.msk vm9, v14  }
0x109: {  	s23 =	rddreg [dreg:$0x9];
	[tilespmem:v7+s2+$0x0] =	vst.idx.msk vm10, v15  }
0x10a: {  	[tilespmem:s17], [sflag:$0x4] =	stream.strided.gather [hbm4b:s23+s12], $0x1000, s13, s12, $0x38;
	[tilespmem:$0x1C700] =	vst v63  }
0x10b: {  	s24 =	rddreg [dreg:$0xa]  }
0x10c: {  	[tilespmem:s18], [sflag:$0x4] =	stream.strided.gather [hbm4b:s24+s12], $0x1000, s13, s12, $0x38;
	[tilespmem:$0x1C700] =	vst v63  }
0x10d: {  	_ =	swait.ge [sflag:s19], $0x1000  }
0x10e: {  	[sflag:s19] =	ssyncset.done $0x0  }
0x10f: {  	[sflag:s19] =	ssyncadd.s32 $0xFFFFF000  }
0x110: {  	_ =	swait.ge [sflag:s19], $0x1000  }
0x111: {  	[sflag:s19] =	ssyncset.done $0x0  }
0x112: {  	s24 =	simm.s32 $0x0;
	[sflag:s19] =	ssyncadd.s32 $0xFFFFF000  }
0x113: {  	v16 =	vld [tilespmem:s24+$0x18770]  }
0x114: {  	v17 =	vld [tilespmem:s24+$0x18760]  }
0x115: {  	v18 =	vld [tilespmem:s24+$0x18750]  }
0x116: {  	v19 =	vld [tilespmem:s24+$0x18740]  }
0x117: {  	v20 =	vld [tilespmem:s24+$0x18730]  }
0x118: {  	v21 =	vld [tilespmem:s24+$0x18720];
	(xrf1) =	vunique.msk.u32 $0xffff, v16  }
0x119: {  	v22 =	vld [tilespmem:s24+$0x18710];
	(xrf1) =	vunique.msk.u32 $0xffff, v17  }
0x11a: {  	v23 =	vld [tilespmem:s24+$0x18700];
	(xrf1) =	vunique.msk.u32 $0xffff, v18  }
0x11b: {  	(xrf1) =	vunique.msk.u32 $0xffff, v19  }
0x11c: {  	v0 =	vld [tilespmem:s24+$0x18780];
	(xrf1) =	vunique.msk.u32 $0xffff, v20  }
0x11d: {  	v1 =	vld [tilespmem:s24+$0x18790];
	(xrf1) =	vunique.msk.u32 $0xffff, v21  }
0x11e: {  	v2 =	vld [tilespmem:s24+$0x187A0];
	(xrf1) =	vunique.msk.u32 $0xffff, v22  }
0x11f: {  	v3 =	vld [tilespmem:s24+$0x187B0];
	(xrf1) =	vunique.msk.u32 $0xffff, v23  }
0x120: {  	v4 =	vld [tilespmem:s24+$0x187C0]  }
0x121: {  	v5 =	vld [tilespmem:s24+$0x187D0]  }
0x122: {  	v6 =	vld [tilespmem:s24+$0x187E0]  }
0x123: {  	v7 =	vld [tilespmem:s24+$0x187F0]  }
0x124: {  	v8 =	vld [tilespmem:s24+$0x1A780]  }
0x125: {  	v24 =	vld [tilespmem:s24+$0x1A770];
	(xrf1) =	vunique.msk.u32 $0xffff, v0  }
0x126: {  	v25 =	vld [tilespmem:s24+$0x1A760];
	(xrf1) =	vunique.msk.u32 $0xffff, v1;
	_, v9, vm0 =	vpop (xrf1)  }
0x127: {  	v26 =	vld [tilespmem:s24+$0x1A750];
	(xrf1) =	vunique.msk.u32 $0xffff, v2;
	_, v9, vm4 =	vpop (xrf1)  }
0x128: {  	v27 =	vld [tilespmem:s24+$0x1A700];
	(xrf1) =	vunique.msk.u32 $0xffff, v3;
	_, v9, vm8 =	vpop (xrf1)  }
0x129: {  	v28 =	vld [tilespmem:s24+$0x1A710];
	(xrf1) =	vunique.msk.u32 $0xffff, v4;
	_, v9, vm7 =	vpop (xrf1)  }
0x12a: {  	v29 =	vld [tilespmem:s24+$0x1A720];
	(xrf1) =	vunique.msk.u32 $0xffff, v5;
	_, v9, vm6 =	vpop (xrf1)  }
0x12b: {  	v30 =	vld [tilespmem:s24+$0x1A730];
	(xrf1) =	vunique.msk.u32 $0xffff, v6;
	_, v9, vm5 =	vpop (xrf1)  }
0x12c: {  	v31 =	vld [tilespmem:s24+$0x1A740];
	(xrf1) =	vunique.msk.u32 $0xffff, v7;
	_, v9, vm3 =	vpop (xrf1)  }
0x12d: {  	v10 =	vld [tilespmem:s24+$0x1A790];
	_, v11, vm2 =	vpop (xrf1)  }
0x12e: {  	v13 =	vld [tilespmem:s24+$0x1A7A0]  }
0x12f: {  	v12 =	vld [tilespmem:s24+$0x1A7D0]  }
0x130: {  	v14 =	vld [tilespmem:s24+$0x1A7E0]  }
0x131: {  	v15 =	vld [tilespmem:s24+$0x1A7F0]  }
0x132: {  	v9 =	vld [tilespmem:s24+$0x1A7B0]  }
0x133: {  	v11 =	vld [tilespmem:s24+$0x1A7C0];
	_, v32, vm1 =	vpop (xrf1);
	[tilespmem:v23+s2+$0x0] =	vst.idx.msk vm2, v27  }
0x134: {  	_, v23, vm2 =	vpop (xrf1);
	[tilespmem:v22+s2+$0x0] =	vst.idx.msk vm3, v28  }
0x135: {  	_, v22, vm3 =	vpop (xrf1);
	[tilespmem:v21+s2+$0x0] =	vst.idx.msk vm5, v29  }
0x136: {  	_, v21, vm5 =	vpop (xrf1);
	[tilespmem:v20+s2+$0x0] =	vst.idx.msk vm6, v30  }
0x137: {  	_, v20, vm6 =	vpop (xrf1);
	[tilespmem:v19+s2+$0x0] =	vst.idx.msk vm7, v31  }
0x138: {  	_, v19, vm7 =	vpop (xrf1);
	[tilespmem:v18+s2+$0x0] =	vst.idx.msk vm8, v26  }
0x139: {  	_, v63, vm9 =	vpop (xrf1);
	[tilespmem:v17+s2+$0x0] =	vst.idx.msk vm4, v25  }
0x13a: {  	s23 =	simm.s32 $0x400;
	_, v17, vm10 =	vpop (xrf1);
	[tilespmem:v16+s2+$0x0] =	vst.idx.msk vm0, v24  }
.LBB2_6:
0x13b: {  	p0 =	sne.s32 s23, $0x3C00;
	[tilespmem:v0+s2+$0x0] =	vst.idx.msk vm1, v8;
	s24 =	smov.u32 s23;
	s23 =	sadd.s32 $0x400, s23  }
0x13c: {  	[tilespmem:v1+s2+$0x0] =	vst.idx.msk vm2, v10  }
0x13d: {  	[tilespmem:v2+s2+$0x0] =	vst.idx.msk vm3, v13  }
0x13e: {  	[tilespmem:v3+s2+$0x0] =	vst.idx.msk vm5, v9  }
0x13f: {  	[tilespmem:v4+s2+$0x0] =	vst.idx.msk vm6, v11  }
0x140: {  	[tilespmem:v5+s2+$0x0] =	vst.idx.msk vm7, v12  }
0x141: {  	[tilespmem:v6+s2+$0x0] =	vst.idx.msk vm9, v14  }
0x142: {  	s24 =	sshra.s32 s24, $0x2;
	[tilespmem:v7+s2+$0x0] =	vst.idx.msk vm10, v15  }
0x143: {  	v16 =	vld [tilespmem:s24+$0x18770]  }
0x144: {  	v17 =	vld [tilespmem:s24+$0x18760]  }
0x145: {  	v18 =	vld [tilespmem:s24+$0x18750]  }
0x146: {  	v19 =	vld [tilespmem:s24+$0x18740]  }
0x147: {  	v20 =	vld [tilespmem:s24+$0x18730]  }
0x148: {  	v21 =	vld [tilespmem:s24+$0x18720];
	(xrf1) =	vunique.msk.u32 $0xffff, v16  }
0x149: {  	v22 =	vld [tilespmem:s24+$0x18710];
	(xrf1) =	vunique.msk.u32 $0xffff, v17  }
0x14a: {  	v23 =	vld [tilespmem:s24+$0x18700];
	(xrf1) =	vunique.msk.u32 $0xffff, v18  }
0x14b: {  	v0 =	vld [tilespmem:s24+$0x18780];
	(xrf1) =	vunique.msk.u32 $0xffff, v19  }
0x14c: {  	v1 =	vld [tilespmem:s24+$0x18790];
	(xrf1) =	vunique.msk.u32 $0xffff, v20  }
0x14d: {  	v2 =	vld [tilespmem:s24+$0x187A0];
	(xrf1) =	vunique.msk.u32 $0xffff, v21  }
0x14e: {  	v3 =	vld [tilespmem:s24+$0x187B0];
	(xrf1) =	vunique.msk.u32 $0xffff, v22  }
0x14f: {  	v4 =	vld [tilespmem:s24+$0x187C0];
	(xrf1) =	vunique.msk.u32 $0xffff, v23  }
0x150: {  	v5 =	vld [tilespmem:s24+$0x187D0];
	(xrf1) =	vunique.msk.u32 $0xffff, v0  }
0x151: {  	v6 =	vld [tilespmem:s24+$0x187E0];
	(xrf1) =	vunique.msk.u32 $0xffff, v1  }
0x152: {  	v7 =	vld [tilespmem:s24+$0x187F0];
	(xrf1) =	vunique.msk.u32 $0xffff, v2  }
0x153: {  	v8 =	vld [tilespmem:s24+$0x1A780];
	(xrf1) =	vunique.msk.u32 $0xffff, v3  }
0x154: {  	v24 =	vld [tilespmem:s24+$0x1A770];
	(xrf1) =	vunique.msk.u32 $0xffff, v4  }
0x155: {  	v25 =	vld [tilespmem:s24+$0x1A760];
	(xrf1) =	vunique.msk.u32 $0xffff, v5  }
0x156: {  	v26 =	vld [tilespmem:s24+$0x1A750];
	_, v9, vm0 =	vpop (xrf1);
	(xrf1) =	vunique.msk.u32 $0xffff, v6  }
0x157: {  	v27 =	vld [tilespmem:s24+$0x1A700];
	_, v9, vm4 =	vpop (xrf1);
	(xrf1) =	vunique.msk.u32 $0xffff, v7  }
0x158: {  	v28 =	vld [tilespmem:s24+$0x1A710];
	_, v9, vm8 =	vpop (xrf1)  }
0x159: {  	v29 =	vld [tilespmem:s24+$0x1A720];
	_, v9, vm11 =	vpop (xrf1)  }
0x15a: {  	v30 =	vld [tilespmem:s24+$0x1A730];
	_, v9, vm12 =	vpop (xrf1)  }
0x15b: {  	v31 =	vld [tilespmem:s24+$0x1A740];
	_, v9, vm10 =	vpop (xrf1)  }
0x15c: {  	v10 =	vld [tilespmem:s24+$0x1A790];
	_, v9, vm9 =	vpop (xrf1)  }
0x15d: {  	v9 =	vld [tilespmem:s24+$0x1A7B0];
	_, v11, vm7 =	vpop (xrf1)  }
0x15e: {  	v13 =	vld [tilespmem:s24+$0x1A7A0];
	_, v11, vm1 =	vpop (xrf1)  }
0x15f: {  	v11 =	vld [tilespmem:s24+$0x1A7C0];
	_, v12, vm2 =	vpop (xrf1)  }
0x160: {  	v12 =	vld [tilespmem:s24+$0x1A7D0];
	_, v14, vm3 =	vpop (xrf1)  }
0x161: {  	v14 =	vld [tilespmem:s24+$0x1A7E0];
	_, v15, vm5 =	vpop (xrf1)  }
0x162: {  	v15 =	vld [tilespmem:s24+$0x1A7F0];
	_, v32, vm6 =	vpop (xrf1)  }
0x163: {  	[tilespmem:v23+s2+$0x0] =	vst.idx.msk vm7, v27;
	_, v23, vm7 =	vpop (xrf1)  }
0x164: {  	[tilespmem:v22+s2+$0x0] =	vst.idx.msk vm9, v28;
	_, v22, vm9 =	vpop (xrf1)  }
0x165: {  	[tilespmem:v21+s2+$0x0] =	vst.idx.msk vm10, v29;
	_, v21, vm10 =	vpop (xrf1)  }
.Ltmp2:
0x166: {  	[tilespmem:v20+s2+$0x0] =	vst.idx.msk vm12, v30;
	(pc) =	sbr.rel @p0 .LBB2_6-.Ltmp2, $4  }
0x167: {  	[tilespmem:v19+s2+$0x0] =	vst.idx.msk vm11, v31  }
0x168: {  	[tilespmem:v18+s2+$0x0] =	vst.idx.msk vm8, v26  }
0x169: {  	[tilespmem:v17+s2+$0x0] =	vst.idx.msk vm4, v25  }
0x16a: {  	[tilespmem:v16+s2+$0x0] =	vst.idx.msk vm0, v24  }
0x16b: {  	_ =	sdelay $0x4  }
0x16c: {  	[tilespmem:v0+s2+$0x0] =	vst.idx.msk vm1, v8  }
0x16d: {  	[tilespmem:v1+s2+$0x0] =	vst.idx.msk vm2, v10  }
0x16e: {  	[tilespmem:v2+s2+$0x0] =	vst.idx.msk vm3, v13  }
0x16f: {  	[tilespmem:v3+s2+$0x0] =	vst.idx.msk vm5, v9  }
0x170: {  	[tilespmem:v4+s2+$0x0] =	vst.idx.msk vm6, v11  }
0x171: {  	[tilespmem:v5+s2+$0x0] =	vst.idx.msk vm7, v12  }
0x172: {  	[tilespmem:v6+s2+$0x0] =	vst.idx.msk vm9, v14  }
0x173: {  	s23 =	rddreg [dreg:$0xb];
	[tilespmem:v7+s2+$0x0] =	vst.idx.msk vm10, v15  }
0x174: {  	[tilespmem:s14], [sflag:$0x3] =	stream.strided.gather [hbm4b:s23+s12], $0x1000, s13, s12, $0x38;
	[tilespmem:$0x1C700] =	vst v63  }
0x175: {  	s24 =	rddreg [dreg:$0xc]  }
0x176: {  	[tilespmem:s15], [sflag:$0x3] =	stream.strided.gather [hbm4b:s24+s12], $0x1000, s13, s12, $0x38;
	[tilespmem:$0x1C700] =	vst v63  }
0x177: {  	_ =	swait.ge [sflag:s20], $0x1000  }
0x178: {  	[sflag:s20] =	ssyncset.done $0x0  }
0x179: {  	[sflag:s20] =	ssyncadd.s32 $0xFFFFF000  }
0x17a: {  	_ =	swait.ge [sflag:s20], $0x1000  }
0x17b: {  	[sflag:s20] =	ssyncset.done $0x0  }
0x17c: {  	s24 =	simm.s32 $0x0;
	[sflag:s20] =	ssyncadd.s32 $0xFFFFF000  }
0x17d: {  	v16 =	vld [tilespmem:s24+$0x19770]  }
0x17e: {  	v17 =	vld [tilespmem:s24+$0x19760]  }
0x17f: {  	v18 =	vld [tilespmem:s24+$0x19750]  }
0x180: {  	v19 =	vld [tilespmem:s24+$0x19740]  }
0x181: {  	v20 =	vld [tilespmem:s24+$0x19730]  }
0x182: {  	v21 =	vld [tilespmem:s24+$0x19720];
	(xrf1) =	vunique.msk.u32 $0xffff, v16  }
0x183: {  	v22 =	vld [tilespmem:s24+$0x19710];
	(xrf1) =	vunique.msk.u32 $0xffff, v17  }
0x184: {  	v23 =	vld [tilespmem:s24+$0x19700];
	(xrf1) =	vunique.msk.u32 $0xffff, v18  }
0x185: {  	(xrf1) =	vunique.msk.u32 $0xffff, v19  }
0x186: {  	v0 =	vld [tilespmem:s24+$0x19780];
	(xrf1) =	vunique.msk.u32 $0xffff, v20  }
0x187: {  	v1 =	vld [tilespmem:s24+$0x19790];
	(xrf1) =	vunique.msk.u32 $0xffff, v21  }
0x188: {  	v2 =	vld [tilespmem:s24+$0x197A0];
	(xrf1) =	vunique.msk.u32 $0xffff, v22  }
0x189: {  	v3 =	vld [tilespmem:s24+$0x197B0];
	(xrf1) =	vunique.msk.u32 $0xffff, v23  }
0x18a: {  	v4 =	vld [tilespmem:s24+$0x197C0]  }
0x18b: {  	v5 =	vld [tilespmem:s24+$0x197D0]  }
0x18c: {  	v6 =	vld [tilespmem:s24+$0x197E0]  }
0x18d: {  	v7 =	vld [tilespmem:s24+$0x197F0]  }
0x18e: {  	v8 =	vld [tilespmem:s24+$0x1B780]  }
0x18f: {  	v24 =	vld [tilespmem:s24+$0x1B770];
	(xrf1) =	vunique.msk.u32 $0xffff, v0  }
0x190: {  	v25 =	vld [tilespmem:s24+$0x1B760];
	(xrf1) =	vunique.msk.u32 $0xffff, v1;
	_, v9, vm0 =	vpop (xrf1)  }
0x191: {  	v26 =	vld [tilespmem:s24+$0x1B750];
	(xrf1) =	vunique.msk.u32 $0xffff, v2;
	_, v9, vm4 =	vpop (xrf1)  }
0x192: {  	v27 =	vld [tilespmem:s24+$0x1B700];
	(xrf1) =	vunique.msk.u32 $0xffff, v3;
	_, v9, vm8 =	vpop (xrf1)  }
0x193: {  	v28 =	vld [tilespmem:s24+$0x1B710];
	(xrf1) =	vunique.msk.u32 $0xffff, v4;
	_, v9, vm7 =	vpop (xrf1)  }
0x194: {  	v29 =	vld [tilespmem:s24+$0x1B720];
	(xrf1) =	vunique.msk.u32 $0xffff, v5;
	_, v9, vm6 =	vpop (xrf1)  }
0x195: {  	v30 =	vld [tilespmem:s24+$0x1B730];
	(xrf1) =	vunique.msk.u32 $0xffff, v6;
	_, v9, vm5 =	vpop (xrf1)  }
0x196: {  	v31 =	vld [tilespmem:s24+$0x1B740];
	(xrf1) =	vunique.msk.u32 $0xffff, v7;
	_, v9, vm3 =	vpop (xrf1)  }
0x197: {  	v10 =	vld [tilespmem:s24+$0x1B790];
	_, v11, vm2 =	vpop (xrf1)  }
0x198: {  	v13 =	vld [tilespmem:s24+$0x1B7A0]  }
0x199: {  	v12 =	vld [tilespmem:s24+$0x1B7D0]  }
0x19a: {  	v14 =	vld [tilespmem:s24+$0x1B7E0]  }
0x19b: {  	v15 =	vld [tilespmem:s24+$0x1B7F0]  }
0x19c: {  	v9 =	vld [tilespmem:s24+$0x1B7B0]  }
0x19d: {  	v11 =	vld [tilespmem:s24+$0x1B7C0];
	_, v32, vm1 =	vpop (xrf1);
	[tilespmem:v23+s2+$0x0] =	vst.idx.msk vm2, v27  }
0x19e: {  	_, v23, vm2 =	vpop (xrf1);
	[tilespmem:v22+s2+$0x0] =	vst.idx.msk vm3, v28  }
0x19f: {  	_, v22, vm3 =	vpop (xrf1);
	[tilespmem:v21+s2+$0x0] =	vst.idx.msk vm5, v29  }
0x1a0: {  	_, v21, vm5 =	vpop (xrf1);
	[tilespmem:v20+s2+$0x0] =	vst.idx.msk vm6, v30  }
0x1a1: {  	_, v20, vm6 =	vpop (xrf1);
	[tilespmem:v19+s2+$0x0] =	vst.idx.msk vm7, v31  }
0x1a2: {  	_, v19, vm7 =	vpop (xrf1);
	[tilespmem:v18+s2+$0x0] =	vst.idx.msk vm8, v26  }
0x1a3: {  	_, v63, vm9 =	vpop (xrf1);
	[tilespmem:v17+s2+$0x0] =	vst.idx.msk vm4, v25  }
0x1a4: {  	s23 =	simm.s32 $0x400;
	_, v17, vm10 =	vpop (xrf1);
	[tilespmem:v16+s2+$0x0] =	vst.idx.msk vm0, v24  }
.LBB2_8:
0x1a5: {  	p0 =	sne.s32 s23, $0x3C00;
	[tilespmem:v0+s2+$0x0] =	vst.idx.msk vm1, v8;
	s24 =	smov.u32 s23;
	s23 =	sadd.s32 $0x400, s23  }
0x1a6: {  	[tilespmem:v1+s2+$0x0] =	vst.idx.msk vm2, v10  }
0x1a7: {  	[tilespmem:v2+s2+$0x0] =	vst.idx.msk vm3, v13  }
0x1a8: {  	[tilespmem:v3+s2+$0x0] =	vst.idx.msk vm5, v9  }
0x1a9: {  	[tilespmem:v4+s2+$0x0] =	vst.idx.msk vm6, v11  }
0x1aa: {  	[tilespmem:v5+s2+$0x0] =	vst.idx.msk vm7, v12  }
0x1ab: {  	[tilespmem:v6+s2+$0x0] =	vst.idx.msk vm9, v14  }
0x1ac: {  	s24 =	sshra.s32 s24, $0x2;
	[tilespmem:v7+s2+$0x0] =	vst.idx.msk vm10, v15  }
0x1ad: {  	v16 =	vld [tilespmem:s24+$0x19770]  }
0x1ae: {  	v17 =	vld [tilespmem:s24+$0x19760]  }
0x1af: {  	v18 =	vld [tilespmem:s24+$0x19750]  }
0x1b0: {  	v19 =	vld [tilespmem:s24+$0x19740]  }
0x1b1: {  	v20 =	vld [tilespmem:s24+$0x19730]  }
0x1b2: {  	v21 =	vld [tilespmem:s24+$0x19720];
	(xrf1) =	vunique.msk.u32 $0xffff, v16  }
0x1b3: {  	v22 =	vld [tilespmem:s24+$0x19710];
	(xrf1) =	vunique.msk.u32 $0xffff, v17  }
0x1b4: {  	v23 =	vld [tilespmem:s24+$0x19700];
	(xrf1) =	vunique.msk.u32 $0xffff, v18  }
0x1b5: {  	v0 =	vld [tilespmem:s24+$0x19780];
	(xrf1) =	vunique.msk.u32 $0xffff, v19  }
0x1b6: {  	v1 =	vld [tilespmem:s24+$0x19790];
	(xrf1) =	vunique.msk.u32 $0xffff, v20  }
0x1b7: {  	v2 =	vld [tilespmem:s24+$0x197A0];
	(xrf1) =	vunique.msk.u32 $0xffff, v21  }
0x1b8: {  	v3 =	vld [tilespmem:s24+$0x197B0];
	(xrf1) =	vunique.msk.u32 $0xffff, v22  }
0x1b9: {  	v4 =	vld [tilespmem:s24+$0x197C0];
	(xrf1) =	vunique.msk.u32 $0xffff, v23  }
0x1ba: {  	v5 =	vld [tilespmem:s24+$0x197D0];
	(xrf1) =	vunique.msk.u32 $0xffff, v0  }
0x1bb: {  	v6 =	vld [tilespmem:s24+$0x197E0];
	(xrf1) =	vunique.msk.u32 $0xffff, v1  }
0x1bc: {  	v7 =	vld [tilespmem:s24+$0x197F0];
	(xrf1) =	vunique.msk.u32 $0xffff, v2  }
0x1bd: {  	v8 =	vld [tilespmem:s24+$0x1B780];
	(xrf1) =	vunique.msk.u32 $0xffff, v3  }
0x1be: {  	v24 =	vld [tilespmem:s24+$0x1B770];
	(xrf1) =	vunique.msk.u32 $0xffff, v4  }
0x1bf: {  	v25 =	vld [tilespmem:s24+$0x1B760];
	(xrf1) =	vunique.msk.u32 $0xffff, v5  }
0x1c0: {  	v26 =	vld [tilespmem:s24+$0x1B750];
	_, v9, vm0 =	vpop (xrf1);
	(xrf1) =	vunique.msk.u32 $0xffff, v6  }
0x1c1: {  	v27 =	vld [tilespmem:s24+$0x1B700];
	_, v9, vm4 =	vpop (xrf1);
	(xrf1) =	vunique.msk.u32 $0xffff, v7  }
0x1c2: {  	v28 =	vld [tilespmem:s24+$0x1B710];
	_, v9, vm8 =	vpop (xrf1)  }
0x1c3: {  	v29 =	vld [tilespmem:s24+$0x1B720];
	_, v9, vm11 =	vpop (xrf1)  }
0x1c4: {  	v30 =	vld [tilespmem:s24+$0x1B730];
	_, v9, vm12 =	vpop (xrf1)  }
0x1c5: {  	v31 =	vld [tilespmem:s24+$0x1B740];
	_, v9, vm10 =	vpop (xrf1)  }
0x1c6: {  	v10 =	vld [tilespmem:s24+$0x1B790];
	_, v9, vm9 =	vpop (xrf1)  }
0x1c7: {  	v9 =	vld [tilespmem:s24+$0x1B7B0];
	_, v11, vm7 =	vpop (xrf1)  }
0x1c8: {  	v13 =	vld [tilespmem:s24+$0x1B7A0];
	_, v11, vm1 =	vpop (xrf1)  }
0x1c9: {  	v11 =	vld [tilespmem:s24+$0x1B7C0];
	_, v12, vm2 =	vpop (xrf1)  }
0x1ca: {  	v12 =	vld [tilespmem:s24+$0x1B7D0];
	_, v14, vm3 =	vpop (xrf1)  }
0x1cb: {  	v14 =	vld [tilespmem:s24+$0x1B7E0];
	_, v15, vm5 =	vpop (xrf1)  }
0x1cc: {  	v15 =	vld [tilespmem:s24+$0x1B7F0];
	_, v32, vm6 =	vpop (xrf1)  }
0x1cd: {  	[tilespmem:v23+s2+$0x0] =	vst.idx.msk vm7, v27;
	_, v23, vm7 =	vpop (xrf1)  }
0x1ce: {  	[tilespmem:v22+s2+$0x0] =	vst.idx.msk vm9, v28;
	_, v22, vm9 =	vpop (xrf1)  }
0x1cf: {  	[tilespmem:v21+s2+$0x0] =	vst.idx.msk vm10, v29;
	_, v21, vm10 =	vpop (xrf1)  }
.Ltmp3:
0x1d0: {  	[tilespmem:v20+s2+$0x0] =	vst.idx.msk vm12, v30;
	(pc) =	sbr.rel @p0 .LBB2_8-.Ltmp3, $4  }
0x1d1: {  	[tilespmem:v19+s2+$0x0] =	vst.idx.msk vm11, v31  }
0x1d2: {  	[tilespmem:v18+s2+$0x0] =	vst.idx.msk vm8, v26  }
0x1d3: {  	[tilespmem:v17+s2+$0x0] =	vst.idx.msk vm4, v25  }
0x1d4: {  	[tilespmem:v16+s2+$0x0] =	vst.idx.msk vm0, v24  }
0x1d5: {  	_ =	sdelay $0x4  }
0x1d6: {  	[tilespmem:v0+s2+$0x0] =	vst.idx.msk vm1, v8  }
0x1d7: {  	[tilespmem:v1+s2+$0x0] =	vst.idx.msk vm2, v10  }
0x1d8: {  	[tilespmem:v2+s2+$0x0] =	vst.idx.msk vm3, v13  }
0x1d9: {  	[tilespmem:v3+s2+$0x0] =	vst.idx.msk vm5, v9  }
0x1da: {  	[tilespmem:v4+s2+$0x0] =	vst.idx.msk vm6, v11  }
0x1db: {  	[tilespmem:v5+s2+$0x0] =	vst.idx.msk vm7, v12  }
0x1dc: {  	[tilespmem:v6+s2+$0x0] =	vst.idx.msk vm9, v14  }
0x1dd: {  	s23 =	simm.s32 $0x0;
	[tilespmem:v7+s2+$0x0] =	vst.idx.msk vm10, v15  }
0x1de: {  	[hbm4b:s4+s12] =	stream.strided.scatter [tilespmem:s23], [sflag:$0x2], $0x18700, s13, s12, $0x38;
	[tilespmem:$0x1C700] =	vst v63  }
0x1df: {  	_ =	swait.ge [sflag:s21], $0x18700  }
0x1e0: {  	[sflag:s21] =	ssyncset.done $0x0  }
0x1e1: {  	[sflag:s21] =	ssyncadd.s32 $0xFFFE7900  }
0x1e2: {  	[tilespmem:s23], [sflag:$0x1] =	stream.strided.gather [hbm4b:s5+s12], $0x18700, s13, s12, $0x38;
	[tilespmem:$0x1C700] =	vst v63  }
0x1e3: {  	_ =	swait.ge [sflag:s16], $0x18700  }
0x1e4: {  	[sflag:s16] =	ssyncset.done $0x0  }
0x1e5: {  	s24 =	rddreg [dreg:$0xd];
	[sflag:s16] =	ssyncadd.s32 $0xFFFE7900  }
0x1e6: {  	[tilespmem:s17], [sflag:$0x4] =	stream.strided.gather [hbm4b:s24+s12], $0x1000, s13, s12, $0x38;
	[tilespmem:$0x1C700] =	vst v63  }
0x1e7: {  	s24 =	rddreg [dreg:$0xe]  }
0x1e8: {  	[tilespmem:s18], [sflag:$0x4] =	stream.strided.gather [hbm4b:s24+s12], $0x1000, s13, s12, $0x38;
	[tilespmem:$0x1C700] =	vst v63  }
0x1e9: {  	_ =	swait.ge [sflag:s19], $0x1000  }
0x1ea: {  	[sflag:s19] =	ssyncset.done $0x0  }
0x1eb: {  	[sflag:s19] =	ssyncadd.s32 $0xFFFFF000  }
0x1ec: {  	_ =	swait.ge [sflag:s19], $0x1000  }
0x1ed: {  	[sflag:s19] =	ssyncset.done $0x0  }
0x1ee: {  	s24 =	simm.s32 $0x0;
	[sflag:s19] =	ssyncadd.s32 $0xFFFFF000  }
0x1ef: {  	v16 =	vld [tilespmem:s24+$0x18770]  }
0x1f0: {  	v17 =	vld [tilespmem:s24+$0x18760]  }
0x1f1: {  	v18 =	vld [tilespmem:s24+$0x18750]  }
0x1f2: {  	v19 =	vld [tilespmem:s24+$0x18740]  }
0x1f3: {  	v20 =	vld [tilespmem:s24+$0x18730]  }
0x1f4: {  	v21 =	vld [tilespmem:s24+$0x18720];
	(xrf1) =	vunique.msk.u32 $0xffff, v16  }
0x1f5: {  	v22 =	vld [tilespmem:s24+$0x18710];
	(xrf1) =	vunique.msk.u32 $0xffff, v17  }
0x1f6: {  	v23 =	vld [tilespmem:s24+$0x18700];
	(xrf1) =	vunique.msk.u32 $0xffff, v18  }
0x1f7: {  	(xrf1) =	vunique.msk.u32 $0xffff, v19  }
0x1f8: {  	v0 =	vld [tilespmem:s24+$0x18780];
	(xrf1) =	vunique.msk.u32 $0xffff, v20  }
0x1f9: {  	v1 =	vld [tilespmem:s24+$0x18790];
	(xrf1) =	vunique.msk.u32 $0xffff, v21  }
0x1fa: {  	v2 =	vld [tilespmem:s24+$0x187A0];
	(xrf1) =	vunique.msk.u32 $0xffff, v22  }
0x1fb: {  	v3 =	vld [tilespmem:s24+$0x187B0];
	(xrf1) =	vunique.msk.u32 $0xffff, v23  }
0x1fc: {  	v4 =	vld [tilespmem:s24+$0x187C0]  }
0x1fd: {  	v5 =	vld [tilespmem:s24+$0x187D0]  }
0x1fe: {  	v6 =	vld [tilespmem:s24+$0x187E0]  }
0x1ff: {  	v7 =	vld [tilespmem:s24+$0x187F0]  }
0x200: {  	v8 =	vld [tilespmem:s24+$0x1A780]  }
0x201: {  	v24 =	vld [tilespmem:s24+$0x1A770];
	(xrf1) =	vunique.msk.u32 $0xffff, v0  }
0x202: {  	v25 =	vld [tilespmem:s24+$0x1A760];
	(xrf1) =	vunique.msk.u32 $0xffff, v1;
	_, v9, vm0 =	vpop (xrf1)  }
0x203: {  	v26 =	vld [tilespmem:s24+$0x1A750];
	(xrf1) =	vunique.msk.u32 $0xffff, v2;
	_, v9, vm4 =	vpop (xrf1)  }
0x204: {  	v27 =	vld [tilespmem:s24+$0x1A700];
	(xrf1) =	vunique.msk.u32 $0xffff, v3;
	_, v9, vm8 =	vpop (xrf1)  }
0x205: {  	v28 =	vld [tilespmem:s24+$0x1A710];
	(xrf1) =	vunique.msk.u32 $0xffff, v4;
	_, v9, vm7 =	vpop (xrf1)  }
0x206: {  	v29 =	vld [tilespmem:s24+$0x1A720];
	(xrf1) =	vunique.msk.u32 $0xffff, v5;
	_, v9, vm6 =	vpop (xrf1)  }
0x207: {  	v30 =	vld [tilespmem:s24+$0x1A730];
	(xrf1) =	vunique.msk.u32 $0xffff, v6;
	_, v9, vm5 =	vpop (xrf1)  }
0x208: {  	v31 =	vld [tilespmem:s24+$0x1A740];
	(xrf1) =	vunique.msk.u32 $0xffff, v7;
	_, v9, vm3 =	vpop (xrf1)  }
0x209: {  	v10 =	vld [tilespmem:s24+$0x1A790];
	_, v11, vm2 =	vpop (xrf1)  }
0x20a: {  	v13 =	vld [tilespmem:s24+$0x1A7A0]  }
0x20b: {  	v12 =	vld [tilespmem:s24+$0x1A7D0]  }
0x20c: {  	v14 =	vld [tilespmem:s24+$0x1A7E0]  }
0x20d: {  	v15 =	vld [tilespmem:s24+$0x1A7F0]  }
0x20e: {  	v9 =	vld [tilespmem:s24+$0x1A7B0]  }
0x20f: {  	v11 =	vld [tilespmem:s24+$0x1A7C0];
	_, v32, vm1 =	vpop (xrf1);
	[tilespmem:v23+s2+$0x0] =	vst.idx.msk vm2, v27  }
0x210: {  	_, v23, vm2 =	vpop (xrf1);
	[tilespmem:v22+s2+$0x0] =	vst.idx.msk vm3, v28  }
0x211: {  	_, v22, vm3 =	vpop (xrf1);
	[tilespmem:v21+s2+$0x0] =	vst.idx.msk vm5, v29  }
0x212: {  	_, v21, vm5 =	vpop (xrf1);
	[tilespmem:v20+s2+$0x0] =	vst.idx.msk vm6, v30  }
0x213: {  	_, v20, vm6 =	vpop (xrf1);
	[tilespmem:v19+s2+$0x0] =	vst.idx.msk vm7, v31  }
0x214: {  	_, v19, vm7 =	vpop (xrf1);
	[tilespmem:v18+s2+$0x0] =	vst.idx.msk vm8, v26  }
0x215: {  	_, v63, vm9 =	vpop (xrf1);
	[tilespmem:v17+s2+$0x0] =	vst.idx.msk vm4, v25  }
0x216: {  	s23 =	simm.s32 $0x400;
	_, v17, vm10 =	vpop (xrf1);
	[tilespmem:v16+s2+$0x0] =	vst.idx.msk vm0, v24  }
.LBB2_10:
0x217: {  	p0 =	sne.s32 s23, $0x3C00;
	[tilespmem:v0+s2+$0x0] =	vst.idx.msk vm1, v8;
	s24 =	smov.u32 s23;
	s23 =	sadd.s32 $0x400, s23  }
0x218: {  	[tilespmem:v1+s2+$0x0] =	vst.idx.msk vm2, v10  }
0x219: {  	[tilespmem:v2+s2+$0x0] =	vst.idx.msk vm3, v13  }
0x21a: {  	[tilespmem:v3+s2+$0x0] =	vst.idx.msk vm5, v9  }
0x21b: {  	[tilespmem:v4+s2+$0x0] =	vst.idx.msk vm6, v11  }
0x21c: {  	[tilespmem:v5+s2+$0x0] =	vst.idx.msk vm7, v12  }
0x21d: {  	[tilespmem:v6+s2+$0x0] =	vst.idx.msk vm9, v14  }
0x21e: {  	s24 =	sshra.s32 s24, $0x2;
	[tilespmem:v7+s2+$0x0] =	vst.idx.msk vm10, v15  }
0x21f: {  	v16 =	vld [tilespmem:s24+$0x18770]  }
0x220: {  	v17 =	vld [tilespmem:s24+$0x18760]  }
0x221: {  	v18 =	vld [tilespmem:s24+$0x18750]  }
0x222: {  	v19 =	vld [tilespmem:s24+$0x18740]  }
0x223: {  	v20 =	vld [tilespmem:s24+$0x18730]  }
0x224: {  	v21 =	vld [tilespmem:s24+$0x18720];
	(xrf1) =	vunique.msk.u32 $0xffff, v16  }
0x225: {  	v22 =	vld [tilespmem:s24+$0x18710];
	(xrf1) =	vunique.msk.u32 $0xffff, v17  }
0x226: {  	v23 =	vld [tilespmem:s24+$0x18700];
	(xrf1) =	vunique.msk.u32 $0xffff, v18  }
0x227: {  	v0 =	vld [tilespmem:s24+$0x18780];
	(xrf1) =	vunique.msk.u32 $0xffff, v19  }
0x228: {  	v1 =	vld [tilespmem:s24+$0x18790];
	(xrf1) =	vunique.msk.u32 $0xffff, v20  }
0x229: {  	v2 =	vld [tilespmem:s24+$0x187A0];
	(xrf1) =	vunique.msk.u32 $0xffff, v21  }
0x22a: {  	v3 =	vld [tilespmem:s24+$0x187B0];
	(xrf1) =	vunique.msk.u32 $0xffff, v22  }
0x22b: {  	v4 =	vld [tilespmem:s24+$0x187C0];
	(xrf1) =	vunique.msk.u32 $0xffff, v23  }
0x22c: {  	v5 =	vld [tilespmem:s24+$0x187D0];
	(xrf1) =	vunique.msk.u32 $0xffff, v0  }
0x22d: {  	v6 =	vld [tilespmem:s24+$0x187E0];
	(xrf1) =	vunique.msk.u32 $0xffff, v1  }
0x22e: {  	v7 =	vld [tilespmem:s24+$0x187F0];
	(xrf1) =	vunique.msk.u32 $0xffff, v2  }
0x22f: {  	v8 =	vld [tilespmem:s24+$0x1A780];
	(xrf1) =	vunique.msk.u32 $0xffff, v3  }
0x230: {  	v24 =	vld [tilespmem:s24+$0x1A770];
	(xrf1) =	vunique.msk.u32 $0xffff, v4  }
0x231: {  	v25 =	vld [tilespmem:s24+$0x1A760];
	(xrf1) =	vunique.msk.u32 $0xffff, v5  }
0x232: {  	v26 =	vld [tilespmem:s24+$0x1A750];
	_, v9, vm0 =	vpop (xrf1);
	(xrf1) =	vunique.msk.u32 $0xffff, v6  }
0x233: {  	v27 =	vld [tilespmem:s24+$0x1A700];
	_, v9, vm4 =	vpop (xrf1);
	(xrf1) =	vunique.msk.u32 $0xffff, v7  }
0x234: {  	v28 =	vld [tilespmem:s24+$0x1A710];
	_, v9, vm8 =	vpop (xrf1)  }
0x235: {  	v29 =	vld [tilespmem:s24+$0x1A720];
	_, v9, vm11 =	vpop (xrf1)  }
0x236: {  	v30 =	vld [tilespmem:s24+$0x1A730];
	_, v9, vm12 =	vpop (xrf1)  }
0x237: {  	v31 =	vld [tilespmem:s24+$0x1A740];
	_, v9, vm10 =	vpop (xrf1)  }
0x238: {  	v10 =	vld [tilespmem:s24+$0x1A790];
	_, v9, vm9 =	vpop (xrf1)  }
0x239: {  	v9 =	vld [tilespmem:s24+$0x1A7B0];
	_, v11, vm7 =	vpop (xrf1)  }
0x23a: {  	v13 =	vld [tilespmem:s24+$0x1A7A0];
	_, v11, vm1 =	vpop (xrf1)  }
0x23b: {  	v11 =	vld [tilespmem:s24+$0x1A7C0];
	_, v12, vm2 =	vpop (xrf1)  }
0x23c: {  	v12 =	vld [tilespmem:s24+$0x1A7D0];
	_, v14, vm3 =	vpop (xrf1)  }
0x23d: {  	v14 =	vld [tilespmem:s24+$0x1A7E0];
	_, v15, vm5 =	vpop (xrf1)  }
0x23e: {  	v15 =	vld [tilespmem:s24+$0x1A7F0];
	_, v32, vm6 =	vpop (xrf1)  }
0x23f: {  	[tilespmem:v23+s2+$0x0] =	vst.idx.msk vm7, v27;
	_, v23, vm7 =	vpop (xrf1)  }
0x240: {  	[tilespmem:v22+s2+$0x0] =	vst.idx.msk vm9, v28;
	_, v22, vm9 =	vpop (xrf1)  }
0x241: {  	[tilespmem:v21+s2+$0x0] =	vst.idx.msk vm10, v29;
	_, v21, vm10 =	vpop (xrf1)  }
.Ltmp4:
0x242: {  	[tilespmem:v20+s2+$0x0] =	vst.idx.msk vm12, v30;
	(pc) =	sbr.rel @p0 .LBB2_10-.Ltmp4, $4  }
0x243: {  	[tilespmem:v19+s2+$0x0] =	vst.idx.msk vm11, v31  }
0x244: {  	[tilespmem:v18+s2+$0x0] =	vst.idx.msk vm8, v26  }
0x245: {  	[tilespmem:v17+s2+$0x0] =	vst.idx.msk vm4, v25  }
0x246: {  	[tilespmem:v16+s2+$0x0] =	vst.idx.msk vm0, v24  }
0x247: {  	_ =	sdelay $0x4  }
0x248: {  	[tilespmem:v0+s2+$0x0] =	vst.idx.msk vm1, v8  }
0x249: {  	[tilespmem:v1+s2+$0x0] =	vst.idx.msk vm2, v10  }
0x24a: {  	[tilespmem:v2+s2+$0x0] =	vst.idx.msk vm3, v13  }
0x24b: {  	[tilespmem:v3+s2+$0x0] =	vst.idx.msk vm5, v9  }
0x24c: {  	[tilespmem:v4+s2+$0x0] =	vst.idx.msk vm6, v11  }
0x24d: {  	[tilespmem:v5+s2+$0x0] =	vst.idx.msk vm7, v12  }
0x24e: {  	[tilespmem:v6+s2+$0x0] =	vst.idx.msk vm9, v14  }
0x24f: {  	s23 =	rddreg [dreg:$0xf];
	[tilespmem:v7+s2+$0x0] =	vst.idx.msk vm10, v15  }
0x250: {  	[tilespmem:s14], [sflag:$0x3] =	stream.strided.gather [hbm4b:s23+s12], $0x1000, s13, s12, $0x38;
	[tilespmem:$0x1C700] =	vst v63  }
0x251: {  	s24 =	rddreg [dreg:$0x10]  }
0x252: {  	[tilespmem:s15], [sflag:$0x3] =	stream.strided.gather [hbm4b:s24+s12], $0x1000, s13, s12, $0x38;
	[tilespmem:$0x1C700] =	vst v63  }
0x253: {  	_ =	swait.ge [sflag:s20], $0x1000  }
0x254: {  	[sflag:s20] =	ssyncset.done $0x0  }
0x255: {  	[sflag:s20] =	ssyncadd.s32 $0xFFFFF000  }
0x256: {  	_ =	swait.ge [sflag:s20], $0x1000  }
0x257: {  	[sflag:s20] =	ssyncset.done $0x0  }
0x258: {  	s24 =	simm.s32 $0x0;
	[sflag:s20] =	ssyncadd.s32 $0xFFFFF000  }
0x259: {  	v16 =	vld [tilespmem:s24+$0x19770]  }
0x25a: {  	v17 =	vld [tilespmem:s24+$0x19760]  }
0x25b: {  	v18 =	vld [tilespmem:s24+$0x19750]  }
0x25c: {  	v19 =	vld [tilespmem:s24+$0x19740]  }
0x25d: {  	v20 =	vld [tilespmem:s24+$0x19730]  }
0x25e: {  	v21 =	vld [tilespmem:s24+$0x19720];
	(xrf1) =	vunique.msk.u32 $0xffff, v16  }
0x25f: {  	v22 =	vld [tilespmem:s24+$0x19710];
	(xrf1) =	vunique.msk.u32 $0xffff, v17  }
0x260: {  	v23 =	vld [tilespmem:s24+$0x19700];
	(xrf1) =	vunique.msk.u32 $0xffff, v18  }
0x261: {  	(xrf1) =	vunique.msk.u32 $0xffff, v19  }
0x262: {  	v0 =	vld [tilespmem:s24+$0x19780];
	(xrf1) =	vunique.msk.u32 $0xffff, v20  }
0x263: {  	v1 =	vld [tilespmem:s24+$0x19790];
	(xrf1) =	vunique.msk.u32 $0xffff, v21  }
0x264: {  	v2 =	vld [tilespmem:s24+$0x197A0];
	(xrf1) =	vunique.msk.u32 $0xffff, v22  }
0x265: {  	v3 =	vld [tilespmem:s24+$0x197B0];
	(xrf1) =	vunique.msk.u32 $0xffff, v23  }
0x266: {  	v4 =	vld [tilespmem:s24+$0x197C0]  }
0x267: {  	v5 =	vld [tilespmem:s24+$0x197D0]  }
0x268: {  	v6 =	vld [tilespmem:s24+$0x197E0]  }
0x269: {  	v7 =	vld [tilespmem:s24+$0x197F0]  }
0x26a: {  	v8 =	vld [tilespmem:s24+$0x1B780]  }
0x26b: {  	v24 =	vld [tilespmem:s24+$0x1B770];
	(xrf1) =	vunique.msk.u32 $0xffff, v0  }
0x26c: {  	v25 =	vld [tilespmem:s24+$0x1B760];
	(xrf1) =	vunique.msk.u32 $0xffff, v1;
	_, v9, vm0 =	vpop (xrf1)  }
0x26d: {  	v26 =	vld [tilespmem:s24+$0x1B750];
	(xrf1) =	vunique.msk.u32 $0xffff, v2;
	_, v9, vm4 =	vpop (xrf1)  }
0x26e: {  	v27 =	vld [tilespmem:s24+$0x1B700];
	(xrf1) =	vunique.msk.u32 $0xffff, v3;
	_, v9, vm8 =	vpop (xrf1)  }
0x26f: {  	v28 =	vld [tilespmem:s24+$0x1B710];
	(xrf1) =	vunique.msk.u32 $0xffff, v4;
	_, v9, vm7 =	vpop (xrf1)  }
0x270: {  	v29 =	vld [tilespmem:s24+$0x1B720];
	(xrf1) =	vunique.msk.u32 $0xffff, v5;
	_, v9, vm6 =	vpop (xrf1)  }
0x271: {  	v30 =	vld [tilespmem:s24+$0x1B730];
	(xrf1) =	vunique.msk.u32 $0xffff, v6;
	_, v9, vm5 =	vpop (xrf1)  }
0x272: {  	v31 =	vld [tilespmem:s24+$0x1B740];
	(xrf1) =	vunique.msk.u32 $0xffff, v7;
	_, v9, vm3 =	vpop (xrf1)  }
0x273: {  	v10 =	vld [tilespmem:s24+$0x1B790];
	_, v11, vm2 =	vpop (xrf1)  }
0x274: {  	v13 =	vld [tilespmem:s24+$0x1B7A0]  }
0x275: {  	v12 =	vld [tilespmem:s24+$0x1B7D0]  }
0x276: {  	v14 =	vld [tilespmem:s24+$0x1B7E0]  }
0x277: {  	v15 =	vld [tilespmem:s24+$0x1B7F0]  }
0x278: {  	v9 =	vld [tilespmem:s24+$0x1B7B0]  }
0x279: {  	v11 =	vld [tilespmem:s24+$0x1B7C0];
	_, v32, vm1 =	vpop (xrf1);
	[tilespmem:v23+s2+$0x0] =	vst.idx.msk vm2, v27  }
0x27a: {  	_, v23, vm2 =	vpop (xrf1);
	[tilespmem:v22+s2+$0x0] =	vst.idx.msk vm3, v28  }
0x27b: {  	_, v22, vm3 =	vpop (xrf1);
	[tilespmem:v21+s2+$0x0] =	vst.idx.msk vm5, v29  }
0x27c: {  	_, v21, vm5 =	vpop (xrf1);
	[tilespmem:v20+s2+$0x0] =	vst.idx.msk vm6, v30  }
0x27d: {  	_, v20, vm6 =	vpop (xrf1);
	[tilespmem:v19+s2+$0x0] =	vst.idx.msk vm7, v31  }
0x27e: {  	_, v19, vm7 =	vpop (xrf1);
	[tilespmem:v18+s2+$0x0] =	vst.idx.msk vm8, v26  }
0x27f: {  	_, v63, vm9 =	vpop (xrf1);
	[tilespmem:v17+s2+$0x0] =	vst.idx.msk vm4, v25  }
0x280: {  	s23 =	simm.s32 $0x400;
	_, v17, vm10 =	vpop (xrf1);
	[tilespmem:v16+s2+$0x0] =	vst.idx.msk vm0, v24  }
.LBB2_12:
0x281: {  	p0 =	sne.s32 s23, $0x3C00;
	[tilespmem:v0+s2+$0x0] =	vst.idx.msk vm1, v8;
	s24 =	smov.u32 s23;
	s23 =	sadd.s32 $0x400, s23  }
0x282: {  	[tilespmem:v1+s2+$0x0] =	vst.idx.msk vm2, v10  }
0x283: {  	[tilespmem:v2+s2+$0x0] =	vst.idx.msk vm3, v13  }
0x284: {  	[tilespmem:v3+s2+$0x0] =	vst.idx.msk vm5, v9  }
0x285: {  	[tilespmem:v4+s2+$0x0] =	vst.idx.msk vm6, v11  }
0x286: {  	[tilespmem:v5+s2+$0x0] =	vst.idx.msk vm7, v12  }
0x287: {  	[tilespmem:v6+s2+$0x0] =	vst.idx.msk vm9, v14  }
0x288: {  	s24 =	sshra.s32 s24, $0x2;
	[tilespmem:v7+s2+$0x0] =	vst.idx.msk vm10, v15  }
0x289: {  	v16 =	vld [tilespmem:s24+$0x19770]  }
0x28a: {  	v17 =	vld [tilespmem:s24+$0x19760]  }
0x28b: {  	v18 =	vld [tilespmem:s24+$0x19750]  }
0x28c: {  	v19 =	vld [tilespmem:s24+$0x19740]  }
0x28d: {  	v20 =	vld [tilespmem:s24+$0x19730]  }
0x28e: {  	v21 =	vld [tilespmem:s24+$0x19720];
	(xrf1) =	vunique.msk.u32 $0xffff, v16  }
0x28f: {  	v22 =	vld [tilespmem:s24+$0x19710];
	(xrf1) =	vunique.msk.u32 $0xffff, v17  }
0x290: {  	v23 =	vld [tilespmem:s24+$0x19700];
	(xrf1) =	vunique.msk.u32 $0xffff, v18  }
0x291: {  	v0 =	vld [tilespmem:s24+$0x19780];
	(xrf1) =	vunique.msk.u32 $0xffff, v19  }
0x292: {  	v1 =	vld [tilespmem:s24+$0x19790];
	(xrf1) =	vunique.msk.u32 $0xffff, v20  }
0x293: {  	v2 =	vld [tilespmem:s24+$0x197A0];
	(xrf1) =	vunique.msk.u32 $0xffff, v21  }
0x294: {  	v3 =	vld [tilespmem:s24+$0x197B0];
	(xrf1) =	vunique.msk.u32 $0xffff, v22  }
0x295: {  	v4 =	vld [tilespmem:s24+$0x197C0];
	(xrf1) =	vunique.msk.u32 $0xffff, v23  }
0x296: {  	v5 =	vld [tilespmem:s24+$0x197D0];
	(xrf1) =	vunique.msk.u32 $0xffff, v0  }
0x297: {  	v6 =	vld [tilespmem:s24+$0x197E0];
	(xrf1) =	vunique.msk.u32 $0xffff, v1  }
0x298: {  	v7 =	vld [tilespmem:s24+$0x197F0];
	(xrf1) =	vunique.msk.u32 $0xffff, v2  }
0x299: {  	v8 =	vld [tilespmem:s24+$0x1B780];
	(xrf1) =	vunique.msk.u32 $0xffff, v3  }
0x29a: {  	v24 =	vld [tilespmem:s24+$0x1B770];
	(xrf1) =	vunique.msk.u32 $0xffff, v4  }
0x29b: {  	v25 =	vld [tilespmem:s24+$0x1B760];
	(xrf1) =	vunique.msk.u32 $0xffff, v5  }
0x29c: {  	v26 =	vld [tilespmem:s24+$0x1B750];
	_, v9, vm0 =	vpop (xrf1);
	(xrf1) =	vunique.msk.u32 $0xffff, v6  }
0x29d: {  	v27 =	vld [tilespmem:s24+$0x1B700];
	_, v9, vm4 =	vpop (xrf1);
	(xrf1) =	vunique.msk.u32 $0xffff, v7  }
0x29e: {  	v28 =	vld [tilespmem:s24+$0x1B710];
	_, v9, vm8 =	vpop (xrf1)  }
0x29f: {  	v29 =	vld [tilespmem:s24+$0x1B720];
	_, v9, vm11 =	vpop (xrf1)  }
0x2a0: {  	v30 =	vld [tilespmem:s24+$0x1B730];
	_, v9, vm12 =	vpop (xrf1)  }
0x2a1: {  	v31 =	vld [tilespmem:s24+$0x1B740];
	_, v9, vm10 =	vpop (xrf1)  }
0x2a2: {  	v10 =	vld [tilespmem:s24+$0x1B790];
	_, v9, vm9 =	vpop (xrf1)  }
0x2a3: {  	v9 =	vld [tilespmem:s24+$0x1B7B0];
	_, v11, vm7 =	vpop (xrf1)  }
0x2a4: {  	v13 =	vld [tilespmem:s24+$0x1B7A0];
	_, v11, vm1 =	vpop (xrf1)  }
0x2a5: {  	v11 =	vld [tilespmem:s24+$0x1B7C0];
	_, v12, vm2 =	vpop (xrf1)  }
0x2a6: {  	v12 =	vld [tilespmem:s24+$0x1B7D0];
	_, v14, vm3 =	vpop (xrf1)  }
0x2a7: {  	v14 =	vld [tilespmem:s24+$0x1B7E0];
	_, v15, vm5 =	vpop (xrf1)  }
0x2a8: {  	v15 =	vld [tilespmem:s24+$0x1B7F0];
	_, v32, vm6 =	vpop (xrf1)  }
0x2a9: {  	[tilespmem:v23+s2+$0x0] =	vst.idx.msk vm7, v27;
	_, v23, vm7 =	vpop (xrf1)  }
0x2aa: {  	[tilespmem:v22+s2+$0x0] =	vst.idx.msk vm9, v28;
	_, v22, vm9 =	vpop (xrf1)  }
0x2ab: {  	[tilespmem:v21+s2+$0x0] =	vst.idx.msk vm10, v29;
	_, v21, vm10 =	vpop (xrf1)  }
.Ltmp5:
0x2ac: {  	[tilespmem:v20+s2+$0x0] =	vst.idx.msk vm12, v30;
	(pc) =	sbr.rel @p0 .LBB2_12-.Ltmp5, $4  }
0x2ad: {  	[tilespmem:v19+s2+$0x0] =	vst.idx.msk vm11, v31  }
0x2ae: {  	[tilespmem:v18+s2+$0x0] =	vst.idx.msk vm8, v26  }
0x2af: {  	[tilespmem:v17+s2+$0x0] =	vst.idx.msk vm4, v25  }
0x2b0: {  	[tilespmem:v16+s2+$0x0] =	vst.idx.msk vm0, v24  }
0x2b1: {  	_ =	sdelay $0x4  }
0x2b2: {  	[tilespmem:v0+s2+$0x0] =	vst.idx.msk vm1, v8  }
0x2b3: {  	[tilespmem:v1+s2+$0x0] =	vst.idx.msk vm2, v10  }
0x2b4: {  	[tilespmem:v2+s2+$0x0] =	vst.idx.msk vm3, v13  }
0x2b5: {  	[tilespmem:v3+s2+$0x0] =	vst.idx.msk vm5, v9  }
0x2b6: {  	[tilespmem:v4+s2+$0x0] =	vst.idx.msk vm6, v11  }
0x2b7: {  	[tilespmem:v5+s2+$0x0] =	vst.idx.msk vm7, v12  }
0x2b8: {  	[tilespmem:v6+s2+$0x0] =	vst.idx.msk vm9, v14  }
0x2b9: {  	s23 =	rddreg [dreg:$0x11];
	[tilespmem:v7+s2+$0x0] =	vst.idx.msk vm10, v15  }
0x2ba: {  	[tilespmem:s17], [sflag:$0x4] =	stream.strided.gather [hbm4b:s23+s12], $0x1000, s13, s12, $0x38;
	[tilespmem:$0x1C700] =	vst v63  }
0x2bb: {  	s24 =	rddreg [dreg:$0x12]  }
0x2bc: {  	[tilespmem:s18], [sflag:$0x4] =	stream.strided.gather [hbm4b:s24+s12], $0x1000, s13, s12, $0x38;
	[tilespmem:$0x1C700] =	vst v63  }
0x2bd: {  	_ =	swait.ge [sflag:s19], $0x1000  }
0x2be: {  	[sflag:s19] =	ssyncset.done $0x0  }
0x2bf: {  	[sflag:s19] =	ssyncadd.s32 $0xFFFFF000  }
0x2c0: {  	_ =	swait.ge [sflag:s19], $0x1000  }
0x2c1: {  	[sflag:s19] =	ssyncset.done $0x0  }
0x2c2: {  	s24 =	simm.s32 $0x0;
	[sflag:s19] =	ssyncadd.s32 $0xFFFFF000  }
0x2c3: {  	v16 =	vld [tilespmem:s24+$0x18770]  }
0x2c4: {  	v17 =	vld [tilespmem:s24+$0x18760]  }
0x2c5: {  	v18 =	vld [tilespmem:s24+$0x18750]  }
0x2c6: {  	v19 =	vld [tilespmem:s24+$0x18740]  }
0x2c7: {  	v20 =	vld [tilespmem:s24+$0x18730]  }
0x2c8: {  	v21 =	vld [tilespmem:s24+$0x18720];
	(xrf1) =	vunique.msk.u32 $0xffff, v16  }
0x2c9: {  	v22 =	vld [tilespmem:s24+$0x18710];
	(xrf1) =	vunique.msk.u32 $0xffff, v17  }
0x2ca: {  	v23 =	vld [tilespmem:s24+$0x18700];
	(xrf1) =	vunique.msk.u32 $0xffff, v18  }
0x2cb: {  	(xrf1) =	vunique.msk.u32 $0xffff, v19  }
0x2cc: {  	v0 =	vld [tilespmem:s24+$0x18780];
	(xrf1) =	vunique.msk.u32 $0xffff, v20  }
0x2cd: {  	v1 =	vld [tilespmem:s24+$0x18790];
	(xrf1) =	vunique.msk.u32 $0xffff, v21  }
0x2ce: {  	v2 =	vld [tilespmem:s24+$0x187A0];
	(xrf1) =	vunique.msk.u32 $0xffff, v22  }
0x2cf: {  	v3 =	vld [tilespmem:s24+$0x187B0];
	(xrf1) =	vunique.msk.u32 $0xffff, v23  }
0x2d0: {  	v4 =	vld [tilespmem:s24+$0x187C0]  }
0x2d1: {  	v5 =	vld [tilespmem:s24+$0x187D0]  }
0x2d2: {  	v6 =	vld [tilespmem:s24+$0x187E0]  }
0x2d3: {  	v7 =	vld [tilespmem:s24+$0x187F0]  }
0x2d4: {  	v8 =	vld [tilespmem:s24+$0x1A780]  }
0x2d5: {  	v24 =	vld [tilespmem:s24+$0x1A770];
	(xrf1) =	vunique.msk.u32 $0xffff, v0  }
0x2d6: {  	v25 =	vld [tilespmem:s24+$0x1A760];
	(xrf1) =	vunique.msk.u32 $0xffff, v1;
	_, v9, vm0 =	vpop (xrf1)  }
0x2d7: {  	v26 =	vld [tilespmem:s24+$0x1A750];
	(xrf1) =	vunique.msk.u32 $0xffff, v2;
	_, v9, vm4 =	vpop (xrf1)  }
0x2d8: {  	v27 =	vld [tilespmem:s24+$0x1A700];
	(xrf1) =	vunique.msk.u32 $0xffff, v3;
	_, v9, vm8 =	vpop (xrf1)  }
0x2d9: {  	v28 =	vld [tilespmem:s24+$0x1A710];
	(xrf1) =	vunique.msk.u32 $0xffff, v4;
	_, v9, vm7 =	vpop (xrf1)  }
0x2da: {  	v29 =	vld [tilespmem:s24+$0x1A720];
	(xrf1) =	vunique.msk.u32 $0xffff, v5;
	_, v9, vm6 =	vpop (xrf1)  }
0x2db: {  	v30 =	vld [tilespmem:s24+$0x1A730];
	(xrf1) =	vunique.msk.u32 $0xffff, v6;
	_, v9, vm5 =	vpop (xrf1)  }
0x2dc: {  	v31 =	vld [tilespmem:s24+$0x1A740];
	(xrf1) =	vunique.msk.u32 $0xffff, v7;
	_, v9, vm3 =	vpop (xrf1)  }
0x2dd: {  	v10 =	vld [tilespmem:s24+$0x1A790];
	_, v11, vm2 =	vpop (xrf1)  }
0x2de: {  	v13 =	vld [tilespmem:s24+$0x1A7A0]  }
0x2df: {  	v12 =	vld [tilespmem:s24+$0x1A7D0]  }
0x2e0: {  	v14 =	vld [tilespmem:s24+$0x1A7E0]  }
0x2e1: {  	v15 =	vld [tilespmem:s24+$0x1A7F0]  }
0x2e2: {  	v9 =	vld [tilespmem:s24+$0x1A7B0]  }
0x2e3: {  	v11 =	vld [tilespmem:s24+$0x1A7C0];
	_, v32, vm1 =	vpop (xrf1);
	[tilespmem:v23+s2+$0x0] =	vst.idx.msk vm2, v27  }
0x2e4: {  	_, v23, vm2 =	vpop (xrf1);
	[tilespmem:v22+s2+$0x0] =	vst.idx.msk vm3, v28  }
0x2e5: {  	_, v22, vm3 =	vpop (xrf1);
	[tilespmem:v21+s2+$0x0] =	vst.idx.msk vm5, v29  }
0x2e6: {  	_, v21, vm5 =	vpop (xrf1);
	[tilespmem:v20+s2+$0x0] =	vst.idx.msk vm6, v30  }
0x2e7: {  	_, v20, vm6 =	vpop (xrf1);
	[tilespmem:v19+s2+$0x0] =	vst.idx.msk vm7, v31  }
0x2e8: {  	_, v19, vm7 =	vpop (xrf1);
	[tilespmem:v18+s2+$0x0] =	vst.idx.msk vm8, v26  }
0x2e9: {  	_, v63, vm9 =	vpop (xrf1);
	[tilespmem:v17+s2+$0x0] =	vst.idx.msk vm4, v25  }
0x2ea: {  	s23 =	simm.s32 $0x400;
	_, v17, vm10 =	vpop (xrf1);
	[tilespmem:v16+s2+$0x0] =	vst.idx.msk vm0, v24  }
.LBB2_14:
0x2eb: {  	p0 =	sne.s32 s23, $0x3C00;
	[tilespmem:v0+s2+$0x0] =	vst.idx.msk vm1, v8;
	s24 =	smov.u32 s23;
	s23 =	sadd.s32 $0x400, s23  }
0x2ec: {  	[tilespmem:v1+s2+$0x0] =	vst.idx.msk vm2, v10  }
0x2ed: {  	[tilespmem:v2+s2+$0x0] =	vst.idx.msk vm3, v13  }
0x2ee: {  	[tilespmem:v3+s2+$0x0] =	vst.idx.msk vm5, v9  }
0x2ef: {  	[tilespmem:v4+s2+$0x0] =	vst.idx.msk vm6, v11  }
0x2f0: {  	[tilespmem:v5+s2+$0x0] =	vst.idx.msk vm7, v12  }
0x2f1: {  	[tilespmem:v6+s2+$0x0] =	vst.idx.msk vm9, v14  }
0x2f2: {  	s24 =	sshra.s32 s24, $0x2;
	[tilespmem:v7+s2+$0x0] =	vst.idx.msk vm10, v15  }
0x2f3: {  	v16 =	vld [tilespmem:s24+$0x18770]  }
0x2f4: {  	v17 =	vld [tilespmem:s24+$0x18760]  }
0x2f5: {  	v18 =	vld [tilespmem:s24+$0x18750]  }
0x2f6: {  	v19 =	vld [tilespmem:s24+$0x18740]  }
0x2f7: {  	v20 =	vld [tilespmem:s24+$0x18730]  }
0x2f8: {  	v21 =	vld [tilespmem:s24+$0x18720];
	(xrf1) =	vunique.msk.u32 $0xffff, v16  }
0x2f9: {  	v22 =	vld [tilespmem:s24+$0x18710];
	(xrf1) =	vunique.msk.u32 $0xffff, v17  }
0x2fa: {  	v23 =	vld [tilespmem:s24+$0x18700];
	(xrf1) =	vunique.msk.u32 $0xffff, v18  }
0x2fb: {  	v0 =	vld [tilespmem:s24+$0x18780];
	(xrf1) =	vunique.msk.u32 $0xffff, v19  }
0x2fc: {  	v1 =	vld [tilespmem:s24+$0x18790];
	(xrf1) =	vunique.msk.u32 $0xffff, v20  }
0x2fd: {  	v2 =	vld [tilespmem:s24+$0x187A0];
	(xrf1) =	vunique.msk.u32 $0xffff, v21  }
0x2fe: {  	v3 =	vld [tilespmem:s24+$0x187B0];
	(xrf1) =	vunique.msk.u32 $0xffff, v22  }
0x2ff: {  	v4 =	vld [tilespmem:s24+$0x187C0];
	(xrf1) =	vunique.msk.u32 $0xffff, v23  }
0x300: {  	v5 =	vld [tilespmem:s24+$0x187D0];
	(xrf1) =	vunique.msk.u32 $0xffff, v0  }
0x301: {  	v6 =	vld [tilespmem:s24+$0x187E0];
	(xrf1) =	vunique.msk.u32 $0xffff, v1  }
0x302: {  	v7 =	vld [tilespmem:s24+$0x187F0];
	(xrf1) =	vunique.msk.u32 $0xffff, v2  }
0x303: {  	v8 =	vld [tilespmem:s24+$0x1A780];
	(xrf1) =	vunique.msk.u32 $0xffff, v3  }
0x304: {  	v24 =	vld [tilespmem:s24+$0x1A770];
	(xrf1) =	vunique.msk.u32 $0xffff, v4  }
0x305: {  	v25 =	vld [tilespmem:s24+$0x1A760];
	(xrf1) =	vunique.msk.u32 $0xffff, v5  }
0x306: {  	v26 =	vld [tilespmem:s24+$0x1A750];
	_, v9, vm0 =	vpop (xrf1);
	(xrf1) =	vunique.msk.u32 $0xffff, v6  }
0x307: {  	v27 =	vld [tilespmem:s24+$0x1A700];
	_, v9, vm4 =	vpop (xrf1);
	(xrf1) =	vunique.msk.u32 $0xffff, v7  }
0x308: {  	v28 =	vld [tilespmem:s24+$0x1A710];
	_, v9, vm8 =	vpop (xrf1)  }
0x309: {  	v29 =	vld [tilespmem:s24+$0x1A720];
	_, v9, vm11 =	vpop (xrf1)  }
0x30a: {  	v30 =	vld [tilespmem:s24+$0x1A730];
	_, v9, vm12 =	vpop (xrf1)  }
0x30b: {  	v31 =	vld [tilespmem:s24+$0x1A740];
	_, v9, vm10 =	vpop (xrf1)  }
0x30c: {  	v10 =	vld [tilespmem:s24+$0x1A790];
	_, v9, vm9 =	vpop (xrf1)  }
0x30d: {  	v9 =	vld [tilespmem:s24+$0x1A7B0];
	_, v11, vm7 =	vpop (xrf1)  }
0x30e: {  	v13 =	vld [tilespmem:s24+$0x1A7A0];
	_, v11, vm1 =	vpop (xrf1)  }
0x30f: {  	v11 =	vld [tilespmem:s24+$0x1A7C0];
	_, v12, vm2 =	vpop (xrf1)  }
0x310: {  	v12 =	vld [tilespmem:s24+$0x1A7D0];
	_, v14, vm3 =	vpop (xrf1)  }
0x311: {  	v14 =	vld [tilespmem:s24+$0x1A7E0];
	_, v15, vm5 =	vpop (xrf1)  }
0x312: {  	v15 =	vld [tilespmem:s24+$0x1A7F0];
	_, v32, vm6 =	vpop (xrf1)  }
0x313: {  	[tilespmem:v23+s2+$0x0] =	vst.idx.msk vm7, v27;
	_, v23, vm7 =	vpop (xrf1)  }
0x314: {  	[tilespmem:v22+s2+$0x0] =	vst.idx.msk vm9, v28;
	_, v22, vm9 =	vpop (xrf1)  }
0x315: {  	[tilespmem:v21+s2+$0x0] =	vst.idx.msk vm10, v29;
	_, v21, vm10 =	vpop (xrf1)  }
.Ltmp6:
0x316: {  	[tilespmem:v20+s2+$0x0] =	vst.idx.msk vm12, v30;
	(pc) =	sbr.rel @p0 .LBB2_14-.Ltmp6, $4  }
0x317: {  	[tilespmem:v19+s2+$0x0] =	vst.idx.msk vm11, v31  }
0x318: {  	[tilespmem:v18+s2+$0x0] =	vst.idx.msk vm8, v26  }
0x319: {  	[tilespmem:v17+s2+$0x0] =	vst.idx.msk vm4, v25  }
0x31a: {  	[tilespmem:v16+s2+$0x0] =	vst.idx.msk vm0, v24  }
0x31b: {  	_ =	sdelay $0x4  }
0x31c: {  	[tilespmem:v0+s2+$0x0] =	vst.idx.msk vm1, v8  }
0x31d: {  	[tilespmem:v1+s2+$0x0] =	vst.idx.msk vm2, v10  }
0x31e: {  	[tilespmem:v2+s2+$0x0] =	vst.idx.msk vm3, v13  }
0x31f: {  	[tilespmem:v3+s2+$0x0] =	vst.idx.msk vm5, v9  }
0x320: {  	[tilespmem:v4+s2+$0x0] =	vst.idx.msk vm6, v11  }
0x321: {  	[tilespmem:v5+s2+$0x0] =	vst.idx.msk vm7, v12  }
0x322: {  	[tilespmem:v6+s2+$0x0] =	vst.idx.msk vm9, v14  }
0x323: {  	s23 =	rddreg [dreg:$0x17];
	[tilespmem:v7+s2+$0x0] =	vst.idx.msk vm10, v15  }
0x324: {  	[tilespmem:s14], [sflag:$0x3] =	stream.strided.gather [hbm4b:s23+s12], $0x1000, s13, s12, $0x38;
	[tilespmem:$0x1C700] =	vst v63  }
0x325: {  	s24 =	rddreg [dreg:$0x18]  }
0x326: {  	[tilespmem:s15], [sflag:$0x3] =	stream.strided.gather [hbm4b:s24+s12], $0x1000, s13, s12, $0x38;
	[tilespmem:$0x1C700] =	vst v63  }
0x327: {  	_ =	swait.ge [sflag:s20], $0x1000  }
0x328: {  	[sflag:s20] =	ssyncset.done $0x0  }
0x329: {  	[sflag:s20] =	ssyncadd.s32 $0xFFFFF000  }
0x32a: {  	_ =	swait.ge [sflag:s20], $0x1000  }
0x32b: {  	[sflag:s20] =	ssyncset.done $0x0  }
0x32c: {  	s24 =	simm.s32 $0x0;
	[sflag:s20] =	ssyncadd.s32 $0xFFFFF000  }
0x32d: {  	v16 =	vld [tilespmem:s24+$0x19770]  }
0x32e: {  	v17 =	vld [tilespmem:s24+$0x19760]  }
0x32f: {  	v18 =	vld [tilespmem:s24+$0x19750]  }
0x330: {  	v19 =	vld [tilespmem:s24+$0x19740]  }
0x331: {  	v20 =	vld [tilespmem:s24+$0x19730]  }
0x332: {  	v21 =	vld [tilespmem:s24+$0x19720];
	(xrf1) =	vunique.msk.u32 $0xffff, v16  }
0x333: {  	v22 =	vld [tilespmem:s24+$0x19710];
	(xrf1) =	vunique.msk.u32 $0xffff, v17  }
0x334: {  	v23 =	vld [tilespmem:s24+$0x19700];
	(xrf1) =	vunique.msk.u32 $0xffff, v18  }
0x335: {  	(xrf1) =	vunique.msk.u32 $0xffff, v19  }
0x336: {  	v0 =	vld [tilespmem:s24+$0x19780];
	(xrf1) =	vunique.msk.u32 $0xffff, v20  }
0x337: {  	v1 =	vld [tilespmem:s24+$0x19790];
	(xrf1) =	vunique.msk.u32 $0xffff, v21  }
0x338: {  	v2 =	vld [tilespmem:s24+$0x197A0];
	(xrf1) =	vunique.msk.u32 $0xffff, v22  }
0x339: {  	v3 =	vld [tilespmem:s24+$0x197B0];
	(xrf1) =	vunique.msk.u32 $0xffff, v23  }
0x33a: {  	v4 =	vld [tilespmem:s24+$0x197C0]  }
0x33b: {  	v5 =	vld [tilespmem:s24+$0x197D0]  }
0x33c: {  	v6 =	vld [tilespmem:s24+$0x197E0]  }
0x33d: {  	v7 =	vld [tilespmem:s24+$0x197F0]  }
0x33e: {  	v8 =	vld [tilespmem:s24+$0x1B780]  }
0x33f: {  	v24 =	vld [tilespmem:s24+$0x1B770];
	(xrf1) =	vunique.msk.u32 $0xffff, v0  }
0x340: {  	v25 =	vld [tilespmem:s24+$0x1B760];
	(xrf1) =	vunique.msk.u32 $0xffff, v1;
	_, v9, vm0 =	vpop (xrf1)  }
0x341: {  	v26 =	vld [tilespmem:s24+$0x1B750];
	(xrf1) =	vunique.msk.u32 $0xffff, v2;
	_, v9, vm4 =	vpop (xrf1)  }
0x342: {  	v27 =	vld [tilespmem:s24+$0x1B700];
	(xrf1) =	vunique.msk.u32 $0xffff, v3;
	_, v9, vm8 =	vpop (xrf1)  }
0x343: {  	v28 =	vld [tilespmem:s24+$0x1B710];
	(xrf1) =	vunique.msk.u32 $0xffff, v4;
	_, v9, vm7 =	vpop (xrf1)  }
0x344: {  	v29 =	vld [tilespmem:s24+$0x1B720];
	(xrf1) =	vunique.msk.u32 $0xffff, v5;
	_, v9, vm6 =	vpop (xrf1)  }
0x345: {  	v30 =	vld [tilespmem:s24+$0x1B730];
	(xrf1) =	vunique.msk.u32 $0xffff, v6;
	_, v9, vm5 =	vpop (xrf1)  }
0x346: {  	v31 =	vld [tilespmem:s24+$0x1B740];
	(xrf1) =	vunique.msk.u32 $0xffff, v7;
	_, v9, vm3 =	vpop (xrf1)  }
0x347: {  	v10 =	vld [tilespmem:s24+$0x1B790];
	_, v11, vm2 =	vpop (xrf1)  }
0x348: {  	v13 =	vld [tilespmem:s24+$0x1B7A0]  }
0x349: {  	v12 =	vld [tilespmem:s24+$0x1B7D0]  }
0x34a: {  	v14 =	vld [tilespmem:s24+$0x1B7E0]  }
0x34b: {  	v15 =	vld [tilespmem:s24+$0x1B7F0]  }
0x34c: {  	v9 =	vld [tilespmem:s24+$0x1B7B0]  }
0x34d: {  	v11 =	vld [tilespmem:s24+$0x1B7C0];
	_, v32, vm1 =	vpop (xrf1);
	[tilespmem:v23+s2+$0x0] =	vst.idx.msk vm2, v27  }
0x34e: {  	_, v23, vm2 =	vpop (xrf1);
	[tilespmem:v22+s2+$0x0] =	vst.idx.msk vm3, v28  }
0x34f: {  	_, v22, vm3 =	vpop (xrf1);
	[tilespmem:v21+s2+$0x0] =	vst.idx.msk vm5, v29  }
0x350: {  	_, v21, vm5 =	vpop (xrf1);
	[tilespmem:v20+s2+$0x0] =	vst.idx.msk vm6, v30  }
0x351: {  	_, v20, vm6 =	vpop (xrf1);
	[tilespmem:v19+s2+$0x0] =	vst.idx.msk vm7, v31  }
0x352: {  	_, v19, vm7 =	vpop (xrf1);
	[tilespmem:v18+s2+$0x0] =	vst.idx.msk vm8, v26  }
0x353: {  	_, v63, vm9 =	vpop (xrf1);
	[tilespmem:v17+s2+$0x0] =	vst.idx.msk vm4, v25  }
0x354: {  	s23 =	simm.s32 $0x400;
	_, v17, vm10 =	vpop (xrf1);
	[tilespmem:v16+s2+$0x0] =	vst.idx.msk vm0, v24  }
.LBB2_16:
0x355: {  	p0 =	sne.s32 s23, $0x3C00;
	[tilespmem:v0+s2+$0x0] =	vst.idx.msk vm1, v8;
	s24 =	smov.u32 s23;
	s23 =	sadd.s32 $0x400, s23  }
0x356: {  	[tilespmem:v1+s2+$0x0] =	vst.idx.msk vm2, v10  }
0x357: {  	[tilespmem:v2+s2+$0x0] =	vst.idx.msk vm3, v13  }
0x358: {  	[tilespmem:v3+s2+$0x0] =	vst.idx.msk vm5, v9  }
0x359: {  	[tilespmem:v4+s2+$0x0] =	vst.idx.msk vm6, v11  }
0x35a: {  	[tilespmem:v5+s2+$0x0] =	vst.idx.msk vm7, v12  }
0x35b: {  	[tilespmem:v6+s2+$0x0] =	vst.idx.msk vm9, v14  }
0x35c: {  	s24 =	sshra.s32 s24, $0x2;
	[tilespmem:v7+s2+$0x0] =	vst.idx.msk vm10, v15  }
0x35d: {  	v16 =	vld [tilespmem:s24+$0x19770]  }
0x35e: {  	v17 =	vld [tilespmem:s24+$0x19760]  }
0x35f: {  	v18 =	vld [tilespmem:s24+$0x19750]  }
0x360: {  	v19 =	vld [tilespmem:s24+$0x19740]  }
0x361: {  	v20 =	vld [tilespmem:s24+$0x19730]  }
0x362: {  	v21 =	vld [tilespmem:s24+$0x19720];
	(xrf1) =	vunique.msk.u32 $0xffff, v16  }
0x363: {  	v22 =	vld [tilespmem:s24+$0x19710];
	(xrf1) =	vunique.msk.u32 $0xffff, v17  }
0x364: {  	v23 =	vld [tilespmem:s24+$0x19700];
	(xrf1) =	vunique.msk.u32 $0xffff, v18  }
0x365: {  	v0 =	vld [tilespmem:s24+$0x19780];
	(xrf1) =	vunique.msk.u32 $0xffff, v19  }
0x366: {  	v1 =	vld [tilespmem:s24+$0x19790];
	(xrf1) =	vunique.msk.u32 $0xffff, v20  }
0x367: {  	v2 =	vld [tilespmem:s24+$0x197A0];
	(xrf1) =	vunique.msk.u32 $0xffff, v21  }
0x368: {  	v3 =	vld [tilespmem:s24+$0x197B0];
	(xrf1) =	vunique.msk.u32 $0xffff, v22  }
0x369: {  	v4 =	vld [tilespmem:s24+$0x197C0];
	(xrf1) =	vunique.msk.u32 $0xffff, v23  }
0x36a: {  	v5 =	vld [tilespmem:s24+$0x197D0];
	(xrf1) =	vunique.msk.u32 $0xffff, v0  }
0x36b: {  	v6 =	vld [tilespmem:s24+$0x197E0];
	(xrf1) =	vunique.msk.u32 $0xffff, v1  }
0x36c: {  	v7 =	vld [tilespmem:s24+$0x197F0];
	(xrf1) =	vunique.msk.u32 $0xffff, v2  }
0x36d: {  	v8 =	vld [tilespmem:s24+$0x1B780];
	(xrf1) =	vunique.msk.u32 $0xffff, v3  }
0x36e: {  	v24 =	vld [tilespmem:s24+$0x1B770];
	(xrf1) =	vunique.msk.u32 $0xffff, v4  }
0x36f: {  	v25 =	vld [tilespmem:s24+$0x1B760];
	(xrf1) =	vunique.msk.u32 $0xffff, v5  }
0x370: {  	v26 =	vld [tilespmem:s24+$0x1B750];
	_, v9, vm0 =	vpop (xrf1);
	(xrf1) =	vunique.msk.u32 $0xffff, v6  }
0x371: {  	v27 =	vld [tilespmem:s24+$0x1B700];
	_, v9, vm4 =	vpop (xrf1);
	(xrf1) =	vunique.msk.u32 $0xffff, v7  }
0x372: {  	v28 =	vld [tilespmem:s24+$0x1B710];
	_, v9, vm8 =	vpop (xrf1)  }
0x373: {  	v29 =	vld [tilespmem:s24+$0x1B720];
	_, v9, vm11 =	vpop (xrf1)  }
0x374: {  	v30 =	vld [tilespmem:s24+$0x1B730];
	_, v9, vm12 =	vpop (xrf1)  }
0x375: {  	v31 =	vld [tilespmem:s24+$0x1B740];
	_, v9, vm10 =	vpop (xrf1)  }
0x376: {  	v10 =	vld [tilespmem:s24+$0x1B790];
	_, v9, vm9 =	vpop (xrf1)  }
0x377: {  	v9 =	vld [tilespmem:s24+$0x1B7B0];
	_, v11, vm7 =	vpop (xrf1)  }
0x378: {  	v13 =	vld [tilespmem:s24+$0x1B7A0];
	_, v11, vm1 =	vpop (xrf1)  }
0x379: {  	v11 =	vld [tilespmem:s24+$0x1B7C0];
	_, v12, vm2 =	vpop (xrf1)  }
0x37a: {  	v12 =	vld [tilespmem:s24+$0x1B7D0];
	_, v14, vm3 =	vpop (xrf1)  }
0x37b: {  	v14 =	vld [tilespmem:s24+$0x1B7E0];
	_, v15, vm5 =	vpop (xrf1)  }
0x37c: {  	v15 =	vld [tilespmem:s24+$0x1B7F0];
	_, v32, vm6 =	vpop (xrf1)  }
0x37d: {  	[tilespmem:v23+s2+$0x0] =	vst.idx.msk vm7, v27;
	_, v23, vm7 =	vpop (xrf1)  }
0x37e: {  	[tilespmem:v22+s2+$0x0] =	vst.idx.msk vm9, v28;
	_, v22, vm9 =	vpop (xrf1)  }
0x37f: {  	[tilespmem:v21+s2+$0x0] =	vst.idx.msk vm10, v29;
	_, v21, vm10 =	vpop (xrf1)  }
.Ltmp7:
0x380: {  	[tilespmem:v20+s2+$0x0] =	vst.idx.msk vm12, v30;
	(pc) =	sbr.rel @p0 .LBB2_16-.Ltmp7, $4  }
0x381: {  	[tilespmem:v19+s2+$0x0] =	vst.idx.msk vm11, v31  }
0x382: {  	[tilespmem:v18+s2+$0x0] =	vst.idx.msk vm8, v26  }
0x383: {  	[tilespmem:v17+s2+$0x0] =	vst.idx.msk vm4, v25  }
0x384: {  	[tilespmem:v16+s2+$0x0] =	vst.idx.msk vm0, v24  }
0x385: {  	_ =	sdelay $0x4  }
0x386: {  	[tilespmem:v0+s2+$0x0] =	vst.idx.msk vm1, v8  }
0x387: {  	[tilespmem:v1+s2+$0x0] =	vst.idx.msk vm2, v10  }
0x388: {  	[tilespmem:v2+s2+$0x0] =	vst.idx.msk vm3, v13  }
0x389: {  	[tilespmem:v3+s2+$0x0] =	vst.idx.msk vm5, v9  }
0x38a: {  	[tilespmem:v4+s2+$0x0] =	vst.idx.msk vm6, v11  }
0x38b: {  	[tilespmem:v5+s2+$0x0] =	vst.idx.msk vm7, v12  }
0x38c: {  	[tilespmem:v6+s2+$0x0] =	vst.idx.msk vm9, v14  }
0x38d: {  	s23 =	simm.s32 $0x0;
	[tilespmem:v7+s2+$0x0] =	vst.idx.msk vm10, v15  }
0x38e: {  	[hbm4b:s6+s12] =	stream.strided.scatter [tilespmem:s23], [sflag:$0x2], $0x18700, s13, s12, $0x38;
	[tilespmem:$0x1C700] =	vst v63  }
0x38f: {  	_ =	swait.ge [sflag:s21], $0x18700  }
0x390: {  	[sflag:s21] =	ssyncset.done $0x0  }
0x391: {  	[sflag:s21] =	ssyncadd.s32 $0xFFFE7900  }
0x392: {  	[tilespmem:s23], [sflag:$0x1] =	stream.strided.gather [hbm4b:s7+s12], $0x18700, s13, s12, $0x38;
	[tilespmem:$0x1C700] =	vst v63  }
0x393: {  	_ =	swait.ge [sflag:s16], $0x18700  }
0x394: {  	[sflag:s16] =	ssyncset.done $0x0  }
0x395: {  	s24 =	rddreg [dreg:$0x13];
	[sflag:s16] =	ssyncadd.s32 $0xFFFE7900  }
0x396: {  	[tilespmem:s17], [sflag:$0x4] =	stream.strided.gather [hbm4b:s24+s12], $0x1000, s13, s12, $0x38;
	[tilespmem:$0x1C700] =	vst v63  }
0x397: {  	s24 =	rddreg [dreg:$0x14]  }
0x398: {  	[tilespmem:s18], [sflag:$0x4] =	stream.strided.gather [hbm4b:s24+s12], $0x1000, s13, s12, $0x38;
	[tilespmem:$0x1C700] =	vst v63  }
0x399: {  	_ =	swait.ge [sflag:s19], $0x1000  }
0x39a: {  	[sflag:s19] =	ssyncset.done $0x0  }
0x39b: {  	[sflag:s19] =	ssyncadd.s32 $0xFFFFF000  }
0x39c: {  	_ =	swait.ge [sflag:s19], $0x1000  }
0x39d: {  	[sflag:s19] =	ssyncset.done $0x0  }
0x39e: {  	s24 =	simm.s32 $0x0;
	[sflag:s19] =	ssyncadd.s32 $0xFFFFF000  }
0x39f: {  	v16 =	vld [tilespmem:s24+$0x18770]  }
0x3a0: {  	v17 =	vld [tilespmem:s24+$0x18760]  }
0x3a1: {  	v18 =	vld [tilespmem:s24+$0x18750]  }
0x3a2: {  	v19 =	vld [tilespmem:s24+$0x18740]  }
0x3a3: {  	v20 =	vld [tilespmem:s24+$0x18730]  }
0x3a4: {  	v21 =	vld [tilespmem:s24+$0x18720];
	(xrf1) =	vunique.msk.u32 $0xffff, v16  }
0x3a5: {  	v22 =	vld [tilespmem:s24+$0x18710];
	(xrf1) =	vunique.msk.u32 $0xffff, v17  }
0x3a6: {  	v23 =	vld [tilespmem:s24+$0x18700];
	(xrf1) =	vunique.msk.u32 $0xffff, v18  }
0x3a7: {  	(xrf1) =	vunique.msk.u32 $0xffff, v19  }
0x3a8: {  	v0 =	vld [tilespmem:s24+$0x18780];
	(xrf1) =	vunique.msk.u32 $0xffff, v20  }
0x3a9: {  	v1 =	vld [tilespmem:s24+$0x18790];
	(xrf1) =	vunique.msk.u32 $0xffff, v21  }
0x3aa: {  	v2 =	vld [tilespmem:s24+$0x187A0];
	(xrf1) =	vunique.msk.u32 $0xffff, v22  }
0x3ab: {  	v3 =	vld [tilespmem:s24+$0x187B0];
	(xrf1) =	vunique.msk.u32 $0xffff, v23  }
0x3ac: {  	v4 =	vld [tilespmem:s24+$0x187C0]  }
0x3ad: {  	v5 =	vld [tilespmem:s24+$0x187D0]  }
0x3ae: {  	v6 =	vld [tilespmem:s24+$0x187E0]  }
0x3af: {  	v7 =	vld [tilespmem:s24+$0x187F0]  }
0x3b0: {  	v8 =	vld [tilespmem:s24+$0x1A780]  }
0x3b1: {  	v24 =	vld [tilespmem:s24+$0x1A770];
	(xrf1) =	vunique.msk.u32 $0xffff, v0  }
0x3b2: {  	v25 =	vld [tilespmem:s24+$0x1A760];
	(xrf1) =	vunique.msk.u32 $0xffff, v1;
	_, v9, vm0 =	vpop (xrf1)  }
0x3b3: {  	v26 =	vld [tilespmem:s24+$0x1A750];
	(xrf1) =	vunique.msk.u32 $0xffff, v2;
	_, v9, vm4 =	vpop (xrf1)  }
0x3b4: {  	v27 =	vld [tilespmem:s24+$0x1A700];
	(xrf1) =	vunique.msk.u32 $0xffff, v3;
	_, v9, vm8 =	vpop (xrf1)  }
0x3b5: {  	v28 =	vld [tilespmem:s24+$0x1A710];
	(xrf1) =	vunique.msk.u32 $0xffff, v4;
	_, v9, vm7 =	vpop (xrf1)  }
0x3b6: {  	v29 =	vld [tilespmem:s24+$0x1A720];
	(xrf1) =	vunique.msk.u32 $0xffff, v5;
	_, v9, vm6 =	vpop (xrf1)  }
0x3b7: {  	v30 =	vld [tilespmem:s24+$0x1A730];
	(xrf1) =	vunique.msk.u32 $0xffff, v6;
	_, v9, vm5 =	vpop (xrf1)  }
0x3b8: {  	v31 =	vld [tilespmem:s24+$0x1A740];
	(xrf1) =	vunique.msk.u32 $0xffff, v7;
	_, v9, vm3 =	vpop (xrf1)  }
0x3b9: {  	v10 =	vld [tilespmem:s24+$0x1A790];
	_, v11, vm2 =	vpop (xrf1)  }
0x3ba: {  	v13 =	vld [tilespmem:s24+$0x1A7A0]  }
0x3bb: {  	v12 =	vld [tilespmem:s24+$0x1A7D0]  }
0x3bc: {  	v14 =	vld [tilespmem:s24+$0x1A7E0]  }
0x3bd: {  	v15 =	vld [tilespmem:s24+$0x1A7F0]  }
0x3be: {  	v9 =	vld [tilespmem:s24+$0x1A7B0]  }
0x3bf: {  	v11 =	vld [tilespmem:s24+$0x1A7C0];
	_, v32, vm1 =	vpop (xrf1);
	[tilespmem:v23+s2+$0x0] =	vst.idx.msk vm2, v27  }
0x3c0: {  	_, v23, vm2 =	vpop (xrf1);
	[tilespmem:v22+s2+$0x0] =	vst.idx.msk vm3, v28  }
0x3c1: {  	_, v22, vm3 =	vpop (xrf1);
	[tilespmem:v21+s2+$0x0] =	vst.idx.msk vm5, v29  }
0x3c2: {  	_, v21, vm5 =	vpop (xrf1);
	[tilespmem:v20+s2+$0x0] =	vst.idx.msk vm6, v30  }
0x3c3: {  	_, v20, vm6 =	vpop (xrf1);
	[tilespmem:v19+s2+$0x0] =	vst.idx.msk vm7, v31  }
0x3c4: {  	_, v19, vm7 =	vpop (xrf1);
	[tilespmem:v18+s2+$0x0] =	vst.idx.msk vm8, v26  }
0x3c5: {  	_, v63, vm9 =	vpop (xrf1);
	[tilespmem:v17+s2+$0x0] =	vst.idx.msk vm4, v25  }
0x3c6: {  	s23 =	simm.s32 $0x400;
	_, v17, vm10 =	vpop (xrf1);
	[tilespmem:v16+s2+$0x0] =	vst.idx.msk vm0, v24  }
.LBB2_18:
0x3c7: {  	p0 =	sne.s32 s23, $0x3C00;
	[tilespmem:v0+s2+$0x0] =	vst.idx.msk vm1, v8;
	s24 =	smov.u32 s23;
	s23 =	sadd.s32 $0x400, s23  }
0x3c8: {  	[tilespmem:v1+s2+$0x0] =	vst.idx.msk vm2, v10  }
0x3c9: {  	[tilespmem:v2+s2+$0x0] =	vst.idx.msk vm3, v13  }
0x3ca: {  	[tilespmem:v3+s2+$0x0] =	vst.idx.msk vm5, v9  }
0x3cb: {  	[tilespmem:v4+s2+$0x0] =	vst.idx.msk vm6, v11  }
0x3cc: {  	[tilespmem:v5+s2+$0x0] =	vst.idx.msk vm7, v12  }
0x3cd: {  	[tilespmem:v6+s2+$0x0] =	vst.idx.msk vm9, v14  }
0x3ce: {  	s24 =	sshra.s32 s24, $0x2;
	[tilespmem:v7+s2+$0x0] =	vst.idx.msk vm10, v15  }
0x3cf: {  	v16 =	vld [tilespmem:s24+$0x18770]  }
0x3d0: {  	v17 =	vld [tilespmem:s24+$0x18760]  }
0x3d1: {  	v18 =	vld [tilespmem:s24+$0x18750]  }
0x3d2: {  	v19 =	vld [tilespmem:s24+$0x18740]  }
0x3d3: {  	v20 =	vld [tilespmem:s24+$0x18730]  }
0x3d4: {  	v21 =	vld [tilespmem:s24+$0x18720];
	(xrf1) =	vunique.msk.u32 $0xffff, v16  }
0x3d5: {  	v22 =	vld [tilespmem:s24+$0x18710];
	(xrf1) =	vunique.msk.u32 $0xffff, v17  }
0x3d6: {  	v23 =	vld [tilespmem:s24+$0x18700];
	(xrf1) =	vunique.msk.u32 $0xffff, v18  }
0x3d7: {  	v0 =	vld [tilespmem:s24+$0x18780];
	(xrf1) =	vunique.msk.u32 $0xffff, v19  }
0x3d8: {  	v1 =	vld [tilespmem:s24+$0x18790];
	(xrf1) =	vunique.msk.u32 $0xffff, v20  }
0x3d9: {  	v2 =	vld [tilespmem:s24+$0x187A0];
	(xrf1) =	vunique.msk.u32 $0xffff, v21  }
0x3da: {  	v3 =	vld [tilespmem:s24+$0x187B0];
	(xrf1) =	vunique.msk.u32 $0xffff, v22  }
0x3db: {  	v4 =	vld [tilespmem:s24+$0x187C0];
	(xrf1) =	vunique.msk.u32 $0xffff, v23  }
0x3dc: {  	v5 =	vld [tilespmem:s24+$0x187D0];
	(xrf1) =	vunique.msk.u32 $0xffff, v0  }
0x3dd: {  	v6 =	vld [tilespmem:s24+$0x187E0];
	(xrf1) =	vunique.msk.u32 $0xffff, v1  }
0x3de: {  	v7 =	vld [tilespmem:s24+$0x187F0];
	(xrf1) =	vunique.msk.u32 $0xffff, v2  }
0x3df: {  	v8 =	vld [tilespmem:s24+$0x1A780];
	(xrf1) =	vunique.msk.u32 $0xffff, v3  }
0x3e0: {  	v24 =	vld [tilespmem:s24+$0x1A770];
	(xrf1) =	vunique.msk.u32 $0xffff, v4  }
0x3e1: {  	v25 =	vld [tilespmem:s24+$0x1A760];
	(xrf1) =	vunique.msk.u32 $0xffff, v5  }
0x3e2: {  	v26 =	vld [tilespmem:s24+$0x1A750];
	_, v9, vm0 =	vpop (xrf1);
	(xrf1) =	vunique.msk.u32 $0xffff, v6  }
0x3e3: {  	v27 =	vld [tilespmem:s24+$0x1A700];
	_, v9, vm4 =	vpop (xrf1);
	(xrf1) =	vunique.msk.u32 $0xffff, v7  }
0x3e4: {  	v28 =	vld [tilespmem:s24+$0x1A710];
	_, v9, vm8 =	vpop (xrf1)  }
0x3e5: {  	v29 =	vld [tilespmem:s24+$0x1A720];
	_, v9, vm11 =	vpop (xrf1)  }
0x3e6: {  	v30 =	vld [tilespmem:s24+$0x1A730];
	_, v9, vm12 =	vpop (xrf1)  }
0x3e7: {  	v31 =	vld [tilespmem:s24+$0x1A740];
	_, v9, vm10 =	vpop (xrf1)  }
0x3e8: {  	v10 =	vld [tilespmem:s24+$0x1A790];
	_, v9, vm9 =	vpop (xrf1)  }
0x3e9: {  	v9 =	vld [tilespmem:s24+$0x1A7B0];
	_, v11, vm7 =	vpop (xrf1)  }
0x3ea: {  	v13 =	vld [tilespmem:s24+$0x1A7A0];
	_, v11, vm1 =	vpop (xrf1)  }
0x3eb: {  	v11 =	vld [tilespmem:s24+$0x1A7C0];
	_, v12, vm2 =	vpop (xrf1)  }
0x3ec: {  	v12 =	vld [tilespmem:s24+$0x1A7D0];
	_, v14, vm3 =	vpop (xrf1)  }
0x3ed: {  	v14 =	vld [tilespmem:s24+$0x1A7E0];
	_, v15, vm5 =	vpop (xrf1)  }
0x3ee: {  	v15 =	vld [tilespmem:s24+$0x1A7F0];
	_, v32, vm6 =	vpop (xrf1)  }
0x3ef: {  	[tilespmem:v23+s2+$0x0] =	vst.idx.msk vm7, v27;
	_, v23, vm7 =	vpop (xrf1)  }
0x3f0: {  	[tilespmem:v22+s2+$0x0] =	vst.idx.msk vm9, v28;
	_, v22, vm9 =	vpop (xrf1)  }
0x3f1: {  	[tilespmem:v21+s2+$0x0] =	vst.idx.msk vm10, v29;
	_, v21, vm10 =	vpop (xrf1)  }
.Ltmp8:
0x3f2: {  	[tilespmem:v20+s2+$0x0] =	vst.idx.msk vm12, v30;
	(pc) =	sbr.rel @p0 .LBB2_18-.Ltmp8, $4  }
0x3f3: {  	[tilespmem:v19+s2+$0x0] =	vst.idx.msk vm11, v31  }
0x3f4: {  	[tilespmem:v18+s2+$0x0] =	vst.idx.msk vm8, v26  }
0x3f5: {  	[tilespmem:v17+s2+$0x0] =	vst.idx.msk vm4, v25  }
0x3f6: {  	[tilespmem:v16+s2+$0x0] =	vst.idx.msk vm0, v24  }
0x3f7: {  	_ =	sdelay $0x4  }
0x3f8: {  	[tilespmem:v0+s2+$0x0] =	vst.idx.msk vm1, v8  }
0x3f9: {  	[tilespmem:v1+s2+$0x0] =	vst.idx.msk vm2, v10  }
0x3fa: {  	[tilespmem:v2+s2+$0x0] =	vst.idx.msk vm3, v13  }
0x3fb: {  	[tilespmem:v3+s2+$0x0] =	vst.idx.msk vm5, v9  }
0x3fc: {  	[tilespmem:v4+s2+$0x0] =	vst.idx.msk vm6, v11  }
0x3fd: {  	[tilespmem:v5+s2+$0x0] =	vst.idx.msk vm7, v12  }
0x3fe: {  	[tilespmem:v6+s2+$0x0] =	vst.idx.msk vm9, v14  }
0x3ff: {  	s23 =	rddreg [dreg:$0x15];
	[tilespmem:v7+s2+$0x0] =	vst.idx.msk vm10, v15  }
0x400: {  	[tilespmem:s14], [sflag:$0x3] =	stream.strided.gather [hbm4b:s23+s12], $0x1000, s13, s12, $0x38;
	[tilespmem:$0x1C700] =	vst v63  }
0x401: {  	s24 =	rddreg [dreg:$0x16]  }
0x402: {  	[tilespmem:s15], [sflag:$0x3] =	stream.strided.gather [hbm4b:s24+s12], $0x1000, s13, s12, $0x38;
	[tilespmem:$0x1C700] =	vst v63  }
0x403: {  	_ =	swait.ge [sflag:s20], $0x1000  }
0x404: {  	[sflag:s20] =	ssyncset.done $0x0  }
0x405: {  	[sflag:s20] =	ssyncadd.s32 $0xFFFFF000  }
0x406: {  	_ =	swait.ge [sflag:s20], $0x1000  }
0x407: {  	[sflag:s20] =	ssyncset.done $0x0  }
0x408: {  	s24 =	simm.s32 $0x0;
	[sflag:s20] =	ssyncadd.s32 $0xFFFFF000  }
0x409: {  	v16 =	vld [tilespmem:s24+$0x19770]  }
0x40a: {  	v17 =	vld [tilespmem:s24+$0x19760]  }
0x40b: {  	v18 =	vld [tilespmem:s24+$0x19750]  }
0x40c: {  	v19 =	vld [tilespmem:s24+$0x19740]  }
0x40d: {  	v20 =	vld [tilespmem:s24+$0x19730]  }
0x40e: {  	v21 =	vld [tilespmem:s24+$0x19720];
	(xrf1) =	vunique.msk.u32 $0xffff, v16  }
0x40f: {  	v22 =	vld [tilespmem:s24+$0x19710];
	(xrf1) =	vunique.msk.u32 $0xffff, v17  }
0x410: {  	v23 =	vld [tilespmem:s24+$0x19700];
	(xrf1) =	vunique.msk.u32 $0xffff, v18  }
0x411: {  	(xrf1) =	vunique.msk.u32 $0xffff, v19  }
0x412: {  	v0 =	vld [tilespmem:s24+$0x19780];
	(xrf1) =	vunique.msk.u32 $0xffff, v20  }
0x413: {  	v1 =	vld [tilespmem:s24+$0x19790];
	(xrf1) =	vunique.msk.u32 $0xffff, v21  }
0x414: {  	v2 =	vld [tilespmem:s24+$0x197A0];
	(xrf1) =	vunique.msk.u32 $0xffff, v22  }
0x415: {  	v3 =	vld [tilespmem:s24+$0x197B0];
	(xrf1) =	vunique.msk.u32 $0xffff, v23  }
0x416: {  	v4 =	vld [tilespmem:s24+$0x197C0]  }
0x417: {  	v5 =	vld [tilespmem:s24+$0x197D0]  }
0x418: {  	v6 =	vld [tilespmem:s24+$0x197E0]  }
0x419: {  	v7 =	vld [tilespmem:s24+$0x197F0]  }
0x41a: {  	v8 =	vld [tilespmem:s24+$0x1B780]  }
0x41b: {  	v24 =	vld [tilespmem:s24+$0x1B770];
	(xrf1) =	vunique.msk.u32 $0xffff, v0  }
0x41c: {  	v25 =	vld [tilespmem:s24+$0x1B760];
	(xrf1) =	vunique.msk.u32 $0xffff, v1;
	_, v9, vm0 =	vpop (xrf1)  }
0x41d: {  	v26 =	vld [tilespmem:s24+$0x1B750];
	(xrf1) =	vunique.msk.u32 $0xffff, v2;
	_, v9, vm4 =	vpop (xrf1)  }
0x41e: {  	v27 =	vld [tilespmem:s24+$0x1B700];
	(xrf1) =	vunique.msk.u32 $0xffff, v3;
	_, v9, vm8 =	vpop (xrf1)  }
0x41f: {  	v28 =	vld [tilespmem:s24+$0x1B710];
	(xrf1) =	vunique.msk.u32 $0xffff, v4;
	_, v9, vm7 =	vpop (xrf1)  }
0x420: {  	v29 =	vld [tilespmem:s24+$0x1B720];
	(xrf1) =	vunique.msk.u32 $0xffff, v5;
	_, v9, vm6 =	vpop (xrf1)  }
0x421: {  	v30 =	vld [tilespmem:s24+$0x1B730];
	(xrf1) =	vunique.msk.u32 $0xffff, v6;
	_, v9, vm5 =	vpop (xrf1)  }
0x422: {  	v31 =	vld [tilespmem:s24+$0x1B740];
	(xrf1) =	vunique.msk.u32 $0xffff, v7;
	_, v9, vm3 =	vpop (xrf1)  }
0x423: {  	v10 =	vld [tilespmem:s24+$0x1B790];
	_, v11, vm2 =	vpop (xrf1)  }
0x424: {  	v13 =	vld [tilespmem:s24+$0x1B7A0]  }
0x425: {  	v12 =	vld [tilespmem:s24+$0x1B7D0]  }
0x426: {  	v14 =	vld [tilespmem:s24+$0x1B7E0]  }
0x427: {  	v15 =	vld [tilespmem:s24+$0x1B7F0]  }
0x428: {  	v9 =	vld [tilespmem:s24+$0x1B7B0]  }
0x429: {  	v11 =	vld [tilespmem:s24+$0x1B7C0];
	_, v32, vm1 =	vpop (xrf1);
	[tilespmem:v23+s2+$0x0] =	vst.idx.msk vm2, v27  }
0x42a: {  	_, v23, vm2 =	vpop (xrf1);
	[tilespmem:v22+s2+$0x0] =	vst.idx.msk vm3, v28  }
0x42b: {  	_, v22, vm3 =	vpop (xrf1);
	[tilespmem:v21+s2+$0x0] =	vst.idx.msk vm5, v29  }
0x42c: {  	_, v21, vm5 =	vpop (xrf1);
	[tilespmem:v20+s2+$0x0] =	vst.idx.msk vm6, v30  }
0x42d: {  	_, v20, vm6 =	vpop (xrf1);
	[tilespmem:v19+s2+$0x0] =	vst.idx.msk vm7, v31  }
0x42e: {  	_, v19, vm7 =	vpop (xrf1);
	[tilespmem:v18+s2+$0x0] =	vst.idx.msk vm8, v26  }
0x42f: {  	_, v63, vm9 =	vpop (xrf1);
	[tilespmem:v17+s2+$0x0] =	vst.idx.msk vm4, v25  }
0x430: {  	s23 =	simm.s32 $0x400;
	_, v17, vm10 =	vpop (xrf1);
	[tilespmem:v16+s2+$0x0] =	vst.idx.msk vm0, v24  }
.LBB2_20:
0x431: {  	p0 =	sne.s32 s23, $0x3C00;
	[tilespmem:v0+s2+$0x0] =	vst.idx.msk vm1, v8;
	s24 =	smov.u32 s23;
	s23 =	sadd.s32 $0x400, s23  }
0x432: {  	[tilespmem:v1+s2+$0x0] =	vst.idx.msk vm2, v10  }
0x433: {  	[tilespmem:v2+s2+$0x0] =	vst.idx.msk vm3, v13  }
0x434: {  	[tilespmem:v3+s2+$0x0] =	vst.idx.msk vm5, v9  }
0x435: {  	[tilespmem:v4+s2+$0x0] =	vst.idx.msk vm6, v11  }
0x436: {  	[tilespmem:v5+s2+$0x0] =	vst.idx.msk vm7, v12  }
0x437: {  	[tilespmem:v6+s2+$0x0] =	vst.idx.msk vm9, v14  }
0x438: {  	s24 =	sshra.s32 s24, $0x2;
	[tilespmem:v7+s2+$0x0] =	vst.idx.msk vm10, v15  }
0x439: {  	v16 =	vld [tilespmem:s24+$0x19770]  }
0x43a: {  	v17 =	vld [tilespmem:s24+$0x19760]  }
0x43b: {  	v18 =	vld [tilespmem:s24+$0x19750]  }
0x43c: {  	v19 =	vld [tilespmem:s24+$0x19740]  }
0x43d: {  	v20 =	vld [tilespmem:s24+$0x19730]  }
0x43e: {  	v21 =	vld [tilespmem:s24+$0x19720];
	(xrf1) =	vunique.msk.u32 $0xffff, v16  }
0x43f: {  	v22 =	vld [tilespmem:s24+$0x19710];
	(xrf1) =	vunique.msk.u32 $0xffff, v17  }
0x440: {  	v23 =	vld [tilespmem:s24+$0x19700];
	(xrf1) =	vunique.msk.u32 $0xffff, v18  }
0x441: {  	v0 =	vld [tilespmem:s24+$0x19780];
	(xrf1) =	vunique.msk.u32 $0xffff, v19  }
0x442: {  	v1 =	vld [tilespmem:s24+$0x19790];
	(xrf1) =	vunique.msk.u32 $0xffff, v20  }
0x443: {  	v2 =	vld [tilespmem:s24+$0x197A0];
	(xrf1) =	vunique.msk.u32 $0xffff, v21  }
0x444: {  	v3 =	vld [tilespmem:s24+$0x197B0];
	(xrf1) =	vunique.msk.u32 $0xffff, v22  }
0x445: {  	v4 =	vld [tilespmem:s24+$0x197C0];
	(xrf1) =	vunique.msk.u32 $0xffff, v23  }
0x446: {  	v5 =	vld [tilespmem:s24+$0x197D0];
	(xrf1) =	vunique.msk.u32 $0xffff, v0  }
0x447: {  	v6 =	vld [tilespmem:s24+$0x197E0];
	(xrf1) =	vunique.msk.u32 $0xffff, v1  }
0x448: {  	v7 =	vld [tilespmem:s24+$0x197F0];
	(xrf1) =	vunique.msk.u32 $0xffff, v2  }
0x449: {  	v8 =	vld [tilespmem:s24+$0x1B780];
	(xrf1) =	vunique.msk.u32 $0xffff, v3  }
0x44a: {  	v24 =	vld [tilespmem:s24+$0x1B770];
	(xrf1) =	vunique.msk.u32 $0xffff, v4  }
0x44b: {  	v25 =	vld [tilespmem:s24+$0x1B760];
	(xrf1) =	vunique.msk.u32 $0xffff, v5  }
0x44c: {  	v26 =	vld [tilespmem:s24+$0x1B750];
	_, v9, vm0 =	vpop (xrf1);
	(xrf1) =	vunique.msk.u32 $0xffff, v6  }
0x44d: {  	v27 =	vld [tilespmem:s24+$0x1B700];
	_, v9, vm4 =	vpop (xrf1);
	(xrf1) =	vunique.msk.u32 $0xffff, v7  }
0x44e: {  	v28 =	vld [tilespmem:s24+$0x1B710];
	_, v9, vm8 =	vpop (xrf1)  }
0x44f: {  	v29 =	vld [tilespmem:s24+$0x1B720];
	_, v9, vm11 =	vpop (xrf1)  }
0x450: {  	v30 =	vld [tilespmem:s24+$0x1B730];
	_, v9, vm12 =	vpop (xrf1)  }
0x451: {  	v31 =	vld [tilespmem:s24+$0x1B740];
	_, v9, vm10 =	vpop (xrf1)  }
0x452: {  	v10 =	vld [tilespmem:s24+$0x1B790];
	_, v9, vm9 =	vpop (xrf1)  }
0x453: {  	v9 =	vld [tilespmem:s24+$0x1B7B0];
	_, v11, vm7 =	vpop (xrf1)  }
0x454: {  	v13 =	vld [tilespmem:s24+$0x1B7A0];
	_, v11, vm1 =	vpop (xrf1)  }
0x455: {  	v11 =	vld [tilespmem:s24+$0x1B7C0];
	_, v12, vm2 =	vpop (xrf1)  }
0x456: {  	v12 =	vld [tilespmem:s24+$0x1B7D0];
	_, v14, vm3 =	vpop (xrf1)  }
0x457: {  	v14 =	vld [tilespmem:s24+$0x1B7E0];
	_, v15, vm5 =	vpop (xrf1)  }
0x458: {  	v15 =	vld [tilespmem:s24+$0x1B7F0];
	_, v32, vm6 =	vpop (xrf1)  }
0x459: {  	[tilespmem:v23+s2+$0x0] =	vst.idx.msk vm7, v27;
	_, v23, vm7 =	vpop (xrf1)  }
0x45a: {  	[tilespmem:v22+s2+$0x0] =	vst.idx.msk vm9, v28;
	_, v22, vm9 =	vpop (xrf1)  }
0x45b: {  	[tilespmem:v21+s2+$0x0] =	vst.idx.msk vm10, v29;
	_, v21, vm10 =	vpop (xrf1)  }
.Ltmp9:
0x45c: {  	[tilespmem:v20+s2+$0x0] =	vst.idx.msk vm12, v30;
	(pc) =	sbr.rel @p0 .LBB2_20-.Ltmp9, $4  }
0x45d: {  	[tilespmem:v19+s2+$0x0] =	vst.idx.msk vm11, v31  }
0x45e: {  	[tilespmem:v18+s2+$0x0] =	vst.idx.msk vm8, v26  }
0x45f: {  	[tilespmem:v17+s2+$0x0] =	vst.idx.msk vm4, v25  }
0x460: {  	[tilespmem:v16+s2+$0x0] =	vst.idx.msk vm0, v24  }
0x461: {  	_ =	sdelay $0x4  }
0x462: {  	[tilespmem:v0+s2+$0x0] =	vst.idx.msk vm1, v8  }
0x463: {  	[tilespmem:v1+s2+$0x0] =	vst.idx.msk vm2, v10  }
0x464: {  	[tilespmem:v2+s2+$0x0] =	vst.idx.msk vm3, v13  }
0x465: {  	[tilespmem:v3+s2+$0x0] =	vst.idx.msk vm5, v9  }
0x466: {  	[tilespmem:v4+s2+$0x0] =	vst.idx.msk vm6, v11  }
0x467: {  	[tilespmem:v5+s2+$0x0] =	vst.idx.msk vm7, v12  }
0x468: {  	[tilespmem:v6+s2+$0x0] =	vst.idx.msk vm9, v14  }
0x469: {  	s23 =	rddreg [dreg:$0x19];
	[tilespmem:v7+s2+$0x0] =	vst.idx.msk vm10, v15  }
0x46a: {  	[tilespmem:s17], [sflag:$0x4] =	stream.strided.gather [hbm4b:s23+s12], $0x1000, s13, s12, $0x38;
	[tilespmem:$0x1C700] =	vst v63  }
0x46b: {  	s24 =	rddreg [dreg:$0x1a]  }
0x46c: {  	[tilespmem:s18], [sflag:$0x4] =	stream.strided.gather [hbm4b:s24+s12], $0x1000, s13, s12, $0x38;
	[tilespmem:$0x1C700] =	vst v63  }
0x46d: {  	_ =	swait.ge [sflag:s19], $0x1000  }
0x46e: {  	[sflag:s19] =	ssyncset.done $0x0  }
0x46f: {  	[sflag:s19] =	ssyncadd.s32 $0xFFFFF000  }
0x470: {  	_ =	swait.ge [sflag:s19], $0x1000  }
0x471: {  	[sflag:s19] =	ssyncset.done $0x0  }
0x472: {  	s24 =	simm.s32 $0x0;
	[sflag:s19] =	ssyncadd.s32 $0xFFFFF000  }
0x473: {  	v16 =	vld [tilespmem:s24+$0x18770]  }
0x474: {  	v17 =	vld [tilespmem:s24+$0x18760]  }
0x475: {  	v18 =	vld [tilespmem:s24+$0x18750]  }
0x476: {  	v19 =	vld [tilespmem:s24+$0x18740]  }
0x477: {  	v20 =	vld [tilespmem:s24+$0x18730]  }
0x478: {  	v21 =	vld [tilespmem:s24+$0x18720];
	(xrf1) =	vunique.msk.u32 $0xffff, v16  }
0x479: {  	v22 =	vld [tilespmem:s24+$0x18710];
	(xrf1) =	vunique.msk.u32 $0xffff, v17  }
0x47a: {  	v23 =	vld [tilespmem:s24+$0x18700];
	(xrf1) =	vunique.msk.u32 $0xffff, v18  }
0x47b: {  	(xrf1) =	vunique.msk.u32 $0xffff, v19  }
0x47c: {  	v0 =	vld [tilespmem:s24+$0x18780];
	(xrf1) =	vunique.msk.u32 $0xffff, v20  }
0x47d: {  	v1 =	vld [tilespmem:s24+$0x18790];
	(xrf1) =	vunique.msk.u32 $0xffff, v21  }
0x47e: {  	v2 =	vld [tilespmem:s24+$0x187A0];
	(xrf1) =	vunique.msk.u32 $0xffff, v22  }
0x47f: {  	v3 =	vld [tilespmem:s24+$0x187B0];
	(xrf1) =	vunique.msk.u32 $0xffff, v23  }
0x480: {  	v4 =	vld [tilespmem:s24+$0x187C0]  }
0x481: {  	v5 =	vld [tilespmem:s24+$0x187D0]  }
0x482: {  	v6 =	vld [tilespmem:s24+$0x187E0]  }
0x483: {  	v7 =	vld [tilespmem:s24+$0x187F0]  }
0x484: {  	v8 =	vld [tilespmem:s24+$0x1A780]  }
0x485: {  	v24 =	vld [tilespmem:s24+$0x1A770];
	(xrf1) =	vunique.msk.u32 $0xffff, v0  }
0x486: {  	v25 =	vld [tilespmem:s24+$0x1A760];
	(xrf1) =	vunique.msk.u32 $0xffff, v1;
	_, v9, vm0 =	vpop (xrf1)  }
0x487: {  	v26 =	vld [tilespmem:s24+$0x1A750];
	(xrf1) =	vunique.msk.u32 $0xffff, v2;
	_, v9, vm4 =	vpop (xrf1)  }
0x488: {  	v27 =	vld [tilespmem:s24+$0x1A700];
	(xrf1) =	vunique.msk.u32 $0xffff, v3;
	_, v9, vm8 =	vpop (xrf1)  }
0x489: {  	v28 =	vld [tilespmem:s24+$0x1A710];
	(xrf1) =	vunique.msk.u32 $0xffff, v4;
	_, v9, vm7 =	vpop (xrf1)  }
0x48a: {  	v29 =	vld [tilespmem:s24+$0x1A720];
	(xrf1) =	vunique.msk.u32 $0xffff, v5;
	_, v9, vm6 =	vpop (xrf1)  }
0x48b: {  	v30 =	vld [tilespmem:s24+$0x1A730];
	(xrf1) =	vunique.msk.u32 $0xffff, v6;
	_, v9, vm5 =	vpop (xrf1)  }
0x48c: {  	v31 =	vld [tilespmem:s24+$0x1A740];
	(xrf1) =	vunique.msk.u32 $0xffff, v7;
	_, v9, vm3 =	vpop (xrf1)  }
0x48d: {  	v10 =	vld [tilespmem:s24+$0x1A790];
	_, v11, vm2 =	vpop (xrf1)  }
0x48e: {  	v13 =	vld [tilespmem:s24+$0x1A7A0]  }
0x48f: {  	v12 =	vld [tilespmem:s24+$0x1A7D0]  }
0x490: {  	v14 =	vld [tilespmem:s24+$0x1A7E0]  }
0x491: {  	v15 =	vld [tilespmem:s24+$0x1A7F0]  }
0x492: {  	v9 =	vld [tilespmem:s24+$0x1A7B0]  }
0x493: {  	v11 =	vld [tilespmem:s24+$0x1A7C0];
	_, v32, vm1 =	vpop (xrf1);
	[tilespmem:v23+s2+$0x0] =	vst.idx.msk vm2, v27  }
0x494: {  	_, v23, vm2 =	vpop (xrf1);
	[tilespmem:v22+s2+$0x0] =	vst.idx.msk vm3, v28  }
0x495: {  	_, v22, vm3 =	vpop (xrf1);
	[tilespmem:v21+s2+$0x0] =	vst.idx.msk vm5, v29  }
0x496: {  	_, v21, vm5 =	vpop (xrf1);
	[tilespmem:v20+s2+$0x0] =	vst.idx.msk vm6, v30  }
0x497: {  	_, v20, vm6 =	vpop (xrf1);
	[tilespmem:v19+s2+$0x0] =	vst.idx.msk vm7, v31  }
0x498: {  	_, v19, vm7 =	vpop (xrf1);
	[tilespmem:v18+s2+$0x0] =	vst.idx.msk vm8, v26  }
0x499: {  	_, v63, vm9 =	vpop (xrf1);
	[tilespmem:v17+s2+$0x0] =	vst.idx.msk vm4, v25  }
0x49a: {  	s23 =	simm.s32 $0x400;
	_, v17, vm10 =	vpop (xrf1);
	[tilespmem:v16+s2+$0x0] =	vst.idx.msk vm0, v24  }
.LBB2_22:
0x49b: {  	p0 =	sne.s32 s23, $0x3C00;
	[tilespmem:v0+s2+$0x0] =	vst.idx.msk vm1, v8;
	s24 =	smov.u32 s23;
	s23 =	sadd.s32 $0x400, s23  }
0x49c: {  	[tilespmem:v1+s2+$0x0] =	vst.idx.msk vm2, v10  }
0x49d: {  	[tilespmem:v2+s2+$0x0] =	vst.idx.msk vm3, v13  }
0x49e: {  	[tilespmem:v3+s2+$0x0] =	vst.idx.msk vm5, v9  }
0x49f: {  	[tilespmem:v4+s2+$0x0] =	vst.idx.msk vm6, v11  }
0x4a0: {  	[tilespmem:v5+s2+$0x0] =	vst.idx.msk vm7, v12  }
0x4a1: {  	[tilespmem:v6+s2+$0x0] =	vst.idx.msk vm9, v14  }
0x4a2: {  	s24 =	sshra.s32 s24, $0x2;
	[tilespmem:v7+s2+$0x0] =	vst.idx.msk vm10, v15  }
0x4a3: {  	v16 =	vld [tilespmem:s24+$0x18770]  }
0x4a4: {  	v17 =	vld [tilespmem:s24+$0x18760]  }
0x4a5: {  	v18 =	vld [tilespmem:s24+$0x18750]  }
0x4a6: {  	v19 =	vld [tilespmem:s24+$0x18740]  }
0x4a7: {  	v20 =	vld [tilespmem:s24+$0x18730]  }
0x4a8: {  	v21 =	vld [tilespmem:s24+$0x18720];
	(xrf1) =	vunique.msk.u32 $0xffff, v16  }
0x4a9: {  	v22 =	vld [tilespmem:s24+$0x18710];
	(xrf1) =	vunique.msk.u32 $0xffff, v17  }
0x4aa: {  	v23 =	vld [tilespmem:s24+$0x18700];
	(xrf1) =	vunique.msk.u32 $0xffff, v18  }
0x4ab: {  	v0 =	vld [tilespmem:s24+$0x18780];
	(xrf1) =	vunique.msk.u32 $0xffff, v19  }
0x4ac: {  	v1 =	vld [tilespmem:s24+$0x18790];
	(xrf1) =	vunique.msk.u32 $0xffff, v20  }
0x4ad: {  	v2 =	vld [tilespmem:s24+$0x187A0];
	(xrf1) =	vunique.msk.u32 $0xffff, v21  }
0x4ae: {  	v3 =	vld [tilespmem:s24+$0x187B0];
	(xrf1) =	vunique.msk.u32 $0xffff, v22  }
0x4af: {  	v4 =	vld [tilespmem:s24+$0x187C0];
	(xrf1) =	vunique.msk.u32 $0xffff, v23  }
0x4b0: {  	v5 =	vld [tilespmem:s24+$0x187D0];
	(xrf1) =	vunique.msk.u32 $0xffff, v0  }
0x4b1: {  	v6 =	vld [tilespmem:s24+$0x187E0];
	(xrf1) =	vunique.msk.u32 $0xffff, v1  }
0x4b2: {  	v7 =	vld [tilespmem:s24+$0x187F0];
	(xrf1) =	vunique.msk.u32 $0xffff, v2  }
0x4b3: {  	v8 =	vld [tilespmem:s24+$0x1A780];
	(xrf1) =	vunique.msk.u32 $0xffff, v3  }
0x4b4: {  	v24 =	vld [tilespmem:s24+$0x1A770];
	(xrf1) =	vunique.msk.u32 $0xffff, v4  }
0x4b5: {  	v25 =	vld [tilespmem:s24+$0x1A760];
	(xrf1) =	vunique.msk.u32 $0xffff, v5  }
0x4b6: {  	v26 =	vld [tilespmem:s24+$0x1A750];
	_, v9, vm0 =	vpop (xrf1);
	(xrf1) =	vunique.msk.u32 $0xffff, v6  }
0x4b7: {  	v27 =	vld [tilespmem:s24+$0x1A700];
	_, v9, vm4 =	vpop (xrf1);
	(xrf1) =	vunique.msk.u32 $0xffff, v7  }
0x4b8: {  	v28 =	vld [tilespmem:s24+$0x1A710];
	_, v9, vm8 =	vpop (xrf1)  }
0x4b9: {  	v29 =	vld [tilespmem:s24+$0x1A720];
	_, v9, vm11 =	vpop (xrf1)  }
0x4ba: {  	v30 =	vld [tilespmem:s24+$0x1A730];
	_, v9, vm12 =	vpop (xrf1)  }
0x4bb: {  	v31 =	vld [tilespmem:s24+$0x1A740];
	_, v9, vm10 =	vpop (xrf1)  }
0x4bc: {  	v10 =	vld [tilespmem:s24+$0x1A790];
	_, v9, vm9 =	vpop (xrf1)  }
0x4bd: {  	v9 =	vld [tilespmem:s24+$0x1A7B0];
	_, v11, vm7 =	vpop (xrf1)  }
0x4be: {  	v13 =	vld [tilespmem:s24+$0x1A7A0];
	_, v11, vm1 =	vpop (xrf1)  }
0x4bf: {  	v11 =	vld [tilespmem:s24+$0x1A7C0];
	_, v12, vm2 =	vpop (xrf1)  }
0x4c0: {  	v12 =	vld [tilespmem:s24+$0x1A7D0];
	_, v14, vm3 =	vpop (xrf1)  }
0x4c1: {  	v14 =	vld [tilespmem:s24+$0x1A7E0];
	_, v15, vm5 =	vpop (xrf1)  }
0x4c2: {  	v15 =	vld [tilespmem:s24+$0x1A7F0];
	_, v32, vm6 =	vpop (xrf1)  }
0x4c3: {  	[tilespmem:v23+s2+$0x0] =	vst.idx.msk vm7, v27;
	_, v23, vm7 =	vpop (xrf1)  }
0x4c4: {  	[tilespmem:v22+s2+$0x0] =	vst.idx.msk vm9, v28;
	_, v22, vm9 =	vpop (xrf1)  }
0x4c5: {  	[tilespmem:v21+s2+$0x0] =	vst.idx.msk vm10, v29;
	_, v21, vm10 =	vpop (xrf1)  }
.Ltmp10:
0x4c6: {  	[tilespmem:v20+s2+$0x0] =	vst.idx.msk vm12, v30;
	(pc) =	sbr.rel @p0 .LBB2_22-.Ltmp10, $4  }
0x4c7: {  	[tilespmem:v19+s2+$0x0] =	vst.idx.msk vm11, v31  }
0x4c8: {  	[tilespmem:v18+s2+$0x0] =	vst.idx.msk vm8, v26  }
0x4c9: {  	[tilespmem:v17+s2+$0x0] =	vst.idx.msk vm4, v25  }
0x4ca: {  	[tilespmem:v16+s2+$0x0] =	vst.idx.msk vm0, v24  }
0x4cb: {  	_ =	sdelay $0x4  }
0x4cc: {  	[tilespmem:v0+s2+$0x0] =	vst.idx.msk vm1, v8  }
0x4cd: {  	[tilespmem:v1+s2+$0x0] =	vst.idx.msk vm2, v10  }
0x4ce: {  	[tilespmem:v2+s2+$0x0] =	vst.idx.msk vm3, v13  }
0x4cf: {  	[tilespmem:v3+s2+$0x0] =	vst.idx.msk vm5, v9  }
0x4d0: {  	[tilespmem:v4+s2+$0x0] =	vst.idx.msk vm6, v11  }
0x4d1: {  	[tilespmem:v5+s2+$0x0] =	vst.idx.msk vm7, v12  }
0x4d2: {  	[tilespmem:v6+s2+$0x0] =	vst.idx.msk vm9, v14  }
0x4d3: {  	[tilespmem:v7+s2+$0x0] =	vst.idx.msk vm10, v15  }
0x4d4: {  	[tilespmem:s14], [sflag:$0x3] =	stream.strided.gather [hbm4b:s28+s12], $0x1000, s13, s12, $0x38;
	[tilespmem:$0x1C700] =	vst v63  }
0x4d5: {  	_ = 	snop  }
0x4d6: {  	[tilespmem:s15], [sflag:$0x3] =	stream.strided.gather [hbm4b:s29+s12], $0x1000, s13, s12, $0x38;
	[tilespmem:$0x1C700] =	vst v63  }
0x4d7: {  	_ =	swait.ge [sflag:s20], $0x1000  }
0x4d8: {  	[sflag:s20] =	ssyncset.done $0x0  }
0x4d9: {  	[sflag:s20] =	ssyncadd.s32 $0xFFFFF000  }
0x4da: {  	_ =	swait.ge [sflag:s20], $0x1000  }
0x4db: {  	[sflag:s20] =	ssyncset.done $0x0  }
0x4dc: {  	s23 =	simm.s32 $0x0;
	[sflag:s20] =	ssyncadd.s32 $0xFFFFF000  }
0x4dd: {  	v16 =	vld [tilespmem:s23+$0x19770]  }
0x4de: {  	v17 =	vld [tilespmem:s23+$0x19760]  }
0x4df: {  	v18 =	vld [tilespmem:s23+$0x19750]  }
0x4e0: {  	v19 =	vld [tilespmem:s23+$0x19740]  }
0x4e1: {  	v20 =	vld [tilespmem:s23+$0x19730]  }
0x4e2: {  	v21 =	vld [tilespmem:s23+$0x19720];
	(xrf1) =	vunique.msk.u32 $0xffff, v16  }
0x4e3: {  	v22 =	vld [tilespmem:s23+$0x19710];
	(xrf1) =	vunique.msk.u32 $0xffff, v17  }
0x4e4: {  	v23 =	vld [tilespmem:s23+$0x19700];
	(xrf1) =	vunique.msk.u32 $0xffff, v18  }
0x4e5: {  	(xrf1) =	vunique.msk.u32 $0xffff, v19  }
0x4e6: {  	v0 =	vld [tilespmem:s23+$0x19780];
	(xrf1) =	vunique.msk.u32 $0xffff, v20  }
0x4e7: {  	v1 =	vld [tilespmem:s23+$0x19790];
	(xrf1) =	vunique.msk.u32 $0xffff, v21  }
0x4e8: {  	v2 =	vld [tilespmem:s23+$0x197A0];
	(xrf1) =	vunique.msk.u32 $0xffff, v22  }
0x4e9: {  	v3 =	vld [tilespmem:s23+$0x197B0];
	(xrf1) =	vunique.msk.u32 $0xffff, v23  }
0x4ea: {  	v4 =	vld [tilespmem:s23+$0x197C0]  }
0x4eb: {  	v5 =	vld [tilespmem:s23+$0x197D0]  }
0x4ec: {  	v6 =	vld [tilespmem:s23+$0x197E0]  }
0x4ed: {  	v7 =	vld [tilespmem:s23+$0x197F0]  }
0x4ee: {  	v8 =	vld [tilespmem:s23+$0x1B780]  }
0x4ef: {  	v24 =	vld [tilespmem:s23+$0x1B770];
	(xrf1) =	vunique.msk.u32 $0xffff, v0  }
0x4f0: {  	v25 =	vld [tilespmem:s23+$0x1B760];
	(xrf1) =	vunique.msk.u32 $0xffff, v1;
	_, v9, vm0 =	vpop (xrf1)  }
0x4f1: {  	v26 =	vld [tilespmem:s23+$0x1B750];
	(xrf1) =	vunique.msk.u32 $0xffff, v2;
	_, v9, vm4 =	vpop (xrf1)  }
0x4f2: {  	v27 =	vld [tilespmem:s23+$0x1B700];
	(xrf1) =	vunique.msk.u32 $0xffff, v3;
	_, v9, vm8 =	vpop (xrf1)  }
0x4f3: {  	v28 =	vld [tilespmem:s23+$0x1B710];
	(xrf1) =	vunique.msk.u32 $0xffff, v4;
	_, v9, vm7 =	vpop (xrf1)  }
0x4f4: {  	v29 =	vld [tilespmem:s23+$0x1B720];
	(xrf1) =	vunique.msk.u32 $0xffff, v5;
	_, v9, vm6 =	vpop (xrf1)  }
0x4f5: {  	v30 =	vld [tilespmem:s23+$0x1B730];
	(xrf1) =	vunique.msk.u32 $0xffff, v6;
	_, v9, vm5 =	vpop (xrf1)  }
0x4f6: {  	v31 =	vld [tilespmem:s23+$0x1B740];
	(xrf1) =	vunique.msk.u32 $0xffff, v7;
	_, v9, vm3 =	vpop (xrf1)  }
0x4f7: {  	v10 =	vld [tilespmem:s23+$0x1B790];
	_, v11, vm2 =	vpop (xrf1)  }
0x4f8: {  	v13 =	vld [tilespmem:s23+$0x1B7A0]  }
0x4f9: {  	v12 =	vld [tilespmem:s23+$0x1B7D0]  }
0x4fa: {  	v14 =	vld [tilespmem:s23+$0x1B7E0]  }
0x4fb: {  	v15 =	vld [tilespmem:s23+$0x1B7F0]  }
0x4fc: {  	v9 =	vld [tilespmem:s23+$0x1B7B0]  }
0x4fd: {  	v11 =	vld [tilespmem:s23+$0x1B7C0];
	_, v32, vm1 =	vpop (xrf1);
	[tilespmem:v23+s2+$0x0] =	vst.idx.msk vm2, v27  }
0x4fe: {  	_, v23, vm2 =	vpop (xrf1);
	[tilespmem:v22+s2+$0x0] =	vst.idx.msk vm3, v28  }
0x4ff: {  	_, v22, vm3 =	vpop (xrf1);
	[tilespmem:v21+s2+$0x0] =	vst.idx.msk vm5, v29  }
0x500: {  	_, v21, vm5 =	vpop (xrf1);
	[tilespmem:v20+s2+$0x0] =	vst.idx.msk vm6, v30  }
0x501: {  	_, v20, vm6 =	vpop (xrf1);
	[tilespmem:v19+s2+$0x0] =	vst.idx.msk vm7, v31  }
0x502: {  	_, v19, vm7 =	vpop (xrf1);
	[tilespmem:v18+s2+$0x0] =	vst.idx.msk vm8, v26  }
0x503: {  	_, v63, vm9 =	vpop (xrf1);
	[tilespmem:v17+s2+$0x0] =	vst.idx.msk vm4, v25  }
0x504: {  	s23 =	simm.s32 $0x400;
	_, v17, vm10 =	vpop (xrf1);
	[tilespmem:v16+s2+$0x0] =	vst.idx.msk vm0, v24  }
.LBB2_24:
0x505: {  	p0 =	sne.s32 s23, $0x3C00;
	[tilespmem:v0+s2+$0x0] =	vst.idx.msk vm1, v8;
	s24 =	smov.u32 s23;
	s23 =	sadd.s32 $0x400, s23  }
0x506: {  	[tilespmem:v1+s2+$0x0] =	vst.idx.msk vm2, v10  }
0x507: {  	[tilespmem:v2+s2+$0x0] =	vst.idx.msk vm3, v13  }
0x508: {  	[tilespmem:v3+s2+$0x0] =	vst.idx.msk vm5, v9  }
0x509: {  	[tilespmem:v4+s2+$0x0] =	vst.idx.msk vm6, v11  }
0x50a: {  	[tilespmem:v5+s2+$0x0] =	vst.idx.msk vm7, v12  }
0x50b: {  	[tilespmem:v6+s2+$0x0] =	vst.idx.msk vm9, v14  }
0x50c: {  	s24 =	sshra.s32 s24, $0x2;
	[tilespmem:v7+s2+$0x0] =	vst.idx.msk vm10, v15  }
0x50d: {  	v16 =	vld [tilespmem:s24+$0x19770]  }
0x50e: {  	v17 =	vld [tilespmem:s24+$0x19760]  }
0x50f: {  	v18 =	vld [tilespmem:s24+$0x19750]  }
0x510: {  	v19 =	vld [tilespmem:s24+$0x19740]  }
0x511: {  	v20 =	vld [tilespmem:s24+$0x19730]  }
0x512: {  	v21 =	vld [tilespmem:s24+$0x19720];
	(xrf1) =	vunique.msk.u32 $0xffff, v16  }
0x513: {  	v22 =	vld [tilespmem:s24+$0x19710];
	(xrf1) =	vunique.msk.u32 $0xffff, v17  }
0x514: {  	v23 =	vld [tilespmem:s24+$0x19700];
	(xrf1) =	vunique.msk.u32 $0xffff, v18  }
0x515: {  	v0 =	vld [tilespmem:s24+$0x19780];
	(xrf1) =	vunique.msk.u32 $0xffff, v19  }
0x516: {  	v1 =	vld [tilespmem:s24+$0x19790];
	(xrf1) =	vunique.msk.u32 $0xffff, v20  }
0x517: {  	v2 =	vld [tilespmem:s24+$0x197A0];
	(xrf1) =	vunique.msk.u32 $0xffff, v21  }
0x518: {  	v3 =	vld [tilespmem:s24+$0x197B0];
	(xrf1) =	vunique.msk.u32 $0xffff, v22  }
0x519: {  	v4 =	vld [tilespmem:s24+$0x197C0];
	(xrf1) =	vunique.msk.u32 $0xffff, v23  }
0x51a: {  	v5 =	vld [tilespmem:s24+$0x197D0];
	(xrf1) =	vunique.msk.u32 $0xffff, v0  }
0x51b: {  	v6 =	vld [tilespmem:s24+$0x197E0];
	(xrf1) =	vunique.msk.u32 $0xffff, v1  }
0x51c: {  	v7 =	vld [tilespmem:s24+$0x197F0];
	(xrf1) =	vunique.msk.u32 $0xffff, v2  }
0x51d: {  	v8 =	vld [tilespmem:s24+$0x1B780];
	(xrf1) =	vunique.msk.u32 $0xffff, v3  }
0x51e: {  	v24 =	vld [tilespmem:s24+$0x1B770];
	(xrf1) =	vunique.msk.u32 $0xffff, v4  }
0x51f: {  	v25 =	vld [tilespmem:s24+$0x1B760];
	(xrf1) =	vunique.msk.u32 $0xffff, v5  }
0x520: {  	v26 =	vld [tilespmem:s24+$0x1B750];
	_, v9, vm0 =	vpop (xrf1);
	(xrf1) =	vunique.msk.u32 $0xffff, v6  }
0x521: {  	v27 =	vld [tilespmem:s24+$0x1B700];
	_, v9, vm4 =	vpop (xrf1);
	(xrf1) =	vunique.msk.u32 $0xffff, v7  }
0x522: {  	v28 =	vld [tilespmem:s24+$0x1B710];
	_, v9, vm8 =	vpop (xrf1)  }
0x523: {  	v29 =	vld [tilespmem:s24+$0x1B720];
	_, v9, vm11 =	vpop (xrf1)  }
0x524: {  	v30 =	vld [tilespmem:s24+$0x1B730];
	_, v9, vm12 =	vpop (xrf1)  }
0x525: {  	v31 =	vld [tilespmem:s24+$0x1B740];
	_, v9, vm10 =	vpop (xrf1)  }
0x526: {  	v10 =	vld [tilespmem:s24+$0x1B790];
	_, v9, vm9 =	vpop (xrf1)  }
0x527: {  	v9 =	vld [tilespmem:s24+$0x1B7B0];
	_, v11, vm7 =	vpop (xrf1)  }
0x528: {  	v13 =	vld [tilespmem:s24+$0x1B7A0];
	_, v11, vm1 =	vpop (xrf1)  }
0x529: {  	v11 =	vld [tilespmem:s24+$0x1B7C0];
	_, v12, vm2 =	vpop (xrf1)  }
0x52a: {  	v12 =	vld [tilespmem:s24+$0x1B7D0];
	_, v14, vm3 =	vpop (xrf1)  }
0x52b: {  	v14 =	vld [tilespmem:s24+$0x1B7E0];
	_, v15, vm5 =	vpop (xrf1)  }
0x52c: {  	v15 =	vld [tilespmem:s24+$0x1B7F0];
	_, v32, vm6 =	vpop (xrf1)  }
0x52d: {  	[tilespmem:v23+s2+$0x0] =	vst.idx.msk vm7, v27;
	_, v23, vm7 =	vpop (xrf1)  }
0x52e: {  	[tilespmem:v22+s2+$0x0] =	vst.idx.msk vm9, v28;
	_, v22, vm9 =	vpop (xrf1)  }
0x52f: {  	[tilespmem:v21+s2+$0x0] =	vst.idx.msk vm10, v29;
	_, v21, vm10 =	vpop (xrf1)  }
.Ltmp11:
0x530: {  	[tilespmem:v20+s2+$0x0] =	vst.idx.msk vm12, v30;
	(pc) =	sbr.rel @p0 .LBB2_24-.Ltmp11, $4  }
0x531: {  	[tilespmem:v19+s2+$0x0] =	vst.idx.msk vm11, v31  }
0x532: {  	[tilespmem:v18+s2+$0x0] =	vst.idx.msk vm8, v26  }
0x533: {  	[tilespmem:v17+s2+$0x0] =	vst.idx.msk vm4, v25  }
0x534: {  	[tilespmem:v16+s2+$0x0] =	vst.idx.msk vm0, v24  }
0x535: {  	_ =	sdelay $0x4  }
0x536: {  	[tilespmem:v0+s2+$0x0] =	vst.idx.msk vm1, v8  }
0x537: {  	[tilespmem:v1+s2+$0x0] =	vst.idx.msk vm2, v10  }
0x538: {  	[tilespmem:v2+s2+$0x0] =	vst.idx.msk vm3, v13  }
0x539: {  	[tilespmem:v3+s2+$0x0] =	vst.idx.msk vm5, v9  }
0x53a: {  	[tilespmem:v4+s2+$0x0] =	vst.idx.msk vm6, v11  }
0x53b: {  	[tilespmem:v5+s2+$0x0] =	vst.idx.msk vm7, v12  }
0x53c: {  	[tilespmem:v6+s2+$0x0] =	vst.idx.msk vm9, v14  }
0x53d: {  	s23 =	simm.s32 $0x0;
	[tilespmem:v7+s2+$0x0] =	vst.idx.msk vm10, v15  }
0x53e: {  	[hbm4b:s8+s12] =	stream.strided.scatter [tilespmem:s23], [sflag:$0x2], $0x18700, s13, s12, $0x38;
	[tilespmem:$0x1C700] =	vst v63  }
0x53f: {  	_ =	swait.ge [sflag:s21], $0x18700  }
0x540: {  	[sflag:s21] =	ssyncset.done $0x0  }
0x541: {  	[sflag:s21] =	ssyncadd.s32 $0xFFFE7900  }
0x542: {  	[tilespmem:s23], [sflag:$0x1] =	stream.strided.gather [hbm4b:s9+s12], $0x18700, s13, s12, $0x38;
	[tilespmem:$0x1C700] =	vst v63  }
0x543: {  	_ =	swait.ge [sflag:s16], $0x18700  }
0x544: {  	[sflag:s16] =	ssyncset.done $0x0  }
0x545: {  	[sflag:s16] =	ssyncadd.s32 $0xFFFE7900  }
0x546: {  	[tilespmem:s17], [sflag:$0x4] =	stream.strided.gather [hbm4b:s25+s12], $0x1000, s13, s12, $0x38;
	[tilespmem:$0x1C700] =	vst v63  }
0x547: {  	_ = 	snop  }
0x548: {  	[tilespmem:s18], [sflag:$0x4] =	stream.strided.gather [hbm4b:s26+s12], $0x1000, s13, s12, $0x38;
	[tilespmem:$0x1C700] =	vst v63  }
0x549: {  	_ =	swait.ge [sflag:s19], $0x1000  }
0x54a: {  	[sflag:s19] =	ssyncset.done $0x0  }
0x54b: {  	[sflag:s19] =	ssyncadd.s32 $0xFFFFF000  }
0x54c: {  	_ =	swait.ge [sflag:s19], $0x1000  }
0x54d: {  	[sflag:s19] =	ssyncset.done $0x0  }
0x54e: {  	s24 =	simm.s32 $0x0;
	[sflag:s19] =	ssyncadd.s32 $0xFFFFF000  }
0x54f: {  	v16 =	vld [tilespmem:s24+$0x18770]  }
0x550: {  	v17 =	vld [tilespmem:s24+$0x18760]  }
0x551: {  	v18 =	vld [tilespmem:s24+$0x18750]  }
0x552: {  	v19 =	vld [tilespmem:s24+$0x18740]  }
0x553: {  	v20 =	vld [tilespmem:s24+$0x18730]  }
0x554: {  	v21 =	vld [tilespmem:s24+$0x18720];
	(xrf1) =	vunique.msk.u32 $0xffff, v16  }
0x555: {  	v22 =	vld [tilespmem:s24+$0x18710];
	(xrf1) =	vunique.msk.u32 $0xffff, v17  }
0x556: {  	v23 =	vld [tilespmem:s24+$0x18700];
	(xrf1) =	vunique.msk.u32 $0xffff, v18  }
0x557: {  	(xrf1) =	vunique.msk.u32 $0xffff, v19  }
0x558: {  	v0 =	vld [tilespmem:s24+$0x18780];
	(xrf1) =	vunique.msk.u32 $0xffff, v20  }
0x559: {  	v1 =	vld [tilespmem:s24+$0x18790];
	(xrf1) =	vunique.msk.u32 $0xffff, v21  }
0x55a: {  	v2 =	vld [tilespmem:s24+$0x187A0];
	(xrf1) =	vunique.msk.u32 $0xffff, v22  }
0x55b: {  	v3 =	vld [tilespmem:s24+$0x187B0];
	(xrf1) =	vunique.msk.u32 $0xffff, v23  }
0x55c: {  	v4 =	vld [tilespmem:s24+$0x187C0]  }
0x55d: {  	v5 =	vld [tilespmem:s24+$0x187D0]  }
0x55e: {  	v6 =	vld [tilespmem:s24+$0x187E0]  }
0x55f: {  	v7 =	vld [tilespmem:s24+$0x187F0]  }
0x560: {  	v8 =	vld [tilespmem:s24+$0x1A780]  }
0x561: {  	v24 =	vld [tilespmem:s24+$0x1A770];
	(xrf1) =	vunique.msk.u32 $0xffff, v0  }
0x562: {  	v25 =	vld [tilespmem:s24+$0x1A760];
	(xrf1) =	vunique.msk.u32 $0xffff, v1;
	_, v9, vm0 =	vpop (xrf1)  }
0x563: {  	v26 =	vld [tilespmem:s24+$0x1A750];
	(xrf1) =	vunique.msk.u32 $0xffff, v2;
	_, v9, vm4 =	vpop (xrf1)  }
0x564: {  	v27 =	vld [tilespmem:s24+$0x1A700];
	(xrf1) =	vunique.msk.u32 $0xffff, v3;
	_, v9, vm8 =	vpop (xrf1)  }
0x565: {  	v28 =	vld [tilespmem:s24+$0x1A710];
	(xrf1) =	vunique.msk.u32 $0xffff, v4;
	_, v9, vm7 =	vpop (xrf1)  }
0x566: {  	v29 =	vld [tilespmem:s24+$0x1A720];
	(xrf1) =	vunique.msk.u32 $0xffff, v5;
	_, v9, vm6 =	vpop (xrf1)  }
0x567: {  	v30 =	vld [tilespmem:s24+$0x1A730];
	(xrf1) =	vunique.msk.u32 $0xffff, v6;
	_, v9, vm5 =	vpop (xrf1)  }
0x568: {  	v31 =	vld [tilespmem:s24+$0x1A740];
	(xrf1) =	vunique.msk.u32 $0xffff, v7;
	_, v9, vm3 =	vpop (xrf1)  }
0x569: {  	v10 =	vld [tilespmem:s24+$0x1A790];
	_, v11, vm2 =	vpop (xrf1)  }
0x56a: {  	v13 =	vld [tilespmem:s24+$0x1A7A0]  }
0x56b: {  	v12 =	vld [tilespmem:s24+$0x1A7D0]  }
0x56c: {  	v14 =	vld [tilespmem:s24+$0x1A7E0]  }
0x56d: {  	v15 =	vld [tilespmem:s24+$0x1A7F0]  }
0x56e: {  	v9 =	vld [tilespmem:s24+$0x1A7B0]  }
0x56f: {  	v11 =	vld [tilespmem:s24+$0x1A7C0];
	_, v32, vm1 =	vpop (xrf1);
	[tilespmem:v23+s2+$0x0] =	vst.idx.msk vm2, v27  }
0x570: {  	_, v23, vm2 =	vpop (xrf1);
	[tilespmem:v22+s2+$0x0] =	vst.idx.msk vm3, v28  }
0x571: {  	_, v22, vm3 =	vpop (xrf1);
	[tilespmem:v21+s2+$0x0] =	vst.idx.msk vm5, v29  }
0x572: {  	_, v21, vm5 =	vpop (xrf1);
	[tilespmem:v20+s2+$0x0] =	vst.idx.msk vm6, v30  }
0x573: {  	_, v20, vm6 =	vpop (xrf1);
	[tilespmem:v19+s2+$0x0] =	vst.idx.msk vm7, v31  }
0x574: {  	_, v19, vm7 =	vpop (xrf1);
	[tilespmem:v18+s2+$0x0] =	vst.idx.msk vm8, v26  }
0x575: {  	_, v63, vm9 =	vpop (xrf1);
	[tilespmem:v17+s2+$0x0] =	vst.idx.msk vm4, v25  }
0x576: {  	s23 =	simm.s32 $0x400;
	_, v17, vm10 =	vpop (xrf1);
	[tilespmem:v16+s2+$0x0] =	vst.idx.msk vm0, v24  }
.LBB2_26:
0x577: {  	p0 =	sne.s32 s23, $0x3C00;
	[tilespmem:v0+s2+$0x0] =	vst.idx.msk vm1, v8;
	s24 =	smov.u32 s23;
	s23 =	sadd.s32 $0x400, s23  }
0x578: {  	[tilespmem:v1+s2+$0x0] =	vst.idx.msk vm2, v10  }
0x579: {  	[tilespmem:v2+s2+$0x0] =	vst.idx.msk vm3, v13  }
0x57a: {  	[tilespmem:v3+s2+$0x0] =	vst.idx.msk vm5, v9  }
0x57b: {  	[tilespmem:v4+s2+$0x0] =	vst.idx.msk vm6, v11  }
0x57c: {  	[tilespmem:v5+s2+$0x0] =	vst.idx.msk vm7, v12  }
0x57d: {  	[tilespmem:v6+s2+$0x0] =	vst.idx.msk vm9, v14  }
0x57e: {  	s24 =	sshra.s32 s24, $0x2;
	[tilespmem:v7+s2+$0x0] =	vst.idx.msk vm10, v15  }
0x57f: {  	v16 =	vld [tilespmem:s24+$0x18770]  }
0x580: {  	v17 =	vld [tilespmem:s24+$0x18760]  }
0x581: {  	v18 =	vld [tilespmem:s24+$0x18750]  }
0x582: {  	v19 =	vld [tilespmem:s24+$0x18740]  }
0x583: {  	v20 =	vld [tilespmem:s24+$0x18730]  }
0x584: {  	v21 =	vld [tilespmem:s24+$0x18720];
	(xrf1) =	vunique.msk.u32 $0xffff, v16  }
0x585: {  	v22 =	vld [tilespmem:s24+$0x18710];
	(xrf1) =	vunique.msk.u32 $0xffff, v17  }
0x586: {  	v23 =	vld [tilespmem:s24+$0x18700];
	(xrf1) =	vunique.msk.u32 $0xffff, v18  }
0x587: {  	v0 =	vld [tilespmem:s24+$0x18780];
	(xrf1) =	vunique.msk.u32 $0xffff, v19  }
0x588: {  	v1 =	vld [tilespmem:s24+$0x18790];
	(xrf1) =	vunique.msk.u32 $0xffff, v20  }
0x589: {  	v2 =	vld [tilespmem:s24+$0x187A0];
	(xrf1) =	vunique.msk.u32 $0xffff, v21  }
0x58a: {  	v3 =	vld [tilespmem:s24+$0x187B0];
	(xrf1) =	vunique.msk.u32 $0xffff, v22  }
0x58b: {  	v4 =	vld [tilespmem:s24+$0x187C0];
	(xrf1) =	vunique.msk.u32 $0xffff, v23  }
0x58c: {  	v5 =	vld [tilespmem:s24+$0x187D0];
	(xrf1) =	vunique.msk.u32 $0xffff, v0  }
0x58d: {  	v6 =	vld [tilespmem:s24+$0x187E0];
	(xrf1) =	vunique.msk.u32 $0xffff, v1  }
0x58e: {  	v7 =	vld [tilespmem:s24+$0x187F0];
	(xrf1) =	vunique.msk.u32 $0xffff, v2  }
0x58f: {  	v8 =	vld [tilespmem:s24+$0x1A780];
	(xrf1) =	vunique.msk.u32 $0xffff, v3  }
0x590: {  	v24 =	vld [tilespmem:s24+$0x1A770];
	(xrf1) =	vunique.msk.u32 $0xffff, v4  }
0x591: {  	v25 =	vld [tilespmem:s24+$0x1A760];
	(xrf1) =	vunique.msk.u32 $0xffff, v5  }
0x592: {  	v26 =	vld [tilespmem:s24+$0x1A750];
	_, v9, vm0 =	vpop (xrf1);
	(xrf1) =	vunique.msk.u32 $0xffff, v6  }
0x593: {  	v27 =	vld [tilespmem:s24+$0x1A700];
	_, v9, vm4 =	vpop (xrf1);
	(xrf1) =	vunique.msk.u32 $0xffff, v7  }
0x594: {  	v28 =	vld [tilespmem:s24+$0x1A710];
	_, v9, vm8 =	vpop (xrf1)  }
0x595: {  	v29 =	vld [tilespmem:s24+$0x1A720];
	_, v9, vm11 =	vpop (xrf1)  }
0x596: {  	v30 =	vld [tilespmem:s24+$0x1A730];
	_, v9, vm12 =	vpop (xrf1)  }
0x597: {  	v31 =	vld [tilespmem:s24+$0x1A740];
	_, v9, vm10 =	vpop (xrf1)  }
0x598: {  	v10 =	vld [tilespmem:s24+$0x1A790];
	_, v9, vm9 =	vpop (xrf1)  }
0x599: {  	v9 =	vld [tilespmem:s24+$0x1A7B0];
	_, v11, vm7 =	vpop (xrf1)  }
0x59a: {  	v13 =	vld [tilespmem:s24+$0x1A7A0];
	_, v11, vm1 =	vpop (xrf1)  }
0x59b: {  	v11 =	vld [tilespmem:s24+$0x1A7C0];
	_, v12, vm2 =	vpop (xrf1)  }
0x59c: {  	v12 =	vld [tilespmem:s24+$0x1A7D0];
	_, v14, vm3 =	vpop (xrf1)  }
0x59d: {  	v14 =	vld [tilespmem:s24+$0x1A7E0];
	_, v15, vm5 =	vpop (xrf1)  }
0x59e: {  	v15 =	vld [tilespmem:s24+$0x1A7F0];
	_, v32, vm6 =	vpop (xrf1)  }
0x59f: {  	[tilespmem:v23+s2+$0x0] =	vst.idx.msk vm7, v27;
	_, v23, vm7 =	vpop (xrf1)  }
0x5a0: {  	[tilespmem:v22+s2+$0x0] =	vst.idx.msk vm9, v28;
	_, v22, vm9 =	vpop (xrf1)  }
0x5a1: {  	[tilespmem:v21+s2+$0x0] =	vst.idx.msk vm10, v29;
	_, v21, vm10 =	vpop (xrf1)  }
.Ltmp12:
0x5a2: {  	[tilespmem:v20+s2+$0x0] =	vst.idx.msk vm12, v30;
	(pc) =	sbr.rel @p0 .LBB2_26-.Ltmp12, $4  }
0x5a3: {  	[tilespmem:v19+s2+$0x0] =	vst.idx.msk vm11, v31  }
0x5a4: {  	[tilespmem:v18+s2+$0x0] =	vst.idx.msk vm8, v26  }
0x5a5: {  	[tilespmem:v17+s2+$0x0] =	vst.idx.msk vm4, v25  }
0x5a6: {  	[tilespmem:v16+s2+$0x0] =	vst.idx.msk vm0, v24  }
0x5a7: {  	_ =	sdelay $0x4  }
0x5a8: {  	[tilespmem:v0+s2+$0x0] =	vst.idx.msk vm1, v8  }
0x5a9: {  	[tilespmem:v1+s2+$0x0] =	vst.idx.msk vm2, v10  }
0x5aa: {  	[tilespmem:v2+s2+$0x0] =	vst.idx.msk vm3, v13  }
0x5ab: {  	[tilespmem:v3+s2+$0x0] =	vst.idx.msk vm5, v9  }
0x5ac: {  	[tilespmem:v4+s2+$0x0] =	vst.idx.msk vm6, v11  }
0x5ad: {  	[tilespmem:v5+s2+$0x0] =	vst.idx.msk vm7, v12  }
0x5ae: {  	[tilespmem:v6+s2+$0x0] =	vst.idx.msk vm9, v14  }
0x5af: {  	[tilespmem:v7+s2+$0x0] =	vst.idx.msk vm10, v15  }
0x5b0: {  	[tilespmem:s14], [sflag:$0x3] =	stream.strided.gather [hbm4b:s30+s12], $0x1000, s13, s12, $0x38;
	[tilespmem:$0x1C700] =	vst v63  }
0x5b1: {  	_ = 	snop  }
0x5b2: {  	[tilespmem:s15], [sflag:$0x3] =	stream.strided.gather [hbm4b:s31+s12], $0x1000, s13, s12, $0x38;
	[tilespmem:$0x1C700] =	vst v63  }
0x5b3: {  	_ =	swait.ge [sflag:s20], $0x1000  }
0x5b4: {  	[sflag:s20] =	ssyncset.done $0x0  }
0x5b5: {  	[sflag:s20] =	ssyncadd.s32 $0xFFFFF000  }
0x5b6: {  	_ =	swait.ge [sflag:s20], $0x1000  }
0x5b7: {  	[sflag:s20] =	ssyncset.done $0x0  }
0x5b8: {  	s23 =	simm.s32 $0x0;
	[sflag:s20] =	ssyncadd.s32 $0xFFFFF000  }
0x5b9: {  	v16 =	vld [tilespmem:s23+$0x19770]  }
0x5ba: {  	v17 =	vld [tilespmem:s23+$0x19760]  }
0x5bb: {  	v18 =	vld [tilespmem:s23+$0x19750]  }
0x5bc: {  	v19 =	vld [tilespmem:s23+$0x19740]  }
0x5bd: {  	v20 =	vld [tilespmem:s23+$0x19730]  }
0x5be: {  	v21 =	vld [tilespmem:s23+$0x19720];
	(xrf1) =	vunique.msk.u32 $0xffff, v16  }
0x5bf: {  	v22 =	vld [tilespmem:s23+$0x19710];
	(xrf1) =	vunique.msk.u32 $0xffff, v17  }
0x5c0: {  	v23 =	vld [tilespmem:s23+$0x19700];
	(xrf1) =	vunique.msk.u32 $0xffff, v18  }
0x5c1: {  	(xrf1) =	vunique.msk.u32 $0xffff, v19  }
0x5c2: {  	v0 =	vld [tilespmem:s23+$0x19780];
	(xrf1) =	vunique.msk.u32 $0xffff, v20  }
0x5c3: {  	v1 =	vld [tilespmem:s23+$0x19790];
	(xrf1) =	vunique.msk.u32 $0xffff, v21  }
0x5c4: {  	v2 =	vld [tilespmem:s23+$0x197A0];
	(xrf1) =	vunique.msk.u32 $0xffff, v22  }
0x5c5: {  	v3 =	vld [tilespmem:s23+$0x197B0];
	(xrf1) =	vunique.msk.u32 $0xffff, v23  }
0x5c6: {  	v4 =	vld [tilespmem:s23+$0x197C0]  }
0x5c7: {  	v5 =	vld [tilespmem:s23+$0x197D0]  }
0x5c8: {  	v6 =	vld [tilespmem:s23+$0x197E0]  }
0x5c9: {  	v7 =	vld [tilespmem:s23+$0x197F0]  }
0x5ca: {  	v8 =	vld [tilespmem:s23+$0x1B780]  }
0x5cb: {  	v24 =	vld [tilespmem:s23+$0x1B770];
	(xrf1) =	vunique.msk.u32 $0xffff, v0  }
0x5cc: {  	v25 =	vld [tilespmem:s23+$0x1B760];
	(xrf1) =	vunique.msk.u32 $0xffff, v1;
	_, v9, vm0 =	vpop (xrf1)  }
0x5cd: {  	v26 =	vld [tilespmem:s23+$0x1B750];
	(xrf1) =	vunique.msk.u32 $0xffff, v2;
	_, v9, vm4 =	vpop (xrf1)  }
0x5ce: {  	v27 =	vld [tilespmem:s23+$0x1B700];
	(xrf1) =	vunique.msk.u32 $0xffff, v3;
	_, v9, vm8 =	vpop (xrf1)  }
0x5cf: {  	v28 =	vld [tilespmem:s23+$0x1B710];
	(xrf1) =	vunique.msk.u32 $0xffff, v4;
	_, v9, vm7 =	vpop (xrf1)  }
0x5d0: {  	v29 =	vld [tilespmem:s23+$0x1B720];
	(xrf1) =	vunique.msk.u32 $0xffff, v5;
	_, v9, vm6 =	vpop (xrf1)  }
0x5d1: {  	v30 =	vld [tilespmem:s23+$0x1B730];
	(xrf1) =	vunique.msk.u32 $0xffff, v6;
	_, v9, vm5 =	vpop (xrf1)  }
0x5d2: {  	v31 =	vld [tilespmem:s23+$0x1B740];
	(xrf1) =	vunique.msk.u32 $0xffff, v7;
	_, v9, vm3 =	vpop (xrf1)  }
0x5d3: {  	v10 =	vld [tilespmem:s23+$0x1B790];
	_, v11, vm2 =	vpop (xrf1)  }
0x5d4: {  	v13 =	vld [tilespmem:s23+$0x1B7A0]  }
0x5d5: {  	v12 =	vld [tilespmem:s23+$0x1B7D0]  }
0x5d6: {  	v14 =	vld [tilespmem:s23+$0x1B7E0]  }
0x5d7: {  	v15 =	vld [tilespmem:s23+$0x1B7F0]  }
0x5d8: {  	v9 =	vld [tilespmem:s23+$0x1B7B0]  }
0x5d9: {  	v11 =	vld [tilespmem:s23+$0x1B7C0];
	_, v32, vm1 =	vpop (xrf1);
	[tilespmem:v23+s2+$0x0] =	vst.idx.msk vm2, v27  }
0x5da: {  	_, v23, vm2 =	vpop (xrf1);
	[tilespmem:v22+s2+$0x0] =	vst.idx.msk vm3, v28  }
0x5db: {  	_, v22, vm3 =	vpop (xrf1);
	[tilespmem:v21+s2+$0x0] =	vst.idx.msk vm5, v29  }
0x5dc: {  	_, v21, vm5 =	vpop (xrf1);
	[tilespmem:v20+s2+$0x0] =	vst.idx.msk vm6, v30  }
0x5dd: {  	_, v20, vm6 =	vpop (xrf1);
	[tilespmem:v19+s2+$0x0] =	vst.idx.msk vm7, v31  }
0x5de: {  	_, v19, vm7 =	vpop (xrf1);
	[tilespmem:v18+s2+$0x0] =	vst.idx.msk vm8, v26  }
0x5df: {  	_, v63, vm9 =	vpop (xrf1);
	[tilespmem:v17+s2+$0x0] =	vst.idx.msk vm4, v25  }
0x5e0: {  	s23 =	simm.s32 $0x400;
	_, v17, vm10 =	vpop (xrf1);
	[tilespmem:v16+s2+$0x0] =	vst.idx.msk vm0, v24  }
.LBB2_28:
0x5e1: {  	p0 =	sne.s32 s23, $0x3C00;
	[tilespmem:v0+s2+$0x0] =	vst.idx.msk vm1, v8;
	s24 =	smov.u32 s23;
	s23 =	sadd.s32 $0x400, s23  }
0x5e2: {  	[tilespmem:v1+s2+$0x0] =	vst.idx.msk vm2, v10  }
0x5e3: {  	[tilespmem:v2+s2+$0x0] =	vst.idx.msk vm3, v13  }
0x5e4: {  	[tilespmem:v3+s2+$0x0] =	vst.idx.msk vm5, v9  }
0x5e5: {  	[tilespmem:v4+s2+$0x0] =	vst.idx.msk vm6, v11  }
0x5e6: {  	[tilespmem:v5+s2+$0x0] =	vst.idx.msk vm7, v12  }
0x5e7: {  	[tilespmem:v6+s2+$0x0] =	vst.idx.msk vm9, v14  }
0x5e8: {  	s24 =	sshra.s32 s24, $0x2;
	[tilespmem:v7+s2+$0x0] =	vst.idx.msk vm10, v15  }
0x5e9: {  	v16 =	vld [tilespmem:s24+$0x19770]  }
0x5ea: {  	v17 =	vld [tilespmem:s24+$0x19760]  }
0x5eb: {  	v18 =	vld [tilespmem:s24+$0x19750]  }
0x5ec: {  	v19 =	vld [tilespmem:s24+$0x19740]  }
0x5ed: {  	v20 =	vld [tilespmem:s24+$0x19730]  }
0x5ee: {  	v21 =	vld [tilespmem:s24+$0x19720];
	(xrf1) =	vunique.msk.u32 $0xffff, v16  }
0x5ef: {  	v22 =	vld [tilespmem:s24+$0x19710];
	(xrf1) =	vunique.msk.u32 $0xffff, v17  }
0x5f0: {  	v23 =	vld [tilespmem:s24+$0x19700];
	(xrf1) =	vunique.msk.u32 $0xffff, v18  }
0x5f1: {  	v0 =	vld [tilespmem:s24+$0x19780];
	(xrf1) =	vunique.msk.u32 $0xffff, v19  }
0x5f2: {  	v1 =	vld [tilespmem:s24+$0x19790];
	(xrf1) =	vunique.msk.u32 $0xffff, v20  }
0x5f3: {  	v2 =	vld [tilespmem:s24+$0x197A0];
	(xrf1) =	vunique.msk.u32 $0xffff, v21  }
0x5f4: {  	v3 =	vld [tilespmem:s24+$0x197B0];
	(xrf1) =	vunique.msk.u32 $0xffff, v22  }
0x5f5: {  	v4 =	vld [tilespmem:s24+$0x197C0];
	(xrf1) =	vunique.msk.u32 $0xffff, v23  }
0x5f6: {  	v5 =	vld [tilespmem:s24+$0x197D0];
	(xrf1) =	vunique.msk.u32 $0xffff, v0  }
0x5f7: {  	v6 =	vld [tilespmem:s24+$0x197E0];
	(xrf1) =	vunique.msk.u32 $0xffff, v1  }
0x5f8: {  	v7 =	vld [tilespmem:s24+$0x197F0];
	(xrf1) =	vunique.msk.u32 $0xffff, v2  }
0x5f9: {  	v8 =	vld [tilespmem:s24+$0x1B780];
	(xrf1) =	vunique.msk.u32 $0xffff, v3  }
0x5fa: {  	v24 =	vld [tilespmem:s24+$0x1B770];
	(xrf1) =	vunique.msk.u32 $0xffff, v4  }
0x5fb: {  	v25 =	vld [tilespmem:s24+$0x1B760];
	(xrf1) =	vunique.msk.u32 $0xffff, v5  }
0x5fc: {  	v26 =	vld [tilespmem:s24+$0x1B750];
	_, v9, vm0 =	vpop (xrf1);
	(xrf1) =	vunique.msk.u32 $0xffff, v6  }
0x5fd: {  	v27 =	vld [tilespmem:s24+$0x1B700];
	_, v9, vm4 =	vpop (xrf1);
	(xrf1) =	vunique.msk.u32 $0xffff, v7  }
0x5fe: {  	v28 =	vld [tilespmem:s24+$0x1B710];
	_, v9, vm8 =	vpop (xrf1)  }
0x5ff: {  	v29 =	vld [tilespmem:s24+$0x1B720];
	_, v9, vm11 =	vpop (xrf1)  }
0x600: {  	v30 =	vld [tilespmem:s24+$0x1B730];
	_, v9, vm12 =	vpop (xrf1)  }
0x601: {  	v31 =	vld [tilespmem:s24+$0x1B740];
	_, v9, vm10 =	vpop (xrf1)  }
0x602: {  	v10 =	vld [tilespmem:s24+$0x1B790];
	_, v9, vm9 =	vpop (xrf1)  }
0x603: {  	v9 =	vld [tilespmem:s24+$0x1B7B0];
	_, v11, vm7 =	vpop (xrf1)  }
0x604: {  	v13 =	vld [tilespmem:s24+$0x1B7A0];
	_, v11, vm1 =	vpop (xrf1)  }
0x605: {  	v11 =	vld [tilespmem:s24+$0x1B7C0];
	_, v12, vm2 =	vpop (xrf1)  }
0x606: {  	v12 =	vld [tilespmem:s24+$0x1B7D0];
	_, v14, vm3 =	vpop (xrf1)  }
0x607: {  	v14 =	vld [tilespmem:s24+$0x1B7E0];
	_, v15, vm5 =	vpop (xrf1)  }
0x608: {  	v15 =	vld [tilespmem:s24+$0x1B7F0];
	_, v32, vm6 =	vpop (xrf1)  }
0x609: {  	[tilespmem:v23+s2+$0x0] =	vst.idx.msk vm7, v27;
	_, v23, vm7 =	vpop (xrf1)  }
0x60a: {  	[tilespmem:v22+s2+$0x0] =	vst.idx.msk vm9, v28;
	_, v22, vm9 =	vpop (xrf1)  }
0x60b: {  	[tilespmem:v21+s2+$0x0] =	vst.idx.msk vm10, v29;
	_, v21, vm10 =	vpop (xrf1)  }
.Ltmp13:
0x60c: {  	[tilespmem:v20+s2+$0x0] =	vst.idx.msk vm12, v30;
	(pc) =	sbr.rel @p0 .LBB2_28-.Ltmp13, $4  }
0x60d: {  	[tilespmem:v19+s2+$0x0] =	vst.idx.msk vm11, v31  }
0x60e: {  	[tilespmem:v18+s2+$0x0] =	vst.idx.msk vm8, v26  }
0x60f: {  	[tilespmem:v17+s2+$0x0] =	vst.idx.msk vm4, v25  }
0x610: {  	[tilespmem:v16+s2+$0x0] =	vst.idx.msk vm0, v24  }
0x611: {  	_ =	sdelay $0x4  }
0x612: {  	[tilespmem:v0+s2+$0x0] =	vst.idx.msk vm1, v8  }
0x613: {  	[tilespmem:v1+s2+$0x0] =	vst.idx.msk vm2, v10  }
0x614: {  	[tilespmem:v2+s2+$0x0] =	vst.idx.msk vm3, v13  }
0x615: {  	[tilespmem:v3+s2+$0x0] =	vst.idx.msk vm5, v9  }
0x616: {  	[tilespmem:v4+s2+$0x0] =	vst.idx.msk vm6, v11  }
0x617: {  	[tilespmem:v5+s2+$0x0] =	vst.idx.msk vm7, v12  }
0x618: {  	[tilespmem:v6+s2+$0x0] =	vst.idx.msk vm9, v14  }
0x619: {  	[tilespmem:v7+s2+$0x0] =	vst.idx.msk vm10, v15  }
0x61a: {  	[tilespmem:s17], [sflag:$0x4] =	stream.strided.gather [hbm4b:s0+s12], $0x1000, s13, s12, $0x38;
	[tilespmem:$0x1C700] =	vst v63  }
0x61b: {  	_ = 	snop  }
0x61c: {  	[tilespmem:s18], [sflag:$0x4] =	stream.strided.gather [hbm4b:s1+s12], $0x1000, s13, s12, $0x38;
	[tilespmem:$0x1C700] =	vst v63  }
0x61d: {  	_ =	swait.ge [sflag:s19], $0x1000  }
0x61e: {  	[sflag:s19] =	ssyncset.done $0x0  }
0x61f: {  	[sflag:s19] =	ssyncadd.s32 $0xFFFFF000  }
0x620: {  	_ =	swait.ge [sflag:s19], $0x1000  }
0x621: {  	[sflag:s19] =	ssyncset.done $0x0  }
0x622: {  	s23 =	simm.s32 $0x0;
	[sflag:s19] =	ssyncadd.s32 $0xFFFFF000  }
0x623: {  	v16 =	vld [tilespmem:s23+$0x18770]  }
0x624: {  	v17 =	vld [tilespmem:s23+$0x18760]  }
0x625: {  	v18 =	vld [tilespmem:s23+$0x18750]  }
0x626: {  	v19 =	vld [tilespmem:s23+$0x18740]  }
0x627: {  	v20 =	vld [tilespmem:s23+$0x18730]  }
0x628: {  	v21 =	vld [tilespmem:s23+$0x18720];
	(xrf1) =	vunique.msk.u32 $0xffff, v16  }
0x629: {  	v22 =	vld [tilespmem:s23+$0x18710];
	(xrf1) =	vunique.msk.u32 $0xffff, v17  }
0x62a: {  	v23 =	vld [tilespmem:s23+$0x18700];
	(xrf1) =	vunique.msk.u32 $0xffff, v18  }
0x62b: {  	(xrf1) =	vunique.msk.u32 $0xffff, v19  }
0x62c: {  	v0 =	vld [tilespmem:s23+$0x18780];
	(xrf1) =	vunique.msk.u32 $0xffff, v20  }
0x62d: {  	v1 =	vld [tilespmem:s23+$0x18790];
	(xrf1) =	vunique.msk.u32 $0xffff, v21  }
0x62e: {  	v2 =	vld [tilespmem:s23+$0x187A0];
	(xrf1) =	vunique.msk.u32 $0xffff, v22  }
0x62f: {  	v3 =	vld [tilespmem:s23+$0x187B0];
	(xrf1) =	vunique.msk.u32 $0xffff, v23  }
0x630: {  	v4 =	vld [tilespmem:s23+$0x187C0]  }
0x631: {  	v5 =	vld [tilespmem:s23+$0x187D0]  }
0x632: {  	v6 =	vld [tilespmem:s23+$0x187E0]  }
0x633: {  	v7 =	vld [tilespmem:s23+$0x187F0]  }
0x634: {  	v8 =	vld [tilespmem:s23+$0x1A780]  }
0x635: {  	v24 =	vld [tilespmem:s23+$0x1A770];
	(xrf1) =	vunique.msk.u32 $0xffff, v0  }
0x636: {  	v25 =	vld [tilespmem:s23+$0x1A760];
	(xrf1) =	vunique.msk.u32 $0xffff, v1;
	_, v9, vm0 =	vpop (xrf1)  }
0x637: {  	v26 =	vld [tilespmem:s23+$0x1A750];
	(xrf1) =	vunique.msk.u32 $0xffff, v2;
	_, v9, vm4 =	vpop (xrf1)  }
0x638: {  	v27 =	vld [tilespmem:s23+$0x1A700];
	(xrf1) =	vunique.msk.u32 $0xffff, v3;
	_, v9, vm8 =	vpop (xrf1)  }
0x639: {  	v28 =	vld [tilespmem:s23+$0x1A710];
	(xrf1) =	vunique.msk.u32 $0xffff, v4;
	_, v9, vm7 =	vpop (xrf1)  }
0x63a: {  	v29 =	vld [tilespmem:s23+$0x1A720];
	(xrf1) =	vunique.msk.u32 $0xffff, v5;
	_, v9, vm6 =	vpop (xrf1)  }
0x63b: {  	v30 =	vld [tilespmem:s23+$0x1A730];
	(xrf1) =	vunique.msk.u32 $0xffff, v6;
	_, v9, vm5 =	vpop (xrf1)  }
0x63c: {  	v31 =	vld [tilespmem:s23+$0x1A740];
	(xrf1) =	vunique.msk.u32 $0xffff, v7;
	_, v9, vm3 =	vpop (xrf1)  }
0x63d: {  	v10 =	vld [tilespmem:s23+$0x1A790];
	_, v11, vm2 =	vpop (xrf1)  }
0x63e: {  	v13 =	vld [tilespmem:s23+$0x1A7A0]  }
0x63f: {  	v12 =	vld [tilespmem:s23+$0x1A7D0]  }
0x640: {  	v14 =	vld [tilespmem:s23+$0x1A7E0]  }
0x641: {  	v15 =	vld [tilespmem:s23+$0x1A7F0]  }
0x642: {  	v9 =	vld [tilespmem:s23+$0x1A7B0]  }
0x643: {  	v11 =	vld [tilespmem:s23+$0x1A7C0];
	_, v32, vm1 =	vpop (xrf1);
	[tilespmem:v23+s2+$0x0] =	vst.idx.msk vm2, v27  }
0x644: {  	_, v23, vm2 =	vpop (xrf1);
	[tilespmem:v22+s2+$0x0] =	vst.idx.msk vm3, v28  }
0x645: {  	_, v22, vm3 =	vpop (xrf1);
	[tilespmem:v21+s2+$0x0] =	vst.idx.msk vm5, v29  }
0x646: {  	_, v21, vm5 =	vpop (xrf1);
	[tilespmem:v20+s2+$0x0] =	vst.idx.msk vm6, v30  }
0x647: {  	_, v20, vm6 =	vpop (xrf1);
	[tilespmem:v19+s2+$0x0] =	vst.idx.msk vm7, v31  }
0x648: {  	_, v19, vm7 =	vpop (xrf1);
	[tilespmem:v18+s2+$0x0] =	vst.idx.msk vm8, v26  }
0x649: {  	_, v63, vm9 =	vpop (xrf1);
	[tilespmem:v17+s2+$0x0] =	vst.idx.msk vm4, v25  }
0x64a: {  	s23 =	simm.s32 $0x400;
	_, v17, vm10 =	vpop (xrf1);
	[tilespmem:v16+s2+$0x0] =	vst.idx.msk vm0, v24  }
.LBB2_30:
0x64b: {  	p0 =	sne.s32 s23, $0x3C00;
	[tilespmem:v0+s2+$0x0] =	vst.idx.msk vm1, v8;
	s24 =	smov.u32 s23;
	s23 =	sadd.s32 $0x400, s23  }
0x64c: {  	[tilespmem:v1+s2+$0x0] =	vst.idx.msk vm2, v10  }
0x64d: {  	[tilespmem:v2+s2+$0x0] =	vst.idx.msk vm3, v13  }
0x64e: {  	[tilespmem:v3+s2+$0x0] =	vst.idx.msk vm5, v9  }
0x64f: {  	[tilespmem:v4+s2+$0x0] =	vst.idx.msk vm6, v11  }
0x650: {  	[tilespmem:v5+s2+$0x0] =	vst.idx.msk vm7, v12  }
0x651: {  	[tilespmem:v6+s2+$0x0] =	vst.idx.msk vm9, v14  }
0x652: {  	s24 =	sshra.s32 s24, $0x2;
	[tilespmem:v7+s2+$0x0] =	vst.idx.msk vm10, v15  }
0x653: {  	v16 =	vld [tilespmem:s24+$0x18770]  }
0x654: {  	v17 =	vld [tilespmem:s24+$0x18760]  }
0x655: {  	v18 =	vld [tilespmem:s24+$0x18750]  }
0x656: {  	v19 =	vld [tilespmem:s24+$0x18740]  }
0x657: {  	v20 =	vld [tilespmem:s24+$0x18730]  }
0x658: {  	v21 =	vld [tilespmem:s24+$0x18720];
	(xrf1) =	vunique.msk.u32 $0xffff, v16  }
0x659: {  	v22 =	vld [tilespmem:s24+$0x18710];
	(xrf1) =	vunique.msk.u32 $0xffff, v17  }
0x65a: {  	v23 =	vld [tilespmem:s24+$0x18700];
	(xrf1) =	vunique.msk.u32 $0xffff, v18  }
0x65b: {  	v0 =	vld [tilespmem:s24+$0x18780];
	(xrf1) =	vunique.msk.u32 $0xffff, v19  }
0x65c: {  	v1 =	vld [tilespmem:s24+$0x18790];
	(xrf1) =	vunique.msk.u32 $0xffff, v20  }
0x65d: {  	v2 =	vld [tilespmem:s24+$0x187A0];
	(xrf1) =	vunique.msk.u32 $0xffff, v21  }
0x65e: {  	v3 =	vld [tilespmem:s24+$0x187B0];
	(xrf1) =	vunique.msk.u32 $0xffff, v22  }
0x65f: {  	v4 =	vld [tilespmem:s24+$0x187C0];
	(xrf1) =	vunique.msk.u32 $0xffff, v23  }
0x660: {  	v5 =	vld [tilespmem:s24+$0x187D0];
	(xrf1) =	vunique.msk.u32 $0xffff, v0  }
0x661: {  	v6 =	vld [tilespmem:s24+$0x187E0];
	(xrf1) =	vunique.msk.u32 $0xffff, v1  }
0x662: {  	v7 =	vld [tilespmem:s24+$0x187F0];
	(xrf1) =	vunique.msk.u32 $0xffff, v2  }
0x663: {  	v8 =	vld [tilespmem:s24+$0x1A780];
	(xrf1) =	vunique.msk.u32 $0xffff, v3  }
0x664: {  	v24 =	vld [tilespmem:s24+$0x1A770];
	(xrf1) =	vunique.msk.u32 $0xffff, v4  }
0x665: {  	v25 =	vld [tilespmem:s24+$0x1A760];
	(xrf1) =	vunique.msk.u32 $0xffff, v5  }
0x666: {  	v26 =	vld [tilespmem:s24+$0x1A750];
	_, v9, vm0 =	vpop (xrf1);
	(xrf1) =	vunique.msk.u32 $0xffff, v6  }
0x667: {  	v27 =	vld [tilespmem:s24+$0x1A700];
	_, v9, vm4 =	vpop (xrf1);
	(xrf1) =	vunique.msk.u32 $0xffff, v7  }
0x668: {  	v28 =	vld [tilespmem:s24+$0x1A710];
	_, v9, vm8 =	vpop (xrf1)  }
0x669: {  	v29 =	vld [tilespmem:s24+$0x1A720];
	_, v9, vm11 =	vpop (xrf1)  }
0x66a: {  	v30 =	vld [tilespmem:s24+$0x1A730];
	_, v9, vm12 =	vpop (xrf1)  }
0x66b: {  	v31 =	vld [tilespmem:s24+$0x1A740];
	_, v9, vm10 =	vpop (xrf1)  }
0x66c: {  	v10 =	vld [tilespmem:s24+$0x1A790];
	_, v9, vm9 =	vpop (xrf1)  }
0x66d: {  	v9 =	vld [tilespmem:s24+$0x1A7B0];
	_, v11, vm7 =	vpop (xrf1)  }
0x66e: {  	v13 =	vld [tilespmem:s24+$0x1A7A0];
	_, v11, vm1 =	vpop (xrf1)  }
0x66f: {  	v11 =	vld [tilespmem:s24+$0x1A7C0];
	_, v12, vm2 =	vpop (xrf1)  }
0x670: {  	v12 =	vld [tilespmem:s24+$0x1A7D0];
	_, v14, vm3 =	vpop (xrf1)  }
0x671: {  	v14 =	vld [tilespmem:s24+$0x1A7E0];
	_, v15, vm5 =	vpop (xrf1)  }
0x672: {  	v15 =	vld [tilespmem:s24+$0x1A7F0];
	_, v32, vm6 =	vpop (xrf1)  }
0x673: {  	[tilespmem:v23+s2+$0x0] =	vst.idx.msk vm7, v27;
	_, v23, vm7 =	vpop (xrf1)  }
0x674: {  	[tilespmem:v22+s2+$0x0] =	vst.idx.msk vm9, v28;
	_, v22, vm9 =	vpop (xrf1)  }
0x675: {  	[tilespmem:v21+s2+$0x0] =	vst.idx.msk vm10, v29;
	_, v21, vm10 =	vpop (xrf1)  }
.Ltmp14:
0x676: {  	[tilespmem:v20+s2+$0x0] =	vst.idx.msk vm12, v30;
	(pc) =	sbr.rel @p0 .LBB2_30-.Ltmp14, $4  }
0x677: {  	[tilespmem:v19+s2+$0x0] =	vst.idx.msk vm11, v31  }
0x678: {  	[tilespmem:v18+s2+$0x0] =	vst.idx.msk vm8, v26  }
0x679: {  	[tilespmem:v17+s2+$0x0] =	vst.idx.msk vm4, v25  }
0x67a: {  	[tilespmem:v16+s2+$0x0] =	vst.idx.msk vm0, v24  }
0x67b: {  	_ =	sdelay $0x4  }
0x67c: {  	[tilespmem:v0+s2+$0x0] =	vst.idx.msk vm1, v8  }
0x67d: {  	[tilespmem:v1+s2+$0x0] =	vst.idx.msk vm2, v10  }
0x67e: {  	[tilespmem:v2+s2+$0x0] =	vst.idx.msk vm3, v13  }
0x67f: {  	[tilespmem:v3+s2+$0x0] =	vst.idx.msk vm5, v9  }
0x680: {  	[tilespmem:v4+s2+$0x0] =	vst.idx.msk vm6, v11  }
0x681: {  	[tilespmem:v5+s2+$0x0] =	vst.idx.msk vm7, v12  }
0x682: {  	[tilespmem:v6+s2+$0x0] =	vst.idx.msk vm9, v14  }
0x683: {  	[tilespmem:v7+s2+$0x0] =	vst.idx.msk vm10, v15  }
0x684: {  	_ =	swait.ge [sflag:s20], $0x1000  }
0x685: {  	[sflag:s20] =	ssyncset.done $0x0  }
0x686: {  	[sflag:s20] =	ssyncadd.s32 $0xFFFFF000  }
0x687: {  	_ =	swait.ge [sflag:s20], $0x1000  }
0x688: {  	[sflag:s20] =	ssyncset.done $0x0  }
0x689: {  	s23 =	simm.s32 $0x0;
	[sflag:s20] =	ssyncadd.s32 $0xFFFFF000  }
0x68a: {  	v16 =	vld [tilespmem:s23+$0x19770]  }
0x68b: {  	v17 =	vld [tilespmem:s23+$0x19760]  }
0x68c: {  	v18 =	vld [tilespmem:s23+$0x19750]  }
0x68d: {  	v19 =	vld [tilespmem:s23+$0x19740]  }
0x68e: {  	v20 =	vld [tilespmem:s23+$0x19730]  }
0x68f: {  	v21 =	vld [tilespmem:s23+$0x19720];
	(xrf1) =	vunique.msk.u32 $0xffff, v16  }
0x690: {  	v22 =	vld [tilespmem:s23+$0x19710];
	(xrf1) =	vunique.msk.u32 $0xffff, v17  }
0x691: {  	v23 =	vld [tilespmem:s23+$0x19700];
	(xrf1) =	vunique.msk.u32 $0xffff, v18  }
0x692: {  	(xrf1) =	vunique.msk.u32 $0xffff, v19  }
0x693: {  	v0 =	vld [tilespmem:s23+$0x19780];
	(xrf1) =	vunique.msk.u32 $0xffff, v20  }
0x694: {  	v1 =	vld [tilespmem:s23+$0x19790];
	(xrf1) =	vunique.msk.u32 $0xffff, v21  }
0x695: {  	v2 =	vld [tilespmem:s23+$0x197A0];
	(xrf1) =	vunique.msk.u32 $0xffff, v22  }
0x696: {  	v3 =	vld [tilespmem:s23+$0x197B0];
	(xrf1) =	vunique.msk.u32 $0xffff, v23  }
0x697: {  	v4 =	vld [tilespmem:s23+$0x197C0]  }
0x698: {  	v5 =	vld [tilespmem:s23+$0x197D0]  }
0x699: {  	v6 =	vld [tilespmem:s23+$0x197E0]  }
0x69a: {  	v7 =	vld [tilespmem:s23+$0x197F0]  }
0x69b: {  	v8 =	vld [tilespmem:s23+$0x1B780]  }
0x69c: {  	v24 =	vld [tilespmem:s23+$0x1B770];
	(xrf1) =	vunique.msk.u32 $0xffff, v0  }
0x69d: {  	v25 =	vld [tilespmem:s23+$0x1B760];
	(xrf1) =	vunique.msk.u32 $0xffff, v1;
	_, v9, vm0 =	vpop (xrf1)  }
0x69e: {  	v26 =	vld [tilespmem:s23+$0x1B750];
	(xrf1) =	vunique.msk.u32 $0xffff, v2;
	_, v9, vm4 =	vpop (xrf1)  }
0x69f: {  	v27 =	vld [tilespmem:s23+$0x1B700];
	(xrf1) =	vunique.msk.u32 $0xffff, v3;
	_, v9, vm8 =	vpop (xrf1)  }
0x6a0: {  	v28 =	vld [tilespmem:s23+$0x1B710];
	(xrf1) =	vunique.msk.u32 $0xffff, v4;
	_, v9, vm7 =	vpop (xrf1)  }
0x6a1: {  	v29 =	vld [tilespmem:s23+$0x1B720];
	(xrf1) =	vunique.msk.u32 $0xffff, v5;
	_, v9, vm6 =	vpop (xrf1)  }
0x6a2: {  	v30 =	vld [tilespmem:s23+$0x1B730];
	(xrf1) =	vunique.msk.u32 $0xffff, v6;
	_, v9, vm5 =	vpop (xrf1)  }
0x6a3: {  	v31 =	vld [tilespmem:s23+$0x1B740];
	(xrf1) =	vunique.msk.u32 $0xffff, v7;
	_, v9, vm3 =	vpop (xrf1)  }
0x6a4: {  	v10 =	vld [tilespmem:s23+$0x1B790];
	_, v11, vm2 =	vpop (xrf1)  }
0x6a5: {  	v13 =	vld [tilespmem:s23+$0x1B7A0]  }
0x6a6: {  	v12 =	vld [tilespmem:s23+$0x1B7D0]  }
0x6a7: {  	v14 =	vld [tilespmem:s23+$0x1B7E0]  }
0x6a8: {  	v15 =	vld [tilespmem:s23+$0x1B7F0]  }
0x6a9: {  	v9 =	vld [tilespmem:s23+$0x1B7B0]  }
0x6aa: {  	v11 =	vld [tilespmem:s23+$0x1B7C0];
	_, v32, vm1 =	vpop (xrf1);
	[tilespmem:v23+s2+$0x0] =	vst.idx.msk vm2, v27  }
0x6ab: {  	_, v23, vm2 =	vpop (xrf1);
	[tilespmem:v22+s2+$0x0] =	vst.idx.msk vm3, v28  }
0x6ac: {  	_, v22, vm3 =	vpop (xrf1);
	[tilespmem:v21+s2+$0x0] =	vst.idx.msk vm5, v29  }
0x6ad: {  	_, v21, vm5 =	vpop (xrf1);
	[tilespmem:v20+s2+$0x0] =	vst.idx.msk vm6, v30  }
0x6ae: {  	_, v20, vm6 =	vpop (xrf1);
	[tilespmem:v19+s2+$0x0] =	vst.idx.msk vm7, v31  }
0x6af: {  	_, v19, vm7 =	vpop (xrf1);
	[tilespmem:v18+s2+$0x0] =	vst.idx.msk vm8, v26  }
0x6b0: {  	_, v63, vm9 =	vpop (xrf1);
	[tilespmem:v17+s2+$0x0] =	vst.idx.msk vm4, v25  }
0x6b1: {  	s23 =	simm.s32 $0x400;
	_, v17, vm10 =	vpop (xrf1);
	[tilespmem:v16+s2+$0x0] =	vst.idx.msk vm0, v24  }
.LBB2_32:
0x6b2: {  	p0 =	sne.s32 s23, $0x3C00;
	[tilespmem:v0+s2+$0x0] =	vst.idx.msk vm1, v8;
	s24 =	smov.u32 s23;
	s23 =	sadd.s32 $0x400, s23  }
0x6b3: {  	[tilespmem:v1+s2+$0x0] =	vst.idx.msk vm2, v10  }
0x6b4: {  	[tilespmem:v2+s2+$0x0] =	vst.idx.msk vm3, v13  }
0x6b5: {  	[tilespmem:v3+s2+$0x0] =	vst.idx.msk vm5, v9  }
0x6b6: {  	[tilespmem:v4+s2+$0x0] =	vst.idx.msk vm6, v11  }
0x6b7: {  	[tilespmem:v5+s2+$0x0] =	vst.idx.msk vm7, v12  }
0x6b8: {  	[tilespmem:v6+s2+$0x0] =	vst.idx.msk vm9, v14  }
0x6b9: {  	s24 =	sshra.s32 s24, $0x2;
	[tilespmem:v7+s2+$0x0] =	vst.idx.msk vm10, v15  }
0x6ba: {  	v16 =	vld [tilespmem:s24+$0x19770]  }
0x6bb: {  	v17 =	vld [tilespmem:s24+$0x19760]  }
0x6bc: {  	v18 =	vld [tilespmem:s24+$0x19750]  }
0x6bd: {  	v19 =	vld [tilespmem:s24+$0x19740]  }
0x6be: {  	v20 =	vld [tilespmem:s24+$0x19730]  }
0x6bf: {  	v21 =	vld [tilespmem:s24+$0x19720];
	(xrf1) =	vunique.msk.u32 $0xffff, v16  }
0x6c0: {  	v22 =	vld [tilespmem:s24+$0x19710];
	(xrf1) =	vunique.msk.u32 $0xffff, v17  }
0x6c1: {  	v23 =	vld [tilespmem:s24+$0x19700];
	(xrf1) =	vunique.msk.u32 $0xffff, v18  }
0x6c2: {  	v0 =	vld [tilespmem:s24+$0x19780];
	(xrf1) =	vunique.msk.u32 $0xffff, v19  }
0x6c3: {  	v1 =	vld [tilespmem:s24+$0x19790];
	(xrf1) =	vunique.msk.u32 $0xffff, v20  }
0x6c4: {  	v2 =	vld [tilespmem:s24+$0x197A0];
	(xrf1) =	vunique.msk.u32 $0xffff, v21  }
0x6c5: {  	v3 =	vld [tilespmem:s24+$0x197B0];
	(xrf1) =	vunique.msk.u32 $0xffff, v22  }
0x6c6: {  	v4 =	vld [tilespmem:s24+$0x197C0];
	(xrf1) =	vunique.msk.u32 $0xffff, v23  }
0x6c7: {  	v5 =	vld [tilespmem:s24+$0x197D0];
	(xrf1) =	vunique.msk.u32 $0xffff, v0  }
0x6c8: {  	v6 =	vld [tilespmem:s24+$0x197E0];
	(xrf1) =	vunique.msk.u32 $0xffff, v1  }
0x6c9: {  	v7 =	vld [tilespmem:s24+$0x197F0];
	(xrf1) =	vunique.msk.u32 $0xffff, v2  }
0x6ca: {  	v8 =	vld [tilespmem:s24+$0x1B780];
	(xrf1) =	vunique.msk.u32 $0xffff, v3  }
0x6cb: {  	v24 =	vld [tilespmem:s24+$0x1B770];
	(xrf1) =	vunique.msk.u32 $0xffff, v4  }
0x6cc: {  	v25 =	vld [tilespmem:s24+$0x1B760];
	(xrf1) =	vunique.msk.u32 $0xffff, v5  }
0x6cd: {  	v26 =	vld [tilespmem:s24+$0x1B750];
	_, v9, vm0 =	vpop (xrf1);
	(xrf1) =	vunique.msk.u32 $0xffff, v6  }
0x6ce: {  	v27 =	vld [tilespmem:s24+$0x1B700];
	_, v9, vm4 =	vpop (xrf1);
	(xrf1) =	vunique.msk.u32 $0xffff, v7  }
0x6cf: {  	v28 =	vld [tilespmem:s24+$0x1B710];
	_, v9, vm8 =	vpop (xrf1)  }
0x6d0: {  	v29 =	vld [tilespmem:s24+$0x1B720];
	_, v9, vm11 =	vpop (xrf1)  }
0x6d1: {  	v30 =	vld [tilespmem:s24+$0x1B730];
	_, v9, vm12 =	vpop (xrf1)  }
0x6d2: {  	v31 =	vld [tilespmem:s24+$0x1B740];
	_, v9, vm10 =	vpop (xrf1)  }
0x6d3: {  	v10 =	vld [tilespmem:s24+$0x1B790];
	_, v9, vm9 =	vpop (xrf1)  }
0x6d4: {  	v9 =	vld [tilespmem:s24+$0x1B7B0];
	_, v11, vm7 =	vpop (xrf1)  }
0x6d5: {  	v13 =	vld [tilespmem:s24+$0x1B7A0];
	_, v11, vm1 =	vpop (xrf1)  }
0x6d6: {  	v11 =	vld [tilespmem:s24+$0x1B7C0];
	_, v12, vm2 =	vpop (xrf1)  }
0x6d7: {  	v12 =	vld [tilespmem:s24+$0x1B7D0];
	_, v14, vm3 =	vpop (xrf1)  }
0x6d8: {  	v14 =	vld [tilespmem:s24+$0x1B7E0];
	_, v15, vm5 =	vpop (xrf1)  }
0x6d9: {  	v15 =	vld [tilespmem:s24+$0x1B7F0];
	_, v32, vm6 =	vpop (xrf1)  }
0x6da: {  	[tilespmem:v23+s2+$0x0] =	vst.idx.msk vm7, v27;
	_, v23, vm7 =	vpop (xrf1)  }
0x6db: {  	[tilespmem:v22+s2+$0x0] =	vst.idx.msk vm9, v28;
	_, v22, vm9 =	vpop (xrf1)  }
0x6dc: {  	[tilespmem:v21+s2+$0x0] =	vst.idx.msk vm10, v29;
	_, v21, vm10 =	vpop (xrf1)  }
.Ltmp15:
0x6dd: {  	[tilespmem:v20+s2+$0x0] =	vst.idx.msk vm12, v30;
	(pc) =	sbr.rel @p0 .LBB2_32-.Ltmp15, $4  }
0x6de: {  	[tilespmem:v19+s2+$0x0] =	vst.idx.msk vm11, v31  }
0x6df: {  	[tilespmem:v18+s2+$0x0] =	vst.idx.msk vm8, v26  }
0x6e0: {  	[tilespmem:v17+s2+$0x0] =	vst.idx.msk vm4, v25  }
0x6e1: {  	[tilespmem:v16+s2+$0x0] =	vst.idx.msk vm0, v24  }
0x6e2: {  	_ =	sdelay $0x4  }
0x6e3: {  	[tilespmem:v0+s2+$0x0] =	vst.idx.msk vm1, v8  }
0x6e4: {  	[tilespmem:v1+s2+$0x0] =	vst.idx.msk vm2, v10  }
0x6e5: {  	[tilespmem:v2+s2+$0x0] =	vst.idx.msk vm3, v13  }
0x6e6: {  	[tilespmem:v3+s2+$0x0] =	vst.idx.msk vm5, v9  }
0x6e7: {  	[tilespmem:v4+s2+$0x0] =	vst.idx.msk vm6, v11  }
0x6e8: {  	s22 =	sadd.s32 $0x1, s22;
	[tilespmem:v5+s2+$0x0] =	vst.idx.msk vm7, v12  }
0x6e9: {  	p0 =	sne.s32 s22, s11;
	[tilespmem:v6+s2+$0x0] =	vst.idx.msk vm9, v14  }
.Ltmp16:
0x6ea: {  	[tilespmem:v7+s2+$0x0] =	vst.idx.msk vm10, v15;
	(pc) =	sbr.rel @p0 .LBB2_1-.Ltmp16, $4  }
0x6eb: {  	[hbm4b:s10+s12] =	stream.strided.scatter [tilespmem:s2], [sflag:$0x2], $0x18700, s13, s12, $0x38;
	[tilespmem:$0x1C700] =	vst v63  }
0x6ec: {  	_ =	swait.ge [sflag:s21], $0x18700  }
0x6ed: {  	[sflag:s21] =	ssyncset.done $0x0  }
0x6ee: {  	[sflag:s21] =	ssyncadd.s32 $0xFFFE7900  }
0x6ef: {  	_ =	sfence.sel $0x180000  }
0x6f0: {  	[bflag:$0x0] =	sbarrier.arrive $0xFFFF  }
0x6f1: {  	_ =	strace $0x90000047  }
0x6f2: {  	s0 =	stileid.u32;
	[bflag:$0x2] =	sbarrier.arrive $0xFFFF  }
0x6f3: {  	p0 =	sne.s32 s0, $0x0;
	s0 =	rddreg [dreg:$0x2]  }
0x6f4: {  	s0 =	sadd.s32 @!p0 $0x100000, s0  }
0x6f5: {  	[sflag:s0] =	ssyncadd.tile.s32 @!p0 $0x1;
	_ =	shalt  }
.Lfunc_end2:
_tile_overlayer_lowered:
.L_overlay_start_2:
0x6f6: {  	(tag) =	ssettag $0x2  }
0x6f7: {  	s0 =	rddreg [dreg:$0x0];
	s2 =	stileid.u32  }
0x6f8: {  	s1 =	rddreg [dreg:$0x1];
	p0 =	sne.s32 s2, $0x0  }
0x6f9: {  	s3 =	rddreg [dreg:$0x2];
	[bflag:$0x3] =	sbarrier.arrive $0xFFFF;
	s2 =	simm.s32 @!p0 $0x1C05  }
0x6fa: {  	[timem:s3], [sflag:s2] =	dma.local @!p0 [hbm:s0], s1  }
0x6fb: {  	s0 =	simm.s32 @!p0 $0x5  }
0x6fc: {  	_ =	swait.ge @!p0 [sflag:s0], s1  }
0x6fd: {  	s1 =	ssub.s32 @!p0 $0x0, s1;
	[sflag:s0] =	ssyncset.done @!p0 $0x0  }
0x6fe: {  	[sflag:s0] =	ssyncadd.s32 @!p0 s1  }
0x6ff: {  	[bflag:$0x3] =	sbarrier.arrive $0xFFFF  }
0x700: {  	_ =	shalt  }

// kernel: sparse-core-data-format-call.cloned.1.call-start
scs
called_computation_lowered:
.L_overlay_start_0:
0x0: {  	s2 =	sld [smem:$0x3FD9]  }
0x1: {  	s3 =	sld [smem:$0x3FFE];
	_ =	sdelay $0x1  }
0x2: {  	s1 =	srdreg.scid  }
0x3: {  	s0 =	sand.u32 $0x1, s1  }
0x4: {  	s18 =	sshll.u32 s0, $0xA;
	s2 =	sadd.s32 s3, s2  }
0x5: {  	s2 =	sadd.s32 s2, s18  }
0x6: {  	[smem:$0x3FC4] =	sst s2  }
0x7: {  	_ = 	snop  }
0x8: {  	s2 =	sld [smem:$0x3FD0];
	(tm) =	ssettm $0x1  }
0x9: {  	s19 =	sld [smem:$0x3FFB];
	_ =	sdelay $0x3  }
0xa: {  	_ =	strace s19  }
0xb: {  	s3 =	sld [smem:$0x3FFC];
	_ =	sdelay $0x3  }
0xc: {  	_ =	strace s3  }
0xd: {  	s3 =	sld [smem:$0x3FFD];
	_ =	sdelay $0x3  }
0xe: {  	_ =	strace s3  }
0xf: {  	_ =	strace $0x8FFFFFFF  }
0x10: {  	s20 =	sld [smem:$0x3FDB];
	_ =	sdelay $0x1  }
0x11: {  	s4 =	simm.s32 $_scs_section_size  }
0x12: {  	s5 =	simm.s32 $_size__tile_overlayer_lowered;
	s6 =	simm.s32 $_tile_overlayer_lowered  }
0x13: {  	s23 =	simm.s32 $0x1BFF;
	s22 =	sshll.u32 s6, $0x1;
	s3 =	sadd.s32 s4, s20  }
0x14: {  	s7 =	simm.s32 $0x0;
	s21 =	sshll.u32 s5, $0x1;
	s5 =	sadd.s32 s22, s3  }
0x15: {  	[timem:s7], [sflag:s23] =	dma.local [hbm:s5], s21  }
0x16: {  	_ =	swait.ge [sflag:s23], s21  }
0x17: {  	s4 =	ssub.s32 $0x0, s21;
	[sflag:s23] =	ssyncset.done $0x0  }
0x18: {  	[sflag:s23] =	ssyncadd.s32 s4;
	_ =	sdelay $0x1  }
0x19: {  	s24 =	simm.s32 $0x1B8B  }
0x1a: {  	_ =	swait.ge [sflag:s24], $0x1  }
0x1b: {  	[sflag:s24] =	ssyncset.done $0x0  }
0x1c: {  	s26 =	simm.s32 $0x1B8E;
	s25 =	sld [smem:$0x3FFE];
	[sflag:s24] =	ssyncadd.s32 $0xFFFFFFFF  }
0x1d: {  	s27 =	simm.s32 $execute0_lowered;
	[smem:$0x3FD2] =	sst s26  }
0x1e: {  	s5 =	sshll.u32 s27, $0x1;
	_ =	strace $0x80000049;
	[dreg:$0x1] =	wrdreg $0xFFFFFFFF  }
0x1f: {  	s28 =	simm.s32 $_size_execute0_lowered;
	s3 =	sadd.s32 s3, s5;
	[dreg:$0x0] =	wrdreg $0x0  }
0x20: {  	s5 =	sshll.u32 s28, $0x1;
	[dreg:$0x2] =	wrdreg s3  }
0x21: {  	[dreg:$0x3] =	wrdreg s5  }
0x22: {  	[dreg:$0x4] =	wrdreg $0xC0  }
0x23: {  	_ =	task [dreg:s7], $0x5FFFF  }
0x24: {  	[dreg:$0x1] =	wrdreg $0xFFFFFFFF  }
0x25: {  	[dreg:$0x0] =	wrdreg $0x60  }
0x26: {  	[dreg:$0x2] =	wrdreg s25  }
0x27: {  	[dreg:$0x3] =	wrdreg s2  }
0x28: {  	[dreg:$0x4] =	wrdreg $0x9  }
0x29: {  	_ =	task.clear_ibuf [dreg:s7], $0x5FFFF;
	_ =	strace $0x90000049  }
0x2a: {  	s29 =	simm.s32 $0x9;
	_ =	strace $0x8000004B  }
0x2b: {  	_ =	swait.ge [sflag:s29], $0x1  }
0x2c: {  	[sflag:s29] =	ssyncadd.s32 $0xFFFFFFFF  }
0x2d: {  	_ =	strace $0x9000004B  }
0x2e: {  	_ =	sfence  }
0x2f: {  	s30 =	sld [smem:$0x0];
	_ =	sdelay $0x2  }
0x30: {  	s31 =	sshll.u32 s1, $0xD;
	s1 =	sshrl.u32 s1, $0x2  }
0x31: {  	s3 =	sand.u32 $0x4000, s31;
	s1 =	sadd.s32 s1, s30  }
0x32: {  	s0 =	sor.u32 s3, s0;
	s1 =	sshll.u32 s1, $0x11  }
0x33: {  	s0 =	sor.u32 s1, s0  }
0x34: {  	s0 =	sadd.s32 $0x8F2B, s0  }
0x35: {  	[sflag:s0] =	ssyncadd.remote.s32 $0x1  }
0x36: {  	_ =	sfence.sel $0xFFFF  }
0x37: {  	[dreg:$0x0] =	wrdreg $0xFFFFFFFF;
	(pc) =	sbr.abs _section_cstart, $3  }
0x38: {  	[dreg:$0x1] =	wrdreg $0xFFFFFFFF  }
0x39: {  	_ =	task.clear_ibuf [dreg:s7], $0x2FFFF;
	_ =	strace $0x9FFFFFFF  }
0x3a: {  	(tm) =	ssettm $0x7FFFFFFF  }
0x3b: {  	_ =	shalt  }
tec
execute0_lowered:
.L_overlay_start_1:
0x0: {  	(tag) =	ssettag $0x1  }
0x1: {  	s4 =	rddreg [dreg:$0x0]  }
0x2: {  	s0 =	srdreg.scid;
	s2 =	rddreg [dreg:$0x1]  }
0x3: {  	s1 =	stileid.u32;
	s5 =	simm.s32 $0x1;
	s7 =	simm.s32 $0x2  }
0x4: {  	s14 =	simm.s32 $0x0;
	p0 =	por $0x0, $0x0;
	s0 =	sshll.u32 s0, $0x4  }
0x5: {  	s13 =	simm.s32 $0x0;
	s8 =	simm.s32 $0x0;
	s3 =	sand.u32 $0x10, s0  }
.Ltmp0:
0x6: {  	s9 =	simm.s32 $0x0;
	s3 =	sor.u32 s1, s3;
	(pc) =	sbr.rel .LBB1_1-.Ltmp0, $4  }
0x7: {  	s11 =	simm.s32 $0x0;
	s12 =	simm.s32 $0x0;
	s3 =	sshll.u32 s3, $0x7  }
0x8: {  	s0 =	rddreg [dreg:$0x2];
	_ =	strace $0x8000004A;
	s6 =	ssub.s32 $0x18680, s3  }
0x9: {  	s4 =	sadd.s32 $0x1C7A00, s4;
	[sflag:s5] =	ssyncpa.u1 $0x0;
	s6 =	sshrl.u32 s6, $0xC  }
0xa: {  	[sflag:s7] =	ssyncpa.u1 $0x0;
	s10 =	smov.u32 s3;
	s7 =	sadd.s32 $0x2, s6  }
.LBB1_5:
0xb: {  	p1 =	slt.u32 s12, $0x2  }
0xc: {  	p2 =	sgt.s32 @!p1 s14, $0x18620  }
0xd: {  	s15 =	smov.u32 s14;
	s16 =	sshra.s32 @!p1 s14, $0x1F;
	p2 =	por !p2, p1  }
0xe: {  	s14 =	sand.u32 @!p1 s16, s14;
	s15 =	simm.s32 @p2 $0x18620  }
0xf: {  	s14 =	ssub.s32 @!p1 s15, s14;
	s15 =	ssub.s32 @!p1 $0x0, s13  }
0x10: {  	s17 =	smov.u32 s11;
	s16 =	sadd.s32 @!p1 $0xFFFE79E0, s14;
	s13 =	smin.u32 @!p1 s13, s15  }
0x11: {  	s14 =	ssub.s32 @!p1 $0x186A0, s14;
	p2 =	sgt.s32 @!p1 s16, $0x7F;
	p3 =	sgt.s32 @!p1 s13, $0x7F  }
0x12: {  	s13 =	ssub.s32 @!p1 $0x80, s13;
	p2 =	por !p2, p1;
	p3 =	por !p3, p1  }
0x13: {  	s15 =	sadd.s32 $0x1000, s10;
	s14 =	simm.s32 @!p2 $0x0;
	s13 =	simm.s32 @!p3 $0x0  }
0x14: {  	p2 =	sgt.s32 s15, $0x1869F;
	s13 =	smul.u32 @!p1 s13, s14;
	s14 =	sadd.s32 $0x80, s11  }
0x15: {  	s17 =	smov.u32 @p2 s14  }
0x16: {  	s15 =	smov.u32 @p2 s3;
	p2 =	sgt.s32 s17, $0x7F  }
0x17: {  	s17 =	simm.s32 @p2 $0x0;
	p2 =	sne.s32 s12, s7  }
.Ltmp1:
0x18: {  	p0 =	por !p0, !p0;
	s16 =	simm.s32 @!p1 $0x2;
	(pc) =	sbr.rel @!p2 .LBB1_6-.Ltmp1, $4  }
0x19: {  	s14 =	smov.u32 s8;
	s8 =	smov.u32 s10;
	s13 =	sand.u32 @!p1 $0x3FFFFFFF, s13  }
0x1a: {  	s10 =	smov.u32 s15;
	_ =	swait.ge @!p1 [sflag:s16], s13;
	s18 =	ssub.s32 @!p1 $0x0, s13  }
0x1b: {  	s13 =	smov.u32 s9;
	s12 =	sadd.s32 $0x1, s12;
	[sflag:s16] =	ssyncset.done @!p1 $0x0  }
0x1c: {  	s9 =	smov.u32 s11;
	s11 =	smov.u32 s17;
	[sflag:s16] =	ssyncadd.s32 @!p1 s18  }
.LBB1_1:
0x1d: {  	p1 =	sgt.u32 s12, s6  }
0x1e: {  	s15 =	sshrl.u32 @!p1 s11, $0x3  }
0x1f: {  	s16 =	sshll.u32 @!p1 s10, $0x3;
	s15 =	smul.u32 @!p1 $0xC3800, s15  }
0x20: {  	s17 =	sshll.u32 @!p1 s11, $0x7;
	s16 =	sand.u32 @!p1 $0xFFFFFC00, s16  }
0x21: {  	s15 =	sadd.s32 @!p1 s15, s16;
	s16 =	sand.u32 @!p1 $0x380, s17  }
0x22: {  	s17 =	sand.u32 @!p1 $0x7F, s10;
	s15 =	sor.u32 @!p1 s16, s15  }
0x23: {  	s16 =	sor.u32 @!p1 s17, s15  }
0x24: {  	s17 =	smulhi.u32 @!p1 $0xA79C7B17, s16;
	_ =	sdelay $0x1  }
0x25: {  	s15 =	smulhi.u32 @!p1 $0xA79C7B17, s15;
	s17 =	sshrl.u32 @!p1 s17, $0x10  }
0x26: {  	s17 =	smul.u32 @!p1 $0x18700, s17  }
0x27: {  	s18 =	sxor.u32 @!p1 $0xFFFFFFFF, s12;
	s15 =	sshrl.u32 @!p1 s15, $0x10  }
0x28: {  	s18 =	sshll.u32 @!p1 s18, $0xE;
	s15 =	sand.u32 @!p1 $0x7F, s15;
	s16 =	ssub.s32 @!p1 s16, s17  }
0x29: {  	s15 =	smul.u32 @!p1 $0x30E0, s15;
	s17 =	sshrl.u32 @!p1 s16, $0x3;
	s16 =	sand.u32 @!p1 $0x7, s16  }
0x2a: {  	s18 =	sand.u32 @!p1 $0x4000, s18;
	s17 =	sadd.s32 @!p1 s4, s17;
	s16 =	sshll.u32 @!p1 s16, $0x12  }
0x2b: {  	s15 =	sadd.s32 @!p1 s15, s17;
	s16 =	sor.u32 @!p1 $0x400, s16;
	s17 =	simm.s32 @!p1 $0xC3800  }
0x2c: {  	[tilespmem:s18], [sflag:$0x1] =	stream.strided.gather @!p1 [hbm4b:s15+s16], $0x4000, s17, s16, $0x38;
	[tilespmem:$0x10100] =	vst v63  }
0x2d: {  	p1 =	seq.s32 s12, $0x0  }
0x2e: {  	p2 =	sge.u32 @!p1 s12, s7  }
0x2f: {  	p1 =	por p1, p2  }
.Ltmp2:
0x30: {  	_ = 	snop;
	(pc) =	sbr.rel @p1 .LBB1_5-.Ltmp2, $1  }
0x31: {  	_ =	sdelay $0x3  }
0x32: {  	s15 =	simm.s32 $0x1  }
0x33: {  	_ =	swait.ge [sflag:s5], $0x4000;
	s15 =	simm.s32 @!p0 $0x0  }
0x34: {  	[sflag:s5] =	ssyncset.done $0x0;
	s16 =	sshll.u32 s15, $0xE  }
0x35: {  	[sflag:s5] =	ssyncadd.s32 $0xFFFFC000;
	s16 =	sor.u32 $0x40, s16  }
0x36: {  	s15 =	smul.u32 $0x10200, s15;
	v0 =	vld [tilespmem:s16+$0x30]  }
0x37: {  	v1 =	vld [tilespmem:s16+$0xFFFFFFD0]  }
0x38: {  	s15 =	sshrl.u32 s15, $0x2;
	v5 =	vld [tilespmem:s16+$0xFFFFFFE0]  }
0x39: {  	v6 =	vld [tilespmem:s16+$0xFFFFFFF0];
	s18 =	sor.u32 $0x8000, s15  }
0x3a: {  	s31 =	sand.u32 $0x1, s12;
	v4 =	vld [tilespmem:s16+$0x0];
	s17 =	sadd.s32 $0x0, s18  }
0x3b: {  	v3 =	vld [tilespmem:s16+$0x10];
	s15 =	smul.u32 $0x10200, s31;
	[tilespmem:s17+$0x3870 ss:$0x81] =	vst.msk $0xffff, v0  }
0x3c: {  	v2 =	vld [tilespmem:s16+$0x20];
	[tilespmem:s17+$0x810 ss:$0x81] =	vst.msk $0xffff, v1  }
0x3d: {  	s15 =	sshrl.u32 s15, $0x2;
	v0 =	vld [tilespmem:s16+$0xFFFFFFC0];
	[tilespmem:s17+$0x1020 ss:$0x81] =	vst.msk $0xffff, v5;
	s16 =	sadd.s32 $0x80, s16  }
0x3e: {  	s19 =	simm.s32 $0x4;
	s20 =	simm.s32 $0x8;
	s15 =	sor.u32 $0x8000, s15;
	[tilespmem:s17+$0x1830 ss:$0x81] =	vst.msk $0xffff, v6;
	v1 =	vld [tilespmem:s16+$0x30]  }
.LBB1_3:
0x3f: {  	p1 =	sne.s32 s20, $0x1FC;
	v5 =	vld [tilespmem:s16+$0xFFFFFFD0];
	[tilespmem:s17+$0x2040 ss:$0x81] =	vst.msk $0xffff, v4  }
0x40: {  	v6 =	vld [tilespmem:s16+$0xFFFFFFE0];
	[tilespmem:s17+$0x2850 ss:$0x81] =	vst.msk $0xffff, v3  }
0x41: {  	s21 =	sshra.s32 s19, $0x2;
	s19 =	smov.u32 s20;
	v7 =	vld [tilespmem:s16+$0xFFFFFFF0];
	[tilespmem:s17+$0x3060 ss:$0x81] =	vst.msk $0xffff, v2  }
.Ltmp3:
0x42: {  	v4 =	vld [tilespmem:s16+$0x0];
	[tilespmem:s17+$0x0 ss:$0x81] =	vst.msk $0xffff, v0;
	s17 =	sadd.s32 s21, s18;
	(pc) =	sbr.rel @p1 .LBB1_3-.Ltmp3, $4  }
0x43: {  	v3 =	vld [tilespmem:s16+$0x10];
	[tilespmem:s17+$0x3870 ss:$0x81] =	vst.msk $0xffff, v1  }
0x44: {  	[tilespmem:s17+$0x810 ss:$0x81] =	vst.msk $0xffff, v5;
	v2 =	vld [tilespmem:s16+$0x20]  }
0x45: {  	v0 =	vld [tilespmem:s16+$0xFFFFFFC0];
	[tilespmem:s17+$0x1020 ss:$0x81] =	vst.msk $0xffff, v6;
	s16 =	sadd.s32 $0x80, s16  }
0x46: {  	s20 =	sadd.s32 $0x4, s20;
	v1 =	vld [tilespmem:s16+$0x30];
	[tilespmem:s17+$0x1830 ss:$0x81] =	vst.msk $0xffff, v7  }
0x47: {  	s20 =	sshll.u32 s8, $0x7;
	s21 =	sshll.u32 s9, $0x3;
	s19 =	sshra.s32 s19, $0x2  }
0x48: {  	v5 =	vld [tilespmem:s16+$0xFFFFFFD0];
	[tilespmem:s17+$0x2040 ss:$0x81] =	vst.msk $0xffff, v4;
	p1 =	sgt.s32 s8, $0x18620;
	s22 =	sand.u32 $0xFFFFFC00, s20;
	s21 =	sand.u32 $0xFFFFFC00, s21  }
0x49: {  	v58 =	vld [tilespmem:s16+$0xFFFFFFE0];
	s24 =	sshra.s32 s8, $0x1F;
	s20 =	sand.u32 $0x380, s20;
	[tilespmem:s17+$0x2850 ss:$0x81] =	vst.msk $0xffff, v3;
	s21 =	sadd.s32 s21, s22  }
0x4a: {  	v59 =	vld [tilespmem:s16+$0xFFFFFFF0];
	s26 =	ssub.s32 $0x0, s9;
	s18 =	sadd.s32 s19, s18;
	[tilespmem:s17+$0x3060 ss:$0x81] =	vst.msk $0xffff, v2;
	s23 =	sor.u32 s20, s21  }
0x4b: {  	v60 =	vld [tilespmem:s16+$0x0];
	s28 =	smin.u32 s9, s26;
	s20 =	smov.u32 s8;
	[tilespmem:s17+$0x0 ss:$0x81] =	vst.msk $0xffff, v0;
	s19 =	sshrl.u32 s23, $0x7  }
0x4c: {  	v61 =	vld [tilespmem:s16+$0x10];
	s21 =	sand.u32 s24, s8;
	s20 =	simm.s32 @!p1 $0x18620;
	[tilespmem:s18+$0x3870 ss:$0x81] =	vst.msk $0xffff, v1;
	s25 =	smulhi.u32 $0x14F8B59, s19  }
0x4d: {  	v62 =	vld [tilespmem:s16+$0x20];
	s29 =	sshrl.u32 s9, $0x3;
	p2 =	sgt.s32 s28, $0x7F;
	s20 =	ssub.s32 s20, s21;
	[tilespmem:s18+$0x810 ss:$0x81] =	vst.msk $0xffff, v5  }
0x4e: {  	v63 =	vld [tilespmem:s16+$0xFFFFFFC0];
	[tilespmem:s18+$0x1020 ss:$0x81] =	vst.msk $0xffff, v58;
	s21 =	sadd.s32 $0xFFFE79E0, s20;
	s20 =	ssub.s32 $0x186A0, s20;
	s17 =	sshrl.u32 s25, $0x9  }
0x4f: {  	[tilespmem:s18+$0x1830 ss:$0x81] =	vst.msk $0xffff, v59;
	p1 =	sgt.s32 s21, $0x7F;
	s27 =	smul.u32 $0x186A0, s17;
	s17 =	ssub.s32 $0x80, s28  }
.Ltmp4:
0x50: {  	[tilespmem:s18+$0x2040 ss:$0x81] =	vst.msk $0xffff, v60;
	s20 =	simm.s32 @p1 $0x0;
	s17 =	simm.s32 @p2 $0x0;
	(pc) =	sbr.rel .LBB1_5-.Ltmp4, $4  }
0x51: {  	s30 =	sand.u32 $0xF, s29;
	[tilespmem:s18+$0x2850 ss:$0x81] =	vst.msk $0xffff, v61;
	s16 =	ssub.s32 s19, s27;
	s17 =	smul.u32 s17, s20  }
0x52: {  	[tilespmem:s18+$0x3060 ss:$0x81] =	vst.msk $0xffff, v62;
	s19 =	sadd.s32 s2, s30;
	s16 =	sshll.u32 s16, $0x4  }
0x53: {  	s31 =	sand.u32 $0x7, s9;
	[tilespmem:s18+$0x0 ss:$0x81] =	vst.msk $0xffff, v63;
	s17 =	sand.u32 $0x3FFFFFFF, s17;
	s16 =	sadd.s32 s16, s19  }
0x54: {  	[hbm4b:s16+s31] =	stream.linear.scatter [tilespmem:s15], [sflag:$0x2], s17, $0x20;
	[tilespmem:$0x10100] =	vst v63  }
.LBB1_6:
0x55: {  	_ =	sfence.sel $0x180000  }
0x56: {  	s2 =	simm.s32 $0x1;
	[bflag:$0x0] =	sbarrier.arrive $0xFFFF  }
0x57: {  	s31 =	simm.s32 $0x2;
	[sflag:s2] =	ssyncpa.u1 $0x1  }
0x58: {  	[sflag:s31] =	ssyncpa.u1 $0x1  }
0x59: {  	p0 =	sne.s32 s1, $0x0;
	_ =	strace $0x9000004A  }
0x5a: {  	s0 =	sadd.s32 @!p0 $0x100000, s0;
	[bflag:$0x2] =	sbarrier.arrive $0xFFFF  }
0x5b: {  	[sflag:s0] =	ssyncadd.tile.s32 @!p0 $0x1;
	_ =	shalt  }
.Lfunc_end1:
_tile_overlayer_lowered:
.L_overlay_start_2:
0x5c: {  	(tag) =	ssettag $0x2  }
0x5d: {  	s0 =	rddreg [dreg:$0x0];
	s2 =	stileid.u32  }
0x5e: {  	s1 =	rddreg [dreg:$0x1];
	p0 =	sne.s32 s2, $0x0  }
0x5f: {  	s3 =	rddreg [dreg:$0x2];
	[bflag:$0x3] =	sbarrier.arrive $0xFFFF;
	s2 =	simm.s32 @!p0 $0x1C01  }
0x60: {  	[timem:s3], [sflag:s2] =	dma.local @!p0 [hbm:s0], s1  }
0x61: {  	s0 =	simm.s32 @!p0 $0x1  }
0x62: {  	_ =	swait.ge @!p0 [sflag:s0], s1  }
0x63: {  	s1 =	ssub.s32 @!p0 $0x0, s1;
	[sflag:s0] =	ssyncset.done @!p0 $0x0  }
0x64: {  	[sflag:s0] =	ssyncadd.s32 @!p0 s1  }
0x65: {  	[bflag:$0x3] =	sbarrier.arrive $0xFFFF  }
0x66: {  	_ =	shalt  }

</sc_bundles>
